<compile_context>
chip_gen: v7x
topology: tpu7x:2x2x1
jax: 0.10.2.dev20260603
libtpu: 0.0.44.dev20260713+nightly
codegen_flags: <defaults>
</compile_context>

<pallas_src>
import functools

import jax
import jax.numpy as jnp
from jax import lax
from jax.experimental import pallas as pl
from jax.experimental.pallas import tpu as pltpu
from jax.experimental.pallas import tpu_sc as plsc

N = 10000
E = 320000
C = 128
OUT = 64

NW = 32
N_PAD = 10240
CH = 80
SCK = 8
SS = 16
NCHUNK = SCK * SS
EW = NCHUNK * CH
E_PAD = NW * EW
RPT = N_PAD // 16
HP = N_PAD // 128
SUP_PER_TILE = NW * SS // 16

_MESH = plsc.VectorSubcoreMesh(core_axis_name="c", subcore_axis_name="s")



@functools.partial(
    pl.kernel,
    out_type=jax.ShapeDtypeStruct((NW, HP, C), jnp.float32),
    mesh=_MESH,
    scratch_types=[
        pltpu.VMEM((EW // 128, 128), jnp.int32),
        pltpu.VMEM((HP, C), jnp.float32),
    ],
    compiler_params=pltpu.CompilerParams(needs_layout_passes=False),
)
def _deg_kernel(dst_hbm, zero_hbm, out_hbm, dstbuf, hist):
    cid = lax.axis_index("c")
    sid = lax.axis_index("s")
    wid = cid * 16 + sid
    pltpu.sync_copy(dst_hbm.at[wid], dstbuf)
    pltpu.sync_copy(zero_hbm.at[pl.ds(0, HP)], hist)
    ones = jnp.ones((16,), jnp.float32)

    def body(i, carry):
        def sub(k, carry2):
            idx = dstbuf[i, pl.ds(pl.multiple_of(k * 16, 16), 16)]
            row = lax.shift_right_logical(idx, 7)
            col = lax.bitwise_and(idx, 127)
            plsc.addupdate_scatter(hist, [row, col], ones)
            return carry2
        return lax.fori_loop(0, 8, sub, carry)

    lax.fori_loop(0, EW // 128, body, 0)
    pltpu.sync_copy(hist, out_hbm.at[wid])



@functools.partial(
    pl.kernel,
    out_type=jax.ShapeDtypeStruct((N_PAD, C), jnp.float32),
    mesh=_MESH,
    scratch_types=[
        pltpu.VMEM((SCK, CH), jnp.int32),
        pltpu.VMEM((SCK, CH), jnp.int32),
        pltpu.VMEM((SCK, CH), jnp.int32),
        pltpu.VMEM((SCK, CH), jnp.int32),
        pltpu.VMEM((CH, C), jnp.float32),
        pltpu.VMEM((CH, C), jnp.float32),
        pltpu.VMEM_SHARED((N_PAD, C), jnp.float32),
        pltpu.SemaphoreType.DMA,
        pltpu.SemaphoreType.DMA,
        pltpu.SemaphoreType.DMA,
        pltpu.SemaphoreType.DMA,
    ],
    compiler_params=pltpu.CompilerParams(needs_layout_passes=False),
)
def _agg_kernel(g_hbm, src_hbm, dst_hbm, zero_hbm, out_hbm,
                sb0, db0, sb1, db1, rb0, rb1, acc,
                sem_g0, sem_g1, sem_i0, sem_i1):
    cid = lax.axis_index("c")
    sid = lax.axis_index("s")

    @pl.when(cid == 0)
    def _run():
        n_pairs = jnp.where(cid == 0, SUP_PER_TILE // 2, 1)
        sup_base = sid * SUP_PER_TILE
        pltpu.sync_copy(zero_hbm, acc.at[pl.ds(sid * RPT, RPT)])
        pltpu.sync_copy(src_hbm.at[sup_base], sb0)
        pltpu.sync_copy(dst_hbm.at[sup_base], db0)
        pltpu.async_copy(src_hbm.at[sup_base + 1], sb1, sem_i0)
        pltpu.async_copy(dst_hbm.at[sup_base + 1], db1, sem_i1)
        plsc.subcore_barrier()
        pltpu.async_copy(g_hbm.at[sb0.at[0]], rb0, sem_g0)

        rbs = (rb0, rb1)
        sgs = (sem_g0, sem_g1)
        bufs = [(sb0, db0)] * SCK + [(sb1, db1)] * SCK
        last = 2 * SCK - 1

        def body(it, carry):
            s0 = sup_base + 2 * it
            for t in range(2 * SCK):
                sb, db = bufs[t]
                k = t % SCK
                cur, cur_s = rbs[t % 2], sgs[t % 2]
                nxt, nxt_s = rbs[(t + 1) % 2], sgs[(t + 1) % 2]
                pltpu.make_async_copy(g_hbm.at[sb.at[k]], cur, cur_s).wait()
                if t == SCK - 1:
                    pltpu.make_async_copy(
                        src_hbm.at[s0 + 1], sb1, sem_i0).wait()
                    pltpu.make_async_copy(
                        dst_hbm.at[s0 + 1], db1, sem_i1).wait()
                if t < last:
                    nsb = bufs[t + 1][0]
                    pltpu.async_copy(
                        g_hbm.at[nsb.at[(t + 1) % SCK]], nxt, nxt_s)
                else:
                    @pl.when(it < n_pairs - 1)
                    def _():
                        pltpu.make_async_copy(
                            src_hbm.at[s0 + 2], sb0, sem_i0).wait()
                        pltpu.make_async_copy(
                            dst_hbm.at[s0 + 2], db0, sem_i1).wait()
                        pltpu.async_copy(g_hbm.at[sb0.at[0]], nxt, nxt_s)
                pltpu.sync_copy(cur, acc.at[db.at[k]], add=True)
                if t == SCK - 1:
                    @pl.when(it < n_pairs - 1)
                    def _():
                        pltpu.async_copy(src_hbm.at[s0 + 2], sb0, sem_i0)
                        pltpu.async_copy(dst_hbm.at[s0 + 2], db0, sem_i1)
                if t == last:
                    @pl.when(it < n_pairs - 1)
                    def _():
                        pltpu.async_copy(src_hbm.at[s0 + 3], sb1, sem_i0)
                        pltpu.async_copy(dst_hbm.at[s0 + 3], db1, sem_i1)
            return carry

        lax.fori_loop(0, n_pairs, body, 0)
        plsc.subcore_barrier()
        pltpu.sync_copy(acc.at[pl.ds(sid * RPT, RPT)],
                        out_hbm.at[pl.ds(sid * RPT, RPT)])



BLK = 1000


def _tc_r_body(deg_ref, dinv_ref):
    dinv_ref[...] = lax.rsqrt(jnp.sum(deg_ref[...], axis=0) + 1.0)


_tc_r = pl.pallas_call(
    _tc_r_body,
    out_shape=jax.ShapeDtypeStruct((HP, C), jnp.float32))


def _tc_a_body(dinv_ref, x_ref, w_ref, g_ref):
    dinv = dinv_ref[...]
    xw = jnp.dot(x_ref[...], w_ref[...], preferred_element_type=jnp.float32)
    g_ref[...] = xw * dinv


def _tc_b_body(dinv_ref, s_ref, g1_ref, b_ref, w_ref, g2_ref):
    dinv = dinv_ref[...]
    tot = s_ref[...] + g1_ref[...]
    h = jnp.maximum(tot * dinv + b_ref[...], 0.0)
    hw = jnp.dot(h, w_ref[...], preferred_element_type=jnp.float32)
    g2_ref[...] = hw * dinv


def _tc_c_body(dinv_ref, s_ref, g2_ref, b_ref, out_ref):
    dinv = dinv_ref[...]
    tot = s_ref[...] + g2_ref[...]
    out_ref[...] = tot * dinv + b_ref[...]


_GRID = (N // BLK,)
_DINV_SPEC = pl.BlockSpec((BLK, 1), lambda i: (i, 0))
_ROW_SPEC = pl.BlockSpec((BLK, C), lambda i: (i, 0))
_S_SPEC = pl.BlockSpec((BLK, C), lambda i: (i, 0))
_W_SPEC = pl.BlockSpec((C, C), lambda i: (0, 0))
_B_SPEC = pl.BlockSpec((1, C), lambda i: (0, 0))
_PAD_OUT = jax.ShapeDtypeStruct((N_PAD, C), jnp.float32)

_tc_a = pl.pallas_call(
    _tc_a_body, grid=_GRID,
    in_specs=[_DINV_SPEC, _ROW_SPEC, _W_SPEC],
    out_specs=_ROW_SPEC, out_shape=_PAD_OUT)

_tc_b = pl.pallas_call(
    _tc_b_body, grid=_GRID,
    in_specs=[_DINV_SPEC, _S_SPEC, _ROW_SPEC, _B_SPEC, _W_SPEC],
    out_specs=_ROW_SPEC, out_shape=_PAD_OUT)

_tc_c = pl.pallas_call(
    _tc_c_body, grid=_GRID,
    in_specs=[_DINV_SPEC, _S_SPEC, _ROW_SPEC, _B_SPEC],
    out_specs=_ROW_SPEC, out_shape=jax.ShapeDtypeStruct((N, C), jnp.float32))


def kernel(x, edge_index, W1, b1, W_mu, b_mu, W_lv, b_lv):
    npad = E_PAD - E
    src = jnp.concatenate(
        [edge_index[0], jnp.zeros((npad,), jnp.int32)]).reshape(
            NW * SS, SCK, CH)
    pad_dst = N + (jnp.arange(npad, dtype=jnp.int32) % (N_PAD - N))
    dst_full = jnp.concatenate([edge_index[1], pad_dst])
    dst = dst_full.reshape(NW * SS, SCK, CH)
    dst_flat = dst_full.reshape(NW, EW // 128, 128)
    zero_rows = jnp.zeros((RPT, C), jnp.float32)
    Wcat = jnp.concatenate([W_mu, W_lv], axis=1)
    bcat = jnp.concatenate([b_mu, b_lv]).reshape(1, C)

    deg_parts = _deg_kernel(dst_flat, zero_rows)
    dinv = _tc_r(deg_parts).reshape(N_PAD, 1)
    g1 = _tc_a(dinv, x, W1)
    s1 = _agg_kernel(g1, src, dst, zero_rows)
    g2 = _tc_b(dinv, s1, g1, b1.reshape(1, C), Wcat)
    s2 = _agg_kernel(g2, src, dst, zero_rows)
    out2 = _tc_c(dinv, s2, g2, bcat)
    mu = out2[:, :OUT]
    logvar = out2[:, OUT:]
    return (mu, mu, logvar)

# --- scband reference (transcript-rebuilt; emitter-appended) ---
"""Pipeline reference for scband-vgae-84129819394641 (READ-ONLY COPY).

The authoritative reference and input builder live on the scoring server;
editing this copy changes nothing except your own understanding.
"""

import jax, jax.numpy as jnp
import numpy as np

N_NODES = 10000
N_EDGES = 320000
IN_CH = 128
HID_CH = 128
OUT_CH = 64


def gcn_conv(x, edge_index, W, b):
    """Standard GCNConv: sym-normalized adjacency with self loops.
    out[i] = b + sum_{j in N(i) u {i}} (deg_i*deg_j)^-1/2 * (x_j @ W)
    edge_index[0] = source, edge_index[1] = target (PyG convention).
    """
    n = x.shape[0]
    h = x @ W
    self_idx = jnp.arange(n, dtype=edge_index.dtype)
    src = jnp.concatenate([edge_index[0], self_idx])
    dst = jnp.concatenate([edge_index[1], self_idx])
    deg = jax.ops.segment_sum(jnp.ones(src.shape[0], dtype=h.dtype), dst, num_segments=n)
    dinv = jnp.where(deg > 0, 1.0 / jnp.sqrt(deg), 0.0)
    norm = dinv[src] * dinv[dst]
    msgs = h[src] * norm[:, None]
    out = jax.ops.segment_sum(msgs, dst, num_segments=n)
    return out + b


def setup_inputs(seed: int = 0) -> dict:
    key = jax.random.key(seed)
    ks = jax.random.split(key, 8)
    x = jax.random.normal(ks[0], (N_NODES, IN_CH), dtype=jnp.float32)
    edge_index = jax.random.randint(ks[1], (2, N_EDGES), 0, N_NODES, dtype=jnp.int32)
    W1 = jax.random.normal(ks[2], (IN_CH, HID_CH), dtype=jnp.float32) * (1.0 / np.sqrt(IN_CH))
    b1 = jnp.zeros((HID_CH,), dtype=jnp.float32)
    W_mu = jax.random.normal(ks[3], (HID_CH, OUT_CH), dtype=jnp.float32) * (1.0 / np.sqrt(HID_CH))
    b_mu = jnp.zeros((OUT_CH,), dtype=jnp.float32)
    W_lv = jax.random.normal(ks[4], (HID_CH, OUT_CH), dtype=jnp.float32) * (1.0 / np.sqrt(HID_CH))
    b_lv = jnp.zeros((OUT_CH,), dtype=jnp.float32)
    return {"x": x, "edge_index": edge_index, "W1": W1, "b1": b1,
            "W_mu": W_mu, "b_mu": b_mu, "W_lv": W_lv, "b_lv": b_lv}


def reference(x, edge_index, W1, b1, W_mu, b_mu, W_lv, b_lv):
    # encoder
    h = jax.nn.relu(gcn_conv(x, edge_index, W1, b1))
    # dropout p=0.5 is identity in eval mode (self.training=False)
    mu = gcn_conv(h, edge_index, W_mu, b_mu)
    logvar = gcn_conv(h, edge_index, W_lv, b_lv)
    # reparameterize: eval mode returns mu
    z = mu
    return (z, mu, logvar)

if __name__ == "__main__":
    import jax
    _d = setup_inputs()
    print(jax.jit(kernel)(*tuple(_d.values())))

</pallas_src>

<mosaic_0001>
#map = affine_map<(d0, d1) -> (0, 0)>
#map1 = affine_map<(d0, d1) -> (0, 0, 0)>
module attributes {stable_mosaic.version = 14 : i64} {
  func.func @_agg_kernel(%arg0: i32, %arg1: i32, %arg2: memref<10240x128xf32, #tpu.memory_space<hbm>>, %arg3: memref<512x8x80xi32, #tpu.memory_space<hbm>>, %arg4: memref<512x8x80xi32, #tpu.memory_space<hbm>>, %arg5: memref<640x128xf32, #tpu.memory_space<hbm>>, %arg6: memref<10240x128xf32, #tpu.memory_space<hbm>>, %arg7: memref<8x80xi32, #tpu.memory_space<vmem>>, %arg8: memref<8x80xi32, #tpu.memory_space<vmem>>, %arg9: memref<8x80xi32, #tpu.memory_space<vmem>>, %arg10: memref<8x80xi32, #tpu.memory_space<vmem>>, %arg11: memref<80x128xf32, #tpu.memory_space<vmem>>, %arg12: memref<80x128xf32, #tpu.memory_space<vmem>>, %arg13: memref<10240x128xf32, #tpu.memory_space<vmem_shared>>, %arg14: memref<!tpu.dma_semaphore, #tpu.memory_space<semaphore_mem>>, %arg15: memref<!tpu.dma_semaphore, #tpu.memory_space<semaphore_mem>>, %arg16: memref<!tpu.dma_semaphore, #tpu.memory_space<semaphore_mem>>, %arg17: memref<!tpu.dma_semaphore, #tpu.memory_space<semaphore_mem>>) attributes {dimension_semantics = [#tpu.dimension_semantics<core_parallel>, #tpu.dimension_semantics<subcore_parallel>], iteration_bounds = array<i64: 2, 16>, scalar_prefetch = 0 : i64, scratch_operands = 11 : i64, tpu.core_type = #tpu.core_type<sc_vector_subcore>, window_params = [{transform_indices = #map}, {transform_indices = #map1}, {transform_indices = #map1}, {transform_indices = #map}, {transform_indices = #map}]} {
    %eq3A = arith.constant 0 : i32
    %eq3A_0 = arith.cmpi eq, %arg0, %eq3A : i32
    %convert_element_type3A = arith.extui %eq3A_0 : i1 to i32
    %cond3A = arith.constant 0 : i32
    %cond3A_1 = arith.cmpi ne, %convert_element_type3A, %cond3A : i32
    scf.if %cond3A_1 {
      %eq3A_2 = arith.constant 0 : i32
      %eq3A_3 = arith.cmpi eq, %arg0, %eq3A_2 : i32
      %jit3A = arith.constant 16 : i32
      %jit3A_4 = arith.constant 1 : i32
      %select_n3A = arith.select %eq3A_3, %jit3A, %jit3A_4 : i32
      %mul3A = arith.constant 32 : i32
      %mul3A_5 = arith.muli %arg1, %mul3A : i32
      %mul3A_6 = arith.constant 640 : i32
      %mul3A_7 = arith.muli %arg1, %mul3A_6 : i32
      "tpu.region"() ({
        %run_scoped3A = tpu.sem_alloc : memref<!tpu.dma_semaphore, #tpu.memory_space<semaphore_mem>>
        %dma_start3A_47 = arith.constant 0 : i32
        %dma_start3A_48 = tpu.memref_slice %arg13[%mul3A_7, %dma_start3A_47] : memref<10240x128xf32, #tpu.memory_space<vmem_shared>> -> memref<640x128xf32, #tpu.memory_space<vmem_shared>>
        tpu.enqueue_dma source(%arg5 : memref<640x128xf32, #tpu.memory_space<hbm>>) target(%dma_start3A_48 : memref<640x128xf32, #tpu.memory_space<vmem_shared>>) target_semaphore(%run_scoped3A : memref<!tpu.dma_semaphore, #tpu.memory_space<semaphore_mem>>)
        %dma_wait3A = arith.constant 0 : i32
        %dma_wait3A_49 = tpu.memref_slice %arg13[%mul3A_7, %dma_wait3A] : memref<10240x128xf32, #tpu.memory_space<vmem_shared>> -> memref<640x128xf32, #tpu.memory_space<vmem_shared>>
        tpu.wait_dma2 semaphore(%run_scoped3A : memref<!tpu.dma_semaphore, #tpu.memory_space<semaphore_mem>>) src(%arg5 : memref<640x128xf32, #tpu.memory_space<hbm>>) dst(%dma_wait3A_49 : memref<640x128xf32, #tpu.memory_space<vmem_shared>>)
        tpu.yield
      }) : () -> ()
      "tpu.region"() ({
        %run_scoped3A = tpu.sem_alloc : memref<!tpu.dma_semaphore, #tpu.memory_space<semaphore_mem>>
        %dma_start3A_47 = arith.constant 0 : i32
        %dma_start3A_48 = arith.constant 0 : i32
        %dma_start3A_49 = tpu.memref_slice %arg3[%mul3A_5, %dma_start3A_47, %dma_start3A_48] : memref<512x8x80xi32, #tpu.memory_space<hbm>> -> memref<1x8x80xi32, #tpu.memory_space<hbm>>
        %dma_start3A_50 = tpu.memref_squeeze %dma_start3A_49 : memref<1x8x80xi32, #tpu.memory_space<hbm>> -> memref<8x80xi32, #tpu.memory_space<hbm>>
        %dma_start3A_51 = arith.constant 0 : i32
        %dma_start3A_52 = arith.constant 0 : i32
        %dma_start3A_53 = tpu.memref_slice %arg3[%mul3A_5, %dma_start3A_51, %dma_start3A_52] : memref<512x8x80xi32, #tpu.memory_space<hbm>> -> memref<1x8x80xi32, #tpu.memory_space<hbm>>
        %dma_start3A_54 = tpu.memref_squeeze %dma_start3A_53 : memref<1x8x80xi32, #tpu.memory_space<hbm>> -> memref<8x80xi32, #tpu.memory_space<hbm>>
        tpu.enqueue_dma source(%dma_start3A_54 : memref<8x80xi32, #tpu.memory_space<hbm>>) target(%arg7 : memref<8x80xi32, #tpu.memory_space<vmem>>) target_semaphore(%run_scoped3A : memref<!tpu.dma_semaphore, #tpu.memory_space<semaphore_mem>>)
        %dma_wait3A = arith.constant 0 : i32
        %dma_wait3A_55 = arith.constant 0 : i32
        %dma_wait3A_56 = tpu.memref_slice %arg3[%mul3A_5, %dma_wait3A, %dma_wait3A_55] : memref<512x8x80xi32, #tpu.memory_space<hbm>> -> memref<1x8x80xi32, #tpu.memory_space<hbm>>
        %dma_wait3A_57 = tpu.memref_squeeze %dma_wait3A_56 : memref<1x8x80xi32, #tpu.memory_space<hbm>> -> memref<8x80xi32, #tpu.memory_space<hbm>>
        %dma_wait3A_58 = arith.constant 0 : i32
        %dma_wait3A_59 = arith.constant 0 : i32
        %dma_wait3A_60 = tpu.memref_slice %arg3[%mul3A_5, %dma_wait3A_58, %dma_wait3A_59] : memref<512x8x80xi32, #tpu.memory_space<hbm>> -> memref<1x8x80xi32, #tpu.memory_space<hbm>>
        %dma_wait3A_61 = tpu.memref_squeeze %dma_wait3A_60 : memref<1x8x80xi32, #tpu.memory_space<hbm>> -> memref<8x80xi32, #tpu.memory_space<hbm>>
        tpu.wait_dma2 semaphore(%run_scoped3A : memref<!tpu.dma_semaphore, #tpu.memory_space<semaphore_mem>>) src(%dma_wait3A_61 : memref<8x80xi32, #tpu.memory_space<hbm>>) dst(%arg7 : memref<8x80xi32, #tpu.memory_space<vmem>>)
        tpu.yield
      }) : () -> ()
      "tpu.region"() ({
        %run_scoped3A = tpu.sem_alloc : memref<!tpu.dma_semaphore, #tpu.memory_space<semaphore_mem>>
        %dma_start3A_47 = arith.constant 0 : i32
        %dma_start3A_48 = arith.constant 0 : i32
        %dma_start3A_49 = tpu.memref_slice %arg4[%mul3A_5, %dma_start3A_47, %dma_start3A_48] : memref<512x8x80xi32, #tpu.memory_space<hbm>> -> memref<1x8x80xi32, #tpu.memory_space<hbm>>
        %dma_start3A_50 = tpu.memref_squeeze %dma_start3A_49 : memref<1x8x80xi32, #tpu.memory_space<hbm>> -> memref<8x80xi32, #tpu.memory_space<hbm>>
        %dma_start3A_51 = arith.constant 0 : i32
        %dma_start3A_52 = arith.constant 0 : i32
        %dma_start3A_53 = tpu.memref_slice %arg4[%mul3A_5, %dma_start3A_51, %dma_start3A_52] : memref<512x8x80xi32, #tpu.memory_space<hbm>> -> memref<1x8x80xi32, #tpu.memory_space<hbm>>
        %dma_start3A_54 = tpu.memref_squeeze %dma_start3A_53 : memref<1x8x80xi32, #tpu.memory_space<hbm>> -> memref<8x80xi32, #tpu.memory_space<hbm>>
        tpu.enqueue_dma source(%dma_start3A_54 : memref<8x80xi32, #tpu.memory_space<hbm>>) target(%arg8 : memref<8x80xi32, #tpu.memory_space<vmem>>) target_semaphore(%run_scoped3A : memref<!tpu.dma_semaphore, #tpu.memory_space<semaphore_mem>>)
        %dma_wait3A = arith.constant 0 : i32
        %dma_wait3A_55 = arith.constant 0 : i32
        %dma_wait3A_56 = tpu.memref_slice %arg4[%mul3A_5, %dma_wait3A, %dma_wait3A_55] : memref<512x8x80xi32, #tpu.memory_space<hbm>> -> memref<1x8x80xi32, #tpu.memory_space<hbm>>
        %dma_wait3A_57 = tpu.memref_squeeze %dma_wait3A_56 : memref<1x8x80xi32, #tpu.memory_space<hbm>> -> memref<8x80xi32, #tpu.memory_space<hbm>>
        %dma_wait3A_58 = arith.constant 0 : i32
        %dma_wait3A_59 = arith.constant 0 : i32
        %dma_wait3A_60 = tpu.memref_slice %arg4[%mul3A_5, %dma_wait3A_58, %dma_wait3A_59] : memref<512x8x80xi32, #tpu.memory_space<hbm>> -> memref<1x8x80xi32, #tpu.memory_space<hbm>>
        %dma_wait3A_61 = tpu.memref_squeeze %dma_wait3A_60 : memref<1x8x80xi32, #tpu.memory_space<hbm>> -> memref<8x80xi32, #tpu.memory_space<hbm>>
        tpu.wait_dma2 semaphore(%run_scoped3A : memref<!tpu.dma_semaphore, #tpu.memory_space<semaphore_mem>>) src(%dma_wait3A_61 : memref<8x80xi32, #tpu.memory_space<hbm>>) dst(%arg8 : memref<8x80xi32, #tpu.memory_space<vmem>>)
        tpu.yield
      }) : () -> ()
      %add3A = arith.constant 1 : i32
      %add3A_8 = arith.addi %mul3A_5, %add3A : i32
      %dma_start3A = arith.constant 0 : i32
      %dma_start3A_9 = arith.constant 0 : i32
      %dma_start3A_10 = tpu.memref_slice %arg3[%add3A_8, %dma_start3A, %dma_start3A_9] : memref<512x8x80xi32, #tpu.memory_space<hbm>> -> memref<1x8x80xi32, #tpu.memory_space<hbm>>
      %dma_start3A_11 = tpu.memref_squeeze %dma_start3A_10 : memref<1x8x80xi32, #tpu.memory_space<hbm>> -> memref<8x80xi32, #tpu.memory_space<hbm>>
      %dma_start3A_12 = arith.constant 0 : i32
      %dma_start3A_13 = arith.constant 0 : i32
      %dma_start3A_14 = tpu.memref_slice %arg3[%add3A_8, %dma_start3A_12, %dma_start3A_13] : memref<512x8x80xi32, #tpu.memory_space<hbm>> -> memref<1x8x80xi32, #tpu.memory_space<hbm>>
      %dma_start3A_15 = tpu.memref_squeeze %dma_start3A_14 : memref<1x8x80xi32, #tpu.memory_space<hbm>> -> memref<8x80xi32, #tpu.memory_space<hbm>>
      tpu.enqueue_dma source(%dma_start3A_15 : memref<8x80xi32, #tpu.memory_space<hbm>>) target(%arg9 : memref<8x80xi32, #tpu.memory_space<vmem>>) target_semaphore(%arg16 : memref<!tpu.dma_semaphore, #tpu.memory_space<semaphore_mem>>)
      %add3A_16 = arith.constant 1 : i32
      %add3A_17 = arith.addi %mul3A_5, %add3A_16 : i32
      %dma_start3A_18 = arith.constant 0 : i32
      %dma_start3A_19 = arith.constant 0 : i32
      %dma_start3A_20 = tpu.memref_slice %arg4[%add3A_17, %dma_start3A_18, %dma_start3A_19] : memref<512x8x80xi32, #tpu.memory_space<hbm>> -> memref<1x8x80xi32, #tpu.memory_space<hbm>>
      %dma_start3A_21 = tpu.memref_squeeze %dma_start3A_20 : memref<1x8x80xi32, #tpu.memory_space<hbm>> -> memref<8x80xi32, #tpu.memory_space<hbm>>
      %dma_start3A_22 = arith.constant 0 : i32
      %dma_start3A_23 = arith.constant 0 : i32
      %dma_start3A_24 = tpu.memref_slice %arg4[%add3A_17, %dma_start3A_22, %dma_start3A_23] : memref<512x8x80xi32, #tpu.memory_space<hbm>> -> memref<1x8x80xi32, #tpu.memory_space<hbm>>
      %dma_start3A_25 = tpu.memref_squeeze %dma_start3A_24 : memref<1x8x80xi32, #tpu.memory_space<hbm>> -> memref<8x80xi32, #tpu.memory_space<hbm>>
      tpu.enqueue_dma source(%dma_start3A_25 : memref<8x80xi32, #tpu.memory_space<hbm>>) target(%arg10 : memref<8x80xi32, #tpu.memory_space<vmem>>) target_semaphore(%arg17 : memref<!tpu.dma_semaphore, #tpu.memory_space<semaphore_mem>>)
      %barrier3A = arith.constant 0 : index
      tpu.barrier barrier_id(%barrier3A)
      %dma_start3A_26 = arith.constant 0 : i32
      %dma_start3A_27 = arith.constant 0 : i32
      %dma_start3A_28 = tpu.memref_slice %arg7[%dma_start3A_26, %dma_start3A_27] : memref<8x80xi32, #tpu.memory_space<vmem>> -> memref<1x80xi32, #tpu.memory_space<vmem>>
      %dma_start3A_29 = tpu.memref_squeeze %dma_start3A_28 : memref<1x80xi32, #tpu.memory_space<vmem>> -> memref<80xi32, #tpu.memory_space<vmem>>
      %dma_start3A_30 = arith.constant 0 : i32
      %dma_start3A_31 = arith.constant 0 : i32
      %dma_start3A_32 = tpu.memref_slice %arg2[%dma_start3A_30, %dma_start3A_31] : memref<10240x128xf32, #tpu.memory_space<hbm>> -> memref<10240x128xf32, #tpu.memory_space<hbm>>
      tpu.enqueue_indirect_dma source(%dma_start3A_32 : memref<10240x128xf32, #tpu.memory_space<hbm>>) target(%arg11 : memref<80x128xf32, #tpu.memory_space<vmem>>) offsets(%dma_start3A_29 : memref<80xi32, #tpu.memory_space<vmem>>) semaphore(%arg14 : memref<!tpu.dma_semaphore, #tpu.memory_space<semaphore_mem>>)
      %while3A = arith.constant 0 : i32
      %while3A_33 = arith.constant 0 : i32
      %while3A_34 = arith.subi %select_n3A, %while3A_33 : i32
      %while3A_35 = arith.addi %while3A_33, %while3A_34 : i32
      %while3A_36 = arith.constant 1 : i32
      %while3A_37 = arith.divsi %while3A_34, %while3A_36 : i32
      %while3A_38 = arith.muli %while3A_37, %while3A_36 : i32
      %while3A_39 = arith.addi %while3A_33, %while3A_38 : i32
      %while3A_40 = arith.constant 1 : i32
      scf.for %while3A_47 = %while3A_33 to %while3A_39 step %while3A_40  : i32 {
        %mul3A_48 = arith.constant 2 : i32
        %mul3A_49 = arith.muli %mul3A_48, %while3A_47 : i32
        %add3A_50 = arith.addi %mul3A_5, %mul3A_49 : i32
        %dma_wait3A = arith.constant 0 : i32
        %dma_wait3A_51 = arith.constant 0 : i32
        %dma_wait3A_52 = tpu.memref_slice %arg7[%dma_wait3A, %dma_wait3A_51] : memref<8x80xi32, #tpu.memory_space<vmem>> -> memref<1x80xi32, #tpu.memory_space<vmem>>
        %dma_wait3A_53 = tpu.memref_squeeze %dma_wait3A_52 : memref<1x80xi32, #tpu.memory_space<vmem>> -> memref<80xi32, #tpu.memory_space<vmem>>
        %dma_wait3A_54 = arith.constant 0 : i32
        %dma_wait3A_55 = arith.constant 0 : i32
        %dma_wait3A_56 = tpu.memref_slice %arg2[%dma_wait3A_54, %dma_wait3A_55] : memref<10240x128xf32, #tpu.memory_space<hbm>> -> memref<10240x128xf32, #tpu.memory_space<hbm>>
        tpu.wait_indirect_dma semaphore(%arg14 : memref<!tpu.dma_semaphore, #tpu.memory_space<semaphore_mem>>) src(%dma_wait3A_56 : memref<10240x128xf32, #tpu.memory_space<hbm>>) dst(%arg11 : memref<80x128xf32, #tpu.memory_space<vmem>>)
        %dma_start3A_57 = arith.constant 1 : i32
        %dma_start3A_58 = arith.constant 0 : i32
        %dma_start3A_59 = tpu.memref_slice %arg7[%dma_start3A_57, %dma_start3A_58] : memref<8x80xi32, #tpu.memory_space<vmem>> -> memref<1x80xi32, #tpu.memory_space<vmem>>
        %dma_start3A_60 = tpu.memref_squeeze %dma_start3A_59 : memref<1x80xi32, #tpu.memory_space<vmem>> -> memref<80xi32, #tpu.memory_space<vmem>>
        %dma_start3A_61 = arith.constant 0 : i32
        %dma_start3A_62 = arith.constant 0 : i32
        %dma_start3A_63 = tpu.memref_slice %arg2[%dma_start3A_61, %dma_start3A_62] : memref<10240x128xf32, #tpu.memory_space<hbm>> -> memref<10240x128xf32, #tpu.memory_space<hbm>>
        tpu.enqueue_indirect_dma source(%dma_start3A_63 : memref<10240x128xf32, #tpu.memory_space<hbm>>) target(%arg12 : memref<80x128xf32, #tpu.memory_space<vmem>>) offsets(%dma_start3A_60 : memref<80xi32, #tpu.memory_space<vmem>>) semaphore(%arg15 : memref<!tpu.dma_semaphore, #tpu.memory_space<semaphore_mem>>)
        %run_scoped3A = arith.constant 0 : i32
        "tpu.region"() ({
          %run_scoped3A_318 = tpu.sem_alloc : memref<!tpu.dma_semaphore, #tpu.memory_space<semaphore_mem>>
          %dma_start3A_319 = arith.constant 0 : i32
          %dma_start3A_320 = tpu.memref_slice %arg8[%run_scoped3A, %dma_start3A_319] : memref<8x80xi32, #tpu.memory_space<vmem>> -> memref<1x80xi32, #tpu.memory_space<vmem>>
          %dma_start3A_321 = tpu.memref_squeeze %dma_start3A_320 : memref<1x80xi32, #tpu.memory_space<vmem>> -> memref<80xi32, #tpu.memory_space<vmem>>
          %dma_start3A_322 = arith.constant 0 : i32
          %dma_start3A_323 = arith.constant 0 : i32
          %dma_start3A_324 = tpu.memref_slice %arg13[%dma_start3A_322, %dma_start3A_323] : memref<10240x128xf32, #tpu.memory_space<vmem_shared>> -> memref<10240x128xf32, #tpu.memory_space<vmem_shared>>
          tpu.enqueue_indirect_dma source(%arg11 : memref<80x128xf32, #tpu.memory_space<vmem>>) target(%dma_start3A_324 : memref<10240x128xf32, #tpu.memory_space<vmem_shared>>) offsets(%dma_start3A_321 : memref<80xi32, #tpu.memory_space<vmem>>) semaphore(%run_scoped3A_318 : memref<!tpu.dma_semaphore, #tpu.memory_space<semaphore_mem>>) {add = true}
          %dma_wait3A_325 = arith.constant 0 : i32
          %dma_wait3A_326 = tpu.memref_slice %arg8[%run_scoped3A, %dma_wait3A_325] : memref<8x80xi32, #tpu.memory_space<vmem>> -> memref<1x80xi32, #tpu.memory_space<vmem>>
          %dma_wait3A_327 = tpu.memref_squeeze %dma_wait3A_326 : memref<1x80xi32, #tpu.memory_space<vmem>> -> memref<80xi32, #tpu.memory_space<vmem>>
          %dma_wait3A_328 = arith.constant 0 : i32
          %dma_wait3A_329 = arith.constant 0 : i32
          %dma_wait3A_330 = tpu.memref_slice %arg13[%dma_wait3A_328, %dma_wait3A_329] : memref<10240x128xf32, #tpu.memory_space<vmem_shared>> -> memref<10240x128xf32, #tpu.memory_space<vmem_shared>>
          tpu.wait_indirect_dma semaphore(%run_scoped3A_318 : memref<!tpu.dma_semaphore, #tpu.memory_space<semaphore_mem>>) src(%arg11 : memref<80x128xf32, #tpu.memory_space<vmem>>) dst(%dma_wait3A_330 : memref<10240x128xf32, #tpu.memory_space<vmem_shared>>)
          tpu.yield
        }) : () -> ()
        %dma_wait3A_64 = arith.constant 1 : i32
        %dma_wait3A_65 = arith.constant 0 : i32
        %dma_wait3A_66 = tpu.memref_slice %arg7[%dma_wait3A_64, %dma_wait3A_65] : memref<8x80xi32, #tpu.memory_space<vmem>> -> memref<1x80xi32, #tpu.memory_space<vmem>>
        %dma_wait3A_67 = tpu.memref_squeeze %dma_wait3A_66 : memref<1x80xi32, #tpu.memory_space<vmem>> -> memref<80xi32, #tpu.memory_space<vmem>>
        %dma_wait3A_68 = arith.constant 0 : i32
        %dma_wait3A_69 = arith.constant 0 : i32
        %dma_wait3A_70 = tpu.memref_slice %arg2[%dma_wait3A_68, %dma_wait3A_69] : memref<10240x128xf32, #tpu.memory_space<hbm>> -> memref<10240x128xf32, #tpu.memory_space<hbm>>
        tpu.wait_indirect_dma semaphore(%arg15 : memref<!tpu.dma_semaphore, #tpu.memory_space<semaphore_mem>>) src(%dma_wait3A_70 : memref<10240x128xf32, #tpu.memory_space<hbm>>) dst(%arg12 : memref<80x128xf32, #tpu.memory_space<vmem>>)
        %dma_start3A_71 = arith.constant 2 : i32
        %dma_start3A_72 = arith.constant 0 : i32
        %dma_start3A_73 = tpu.memref_slice %arg7[%dma_start3A_71, %dma_start3A_72] : memref<8x80xi32, #tpu.memory_space<vmem>> -> memref<1x80xi32, #tpu.memory_space<vmem>>
        %dma_start3A_74 = tpu.memref_squeeze %dma_start3A_73 : memref<1x80xi32, #tpu.memory_space<vmem>> -> memref<80xi32, #tpu.memory_space<vmem>>
        %dma_start3A_75 = arith.constant 0 : i32
        %dma_start3A_76 = arith.constant 0 : i32
        %dma_start3A_77 = tpu.memref_slice %arg2[%dma_start3A_75, %dma_start3A_76] : memref<10240x128xf32, #tpu.memory_space<hbm>> -> memref<10240x128xf32, #tpu.memory_space<hbm>>
        tpu.enqueue_indirect_dma source(%dma_start3A_77 : memref<10240x128xf32, #tpu.memory_space<hbm>>) target(%arg11 : memref<80x128xf32, #tpu.memory_space<vmem>>) offsets(%dma_start3A_74 : memref<80xi32, #tpu.memory_space<vmem>>) semaphore(%arg14 : memref<!tpu.dma_semaphore, #tpu.memory_space<semaphore_mem>>)
        %run_scoped3A_78 = arith.constant 1 : i32
        "tpu.region"() ({
          %run_scoped3A_318 = tpu.sem_alloc : memref<!tpu.dma_semaphore, #tpu.memory_space<semaphore_mem>>
          %dma_start3A_319 = arith.constant 0 : i32
          %dma_start3A_320 = tpu.memref_slice %arg8[%run_scoped3A_78, %dma_start3A_319] : memref<8x80xi32, #tpu.memory_space<vmem>> -> memref<1x80xi32, #tpu.memory_space<vmem>>
          %dma_start3A_321 = tpu.memref_squeeze %dma_start3A_320 : memref<1x80xi32, #tpu.memory_space<vmem>> -> memref<80xi32, #tpu.memory_space<vmem>>
          %dma_start3A_322 = arith.constant 0 : i32
          %dma_start3A_323 = arith.constant 0 : i32
          %dma_start3A_324 = tpu.memref_slice %arg13[%dma_start3A_322, %dma_start3A_323] : memref<10240x128xf32, #tpu.memory_space<vmem_shared>> -> memref<10240x128xf32, #tpu.memory_space<vmem_shared>>
          tpu.enqueue_indirect_dma source(%arg12 : memref<80x128xf32, #tpu.memory_space<vmem>>) target(%dma_start3A_324 : memref<10240x128xf32, #tpu.memory_space<vmem_shared>>) offsets(%dma_start3A_321 : memref<80xi32, #tpu.memory_space<vmem>>) semaphore(%run_scoped3A_318 : memref<!tpu.dma_semaphore, #tpu.memory_space<semaphore_mem>>) {add = true}
          %dma_wait3A_325 = arith.constant 0 : i32
          %dma_wait3A_326 = tpu.memref_slice %arg8[%run_scoped3A_78, %dma_wait3A_325] : memref<8x80xi32, #tpu.memory_space<vmem>> -> memref<1x80xi32, #tpu.memory_space<vmem>>
          %dma_wait3A_327 = tpu.memref_squeeze %dma_wait3A_326 : memref<1x80xi32, #tpu.memory_space<vmem>> -> memref<80xi32, #tpu.memory_space<vmem>>
          %dma_wait3A_328 = arith.constant 0 : i32
          %dma_wait3A_329 = arith.constant 0 : i32
          %dma_wait3A_330 = tpu.memref_slice %arg13[%dma_wait3A_328, %dma_wait3A_329] : memref<10240x128xf32, #tpu.memory_space<vmem_shared>> -> memref<10240x128xf32, #tpu.memory_space<vmem_shared>>
          tpu.wait_indirect_dma semaphore(%run_scoped3A_318 : memref<!tpu.dma_semaphore, #tpu.memory_space<semaphore_mem>>) src(%arg12 : memref<80x128xf32, #tpu.memory_space<vmem>>) dst(%dma_wait3A_330 : memref<10240x128xf32, #tpu.memory_space<vmem_shared>>)
          tpu.yield
        }) : () -> ()
        %dma_wait3A_79 = arith.constant 2 : i32
        %dma_wait3A_80 = arith.constant 0 : i32
        %dma_wait3A_81 = tpu.memref_slice %arg7[%dma_wait3A_79, %dma_wait3A_80] : memref<8x80xi32, #tpu.memory_space<vmem>> -> memref<1x80xi32, #tpu.memory_space<vmem>>
        %dma_wait3A_82 = tpu.memref_squeeze %dma_wait3A_81 : memref<1x80xi32, #tpu.memory_space<vmem>> -> memref<80xi32, #tpu.memory_space<vmem>>
        %dma_wait3A_83 = arith.constant 0 : i32
        %dma_wait3A_84 = arith.constant 0 : i32
        %dma_wait3A_85 = tpu.memref_slice %arg2[%dma_wait3A_83, %dma_wait3A_84] : memref<10240x128xf32, #tpu.memory_space<hbm>> -> memref<10240x128xf32, #tpu.memory_space<hbm>>
        tpu.wait_indirect_dma semaphore(%arg14 : memref<!tpu.dma_semaphore, #tpu.memory_space<semaphore_mem>>) src(%dma_wait3A_85 : memref<10240x128xf32, #tpu.memory_space<hbm>>) dst(%arg11 : memref<80x128xf32, #tpu.memory_space<vmem>>)
        %dma_start3A_86 = arith.constant 3 : i32
        %dma_start3A_87 = arith.constant 0 : i32
        %dma_start3A_88 = tpu.memref_slice %arg7[%dma_start3A_86, %dma_start3A_87] : memref<8x80xi32, #tpu.memory_space<vmem>> -> memref<1x80xi32, #tpu.memory_space<vmem>>
        %dma_start3A_89 = tpu.memref_squeeze %dma_start3A_88 : memref<1x80xi32, #tpu.memory_space<vmem>> -> memref<80xi32, #tpu.memory_space<vmem>>
        %dma_start3A_90 = arith.constant 0 : i32
        %dma_start3A_91 = arith.constant 0 : i32
        %dma_start3A_92 = tpu.memref_slice %arg2[%dma_start3A_90, %dma_start3A_91] : memref<10240x128xf32, #tpu.memory_space<hbm>> -> memref<10240x128xf32, #tpu.memory_space<hbm>>
        tpu.enqueue_indirect_dma source(%dma_start3A_92 : memref<10240x128xf32, #tpu.memory_space<hbm>>) target(%arg12 : memref<80x128xf32, #tpu.memory_space<vmem>>) offsets(%dma_start3A_89 : memref<80xi32, #tpu.memory_space<vmem>>) semaphore(%arg15 : memref<!tpu.dma_semaphore, #tpu.memory_space<semaphore_mem>>)
        %run_scoped3A_93 = arith.constant 2 : i32
        "tpu.region"() ({
          %run_scoped3A_318 = tpu.sem_alloc : memref<!tpu.dma_semaphore, #tpu.memory_space<semaphore_mem>>
          %dma_start3A_319 = arith.constant 0 : i32
          %dma_start3A_320 = tpu.memref_slice %arg8[%run_scoped3A_93, %dma_start3A_319] : memref<8x80xi32, #tpu.memory_space<vmem>> -> memref<1x80xi32, #tpu.memory_space<vmem>>
          %dma_start3A_321 = tpu.memref_squeeze %dma_start3A_320 : memref<1x80xi32, #tpu.memory_space<vmem>> -> memref<80xi32, #tpu.memory_space<vmem>>
          %dma_start3A_322 = arith.constant 0 : i32
          %dma_start3A_323 = arith.constant 0 : i32
          %dma_start3A_324 = tpu.memref_slice %arg13[%dma_start3A_322, %dma_start3A_323] : memref<10240x128xf32, #tpu.memory_space<vmem_shared>> -> memref<10240x128xf32, #tpu.memory_space<vmem_shared>>
          tpu.enqueue_indirect_dma source(%arg11 : memref<80x128xf32, #tpu.memory_space<vmem>>) target(%dma_start3A_324 : memref<10240x128xf32, #tpu.memory_space<vmem_shared>>) offsets(%dma_start3A_321 : memref<80xi32, #tpu.memory_space<vmem>>) semaphore(%run_scoped3A_318 : memref<!tpu.dma_semaphore, #tpu.memory_space<semaphore_mem>>) {add = true}
          %dma_wait3A_325 = arith.constant 0 : i32
          %dma_wait3A_326 = tpu.memref_slice %arg8[%run_scoped3A_93, %dma_wait3A_325] : memref<8x80xi32, #tpu.memory_space<vmem>> -> memref<1x80xi32, #tpu.memory_space<vmem>>
          %dma_wait3A_327 = tpu.memref_squeeze %dma_wait3A_326 : memref<1x80xi32, #tpu.memory_space<vmem>> -> memref<80xi32, #tpu.memory_space<vmem>>
          %dma_wait3A_328 = arith.constant 0 : i32
          %dma_wait3A_329 = arith.constant 0 : i32
          %dma_wait3A_330 = tpu.memref_slice %arg13[%dma_wait3A_328, %dma_wait3A_329] : memref<10240x128xf32, #tpu.memory_space<vmem_shared>> -> memref<10240x128xf32, #tpu.memory_space<vmem_shared>>
          tpu.wait_indirect_dma semaphore(%run_scoped3A_318 : memref<!tpu.dma_semaphore, #tpu.memory_space<semaphore_mem>>) src(%arg11 : memref<80x128xf32, #tpu.memory_space<vmem>>) dst(%dma_wait3A_330 : memref<10240x128xf32, #tpu.memory_space<vmem_shared>>)
          tpu.yield
        }) : () -> ()
        %dma_wait3A_94 = arith.constant 3 : i32
        %dma_wait3A_95 = arith.constant 0 : i32
        %dma_wait3A_96 = tpu.memref_slice %arg7[%dma_wait3A_94, %dma_wait3A_95] : memref<8x80xi32, #tpu.memory_space<vmem>> -> memref<1x80xi32, #tpu.memory_space<vmem>>
        %dma_wait3A_97 = tpu.memref_squeeze %dma_wait3A_96 : memref<1x80xi32, #tpu.memory_space<vmem>> -> memref<80xi32, #tpu.memory_space<vmem>>
        %dma_wait3A_98 = arith.constant 0 : i32
        %dma_wait3A_99 = arith.constant 0 : i32
        %dma_wait3A_100 = tpu.memref_slice %arg2[%dma_wait3A_98, %dma_wait3A_99] : memref<10240x128xf32, #tpu.memory_space<hbm>> -> memref<10240x128xf32, #tpu.memory_space<hbm>>
        tpu.wait_indirect_dma semaphore(%arg15 : memref<!tpu.dma_semaphore, #tpu.memory_space<semaphore_mem>>) src(%dma_wait3A_100 : memref<10240x128xf32, #tpu.memory_space<hbm>>) dst(%arg12 : memref<80x128xf32, #tpu.memory_space<vmem>>)
        %dma_start3A_101 = arith.constant 4 : i32
        %dma_start3A_102 = arith.constant 0 : i32
        %dma_start3A_103 = tpu.memref_slice %arg7[%dma_start3A_101, %dma_start3A_102] : memref<8x80xi32, #tpu.memory_space<vmem>> -> memref<1x80xi32, #tpu.memory_space<vmem>>
        %dma_start3A_104 = tpu.memref_squeeze %dma_start3A_103 : memref<1x80xi32, #tpu.memory_space<vmem>> -> memref<80xi32, #tpu.memory_space<vmem>>
        %dma_start3A_105 = arith.constant 0 : i32
        %dma_start3A_106 = arith.constant 0 : i32
        %dma_start3A_107 = tpu.memref_slice %arg2[%dma_start3A_105, %dma_start3A_106] : memref<10240x128xf32, #tpu.memory_space<hbm>> -> memref<10240x128xf32, #tpu.memory_space<hbm>>
        tpu.enqueue_indirect_dma source(%dma_start3A_107 : memref<10240x128xf32, #tpu.memory_space<hbm>>) target(%arg11 : memref<80x128xf32, #tpu.memory_space<vmem>>) offsets(%dma_start3A_104 : memref<80xi32, #tpu.memory_space<vmem>>) semaphore(%arg14 : memref<!tpu.dma_semaphore, #tpu.memory_space<semaphore_mem>>)
        %run_scoped3A_108 = arith.constant 3 : i32
        "tpu.region"() ({
          %run_scoped3A_318 = tpu.sem_alloc : memref<!tpu.dma_semaphore, #tpu.memory_space<semaphore_mem>>
          %dma_start3A_319 = arith.constant 0 : i32
          %dma_start3A_320 = tpu.memref_slice %arg8[%run_scoped3A_108, %dma_start3A_319] : memref<8x80xi32, #tpu.memory_space<vmem>> -> memref<1x80xi32, #tpu.memory_space<vmem>>
          %dma_start3A_321 = tpu.memref_squeeze %dma_start3A_320 : memref<1x80xi32, #tpu.memory_space<vmem>> -> memref<80xi32, #tpu.memory_space<vmem>>
          %dma_start3A_322 = arith.constant 0 : i32
          %dma_start3A_323 = arith.constant 0 : i32
          %dma_start3A_324 = tpu.memref_slice %arg13[%dma_start3A_322, %dma_start3A_323] : memref<10240x128xf32, #tpu.memory_space<vmem_shared>> -> memref<10240x128xf32, #tpu.memory_space<vmem_shared>>
          tpu.enqueue_indirect_dma source(%arg12 : memref<80x128xf32, #tpu.memory_space<vmem>>) target(%dma_start3A_324 : memref<10240x128xf32, #tpu.memory_space<vmem_shared>>) offsets(%dma_start3A_321 : memref<80xi32, #tpu.memory_space<vmem>>) semaphore(%run_scoped3A_318 : memref<!tpu.dma_semaphore, #tpu.memory_space<semaphore_mem>>) {add = true}
          %dma_wait3A_325 = arith.constant 0 : i32
          %dma_wait3A_326 = tpu.memref_slice %arg8[%run_scoped3A_108, %dma_wait3A_325] : memref<8x80xi32, #tpu.memory_space<vmem>> -> memref<1x80xi32, #tpu.memory_space<vmem>>
          %dma_wait3A_327 = tpu.memref_squeeze %dma_wait3A_326 : memref<1x80xi32, #tpu.memory_space<vmem>> -> memref<80xi32, #tpu.memory_space<vmem>>
          %dma_wait3A_328 = arith.constant 0 : i32
          %dma_wait3A_329 = arith.constant 0 : i32
          %dma_wait3A_330 = tpu.memref_slice %arg13[%dma_wait3A_328, %dma_wait3A_329] : memref<10240x128xf32, #tpu.memory_space<vmem_shared>> -> memref<10240x128xf32, #tpu.memory_space<vmem_shared>>
          tpu.wait_indirect_dma semaphore(%run_scoped3A_318 : memref<!tpu.dma_semaphore, #tpu.memory_space<semaphore_mem>>) src(%arg12 : memref<80x128xf32, #tpu.memory_space<vmem>>) dst(%dma_wait3A_330 : memref<10240x128xf32, #tpu.memory_space<vmem_shared>>)
          tpu.yield
        }) : () -> ()
        %dma_wait3A_109 = arith.constant 4 : i32
        %dma_wait3A_110 = arith.constant 0 : i32
        %dma_wait3A_111 = tpu.memref_slice %arg7[%dma_wait3A_109, %dma_wait3A_110] : memref<8x80xi32, #tpu.memory_space<vmem>> -> memref<1x80xi32, #tpu.memory_space<vmem>>
        %dma_wait3A_112 = tpu.memref_squeeze %dma_wait3A_111 : memref<1x80xi32, #tpu.memory_space<vmem>> -> memref<80xi32, #tpu.memory_space<vmem>>
        %dma_wait3A_113 = arith.constant 0 : i32
        %dma_wait3A_114 = arith.constant 0 : i32
        %dma_wait3A_115 = tpu.memref_slice %arg2[%dma_wait3A_113, %dma_wait3A_114] : memref<10240x128xf32, #tpu.memory_space<hbm>> -> memref<10240x128xf32, #tpu.memory_space<hbm>>
        tpu.wait_indirect_dma semaphore(%arg14 : memref<!tpu.dma_semaphore, #tpu.memory_space<semaphore_mem>>) src(%dma_wait3A_115 : memref<10240x128xf32, #tpu.memory_space<hbm>>) dst(%arg11 : memref<80x128xf32, #tpu.memory_space<vmem>>)
        %dma_start3A_116 = arith.constant 5 : i32
        %dma_start3A_117 = arith.constant 0 : i32
        %dma_start3A_118 = tpu.memref_slice %arg7[%dma_start3A_116, %dma_start3A_117] : memref<8x80xi32, #tpu.memory_space<vmem>> -> memref<1x80xi32, #tpu.memory_space<vmem>>
        %dma_start3A_119 = tpu.memref_squeeze %dma_start3A_118 : memref<1x80xi32, #tpu.memory_space<vmem>> -> memref<80xi32, #tpu.memory_space<vmem>>
        %dma_start3A_120 = arith.constant 0 : i32
        %dma_start3A_121 = arith.constant 0 : i32
        %dma_start3A_122 = tpu.memref_slice %arg2[%dma_start3A_120, %dma_start3A_121] : memref<10240x128xf32, #tpu.memory_space<hbm>> -> memref<10240x128xf32, #tpu.memory_space<hbm>>
        tpu.enqueue_indirect_dma source(%dma_start3A_122 : memref<10240x128xf32, #tpu.memory_space<hbm>>) target(%arg12 : memref<80x128xf32, #tpu.memory_space<vmem>>) offsets(%dma_start3A_119 : memref<80xi32, #tpu.memory_space<vmem>>) semaphore(%arg15 : memref<!tpu.dma_semaphore, #tpu.memory_space<semaphore_mem>>)
        %run_scoped3A_123 = arith.constant 4 : i32
        "tpu.region"() ({
          %run_scoped3A_318 = tpu.sem_alloc : memref<!tpu.dma_semaphore, #tpu.memory_space<semaphore_mem>>
          %dma_start3A_319 = arith.constant 0 : i32
          %dma_start3A_320 = tpu.memref_slice %arg8[%run_scoped3A_123, %dma_start3A_319] : memref<8x80xi32, #tpu.memory_space<vmem>> -> memref<1x80xi32, #tpu.memory_space<vmem>>
          %dma_start3A_321 = tpu.memref_squeeze %dma_start3A_320 : memref<1x80xi32, #tpu.memory_space<vmem>> -> memref<80xi32, #tpu.memory_space<vmem>>
          %dma_start3A_322 = arith.constant 0 : i32
          %dma_start3A_323 = arith.constant 0 : i32
          %dma_start3A_324 = tpu.memref_slice %arg13[%dma_start3A_322, %dma_start3A_323] : memref<10240x128xf32, #tpu.memory_space<vmem_shared>> -> memref<10240x128xf32, #tpu.memory_space<vmem_shared>>
          tpu.enqueue_indirect_dma source(%arg11 : memref<80x128xf32, #tpu.memory_space<vmem>>) target(%dma_start3A_324 : memref<10240x128xf32, #tpu.memory_space<vmem_shared>>) offsets(%dma_start3A_321 : memref<80xi32, #tpu.memory_space<vmem>>) semaphore(%run_scoped3A_318 : memref<!tpu.dma_semaphore, #tpu.memory_space<semaphore_mem>>) {add = true}
          %dma_wait3A_325 = arith.constant 0 : i32
          %dma_wait3A_326 = tpu.memref_slice %arg8[%run_scoped3A_123, %dma_wait3A_325] : memref<8x80xi32, #tpu.memory_space<vmem>> -> memref<1x80xi32, #tpu.memory_space<vmem>>
          %dma_wait3A_327 = tpu.memref_squeeze %dma_wait3A_326 : memref<1x80xi32, #tpu.memory_space<vmem>> -> memref<80xi32, #tpu.memory_space<vmem>>
          %dma_wait3A_328 = arith.constant 0 : i32
          %dma_wait3A_329 = arith.constant 0 : i32
          %dma_wait3A_330 = tpu.memref_slice %arg13[%dma_wait3A_328, %dma_wait3A_329] : memref<10240x128xf32, #tpu.memory_space<vmem_shared>> -> memref<10240x128xf32, #tpu.memory_space<vmem_shared>>
          tpu.wait_indirect_dma semaphore(%run_scoped3A_318 : memref<!tpu.dma_semaphore, #tpu.memory_space<semaphore_mem>>) src(%arg11 : memref<80x128xf32, #tpu.memory_space<vmem>>) dst(%dma_wait3A_330 : memref<10240x128xf32, #tpu.memory_space<vmem_shared>>)
          tpu.yield
        }) : () -> ()
        %dma_wait3A_124 = arith.constant 5 : i32
        %dma_wait3A_125 = arith.constant 0 : i32
        %dma_wait3A_126 = tpu.memref_slice %arg7[%dma_wait3A_124, %dma_wait3A_125] : memref<8x80xi32, #tpu.memory_space<vmem>> -> memref<1x80xi32, #tpu.memory_space<vmem>>
        %dma_wait3A_127 = tpu.memref_squeeze %dma_wait3A_126 : memref<1x80xi32, #tpu.memory_space<vmem>> -> memref<80xi32, #tpu.memory_space<vmem>>
        %dma_wait3A_128 = arith.constant 0 : i32
        %dma_wait3A_129 = arith.constant 0 : i32
        %dma_wait3A_130 = tpu.memref_slice %arg2[%dma_wait3A_128, %dma_wait3A_129] : memref<10240x128xf32, #tpu.memory_space<hbm>> -> memref<10240x128xf32, #tpu.memory_space<hbm>>
        tpu.wait_indirect_dma semaphore(%arg15 : memref<!tpu.dma_semaphore, #tpu.memory_space<semaphore_mem>>) src(%dma_wait3A_130 : memref<10240x128xf32, #tpu.memory_space<hbm>>) dst(%arg12 : memref<80x128xf32, #tpu.memory_space<vmem>>)
        %dma_start3A_131 = arith.constant 6 : i32
        %dma_start3A_132 = arith.constant 0 : i32
        %dma_start3A_133 = tpu.memref_slice %arg7[%dma_start3A_131, %dma_start3A_132] : memref<8x80xi32, #tpu.memory_space<vmem>> -> memref<1x80xi32, #tpu.memory_space<vmem>>
        %dma_start3A_134 = tpu.memref_squeeze %dma_start3A_133 : memref<1x80xi32, #tpu.memory_space<vmem>> -> memref<80xi32, #tpu.memory_space<vmem>>
        %dma_start3A_135 = arith.constant 0 : i32
        %dma_start3A_136 = arith.constant 0 : i32
        %dma_start3A_137 = tpu.memref_slice %arg2[%dma_start3A_135, %dma_start3A_136] : memref<10240x128xf32, #tpu.memory_space<hbm>> -> memref<10240x128xf32, #tpu.memory_space<hbm>>
        tpu.enqueue_indirect_dma source(%dma_start3A_137 : memref<10240x128xf32, #tpu.memory_space<hbm>>) target(%arg11 : memref<80x128xf32, #tpu.memory_space<vmem>>) offsets(%dma_start3A_134 : memref<80xi32, #tpu.memory_space<vmem>>) semaphore(%arg14 : memref<!tpu.dma_semaphore, #tpu.memory_space<semaphore_mem>>)
        %run_scoped3A_138 = arith.constant 5 : i32
        "tpu.region"() ({
          %run_scoped3A_318 = tpu.sem_alloc : memref<!tpu.dma_semaphore, #tpu.memory_space<semaphore_mem>>
          %dma_start3A_319 = arith.constant 0 : i32
          %dma_start3A_320 = tpu.memref_slice %arg8[%run_scoped3A_138, %dma_start3A_319] : memref<8x80xi32, #tpu.memory_space<vmem>> -> memref<1x80xi32, #tpu.memory_space<vmem>>
          %dma_start3A_321 = tpu.memref_squeeze %dma_start3A_320 : memref<1x80xi32, #tpu.memory_space<vmem>> -> memref<80xi32, #tpu.memory_space<vmem>>
          %dma_start3A_322 = arith.constant 0 : i32
          %dma_start3A_323 = arith.constant 0 : i32
          %dma_start3A_324 = tpu.memref_slice %arg13[%dma_start3A_322, %dma_start3A_323] : memref<10240x128xf32, #tpu.memory_space<vmem_shared>> -> memref<10240x128xf32, #tpu.memory_space<vmem_shared>>
          tpu.enqueue_indirect_dma source(%arg12 : memref<80x128xf32, #tpu.memory_space<vmem>>) target(%dma_start3A_324 : memref<10240x128xf32, #tpu.memory_space<vmem_shared>>) offsets(%dma_start3A_321 : memref<80xi32, #tpu.memory_space<vmem>>) semaphore(%run_scoped3A_318 : memref<!tpu.dma_semaphore, #tpu.memory_space<semaphore_mem>>) {add = true}
          %dma_wait3A_325 = arith.constant 0 : i32
          %dma_wait3A_326 = tpu.memref_slice %arg8[%run_scoped3A_138, %dma_wait3A_325] : memref<8x80xi32, #tpu.memory_space<vmem>> -> memref<1x80xi32, #tpu.memory_space<vmem>>
          %dma_wait3A_327 = tpu.memref_squeeze %dma_wait3A_326 : memref<1x80xi32, #tpu.memory_space<vmem>> -> memref<80xi32, #tpu.memory_space<vmem>>
          %dma_wait3A_328 = arith.constant 0 : i32
          %dma_wait3A_329 = arith.constant 0 : i32
          %dma_wait3A_330 = tpu.memref_slice %arg13[%dma_wait3A_328, %dma_wait3A_329] : memref<10240x128xf32, #tpu.memory_space<vmem_shared>> -> memref<10240x128xf32, #tpu.memory_space<vmem_shared>>
          tpu.wait_indirect_dma semaphore(%run_scoped3A_318 : memref<!tpu.dma_semaphore, #tpu.memory_space<semaphore_mem>>) src(%arg12 : memref<80x128xf32, #tpu.memory_space<vmem>>) dst(%dma_wait3A_330 : memref<10240x128xf32, #tpu.memory_space<vmem_shared>>)
          tpu.yield
        }) : () -> ()
        %dma_wait3A_139 = arith.constant 6 : i32
        %dma_wait3A_140 = arith.constant 0 : i32
        %dma_wait3A_141 = tpu.memref_slice %arg7[%dma_wait3A_139, %dma_wait3A_140] : memref<8x80xi32, #tpu.memory_space<vmem>> -> memref<1x80xi32, #tpu.memory_space<vmem>>
        %dma_wait3A_142 = tpu.memref_squeeze %dma_wait3A_141 : memref<1x80xi32, #tpu.memory_space<vmem>> -> memref<80xi32, #tpu.memory_space<vmem>>
        %dma_wait3A_143 = arith.constant 0 : i32
        %dma_wait3A_144 = arith.constant 0 : i32
        %dma_wait3A_145 = tpu.memref_slice %arg2[%dma_wait3A_143, %dma_wait3A_144] : memref<10240x128xf32, #tpu.memory_space<hbm>> -> memref<10240x128xf32, #tpu.memory_space<hbm>>
        tpu.wait_indirect_dma semaphore(%arg14 : memref<!tpu.dma_semaphore, #tpu.memory_space<semaphore_mem>>) src(%dma_wait3A_145 : memref<10240x128xf32, #tpu.memory_space<hbm>>) dst(%arg11 : memref<80x128xf32, #tpu.memory_space<vmem>>)
        %dma_start3A_146 = arith.constant 7 : i32
        %dma_start3A_147 = arith.constant 0 : i32
        %dma_start3A_148 = tpu.memref_slice %arg7[%dma_start3A_146, %dma_start3A_147] : memref<8x80xi32, #tpu.memory_space<vmem>> -> memref<1x80xi32, #tpu.memory_space<vmem>>
        %dma_start3A_149 = tpu.memref_squeeze %dma_start3A_148 : memref<1x80xi32, #tpu.memory_space<vmem>> -> memref<80xi32, #tpu.memory_space<vmem>>
        %dma_start3A_150 = arith.constant 0 : i32
        %dma_start3A_151 = arith.constant 0 : i32
        %dma_start3A_152 = tpu.memref_slice %arg2[%dma_start3A_150, %dma_start3A_151] : memref<10240x128xf32, #tpu.memory_space<hbm>> -> memref<10240x128xf32, #tpu.memory_space<hbm>>
        tpu.enqueue_indirect_dma source(%dma_start3A_152 : memref<10240x128xf32, #tpu.memory_space<hbm>>) target(%arg12 : memref<80x128xf32, #tpu.memory_space<vmem>>) offsets(%dma_start3A_149 : memref<80xi32, #tpu.memory_space<vmem>>) semaphore(%arg15 : memref<!tpu.dma_semaphore, #tpu.memory_space<semaphore_mem>>)
        %run_scoped3A_153 = arith.constant 6 : i32
        "tpu.region"() ({
          %run_scoped3A_318 = tpu.sem_alloc : memref<!tpu.dma_semaphore, #tpu.memory_space<semaphore_mem>>
          %dma_start3A_319 = arith.constant 0 : i32
          %dma_start3A_320 = tpu.memref_slice %arg8[%run_scoped3A_153, %dma_start3A_319] : memref<8x80xi32, #tpu.memory_space<vmem>> -> memref<1x80xi32, #tpu.memory_space<vmem>>
          %dma_start3A_321 = tpu.memref_squeeze %dma_start3A_320 : memref<1x80xi32, #tpu.memory_space<vmem>> -> memref<80xi32, #tpu.memory_space<vmem>>
          %dma_start3A_322 = arith.constant 0 : i32
          %dma_start3A_323 = arith.constant 0 : i32
          %dma_start3A_324 = tpu.memref_slice %arg13[%dma_start3A_322, %dma_start3A_323] : memref<10240x128xf32, #tpu.memory_space<vmem_shared>> -> memref<10240x128xf32, #tpu.memory_space<vmem_shared>>
          tpu.enqueue_indirect_dma source(%arg11 : memref<80x128xf32, #tpu.memory_space<vmem>>) target(%dma_start3A_324 : memref<10240x128xf32, #tpu.memory_space<vmem_shared>>) offsets(%dma_start3A_321 : memref<80xi32, #tpu.memory_space<vmem>>) semaphore(%run_scoped3A_318 : memref<!tpu.dma_semaphore, #tpu.memory_space<semaphore_mem>>) {add = true}
          %dma_wait3A_325 = arith.constant 0 : i32
          %dma_wait3A_326 = tpu.memref_slice %arg8[%run_scoped3A_153, %dma_wait3A_325] : memref<8x80xi32, #tpu.memory_space<vmem>> -> memref<1x80xi32, #tpu.memory_space<vmem>>
          %dma_wait3A_327 = tpu.memref_squeeze %dma_wait3A_326 : memref<1x80xi32, #tpu.memory_space<vmem>> -> memref<80xi32, #tpu.memory_space<vmem>>
          %dma_wait3A_328 = arith.constant 0 : i32
          %dma_wait3A_329 = arith.constant 0 : i32
          %dma_wait3A_330 = tpu.memref_slice %arg13[%dma_wait3A_328, %dma_wait3A_329] : memref<10240x128xf32, #tpu.memory_space<vmem_shared>> -> memref<10240x128xf32, #tpu.memory_space<vmem_shared>>
          tpu.wait_indirect_dma semaphore(%run_scoped3A_318 : memref<!tpu.dma_semaphore, #tpu.memory_space<semaphore_mem>>) src(%arg11 : memref<80x128xf32, #tpu.memory_space<vmem>>) dst(%dma_wait3A_330 : memref<10240x128xf32, #tpu.memory_space<vmem_shared>>)
          tpu.yield
        }) : () -> ()
        %dma_wait3A_154 = arith.constant 7 : i32
        %dma_wait3A_155 = arith.constant 0 : i32
        %dma_wait3A_156 = tpu.memref_slice %arg7[%dma_wait3A_154, %dma_wait3A_155] : memref<8x80xi32, #tpu.memory_space<vmem>> -> memref<1x80xi32, #tpu.memory_space<vmem>>
        %dma_wait3A_157 = tpu.memref_squeeze %dma_wait3A_156 : memref<1x80xi32, #tpu.memory_space<vmem>> -> memref<80xi32, #tpu.memory_space<vmem>>
        %dma_wait3A_158 = arith.constant 0 : i32
        %dma_wait3A_159 = arith.constant 0 : i32
        %dma_wait3A_160 = tpu.memref_slice %arg2[%dma_wait3A_158, %dma_wait3A_159] : memref<10240x128xf32, #tpu.memory_space<hbm>> -> memref<10240x128xf32, #tpu.memory_space<hbm>>
        tpu.wait_indirect_dma semaphore(%arg15 : memref<!tpu.dma_semaphore, #tpu.memory_space<semaphore_mem>>) src(%dma_wait3A_160 : memref<10240x128xf32, #tpu.memory_space<hbm>>) dst(%arg12 : memref<80x128xf32, #tpu.memory_space<vmem>>)
        %add3A_161 = arith.constant 1 : i32
        %add3A_162 = arith.addi %add3A_50, %add3A_161 : i32
        %dma_wait3A_163 = arith.constant 0 : i32
        %dma_wait3A_164 = arith.constant 0 : i32
        %dma_wait3A_165 = tpu.memref_slice %arg3[%add3A_162, %dma_wait3A_163, %dma_wait3A_164] : memref<512x8x80xi32, #tpu.memory_space<hbm>> -> memref<1x8x80xi32, #tpu.memory_space<hbm>>
        %dma_wait3A_166 = tpu.memref_squeeze %dma_wait3A_165 : memref<1x8x80xi32, #tpu.memory_space<hbm>> -> memref<8x80xi32, #tpu.memory_space<hbm>>
        %dma_wait3A_167 = arith.constant 0 : i32
        %dma_wait3A_168 = arith.constant 0 : i32
        %dma_wait3A_169 = tpu.memref_slice %arg3[%add3A_162, %dma_wait3A_167, %dma_wait3A_168] : memref<512x8x80xi32, #tpu.memory_space<hbm>> -> memref<1x8x80xi32, #tpu.memory_space<hbm>>
        %dma_wait3A_170 = tpu.memref_squeeze %dma_wait3A_169 : memref<1x8x80xi32, #tpu.memory_space<hbm>> -> memref<8x80xi32, #tpu.memory_space<hbm>>
        tpu.wait_dma2 semaphore(%arg16 : memref<!tpu.dma_semaphore, #tpu.memory_space<semaphore_mem>>) src(%dma_wait3A_170 : memref<8x80xi32, #tpu.memory_space<hbm>>) dst(%arg9 : memref<8x80xi32, #tpu.memory_space<vmem>>)
        %add3A_171 = arith.constant 1 : i32
        %add3A_172 = arith.addi %add3A_50, %add3A_171 : i32
        %dma_wait3A_173 = arith.constant 0 : i32
        %dma_wait3A_174 = arith.constant 0 : i32
        %dma_wait3A_175 = tpu.memref_slice %arg4[%add3A_172, %dma_wait3A_173, %dma_wait3A_174] : memref<512x8x80xi32, #tpu.memory_space<hbm>> -> memref<1x8x80xi32, #tpu.memory_space<hbm>>
        %dma_wait3A_176 = tpu.memref_squeeze %dma_wait3A_175 : memref<1x8x80xi32, #tpu.memory_space<hbm>> -> memref<8x80xi32, #tpu.memory_space<hbm>>
        %dma_wait3A_177 = arith.constant 0 : i32
        %dma_wait3A_178 = arith.constant 0 : i32
        %dma_wait3A_179 = tpu.memref_slice %arg4[%add3A_172, %dma_wait3A_177, %dma_wait3A_178] : memref<512x8x80xi32, #tpu.memory_space<hbm>> -> memref<1x8x80xi32, #tpu.memory_space<hbm>>
        %dma_wait3A_180 = tpu.memref_squeeze %dma_wait3A_179 : memref<1x8x80xi32, #tpu.memory_space<hbm>> -> memref<8x80xi32, #tpu.memory_space<hbm>>
        tpu.wait_dma2 semaphore(%arg17 : memref<!tpu.dma_semaphore, #tpu.memory_space<semaphore_mem>>) src(%dma_wait3A_180 : memref<8x80xi32, #tpu.memory_space<hbm>>) dst(%arg10 : memref<8x80xi32, #tpu.memory_space<vmem>>)
        %dma_start3A_181 = arith.constant 0 : i32
        %dma_start3A_182 = arith.constant 0 : i32
        %dma_start3A_183 = tpu.memref_slice %arg9[%dma_start3A_181, %dma_start3A_182] : memref<8x80xi32, #tpu.memory_space<vmem>> -> memref<1x80xi32, #tpu.memory_space<vmem>>
        %dma_start3A_184 = tpu.memref_squeeze %dma_start3A_183 : memref<1x80xi32, #tpu.memory_space<vmem>> -> memref<80xi32, #tpu.memory_space<vmem>>
        %dma_start3A_185 = arith.constant 0 : i32
        %dma_start3A_186 = arith.constant 0 : i32
        %dma_start3A_187 = tpu.memref_slice %arg2[%dma_start3A_185, %dma_start3A_186] : memref<10240x128xf32, #tpu.memory_space<hbm>> -> memref<10240x128xf32, #tpu.memory_space<hbm>>
        tpu.enqueue_indirect_dma source(%dma_start3A_187 : memref<10240x128xf32, #tpu.memory_space<hbm>>) target(%arg11 : memref<80x128xf32, #tpu.memory_space<vmem>>) offsets(%dma_start3A_184 : memref<80xi32, #tpu.memory_space<vmem>>) semaphore(%arg14 : memref<!tpu.dma_semaphore, #tpu.memory_space<semaphore_mem>>)
        %run_scoped3A_188 = arith.constant 7 : i32
        "tpu.region"() ({
          %run_scoped3A_318 = tpu.sem_alloc : memref<!tpu.dma_semaphore, #tpu.memory_space<semaphore_mem>>
          %dma_start3A_319 = arith.constant 0 : i32
          %dma_start3A_320 = tpu.memref_slice %arg8[%run_scoped3A_188, %dma_start3A_319] : memref<8x80xi32, #tpu.memory_space<vmem>> -> memref<1x80xi32, #tpu.memory_space<vmem>>
          %dma_start3A_321 = tpu.memref_squeeze %dma_start3A_320 : memref<1x80xi32, #tpu.memory_space<vmem>> -> memref<80xi32, #tpu.memory_space<vmem>>
          %dma_start3A_322 = arith.constant 0 : i32
          %dma_start3A_323 = arith.constant 0 : i32
          %dma_start3A_324 = tpu.memref_slice %arg13[%dma_start3A_322, %dma_start3A_323] : memref<10240x128xf32, #tpu.memory_space<vmem_shared>> -> memref<10240x128xf32, #tpu.memory_space<vmem_shared>>
          tpu.enqueue_indirect_dma source(%arg12 : memref<80x128xf32, #tpu.memory_space<vmem>>) target(%dma_start3A_324 : memref<10240x128xf32, #tpu.memory_space<vmem_shared>>) offsets(%dma_start3A_321 : memref<80xi32, #tpu.memory_space<vmem>>) semaphore(%run_scoped3A_318 : memref<!tpu.dma_semaphore, #tpu.memory_space<semaphore_mem>>) {add = true}
          %dma_wait3A_325 = arith.constant 0 : i32
          %dma_wait3A_326 = tpu.memref_slice %arg8[%run_scoped3A_188, %dma_wait3A_325] : memref<8x80xi32, #tpu.memory_space<vmem>> -> memref<1x80xi32, #tpu.memory_space<vmem>>
          %dma_wait3A_327 = tpu.memref_squeeze %dma_wait3A_326 : memref<1x80xi32, #tpu.memory_space<vmem>> -> memref<80xi32, #tpu.memory_space<vmem>>
          %dma_wait3A_328 = arith.constant 0 : i32
          %dma_wait3A_329 = arith.constant 0 : i32
          %dma_wait3A_330 = tpu.memref_slice %arg13[%dma_wait3A_328, %dma_wait3A_329] : memref<10240x128xf32, #tpu.memory_space<vmem_shared>> -> memref<10240x128xf32, #tpu.memory_space<vmem_shared>>
          tpu.wait_indirect_dma semaphore(%run_scoped3A_318 : memref<!tpu.dma_semaphore, #tpu.memory_space<semaphore_mem>>) src(%arg12 : memref<80x128xf32, #tpu.memory_space<vmem>>) dst(%dma_wait3A_330 : memref<10240x128xf32, #tpu.memory_space<vmem_shared>>)
          tpu.yield
        }) : () -> ()
        %sub3A = arith.constant 1 : i32
        %sub3A_189 = arith.subi %select_n3A, %sub3A : i32
        %lt3A = arith.cmpi slt, %while3A_47, %sub3A_189 : i32
        %convert_element_type3A_190 = arith.extui %lt3A : i1 to i32
        %cond3A_191 = arith.constant 0 : i32
        %cond3A_192 = arith.cmpi ne, %convert_element_type3A_190, %cond3A_191 : i32
        scf.if %cond3A_192 {
          %add3A_318 = arith.constant 2 : i32
          %add3A_319 = arith.addi %add3A_50, %add3A_318 : i32
          %dma_start3A_320 = arith.constant 0 : i32
          %dma_start3A_321 = arith.constant 0 : i32
          %dma_start3A_322 = tpu.memref_slice %arg3[%add3A_319, %dma_start3A_320, %dma_start3A_321] : memref<512x8x80xi32, #tpu.memory_space<hbm>> -> memref<1x8x80xi32, #tpu.memory_space<hbm>>
          %dma_start3A_323 = tpu.memref_squeeze %dma_start3A_322 : memref<1x8x80xi32, #tpu.memory_space<hbm>> -> memref<8x80xi32, #tpu.memory_space<hbm>>
          %dma_start3A_324 = arith.constant 0 : i32
          %dma_start3A_325 = arith.constant 0 : i32
          %dma_start3A_326 = tpu.memref_slice %arg3[%add3A_319, %dma_start3A_324, %dma_start3A_325] : memref<512x8x80xi32, #tpu.memory_space<hbm>> -> memref<1x8x80xi32, #tpu.memory_space<hbm>>
          %dma_start3A_327 = tpu.memref_squeeze %dma_start3A_326 : memref<1x8x80xi32, #tpu.memory_space<hbm>> -> memref<8x80xi32, #tpu.memory_space<hbm>>
          tpu.enqueue_dma source(%dma_start3A_327 : memref<8x80xi32, #tpu.memory_space<hbm>>) target(%arg7 : memref<8x80xi32, #tpu.memory_space<vmem>>) target_semaphore(%arg16 : memref<!tpu.dma_semaphore, #tpu.memory_space<semaphore_mem>>)
          %add3A_328 = arith.constant 2 : i32
          %add3A_329 = arith.addi %add3A_50, %add3A_328 : i32
          %dma_start3A_330 = arith.constant 0 : i32
          %dma_start3A_331 = arith.constant 0 : i32
          %dma_start3A_332 = tpu.memref_slice %arg4[%add3A_329, %dma_start3A_330, %dma_start3A_331] : memref<512x8x80xi32, #tpu.memory_space<hbm>> -> memref<1x8x80xi32, #tpu.memory_space<hbm>>
          %dma_start3A_333 = tpu.memref_squeeze %dma_start3A_332 : memref<1x8x80xi32, #tpu.memory_space<hbm>> -> memref<8x80xi32, #tpu.memory_space<hbm>>
          %dma_start3A_334 = arith.constant 0 : i32
          %dma_start3A_335 = arith.constant 0 : i32
          %dma_start3A_336 = tpu.memref_slice %arg4[%add3A_329, %dma_start3A_334, %dma_start3A_335] : memref<512x8x80xi32, #tpu.memory_space<hbm>> -> memref<1x8x80xi32, #tpu.memory_space<hbm>>
          %dma_start3A_337 = tpu.memref_squeeze %dma_start3A_336 : memref<1x8x80xi32, #tpu.memory_space<hbm>> -> memref<8x80xi32, #tpu.memory_space<hbm>>
          tpu.enqueue_dma source(%dma_start3A_337 : memref<8x80xi32, #tpu.memory_space<hbm>>) target(%arg8 : memref<8x80xi32, #tpu.memory_space<vmem>>) target_semaphore(%arg17 : memref<!tpu.dma_semaphore, #tpu.memory_space<semaphore_mem>>)
        } else {
        }
        %dma_wait3A_193 = arith.constant 0 : i32
        %dma_wait3A_194 = arith.constant 0 : i32
        %dma_wait3A_195 = tpu.memref_slice %arg9[%dma_wait3A_193, %dma_wait3A_194] : memref<8x80xi32, #tpu.memory_space<vmem>> -> memref<1x80xi32, #tpu.memory_space<vmem>>
        %dma_wait3A_196 = tpu.memref_squeeze %dma_wait3A_195 : memref<1x80xi32, #tpu.memory_space<vmem>> -> memref<80xi32, #tpu.memory_space<vmem>>
        %dma_wait3A_197 = arith.constant 0 : i32
        %dma_wait3A_198 = arith.constant 0 : i32
        %dma_wait3A_199 = tpu.memref_slice %arg2[%dma_wait3A_197, %dma_wait3A_198] : memref<10240x128xf32, #tpu.memory_space<hbm>> -> memref<10240x128xf32, #tpu.memory_space<hbm>>
        tpu.wait_indirect_dma semaphore(%arg14 : memref<!tpu.dma_semaphore, #tpu.memory_space<semaphore_mem>>) src(%dma_wait3A_199 : memref<10240x128xf32, #tpu.memory_space<hbm>>) dst(%arg11 : memref<80x128xf32, #tpu.memory_space<vmem>>)
        %dma_start3A_200 = arith.constant 1 : i32
        %dma_start3A_201 = arith.constant 0 : i32
        %dma_start3A_202 = tpu.memref_slice %arg9[%dma_start3A_200, %dma_start3A_201] : memref<8x80xi32, #tpu.memory_space<vmem>> -> memref<1x80xi32, #tpu.memory_space<vmem>>
        %dma_start3A_203 = tpu.memref_squeeze %dma_start3A_202 : memref<1x80xi32, #tpu.memory_space<vmem>> -> memref<80xi32, #tpu.memory_space<vmem>>
        %dma_start3A_204 = arith.constant 0 : i32
        %dma_start3A_205 = arith.constant 0 : i32
        %dma_start3A_206 = tpu.memref_slice %arg2[%dma_start3A_204, %dma_start3A_205] : memref<10240x128xf32, #tpu.memory_space<hbm>> -> memref<10240x128xf32, #tpu.memory_space<hbm>>
        tpu.enqueue_indirect_dma source(%dma_start3A_206 : memref<10240x128xf32, #tpu.memory_space<hbm>>) target(%arg12 : memref<80x128xf32, #tpu.memory_space<vmem>>) offsets(%dma_start3A_203 : memref<80xi32, #tpu.memory_space<vmem>>) semaphore(%arg15 : memref<!tpu.dma_semaphore, #tpu.memory_space<semaphore_mem>>)
        %run_scoped3A_207 = arith.constant 0 : i32
        "tpu.region"() ({
          %run_scoped3A_318 = tpu.sem_alloc : memref<!tpu.dma_semaphore, #tpu.memory_space<semaphore_mem>>
          %dma_start3A_319 = arith.constant 0 : i32
          %dma_start3A_320 = tpu.memref_slice %arg10[%run_scoped3A_207, %dma_start3A_319] : memref<8x80xi32, #tpu.memory_space<vmem>> -> memref<1x80xi32, #tpu.memory_space<vmem>>
          %dma_start3A_321 = tpu.memref_squeeze %dma_start3A_320 : memref<1x80xi32, #tpu.memory_space<vmem>> -> memref<80xi32, #tpu.memory_space<vmem>>
          %dma_start3A_322 = arith.constant 0 : i32
          %dma_start3A_323 = arith.constant 0 : i32
          %dma_start3A_324 = tpu.memref_slice %arg13[%dma_start3A_322, %dma_start3A_323] : memref<10240x128xf32, #tpu.memory_space<vmem_shared>> -> memref<10240x128xf32, #tpu.memory_space<vmem_shared>>
          tpu.enqueue_indirect_dma source(%arg11 : memref<80x128xf32, #tpu.memory_space<vmem>>) target(%dma_start3A_324 : memref<10240x128xf32, #tpu.memory_space<vmem_shared>>) offsets(%dma_start3A_321 : memref<80xi32, #tpu.memory_space<vmem>>) semaphore(%run_scoped3A_318 : memref<!tpu.dma_semaphore, #tpu.memory_space<semaphore_mem>>) {add = true}
          %dma_wait3A_325 = arith.constant 0 : i32
          %dma_wait3A_326 = tpu.memref_slice %arg10[%run_scoped3A_207, %dma_wait3A_325] : memref<8x80xi32, #tpu.memory_space<vmem>> -> memref<1x80xi32, #tpu.memory_space<vmem>>
          %dma_wait3A_327 = tpu.memref_squeeze %dma_wait3A_326 : memref<1x80xi32, #tpu.memory_space<vmem>> -> memref<80xi32, #tpu.memory_space<vmem>>
          %dma_wait3A_328 = arith.constant 0 : i32
          %dma_wait3A_329 = arith.constant 0 : i32
          %dma_wait3A_330 = tpu.memref_slice %arg13[%dma_wait3A_328, %dma_wait3A_329] : memref<10240x128xf32, #tpu.memory_space<vmem_shared>> -> memref<10240x128xf32, #tpu.memory_space<vmem_shared>>
          tpu.wait_indirect_dma semaphore(%run_scoped3A_318 : memref<!tpu.dma_semaphore, #tpu.memory_space<semaphore_mem>>) src(%arg11 : memref<80x128xf32, #tpu.memory_space<vmem>>) dst(%dma_wait3A_330 : memref<10240x128xf32, #tpu.memory_space<vmem_shared>>)
          tpu.yield
        }) : () -> ()
        %dma_wait3A_208 = arith.constant 1 : i32
        %dma_wait3A_209 = arith.constant 0 : i32
        %dma_wait3A_210 = tpu.memref_slice %arg9[%dma_wait3A_208, %dma_wait3A_209] : memref<8x80xi32, #tpu.memory_space<vmem>> -> memref<1x80xi32, #tpu.memory_space<vmem>>
        %dma_wait3A_211 = tpu.memref_squeeze %dma_wait3A_210 : memref<1x80xi32, #tpu.memory_space<vmem>> -> memref<80xi32, #tpu.memory_space<vmem>>
        %dma_wait3A_212 = arith.constant 0 : i32
        %dma_wait3A_213 = arith.constant 0 : i32
        %dma_wait3A_214 = tpu.memref_slice %arg2[%dma_wait3A_212, %dma_wait3A_213] : memref<10240x128xf32, #tpu.memory_space<hbm>> -> memref<10240x128xf32, #tpu.memory_space<hbm>>
        tpu.wait_indirect_dma semaphore(%arg15 : memref<!tpu.dma_semaphore, #tpu.memory_space<semaphore_mem>>) src(%dma_wait3A_214 : memref<10240x128xf32, #tpu.memory_space<hbm>>) dst(%arg12 : memref<80x128xf32, #tpu.memory_space<vmem>>)
        %dma_start3A_215 = arith.constant 2 : i32
        %dma_start3A_216 = arith.constant 0 : i32
        %dma_start3A_217 = tpu.memref_slice %arg9[%dma_start3A_215, %dma_start3A_216] : memref<8x80xi32, #tpu.memory_space<vmem>> -> memref<1x80xi32, #tpu.memory_space<vmem>>
        %dma_start3A_218 = tpu.memref_squeeze %dma_start3A_217 : memref<1x80xi32, #tpu.memory_space<vmem>> -> memref<80xi32, #tpu.memory_space<vmem>>
        %dma_start3A_219 = arith.constant 0 : i32
        %dma_start3A_220 = arith.constant 0 : i32
        %dma_start3A_221 = tpu.memref_slice %arg2[%dma_start3A_219, %dma_start3A_220] : memref<10240x128xf32, #tpu.memory_space<hbm>> -> memref<10240x128xf32, #tpu.memory_space<hbm>>
        tpu.enqueue_indirect_dma source(%dma_start3A_221 : memref<10240x128xf32, #tpu.memory_space<hbm>>) target(%arg11 : memref<80x128xf32, #tpu.memory_space<vmem>>) offsets(%dma_start3A_218 : memref<80xi32, #tpu.memory_space<vmem>>) semaphore(%arg14 : memref<!tpu.dma_semaphore, #tpu.memory_space<semaphore_mem>>)
        %run_scoped3A_222 = arith.constant 1 : i32
        "tpu.region"() ({
          %run_scoped3A_318 = tpu.sem_alloc : memref<!tpu.dma_semaphore, #tpu.memory_space<semaphore_mem>>
          %dma_start3A_319 = arith.constant 0 : i32
          %dma_start3A_320 = tpu.memref_slice %arg10[%run_scoped3A_222, %dma_start3A_319] : memref<8x80xi32, #tpu.memory_space<vmem>> -> memref<1x80xi32, #tpu.memory_space<vmem>>
          %dma_start3A_321 = tpu.memref_squeeze %dma_start3A_320 : memref<1x80xi32, #tpu.memory_space<vmem>> -> memref<80xi32, #tpu.memory_space<vmem>>
          %dma_start3A_322 = arith.constant 0 : i32
          %dma_start3A_323 = arith.constant 0 : i32
          %dma_start3A_324 = tpu.memref_slice %arg13[%dma_start3A_322, %dma_start3A_323] : memref<10240x128xf32, #tpu.memory_space<vmem_shared>> -> memref<10240x128xf32, #tpu.memory_space<vmem_shared>>
          tpu.enqueue_indirect_dma source(%arg12 : memref<80x128xf32, #tpu.memory_space<vmem>>) target(%dma_start3A_324 : memref<10240x128xf32, #tpu.memory_space<vmem_shared>>) offsets(%dma_start3A_321 : memref<80xi32, #tpu.memory_space<vmem>>) semaphore(%run_scoped3A_318 : memref<!tpu.dma_semaphore, #tpu.memory_space<semaphore_mem>>) {add = true}
          %dma_wait3A_325 = arith.constant 0 : i32
          %dma_wait3A_326 = tpu.memref_slice %arg10[%run_scoped3A_222, %dma_wait3A_325] : memref<8x80xi32, #tpu.memory_space<vmem>> -> memref<1x80xi32, #tpu.memory_space<vmem>>
          %dma_wait3A_327 = tpu.memref_squeeze %dma_wait3A_326 : memref<1x80xi32, #tpu.memory_space<vmem>> -> memref<80xi32, #tpu.memory_space<vmem>>
          %dma_wait3A_328 = arith.constant 0 : i32
          %dma_wait3A_329 = arith.constant 0 : i32
          %dma_wait3A_330 = tpu.memref_slice %arg13[%dma_wait3A_328, %dma_wait3A_329] : memref<10240x128xf32, #tpu.memory_space<vmem_shared>> -> memref<10240x128xf32, #tpu.memory_space<vmem_shared>>
          tpu.wait_indirect_dma semaphore(%run_scoped3A_318 : memref<!tpu.dma_semaphore, #tpu.memory_space<semaphore_mem>>) src(%arg12 : memref<80x128xf32, #tpu.memory_space<vmem>>) dst(%dma_wait3A_330 : memref<10240x128xf32, #tpu.memory_space<vmem_shared>>)
          tpu.yield
        }) : () -> ()
        %dma_wait3A_223 = arith.constant 2 : i32
        %dma_wait3A_224 = arith.constant 0 : i32
        %dma_wait3A_225 = tpu.memref_slice %arg9[%dma_wait3A_223, %dma_wait3A_224] : memref<8x80xi32, #tpu.memory_space<vmem>> -> memref<1x80xi32, #tpu.memory_space<vmem>>
        %dma_wait3A_226 = tpu.memref_squeeze %dma_wait3A_225 : memref<1x80xi32, #tpu.memory_space<vmem>> -> memref<80xi32, #tpu.memory_space<vmem>>
        %dma_wait3A_227 = arith.constant 0 : i32
        %dma_wait3A_228 = arith.constant 0 : i32
        %dma_wait3A_229 = tpu.memref_slice %arg2[%dma_wait3A_227, %dma_wait3A_228] : memref<10240x128xf32, #tpu.memory_space<hbm>> -> memref<10240x128xf32, #tpu.memory_space<hbm>>
        tpu.wait_indirect_dma semaphore(%arg14 : memref<!tpu.dma_semaphore, #tpu.memory_space<semaphore_mem>>) src(%dma_wait3A_229 : memref<10240x128xf32, #tpu.memory_space<hbm>>) dst(%arg11 : memref<80x128xf32, #tpu.memory_space<vmem>>)
        %dma_start3A_230 = arith.constant 3 : i32
        %dma_start3A_231 = arith.constant 0 : i32
        %dma_start3A_232 = tpu.memref_slice %arg9[%dma_start3A_230, %dma_start3A_231] : memref<8x80xi32, #tpu.memory_space<vmem>> -> memref<1x80xi32, #tpu.memory_space<vmem>>
        %dma_start3A_233 = tpu.memref_squeeze %dma_start3A_232 : memref<1x80xi32, #tpu.memory_space<vmem>> -> memref<80xi32, #tpu.memory_space<vmem>>
        %dma_start3A_234 = arith.constant 0 : i32
        %dma_start3A_235 = arith.constant 0 : i32
        %dma_start3A_236 = tpu.memref_slice %arg2[%dma_start3A_234, %dma_start3A_235] : memref<10240x128xf32, #tpu.memory_space<hbm>> -> memref<10240x128xf32, #tpu.memory_space<hbm>>
        tpu.enqueue_indirect_dma source(%dma_start3A_236 : memref<10240x128xf32, #tpu.memory_space<hbm>>) target(%arg12 : memref<80x128xf32, #tpu.memory_space<vmem>>) offsets(%dma_start3A_233 : memref<80xi32, #tpu.memory_space<vmem>>) semaphore(%arg15 : memref<!tpu.dma_semaphore, #tpu.memory_space<semaphore_mem>>)
        %run_scoped3A_237 = arith.constant 2 : i32
        "tpu.region"() ({
          %run_scoped3A_318 = tpu.sem_alloc : memref<!tpu.dma_semaphore, #tpu.memory_space<semaphore_mem>>
          %dma_start3A_319 = arith.constant 0 : i32
          %dma_start3A_320 = tpu.memref_slice %arg10[%run_scoped3A_237, %dma_start3A_319] : memref<8x80xi32, #tpu.memory_space<vmem>> -> memref<1x80xi32, #tpu.memory_space<vmem>>
          %dma_start3A_321 = tpu.memref_squeeze %dma_start3A_320 : memref<1x80xi32, #tpu.memory_space<vmem>> -> memref<80xi32, #tpu.memory_space<vmem>>
          %dma_start3A_322 = arith.constant 0 : i32
          %dma_start3A_323 = arith.constant 0 : i32
          %dma_start3A_324 = tpu.memref_slice %arg13[%dma_start3A_322, %dma_start3A_323] : memref<10240x128xf32, #tpu.memory_space<vmem_shared>> -> memref<10240x128xf32, #tpu.memory_space<vmem_shared>>
          tpu.enqueue_indirect_dma source(%arg11 : memref<80x128xf32, #tpu.memory_space<vmem>>) target(%dma_start3A_324 : memref<10240x128xf32, #tpu.memory_space<vmem_shared>>) offsets(%dma_start3A_321 : memref<80xi32, #tpu.memory_space<vmem>>) semaphore(%run_scoped3A_318 : memref<!tpu.dma_semaphore, #tpu.memory_space<semaphore_mem>>) {add = true}
          %dma_wait3A_325 = arith.constant 0 : i32
          %dma_wait3A_326 = tpu.memref_slice %arg10[%run_scoped3A_237, %dma_wait3A_325] : memref<8x80xi32, #tpu.memory_space<vmem>> -> memref<1x80xi32, #tpu.memory_space<vmem>>
          %dma_wait3A_327 = tpu.memref_squeeze %dma_wait3A_326 : memref<1x80xi32, #tpu.memory_space<vmem>> -> memref<80xi32, #tpu.memory_space<vmem>>
          %dma_wait3A_328 = arith.constant 0 : i32
          %dma_wait3A_329 = arith.constant 0 : i32
          %dma_wait3A_330 = tpu.memref_slice %arg13[%dma_wait3A_328, %dma_wait3A_329] : memref<10240x128xf32, #tpu.memory_space<vmem_shared>> -> memref<10240x128xf32, #tpu.memory_space<vmem_shared>>
          tpu.wait_indirect_dma semaphore(%run_scoped3A_318 : memref<!tpu.dma_semaphore, #tpu.memory_space<semaphore_mem>>) src(%arg11 : memref<80x128xf32, #tpu.memory_space<vmem>>) dst(%dma_wait3A_330 : memref<10240x128xf32, #tpu.memory_space<vmem_shared>>)
          tpu.yield
        }) : () -> ()
        %dma_wait3A_238 = arith.constant 3 : i32
        %dma_wait3A_239 = arith.constant 0 : i32
        %dma_wait3A_240 = tpu.memref_slice %arg9[%dma_wait3A_238, %dma_wait3A_239] : memref<8x80xi32, #tpu.memory_space<vmem>> -> memref<1x80xi32, #tpu.memory_space<vmem>>
        %dma_wait3A_241 = tpu.memref_squeeze %dma_wait3A_240 : memref<1x80xi32, #tpu.memory_space<vmem>> -> memref<80xi32, #tpu.memory_space<vmem>>
        %dma_wait3A_242 = arith.constant 0 : i32
        %dma_wait3A_243 = arith.constant 0 : i32
        %dma_wait3A_244 = tpu.memref_slice %arg2[%dma_wait3A_242, %dma_wait3A_243] : memref<10240x128xf32, #tpu.memory_space<hbm>> -> memref<10240x128xf32, #tpu.memory_space<hbm>>
        tpu.wait_indirect_dma semaphore(%arg15 : memref<!tpu.dma_semaphore, #tpu.memory_space<semaphore_mem>>) src(%dma_wait3A_244 : memref<10240x128xf32, #tpu.memory_space<hbm>>) dst(%arg12 : memref<80x128xf32, #tpu.memory_space<vmem>>)
        %dma_start3A_245 = arith.constant 4 : i32
        %dma_start3A_246 = arith.constant 0 : i32
        %dma_start3A_247 = tpu.memref_slice %arg9[%dma_start3A_245, %dma_start3A_246] : memref<8x80xi32, #tpu.memory_space<vmem>> -> memref<1x80xi32, #tpu.memory_space<vmem>>
        %dma_start3A_248 = tpu.memref_squeeze %dma_start3A_247 : memref<1x80xi32, #tpu.memory_space<vmem>> -> memref<80xi32, #tpu.memory_space<vmem>>
        %dma_start3A_249 = arith.constant 0 : i32
        %dma_start3A_250 = arith.constant 0 : i32
        %dma_start3A_251 = tpu.memref_slice %arg2[%dma_start3A_249, %dma_start3A_250] : memref<10240x128xf32, #tpu.memory_space<hbm>> -> memref<10240x128xf32, #tpu.memory_space<hbm>>
        tpu.enqueue_indirect_dma source(%dma_start3A_251 : memref<10240x128xf32, #tpu.memory_space<hbm>>) target(%arg11 : memref<80x128xf32, #tpu.memory_space<vmem>>) offsets(%dma_start3A_248 : memref<80xi32, #tpu.memory_space<vmem>>) semaphore(%arg14 : memref<!tpu.dma_semaphore, #tpu.memory_space<semaphore_mem>>)
        %run_scoped3A_252 = arith.constant 3 : i32
        "tpu.region"() ({
          %run_scoped3A_318 = tpu.sem_alloc : memref<!tpu.dma_semaphore, #tpu.memory_space<semaphore_mem>>
          %dma_start3A_319 = arith.constant 0 : i32
          %dma_start3A_320 = tpu.memref_slice %arg10[%run_scoped3A_252, %dma_start3A_319] : memref<8x80xi32, #tpu.memory_space<vmem>> -> memref<1x80xi32, #tpu.memory_space<vmem>>
          %dma_start3A_321 = tpu.memref_squeeze %dma_start3A_320 : memref<1x80xi32, #tpu.memory_space<vmem>> -> memref<80xi32, #tpu.memory_space<vmem>>
          %dma_start3A_322 = arith.constant 0 : i32
          %dma_start3A_323 = arith.constant 0 : i32
          %dma_start3A_324 = tpu.memref_slice %arg13[%dma_start3A_322, %dma_start3A_323] : memref<10240x128xf32, #tpu.memory_space<vmem_shared>> -> memref<10240x128xf32, #tpu.memory_space<vmem_shared>>
          tpu.enqueue_indirect_dma source(%arg12 : memref<80x128xf32, #tpu.memory_space<vmem>>) target(%dma_start3A_324 : memref<10240x128xf32, #tpu.memory_space<vmem_shared>>) offsets(%dma_start3A_321 : memref<80xi32, #tpu.memory_space<vmem>>) semaphore(%run_scoped3A_318 : memref<!tpu.dma_semaphore, #tpu.memory_space<semaphore_mem>>) {add = true}
          %dma_wait3A_325 = arith.constant 0 : i32
          %dma_wait3A_326 = tpu.memref_slice %arg10[%run_scoped3A_252, %dma_wait3A_325] : memref<8x80xi32, #tpu.memory_space<vmem>> -> memref<1x80xi32, #tpu.memory_space<vmem>>
          %dma_wait3A_327 = tpu.memref_squeeze %dma_wait3A_326 : memref<1x80xi32, #tpu.memory_space<vmem>> -> memref<80xi32, #tpu.memory_space<vmem>>
          %dma_wait3A_328 = arith.constant 0 : i32
          %dma_wait3A_329 = arith.constant 0 : i32
          %dma_wait3A_330 = tpu.memref_slice %arg13[%dma_wait3A_328, %dma_wait3A_329] : memref<10240x128xf32, #tpu.memory_space<vmem_shared>> -> memref<10240x128xf32, #tpu.memory_space<vmem_shared>>
          tpu.wait_indirect_dma semaphore(%run_scoped3A_318 : memref<!tpu.dma_semaphore, #tpu.memory_space<semaphore_mem>>) src(%arg12 : memref<80x128xf32, #tpu.memory_space<vmem>>) dst(%dma_wait3A_330 : memref<10240x128xf32, #tpu.memory_space<vmem_shared>>)
          tpu.yield
        }) : () -> ()
        %dma_wait3A_253 = arith.constant 4 : i32
        %dma_wait3A_254 = arith.constant 0 : i32
        %dma_wait3A_255 = tpu.memref_slice %arg9[%dma_wait3A_253, %dma_wait3A_254] : memref<8x80xi32, #tpu.memory_space<vmem>> -> memref<1x80xi32, #tpu.memory_space<vmem>>
        %dma_wait3A_256 = tpu.memref_squeeze %dma_wait3A_255 : memref<1x80xi32, #tpu.memory_space<vmem>> -> memref<80xi32, #tpu.memory_space<vmem>>
        %dma_wait3A_257 = arith.constant 0 : i32
        %dma_wait3A_258 = arith.constant 0 : i32
        %dma_wait3A_259 = tpu.memref_slice %arg2[%dma_wait3A_257, %dma_wait3A_258] : memref<10240x128xf32, #tpu.memory_space<hbm>> -> memref<10240x128xf32, #tpu.memory_space<hbm>>
        tpu.wait_indirect_dma semaphore(%arg14 : memref<!tpu.dma_semaphore, #tpu.memory_space<semaphore_mem>>) src(%dma_wait3A_259 : memref<10240x128xf32, #tpu.memory_space<hbm>>) dst(%arg11 : memref<80x128xf32, #tpu.memory_space<vmem>>)
        %dma_start3A_260 = arith.constant 5 : i32
        %dma_start3A_261 = arith.constant 0 : i32
        %dma_start3A_262 = tpu.memref_slice %arg9[%dma_start3A_260, %dma_start3A_261] : memref<8x80xi32, #tpu.memory_space<vmem>> -> memref<1x80xi32, #tpu.memory_space<vmem>>
        %dma_start3A_263 = tpu.memref_squeeze %dma_start3A_262 : memref<1x80xi32, #tpu.memory_space<vmem>> -> memref<80xi32, #tpu.memory_space<vmem>>
        %dma_start3A_264 = arith.constant 0 : i32
        %dma_start3A_265 = arith.constant 0 : i32
        %dma_start3A_266 = tpu.memref_slice %arg2[%dma_start3A_264, %dma_start3A_265] : memref<10240x128xf32, #tpu.memory_space<hbm>> -> memref<10240x128xf32, #tpu.memory_space<hbm>>
        tpu.enqueue_indirect_dma source(%dma_start3A_266 : memref<10240x128xf32, #tpu.memory_space<hbm>>) target(%arg12 : memref<80x128xf32, #tpu.memory_space<vmem>>) offsets(%dma_start3A_263 : memref<80xi32, #tpu.memory_space<vmem>>) semaphore(%arg15 : memref<!tpu.dma_semaphore, #tpu.memory_space<semaphore_mem>>)
        %run_scoped3A_267 = arith.constant 4 : i32
        "tpu.region"() ({
          %run_scoped3A_318 = tpu.sem_alloc : memref<!tpu.dma_semaphore, #tpu.memory_space<semaphore_mem>>
          %dma_start3A_319 = arith.constant 0 : i32
          %dma_start3A_320 = tpu.memref_slice %arg10[%run_scoped3A_267, %dma_start3A_319] : memref<8x80xi32, #tpu.memory_space<vmem>> -> memref<1x80xi32, #tpu.memory_space<vmem>>
          %dma_start3A_321 = tpu.memref_squeeze %dma_start3A_320 : memref<1x80xi32, #tpu.memory_space<vmem>> -> memref<80xi32, #tpu.memory_space<vmem>>
          %dma_start3A_322 = arith.constant 0 : i32
          %dma_start3A_323 = arith.constant 0 : i32
          %dma_start3A_324 = tpu.memref_slice %arg13[%dma_start3A_322, %dma_start3A_323] : memref<10240x128xf32, #tpu.memory_space<vmem_shared>> -> memref<10240x128xf32, #tpu.memory_space<vmem_shared>>
          tpu.enqueue_indirect_dma source(%arg11 : memref<80x128xf32, #tpu.memory_space<vmem>>) target(%dma_start3A_324 : memref<10240x128xf32, #tpu.memory_space<vmem_shared>>) offsets(%dma_start3A_321 : memref<80xi32, #tpu.memory_space<vmem>>) semaphore(%run_scoped3A_318 : memref<!tpu.dma_semaphore, #tpu.memory_space<semaphore_mem>>) {add = true}
          %dma_wait3A_325 = arith.constant 0 : i32
          %dma_wait3A_326 = tpu.memref_slice %arg10[%run_scoped3A_267, %dma_wait3A_325] : memref<8x80xi32, #tpu.memory_space<vmem>> -> memref<1x80xi32, #tpu.memory_space<vmem>>
          %dma_wait3A_327 = tpu.memref_squeeze %dma_wait3A_326 : memref<1x80xi32, #tpu.memory_space<vmem>> -> memref<80xi32, #tpu.memory_space<vmem>>
          %dma_wait3A_328 = arith.constant 0 : i32
          %dma_wait3A_329 = arith.constant 0 : i32
          %dma_wait3A_330 = tpu.memref_slice %arg13[%dma_wait3A_328, %dma_wait3A_329] : memref<10240x128xf32, #tpu.memory_space<vmem_shared>> -> memref<10240x128xf32, #tpu.memory_space<vmem_shared>>
          tpu.wait_indirect_dma semaphore(%run_scoped3A_318 : memref<!tpu.dma_semaphore, #tpu.memory_space<semaphore_mem>>) src(%arg11 : memref<80x128xf32, #tpu.memory_space<vmem>>) dst(%dma_wait3A_330 : memref<10240x128xf32, #tpu.memory_space<vmem_shared>>)
          tpu.yield
        }) : () -> ()
        %dma_wait3A_268 = arith.constant 5 : i32
        %dma_wait3A_269 = arith.constant 0 : i32
        %dma_wait3A_270 = tpu.memref_slice %arg9[%dma_wait3A_268, %dma_wait3A_269] : memref<8x80xi32, #tpu.memory_space<vmem>> -> memref<1x80xi32, #tpu.memory_space<vmem>>
        %dma_wait3A_271 = tpu.memref_squeeze %dma_wait3A_270 : memref<1x80xi32, #tpu.memory_space<vmem>> -> memref<80xi32, #tpu.memory_space<vmem>>
        %dma_wait3A_272 = arith.constant 0 : i32
        %dma_wait3A_273 = arith.constant 0 : i32
        %dma_wait3A_274 = tpu.memref_slice %arg2[%dma_wait3A_272, %dma_wait3A_273] : memref<10240x128xf32, #tpu.memory_space<hbm>> -> memref<10240x128xf32, #tpu.memory_space<hbm>>
        tpu.wait_indirect_dma semaphore(%arg15 : memref<!tpu.dma_semaphore, #tpu.memory_space<semaphore_mem>>) src(%dma_wait3A_274 : memref<10240x128xf32, #tpu.memory_space<hbm>>) dst(%arg12 : memref<80x128xf32, #tpu.memory_space<vmem>>)
        %dma_start3A_275 = arith.constant 6 : i32
        %dma_start3A_276 = arith.constant 0 : i32
        %dma_start3A_277 = tpu.memref_slice %arg9[%dma_start3A_275, %dma_start3A_276] : memref<8x80xi32, #tpu.memory_space<vmem>> -> memref<1x80xi32, #tpu.memory_space<vmem>>
        %dma_start3A_278 = tpu.memref_squeeze %dma_start3A_277 : memref<1x80xi32, #tpu.memory_space<vmem>> -> memref<80xi32, #tpu.memory_space<vmem>>
        %dma_start3A_279 = arith.constant 0 : i32
        %dma_start3A_280 = arith.constant 0 : i32
        %dma_start3A_281 = tpu.memref_slice %arg2[%dma_start3A_279, %dma_start3A_280] : memref<10240x128xf32, #tpu.memory_space<hbm>> -> memref<10240x128xf32, #tpu.memory_space<hbm>>
        tpu.enqueue_indirect_dma source(%dma_start3A_281 : memref<10240x128xf32, #tpu.memory_space<hbm>>) target(%arg11 : memref<80x128xf32, #tpu.memory_space<vmem>>) offsets(%dma_start3A_278 : memref<80xi32, #tpu.memory_space<vmem>>) semaphore(%arg14 : memref<!tpu.dma_semaphore, #tpu.memory_space<semaphore_mem>>)
        %run_scoped3A_282 = arith.constant 5 : i32
        "tpu.region"() ({
          %run_scoped3A_318 = tpu.sem_alloc : memref<!tpu.dma_semaphore, #tpu.memory_space<semaphore_mem>>
          %dma_start3A_319 = arith.constant 0 : i32
          %dma_start3A_320 = tpu.memref_slice %arg10[%run_scoped3A_282, %dma_start3A_319] : memref<8x80xi32, #tpu.memory_space<vmem>> -> memref<1x80xi32, #tpu.memory_space<vmem>>
          %dma_start3A_321 = tpu.memref_squeeze %dma_start3A_320 : memref<1x80xi32, #tpu.memory_space<vmem>> -> memref<80xi32, #tpu.memory_space<vmem>>
          %dma_start3A_322 = arith.constant 0 : i32
          %dma_start3A_323 = arith.constant 0 : i32
          %dma_start3A_324 = tpu.memref_slice %arg13[%dma_start3A_322, %dma_start3A_323] : memref<10240x128xf32, #tpu.memory_space<vmem_shared>> -> memref<10240x128xf32, #tpu.memory_space<vmem_shared>>
          tpu.enqueue_indirect_dma source(%arg12 : memref<80x128xf32, #tpu.memory_space<vmem>>) target(%dma_start3A_324 : memref<10240x128xf32, #tpu.memory_space<vmem_shared>>) offsets(%dma_start3A_321 : memref<80xi32, #tpu.memory_space<vmem>>) semaphore(%run_scoped3A_318 : memref<!tpu.dma_semaphore, #tpu.memory_space<semaphore_mem>>) {add = true}
          %dma_wait3A_325 = arith.constant 0 : i32
          %dma_wait3A_326 = tpu.memref_slice %arg10[%run_scoped3A_282, %dma_wait3A_325] : memref<8x80xi32, #tpu.memory_space<vmem>> -> memref<1x80xi32, #tpu.memory_space<vmem>>
          %dma_wait3A_327 = tpu.memref_squeeze %dma_wait3A_326 : memref<1x80xi32, #tpu.memory_space<vmem>> -> memref<80xi32, #tpu.memory_space<vmem>>
          %dma_wait3A_328 = arith.constant 0 : i32
          %dma_wait3A_329 = arith.constant 0 : i32
          %dma_wait3A_330 = tpu.memref_slice %arg13[%dma_wait3A_328, %dma_wait3A_329] : memref<10240x128xf32, #tpu.memory_space<vmem_shared>> -> memref<10240x128xf32, #tpu.memory_space<vmem_shared>>
          tpu.wait_indirect_dma semaphore(%run_scoped3A_318 : memref<!tpu.dma_semaphore, #tpu.memory_space<semaphore_mem>>) src(%arg12 : memref<80x128xf32, #tpu.memory_space<vmem>>) dst(%dma_wait3A_330 : memref<10240x128xf32, #tpu.memory_space<vmem_shared>>)
          tpu.yield
        }) : () -> ()
        %dma_wait3A_283 = arith.constant 6 : i32
        %dma_wait3A_284 = arith.constant 0 : i32
        %dma_wait3A_285 = tpu.memref_slice %arg9[%dma_wait3A_283, %dma_wait3A_284] : memref<8x80xi32, #tpu.memory_space<vmem>> -> memref<1x80xi32, #tpu.memory_space<vmem>>
        %dma_wait3A_286 = tpu.memref_squeeze %dma_wait3A_285 : memref<1x80xi32, #tpu.memory_space<vmem>> -> memref<80xi32, #tpu.memory_space<vmem>>
        %dma_wait3A_287 = arith.constant 0 : i32
        %dma_wait3A_288 = arith.constant 0 : i32
        %dma_wait3A_289 = tpu.memref_slice %arg2[%dma_wait3A_287, %dma_wait3A_288] : memref<10240x128xf32, #tpu.memory_space<hbm>> -> memref<10240x128xf32, #tpu.memory_space<hbm>>
        tpu.wait_indirect_dma semaphore(%arg14 : memref<!tpu.dma_semaphore, #tpu.memory_space<semaphore_mem>>) src(%dma_wait3A_289 : memref<10240x128xf32, #tpu.memory_space<hbm>>) dst(%arg11 : memref<80x128xf32, #tpu.memory_space<vmem>>)
        %dma_start3A_290 = arith.constant 7 : i32
        %dma_start3A_291 = arith.constant 0 : i32
        %dma_start3A_292 = tpu.memref_slice %arg9[%dma_start3A_290, %dma_start3A_291] : memref<8x80xi32, #tpu.memory_space<vmem>> -> memref<1x80xi32, #tpu.memory_space<vmem>>
        %dma_start3A_293 = tpu.memref_squeeze %dma_start3A_292 : memref<1x80xi32, #tpu.memory_space<vmem>> -> memref<80xi32, #tpu.memory_space<vmem>>
        %dma_start3A_294 = arith.constant 0 : i32
        %dma_start3A_295 = arith.constant 0 : i32
        %dma_start3A_296 = tpu.memref_slice %arg2[%dma_start3A_294, %dma_start3A_295] : memref<10240x128xf32, #tpu.memory_space<hbm>> -> memref<10240x128xf32, #tpu.memory_space<hbm>>
        tpu.enqueue_indirect_dma source(%dma_start3A_296 : memref<10240x128xf32, #tpu.memory_space<hbm>>) target(%arg12 : memref<80x128xf32, #tpu.memory_space<vmem>>) offsets(%dma_start3A_293 : memref<80xi32, #tpu.memory_space<vmem>>) semaphore(%arg15 : memref<!tpu.dma_semaphore, #tpu.memory_space<semaphore_mem>>)
        %run_scoped3A_297 = arith.constant 6 : i32
        "tpu.region"() ({
          %run_scoped3A_318 = tpu.sem_alloc : memref<!tpu.dma_semaphore, #tpu.memory_space<semaphore_mem>>
          %dma_start3A_319 = arith.constant 0 : i32
          %dma_start3A_320 = tpu.memref_slice %arg10[%run_scoped3A_297, %dma_start3A_319] : memref<8x80xi32, #tpu.memory_space<vmem>> -> memref<1x80xi32, #tpu.memory_space<vmem>>
          %dma_start3A_321 = tpu.memref_squeeze %dma_start3A_320 : memref<1x80xi32, #tpu.memory_space<vmem>> -> memref<80xi32, #tpu.memory_space<vmem>>
          %dma_start3A_322 = arith.constant 0 : i32
          %dma_start3A_323 = arith.constant 0 : i32
          %dma_start3A_324 = tpu.memref_slice %arg13[%dma_start3A_322, %dma_start3A_323] : memref<10240x128xf32, #tpu.memory_space<vmem_shared>> -> memref<10240x128xf32, #tpu.memory_space<vmem_shared>>
          tpu.enqueue_indirect_dma source(%arg11 : memref<80x128xf32, #tpu.memory_space<vmem>>) target(%dma_start3A_324 : memref<10240x128xf32, #tpu.memory_space<vmem_shared>>) offsets(%dma_start3A_321 : memref<80xi32, #tpu.memory_space<vmem>>) semaphore(%run_scoped3A_318 : memref<!tpu.dma_semaphore, #tpu.memory_space<semaphore_mem>>) {add = true}
          %dma_wait3A_325 = arith.constant 0 : i32
          %dma_wait3A_326 = tpu.memref_slice %arg10[%run_scoped3A_297, %dma_wait3A_325] : memref<8x80xi32, #tpu.memory_space<vmem>> -> memref<1x80xi32, #tpu.memory_space<vmem>>
          %dma_wait3A_327 = tpu.memref_squeeze %dma_wait3A_326 : memref<1x80xi32, #tpu.memory_space<vmem>> -> memref<80xi32, #tpu.memory_space<vmem>>
          %dma_wait3A_328 = arith.constant 0 : i32
          %dma_wait3A_329 = arith.constant 0 : i32
          %dma_wait3A_330 = tpu.memref_slice %arg13[%dma_wait3A_328, %dma_wait3A_329] : memref<10240x128xf32, #tpu.memory_space<vmem_shared>> -> memref<10240x128xf32, #tpu.memory_space<vmem_shared>>
          tpu.wait_indirect_dma semaphore(%run_scoped3A_318 : memref<!tpu.dma_semaphore, #tpu.memory_space<semaphore_mem>>) src(%arg11 : memref<80x128xf32, #tpu.memory_space<vmem>>) dst(%dma_wait3A_330 : memref<10240x128xf32, #tpu.memory_space<vmem_shared>>)
          tpu.yield
        }) : () -> ()
        %dma_wait3A_298 = arith.constant 7 : i32
        %dma_wait3A_299 = arith.constant 0 : i32
        %dma_wait3A_300 = tpu.memref_slice %arg9[%dma_wait3A_298, %dma_wait3A_299] : memref<8x80xi32, #tpu.memory_space<vmem>> -> memref<1x80xi32, #tpu.memory_space<vmem>>
        %dma_wait3A_301 = tpu.memref_squeeze %dma_wait3A_300 : memref<1x80xi32, #tpu.memory_space<vmem>> -> memref<80xi32, #tpu.memory_space<vmem>>
        %dma_wait3A_302 = arith.constant 0 : i32
        %dma_wait3A_303 = arith.constant 0 : i32
        %dma_wait3A_304 = tpu.memref_slice %arg2[%dma_wait3A_302, %dma_wait3A_303] : memref<10240x128xf32, #tpu.memory_space<hbm>> -> memref<10240x128xf32, #tpu.memory_space<hbm>>
        tpu.wait_indirect_dma semaphore(%arg15 : memref<!tpu.dma_semaphore, #tpu.memory_space<semaphore_mem>>) src(%dma_wait3A_304 : memref<10240x128xf32, #tpu.memory_space<hbm>>) dst(%arg12 : memref<80x128xf32, #tpu.memory_space<vmem>>)
        %sub3A_305 = arith.constant 1 : i32
        %sub3A_306 = arith.subi %select_n3A, %sub3A_305 : i32
        %lt3A_307 = arith.cmpi slt, %while3A_47, %sub3A_306 : i32
        %convert_element_type3A_308 = arith.extui %lt3A_307 : i1 to i32
        %cond3A_309 = arith.constant 0 : i32
        %cond3A_310 = arith.cmpi ne, %convert_element_type3A_308, %cond3A_309 : i32
        scf.if %cond3A_310 {
          %add3A_318 = arith.constant 2 : i32
          %add3A_319 = arith.addi %add3A_50, %add3A_318 : i32
          %dma_wait3A_320 = arith.constant 0 : i32
          %dma_wait3A_321 = arith.constant 0 : i32
          %dma_wait3A_322 = tpu.memref_slice %arg3[%add3A_319, %dma_wait3A_320, %dma_wait3A_321] : memref<512x8x80xi32, #tpu.memory_space<hbm>> -> memref<1x8x80xi32, #tpu.memory_space<hbm>>
          %dma_wait3A_323 = tpu.memref_squeeze %dma_wait3A_322 : memref<1x8x80xi32, #tpu.memory_space<hbm>> -> memref<8x80xi32, #tpu.memory_space<hbm>>
          %dma_wait3A_324 = arith.constant 0 : i32
          %dma_wait3A_325 = arith.constant 0 : i32
          %dma_wait3A_326 = tpu.memref_slice %arg3[%add3A_319, %dma_wait3A_324, %dma_wait3A_325] : memref<512x8x80xi32, #tpu.memory_space<hbm>> -> memref<1x8x80xi32, #tpu.memory_space<hbm>>
          %dma_wait3A_327 = tpu.memref_squeeze %dma_wait3A_326 : memref<1x8x80xi32, #tpu.memory_space<hbm>> -> memref<8x80xi32, #tpu.memory_space<hbm>>
          tpu.wait_dma2 semaphore(%arg16 : memref<!tpu.dma_semaphore, #tpu.memory_space<semaphore_mem>>) src(%dma_wait3A_327 : memref<8x80xi32, #tpu.memory_space<hbm>>) dst(%arg7 : memref<8x80xi32, #tpu.memory_space<vmem>>)
          %add3A_328 = arith.constant 2 : i32
          %add3A_329 = arith.addi %add3A_50, %add3A_328 : i32
          %dma_wait3A_330 = arith.constant 0 : i32
          %dma_wait3A_331 = arith.constant 0 : i32
          %dma_wait3A_332 = tpu.memref_slice %arg4[%add3A_329, %dma_wait3A_330, %dma_wait3A_331] : memref<512x8x80xi32, #tpu.memory_space<hbm>> -> memref<1x8x80xi32, #tpu.memory_space<hbm>>
          %dma_wait3A_333 = tpu.memref_squeeze %dma_wait3A_332 : memref<1x8x80xi32, #tpu.memory_space<hbm>> -> memref<8x80xi32, #tpu.memory_space<hbm>>
          %dma_wait3A_334 = arith.constant 0 : i32
          %dma_wait3A_335 = arith.constant 0 : i32
          %dma_wait3A_336 = tpu.memref_slice %arg4[%add3A_329, %dma_wait3A_334, %dma_wait3A_335] : memref<512x8x80xi32, #tpu.memory_space<hbm>> -> memref<1x8x80xi32, #tpu.memory_space<hbm>>
          %dma_wait3A_337 = tpu.memref_squeeze %dma_wait3A_336 : memref<1x8x80xi32, #tpu.memory_space<hbm>> -> memref<8x80xi32, #tpu.memory_space<hbm>>
          tpu.wait_dma2 semaphore(%arg17 : memref<!tpu.dma_semaphore, #tpu.memory_space<semaphore_mem>>) src(%dma_wait3A_337 : memref<8x80xi32, #tpu.memory_space<hbm>>) dst(%arg8 : memref<8x80xi32, #tpu.memory_space<vmem>>)
          %dma_start3A_338 = arith.constant 0 : i32
          %dma_start3A_339 = arith.constant 0 : i32
          %dma_start3A_340 = tpu.memref_slice %arg7[%dma_start3A_338, %dma_start3A_339] : memref<8x80xi32, #tpu.memory_space<vmem>> -> memref<1x80xi32, #tpu.memory_space<vmem>>
          %dma_start3A_341 = tpu.memref_squeeze %dma_start3A_340 : memref<1x80xi32, #tpu.memory_space<vmem>> -> memref<80xi32, #tpu.memory_space<vmem>>
          %dma_start3A_342 = arith.constant 0 : i32
          %dma_start3A_343 = arith.constant 0 : i32
          %dma_start3A_344 = tpu.memref_slice %arg2[%dma_start3A_342, %dma_start3A_343] : memref<10240x128xf32, #tpu.memory_space<hbm>> -> memref<10240x128xf32, #tpu.memory_space<hbm>>
          tpu.enqueue_indirect_dma source(%dma_start3A_344 : memref<10240x128xf32, #tpu.memory_space<hbm>>) target(%arg11 : memref<80x128xf32, #tpu.memory_space<vmem>>) offsets(%dma_start3A_341 : memref<80xi32, #tpu.memory_space<vmem>>) semaphore(%arg14 : memref<!tpu.dma_semaphore, #tpu.memory_space<semaphore_mem>>)
        } else {
        }
        %run_scoped3A_311 = arith.constant 7 : i32
        "tpu.region"() ({
          %run_scoped3A_318 = tpu.sem_alloc : memref<!tpu.dma_semaphore, #tpu.memory_space<semaphore_mem>>
          %dma_start3A_319 = arith.constant 0 : i32
          %dma_start3A_320 = tpu.memref_slice %arg10[%run_scoped3A_311, %dma_start3A_319] : memref<8x80xi32, #tpu.memory_space<vmem>> -> memref<1x80xi32, #tpu.memory_space<vmem>>
          %dma_start3A_321 = tpu.memref_squeeze %dma_start3A_320 : memref<1x80xi32, #tpu.memory_space<vmem>> -> memref<80xi32, #tpu.memory_space<vmem>>
          %dma_start3A_322 = arith.constant 0 : i32
          %dma_start3A_323 = arith.constant 0 : i32
          %dma_start3A_324 = tpu.memref_slice %arg13[%dma_start3A_322, %dma_start3A_323] : memref<10240x128xf32, #tpu.memory_space<vmem_shared>> -> memref<10240x128xf32, #tpu.memory_space<vmem_shared>>
          tpu.enqueue_indirect_dma source(%arg12 : memref<80x128xf32, #tpu.memory_space<vmem>>) target(%dma_start3A_324 : memref<10240x128xf32, #tpu.memory_space<vmem_shared>>) offsets(%dma_start3A_321 : memref<80xi32, #tpu.memory_space<vmem>>) semaphore(%run_scoped3A_318 : memref<!tpu.dma_semaphore, #tpu.memory_space<semaphore_mem>>) {add = true}
          %dma_wait3A_325 = arith.constant 0 : i32
          %dma_wait3A_326 = tpu.memref_slice %arg10[%run_scoped3A_311, %dma_wait3A_325] : memref<8x80xi32, #tpu.memory_space<vmem>> -> memref<1x80xi32, #tpu.memory_space<vmem>>
          %dma_wait3A_327 = tpu.memref_squeeze %dma_wait3A_326 : memref<1x80xi32, #tpu.memory_space<vmem>> -> memref<80xi32, #tpu.memory_space<vmem>>
          %dma_wait3A_328 = arith.constant 0 : i32
          %dma_wait3A_329 = arith.constant 0 : i32
          %dma_wait3A_330 = tpu.memref_slice %arg13[%dma_wait3A_328, %dma_wait3A_329] : memref<10240x128xf32, #tpu.memory_space<vmem_shared>> -> memref<10240x128xf32, #tpu.memory_space<vmem_shared>>
          tpu.wait_indirect_dma semaphore(%run_scoped3A_318 : memref<!tpu.dma_semaphore, #tpu.memory_space<semaphore_mem>>) src(%arg12 : memref<80x128xf32, #tpu.memory_space<vmem>>) dst(%dma_wait3A_330 : memref<10240x128xf32, #tpu.memory_space<vmem_shared>>)
          tpu.yield
        }) : () -> ()
        %sub3A_312 = arith.constant 1 : i32
        %sub3A_313 = arith.subi %select_n3A, %sub3A_312 : i32
        %lt3A_314 = arith.cmpi slt, %while3A_47, %sub3A_313 : i32
        %convert_element_type3A_315 = arith.extui %lt3A_314 : i1 to i32
        %cond3A_316 = arith.constant 0 : i32
        %cond3A_317 = arith.cmpi ne, %convert_element_type3A_315, %cond3A_316 : i32
        scf.if %cond3A_317 {
          %add3A_318 = arith.constant 3 : i32
          %add3A_319 = arith.addi %add3A_50, %add3A_318 : i32
          %dma_start3A_320 = arith.constant 0 : i32
          %dma_start3A_321 = arith.constant 0 : i32
          %dma_start3A_322 = tpu.memref_slice %arg3[%add3A_319, %dma_start3A_320, %dma_start3A_321] : memref<512x8x80xi32, #tpu.memory_space<hbm>> -> memref<1x8x80xi32, #tpu.memory_space<hbm>>
          %dma_start3A_323 = tpu.memref_squeeze %dma_start3A_322 : memref<1x8x80xi32, #tpu.memory_space<hbm>> -> memref<8x80xi32, #tpu.memory_space<hbm>>
          %dma_start3A_324 = arith.constant 0 : i32
          %dma_start3A_325 = arith.constant 0 : i32
          %dma_start3A_326 = tpu.memref_slice %arg3[%add3A_319, %dma_start3A_324, %dma_start3A_325] : memref<512x8x80xi32, #tpu.memory_space<hbm>> -> memref<1x8x80xi32, #tpu.memory_space<hbm>>
          %dma_start3A_327 = tpu.memref_squeeze %dma_start3A_326 : memref<1x8x80xi32, #tpu.memory_space<hbm>> -> memref<8x80xi32, #tpu.memory_space<hbm>>
          tpu.enqueue_dma source(%dma_start3A_327 : memref<8x80xi32, #tpu.memory_space<hbm>>) target(%arg9 : memref<8x80xi32, #tpu.memory_space<vmem>>) target_semaphore(%arg16 : memref<!tpu.dma_semaphore, #tpu.memory_space<semaphore_mem>>)
          %add3A_328 = arith.constant 3 : i32
          %add3A_329 = arith.addi %add3A_50, %add3A_328 : i32
          %dma_start3A_330 = arith.constant 0 : i32
          %dma_start3A_331 = arith.constant 0 : i32
          %dma_start3A_332 = tpu.memref_slice %arg4[%add3A_329, %dma_start3A_330, %dma_start3A_331] : memref<512x8x80xi32, #tpu.memory_space<hbm>> -> memref<1x8x80xi32, #tpu.memory_space<hbm>>
          %dma_start3A_333 = tpu.memref_squeeze %dma_start3A_332 : memref<1x8x80xi32, #tpu.memory_space<hbm>> -> memref<8x80xi32, #tpu.memory_space<hbm>>
          %dma_start3A_334 = arith.constant 0 : i32
          %dma_start3A_335 = arith.constant 0 : i32
          %dma_start3A_336 = tpu.memref_slice %arg4[%add3A_329, %dma_start3A_334, %dma_start3A_335] : memref<512x8x80xi32, #tpu.memory_space<hbm>> -> memref<1x8x80xi32, #tpu.memory_space<hbm>>
          %dma_start3A_337 = tpu.memref_squeeze %dma_start3A_336 : memref<1x8x80xi32, #tpu.memory_space<hbm>> -> memref<8x80xi32, #tpu.memory_space<hbm>>
          tpu.enqueue_dma source(%dma_start3A_337 : memref<8x80xi32, #tpu.memory_space<hbm>>) target(%arg10 : memref<8x80xi32, #tpu.memory_space<vmem>>) target_semaphore(%arg17 : memref<!tpu.dma_semaphore, #tpu.memory_space<semaphore_mem>>)
        } else {
        }
      }
      %while3A_41 = arith.constant 1 : i32
      scf.for %while3A_47 = %while3A_39 to %while3A_35 step %while3A_41  : i32 {
        %mul3A_48 = arith.constant 2 : i32
        %mul3A_49 = arith.muli %mul3A_48, %while3A_47 : i32
        %add3A_50 = arith.addi %mul3A_5, %mul3A_49 : i32
        %dma_wait3A = arith.constant 0 : i32
        %dma_wait3A_51 = arith.constant 0 : i32
        %dma_wait3A_52 = tpu.memref_slice %arg7[%dma_wait3A, %dma_wait3A_51] : memref<8x80xi32, #tpu.memory_space<vmem>> -> memref<1x80xi32, #tpu.memory_space<vmem>>
        %dma_wait3A_53 = tpu.memref_squeeze %dma_wait3A_52 : memref<1x80xi32, #tpu.memory_space<vmem>> -> memref<80xi32, #tpu.memory_space<vmem>>
        %dma_wait3A_54 = arith.constant 0 : i32
        %dma_wait3A_55 = arith.constant 0 : i32
        %dma_wait3A_56 = tpu.memref_slice %arg2[%dma_wait3A_54, %dma_wait3A_55] : memref<10240x128xf32, #tpu.memory_space<hbm>> -> memref<10240x128xf32, #tpu.memory_space<hbm>>
        tpu.wait_indirect_dma semaphore(%arg14 : memref<!tpu.dma_semaphore, #tpu.memory_space<semaphore_mem>>) src(%dma_wait3A_56 : memref<10240x128xf32, #tpu.memory_space<hbm>>) dst(%arg11 : memref<80x128xf32, #tpu.memory_space<vmem>>)
        %dma_start3A_57 = arith.constant 1 : i32
        %dma_start3A_58 = arith.constant 0 : i32
        %dma_start3A_59 = tpu.memref_slice %arg7[%dma_start3A_57, %dma_start3A_58] : memref<8x80xi32, #tpu.memory_space<vmem>> -> memref<1x80xi32, #tpu.memory_space<vmem>>
        %dma_start3A_60 = tpu.memref_squeeze %dma_start3A_59 : memref<1x80xi32, #tpu.memory_space<vmem>> -> memref<80xi32, #tpu.memory_space<vmem>>
        %dma_start3A_61 = arith.constant 0 : i32
        %dma_start3A_62 = arith.constant 0 : i32
        %dma_start3A_63 = tpu.memref_slice %arg2[%dma_start3A_61, %dma_start3A_62] : memref<10240x128xf32, #tpu.memory_space<hbm>> -> memref<10240x128xf32, #tpu.memory_space<hbm>>
        tpu.enqueue_indirect_dma source(%dma_start3A_63 : memref<10240x128xf32, #tpu.memory_space<hbm>>) target(%arg12 : memref<80x128xf32, #tpu.memory_space<vmem>>) offsets(%dma_start3A_60 : memref<80xi32, #tpu.memory_space<vmem>>) semaphore(%arg15 : memref<!tpu.dma_semaphore, #tpu.memory_space<semaphore_mem>>)
        %run_scoped3A = arith.constant 0 : i32
        "tpu.region"() ({
          %run_scoped3A_318 = tpu.sem_alloc : memref<!tpu.dma_semaphore, #tpu.memory_space<semaphore_mem>>
          %dma_start3A_319 = arith.constant 0 : i32
          %dma_start3A_320 = tpu.memref_slice %arg8[%run_scoped3A, %dma_start3A_319] : memref<8x80xi32, #tpu.memory_space<vmem>> -> memref<1x80xi32, #tpu.memory_space<vmem>>
          %dma_start3A_321 = tpu.memref_squeeze %dma_start3A_320 : memref<1x80xi32, #tpu.memory_space<vmem>> -> memref<80xi32, #tpu.memory_space<vmem>>
          %dma_start3A_322 = arith.constant 0 : i32
          %dma_start3A_323 = arith.constant 0 : i32
          %dma_start3A_324 = tpu.memref_slice %arg13[%dma_start3A_322, %dma_start3A_323] : memref<10240x128xf32, #tpu.memory_space<vmem_shared>> -> memref<10240x128xf32, #tpu.memory_space<vmem_shared>>
          tpu.enqueue_indirect_dma source(%arg11 : memref<80x128xf32, #tpu.memory_space<vmem>>) target(%dma_start3A_324 : memref<10240x128xf32, #tpu.memory_space<vmem_shared>>) offsets(%dma_start3A_321 : memref<80xi32, #tpu.memory_space<vmem>>) semaphore(%run_scoped3A_318 : memref<!tpu.dma_semaphore, #tpu.memory_space<semaphore_mem>>) {add = true}
          %dma_wait3A_325 = arith.constant 0 : i32
          %dma_wait3A_326 = tpu.memref_slice %arg8[%run_scoped3A, %dma_wait3A_325] : memref<8x80xi32, #tpu.memory_space<vmem>> -> memref<1x80xi32, #tpu.memory_space<vmem>>
          %dma_wait3A_327 = tpu.memref_squeeze %dma_wait3A_326 : memref<1x80xi32, #tpu.memory_space<vmem>> -> memref<80xi32, #tpu.memory_space<vmem>>
          %dma_wait3A_328 = arith.constant 0 : i32
          %dma_wait3A_329 = arith.constant 0 : i32
          %dma_wait3A_330 = tpu.memref_slice %arg13[%dma_wait3A_328, %dma_wait3A_329] : memref<10240x128xf32, #tpu.memory_space<vmem_shared>> -> memref<10240x128xf32, #tpu.memory_space<vmem_shared>>
          tpu.wait_indirect_dma semaphore(%run_scoped3A_318 : memref<!tpu.dma_semaphore, #tpu.memory_space<semaphore_mem>>) src(%arg11 : memref<80x128xf32, #tpu.memory_space<vmem>>) dst(%dma_wait3A_330 : memref<10240x128xf32, #tpu.memory_space<vmem_shared>>)
          tpu.yield
        }) : () -> ()
        %dma_wait3A_64 = arith.constant 1 : i32
        %dma_wait3A_65 = arith.constant 0 : i32
        %dma_wait3A_66 = tpu.memref_slice %arg7[%dma_wait3A_64, %dma_wait3A_65] : memref<8x80xi32, #tpu.memory_space<vmem>> -> memref<1x80xi32, #tpu.memory_space<vmem>>
        %dma_wait3A_67 = tpu.memref_squeeze %dma_wait3A_66 : memref<1x80xi32, #tpu.memory_space<vmem>> -> memref<80xi32, #tpu.memory_space<vmem>>
        %dma_wait3A_68 = arith.constant 0 : i32
        %dma_wait3A_69 = arith.constant 0 : i32
        %dma_wait3A_70 = tpu.memref_slice %arg2[%dma_wait3A_68, %dma_wait3A_69] : memref<10240x128xf32, #tpu.memory_space<hbm>> -> memref<10240x128xf32, #tpu.memory_space<hbm>>
        tpu.wait_indirect_dma semaphore(%arg15 : memref<!tpu.dma_semaphore, #tpu.memory_space<semaphore_mem>>) src(%dma_wait3A_70 : memref<10240x128xf32, #tpu.memory_space<hbm>>) dst(%arg12 : memref<80x128xf32, #tpu.memory_space<vmem>>)
        %dma_start3A_71 = arith.constant 2 : i32
        %dma_start3A_72 = arith.constant 0 : i32
        %dma_start3A_73 = tpu.memref_slice %arg7[%dma_start3A_71, %dma_start3A_72] : memref<8x80xi32, #tpu.memory_space<vmem>> -> memref<1x80xi32, #tpu.memory_space<vmem>>
        %dma_start3A_74 = tpu.memref_squeeze %dma_start3A_73 : memref<1x80xi32, #tpu.memory_space<vmem>> -> memref<80xi32, #tpu.memory_space<vmem>>
        %dma_start3A_75 = arith.constant 0 : i32
        %dma_start3A_76 = arith.constant 0 : i32
        %dma_start3A_77 = tpu.memref_slice %arg2[%dma_start3A_75, %dma_start3A_76] : memref<10240x128xf32, #tpu.memory_space<hbm>> -> memref<10240x128xf32, #tpu.memory_space<hbm>>
        tpu.enqueue_indirect_dma source(%dma_start3A_77 : memref<10240x128xf32, #tpu.memory_space<hbm>>) target(%arg11 : memref<80x128xf32, #tpu.memory_space<vmem>>) offsets(%dma_start3A_74 : memref<80xi32, #tpu.memory_space<vmem>>) semaphore(%arg14 : memref<!tpu.dma_semaphore, #tpu.memory_space<semaphore_mem>>)
        %run_scoped3A_78 = arith.constant 1 : i32
        "tpu.region"() ({
          %run_scoped3A_318 = tpu.sem_alloc : memref<!tpu.dma_semaphore, #tpu.memory_space<semaphore_mem>>
          %dma_start3A_319 = arith.constant 0 : i32
          %dma_start3A_320 = tpu.memref_slice %arg8[%run_scoped3A_78, %dma_start3A_319] : memref<8x80xi32, #tpu.memory_space<vmem>> -> memref<1x80xi32, #tpu.memory_space<vmem>>
          %dma_start3A_321 = tpu.memref_squeeze %dma_start3A_320 : memref<1x80xi32, #tpu.memory_space<vmem>> -> memref<80xi32, #tpu.memory_space<vmem>>
          %dma_start3A_322 = arith.constant 0 : i32
          %dma_start3A_323 = arith.constant 0 : i32
          %dma_start3A_324 = tpu.memref_slice %arg13[%dma_start3A_322, %dma_start3A_323] : memref<10240x128xf32, #tpu.memory_space<vmem_shared>> -> memref<10240x128xf32, #tpu.memory_space<vmem_shared>>
          tpu.enqueue_indirect_dma source(%arg12 : memref<80x128xf32, #tpu.memory_space<vmem>>) target(%dma_start3A_324 : memref<10240x128xf32, #tpu.memory_space<vmem_shared>>) offsets(%dma_start3A_321 : memref<80xi32, #tpu.memory_space<vmem>>) semaphore(%run_scoped3A_318 : memref<!tpu.dma_semaphore, #tpu.memory_space<semaphore_mem>>) {add = true}
          %dma_wait3A_325 = arith.constant 0 : i32
          %dma_wait3A_326 = tpu.memref_slice %arg8[%run_scoped3A_78, %dma_wait3A_325] : memref<8x80xi32, #tpu.memory_space<vmem>> -> memref<1x80xi32, #tpu.memory_space<vmem>>
          %dma_wait3A_327 = tpu.memref_squeeze %dma_wait3A_326 : memref<1x80xi32, #tpu.memory_space<vmem>> -> memref<80xi32, #tpu.memory_space<vmem>>
          %dma_wait3A_328 = arith.constant 0 : i32
          %dma_wait3A_329 = arith.constant 0 : i32
          %dma_wait3A_330 = tpu.memref_slice %arg13[%dma_wait3A_328, %dma_wait3A_329] : memref<10240x128xf32, #tpu.memory_space<vmem_shared>> -> memref<10240x128xf32, #tpu.memory_space<vmem_shared>>
          tpu.wait_indirect_dma semaphore(%run_scoped3A_318 : memref<!tpu.dma_semaphore, #tpu.memory_space<semaphore_mem>>) src(%arg12 : memref<80x128xf32, #tpu.memory_space<vmem>>) dst(%dma_wait3A_330 : memref<10240x128xf32, #tpu.memory_space<vmem_shared>>)
          tpu.yield
        }) : () -> ()
        %dma_wait3A_79 = arith.constant 2 : i32
        %dma_wait3A_80 = arith.constant 0 : i32
        %dma_wait3A_81 = tpu.memref_slice %arg7[%dma_wait3A_79, %dma_wait3A_80] : memref<8x80xi32, #tpu.memory_space<vmem>> -> memref<1x80xi32, #tpu.memory_space<vmem>>
        %dma_wait3A_82 = tpu.memref_squeeze %dma_wait3A_81 : memref<1x80xi32, #tpu.memory_space<vmem>> -> memref<80xi32, #tpu.memory_space<vmem>>
        %dma_wait3A_83 = arith.constant 0 : i32
        %dma_wait3A_84 = arith.constant 0 : i32
        %dma_wait3A_85 = tpu.memref_slice %arg2[%dma_wait3A_83, %dma_wait3A_84] : memref<10240x128xf32, #tpu.memory_space<hbm>> -> memref<10240x128xf32, #tpu.memory_space<hbm>>
        tpu.wait_indirect_dma semaphore(%arg14 : memref<!tpu.dma_semaphore, #tpu.memory_space<semaphore_mem>>) src(%dma_wait3A_85 : memref<10240x128xf32, #tpu.memory_space<hbm>>) dst(%arg11 : memref<80x128xf32, #tpu.memory_space<vmem>>)
        %dma_start3A_86 = arith.constant 3 : i32
        %dma_start3A_87 = arith.constant 0 : i32
        %dma_start3A_88 = tpu.memref_slice %arg7[%dma_start3A_86, %dma_start3A_87] : memref<8x80xi32, #tpu.memory_space<vmem>> -> memref<1x80xi32, #tpu.memory_space<vmem>>
        %dma_start3A_89 = tpu.memref_squeeze %dma_start3A_88 : memref<1x80xi32, #tpu.memory_space<vmem>> -> memref<80xi32, #tpu.memory_space<vmem>>
        %dma_start3A_90 = arith.constant 0 : i32
        %dma_start3A_91 = arith.constant 0 : i32
        %dma_start3A_92 = tpu.memref_slice %arg2[%dma_start3A_90, %dma_start3A_91] : memref<10240x128xf32, #tpu.memory_space<hbm>> -> memref<10240x128xf32, #tpu.memory_space<hbm>>
        tpu.enqueue_indirect_dma source(%dma_start3A_92 : memref<10240x128xf32, #tpu.memory_space<hbm>>) target(%arg12 : memref<80x128xf32, #tpu.memory_space<vmem>>) offsets(%dma_start3A_89 : memref<80xi32, #tpu.memory_space<vmem>>) semaphore(%arg15 : memref<!tpu.dma_semaphore, #tpu.memory_space<semaphore_mem>>)
        %run_scoped3A_93 = arith.constant 2 : i32
        "tpu.region"() ({
          %run_scoped3A_318 = tpu.sem_alloc : memref<!tpu.dma_semaphore, #tpu.memory_space<semaphore_mem>>
          %dma_start3A_319 = arith.constant 0 : i32
          %dma_start3A_320 = tpu.memref_slice %arg8[%run_scoped3A_93, %dma_start3A_319] : memref<8x80xi32, #tpu.memory_space<vmem>> -> memref<1x80xi32, #tpu.memory_space<vmem>>
          %dma_start3A_321 = tpu.memref_squeeze %dma_start3A_320 : memref<1x80xi32, #tpu.memory_space<vmem>> -> memref<80xi32, #tpu.memory_space<vmem>>
          %dma_start3A_322 = arith.constant 0 : i32
          %dma_start3A_323 = arith.constant 0 : i32
          %dma_start3A_324 = tpu.memref_slice %arg13[%dma_start3A_322, %dma_start3A_323] : memref<10240x128xf32, #tpu.memory_space<vmem_shared>> -> memref<10240x128xf32, #tpu.memory_space<vmem_shared>>
          tpu.enqueue_indirect_dma source(%arg11 : memref<80x128xf32, #tpu.memory_space<vmem>>) target(%dma_start3A_324 : memref<10240x128xf32, #tpu.memory_space<vmem_shared>>) offsets(%dma_start3A_321 : memref<80xi32, #tpu.memory_space<vmem>>) semaphore(%run_scoped3A_318 : memref<!tpu.dma_semaphore, #tpu.memory_space<semaphore_mem>>) {add = true}
          %dma_wait3A_325 = arith.constant 0 : i32
          %dma_wait3A_326 = tpu.memref_slice %arg8[%run_scoped3A_93, %dma_wait3A_325] : memref<8x80xi32, #tpu.memory_space<vmem>> -> memref<1x80xi32, #tpu.memory_space<vmem>>
          %dma_wait3A_327 = tpu.memref_squeeze %dma_wait3A_326 : memref<1x80xi32, #tpu.memory_space<vmem>> -> memref<80xi32, #tpu.memory_space<vmem>>
          %dma_wait3A_328 = arith.constant 0 : i32
          %dma_wait3A_329 = arith.constant 0 : i32
          %dma_wait3A_330 = tpu.memref_slice %arg13[%dma_wait3A_328, %dma_wait3A_329] : memref<10240x128xf32, #tpu.memory_space<vmem_shared>> -> memref<10240x128xf32, #tpu.memory_space<vmem_shared>>
          tpu.wait_indirect_dma semaphore(%run_scoped3A_318 : memref<!tpu.dma_semaphore, #tpu.memory_space<semaphore_mem>>) src(%arg11 : memref<80x128xf32, #tpu.memory_space<vmem>>) dst(%dma_wait3A_330 : memref<10240x128xf32, #tpu.memory_space<vmem_shared>>)
          tpu.yield
        }) : () -> ()
        %dma_wait3A_94 = arith.constant 3 : i32
        %dma_wait3A_95 = arith.constant 0 : i32
        %dma_wait3A_96 = tpu.memref_slice %arg7[%dma_wait3A_94, %dma_wait3A_95] : memref<8x80xi32, #tpu.memory_space<vmem>> -> memref<1x80xi32, #tpu.memory_space<vmem>>
        %dma_wait3A_97 = tpu.memref_squeeze %dma_wait3A_96 : memref<1x80xi32, #tpu.memory_space<vmem>> -> memref<80xi32, #tpu.memory_space<vmem>>
        %dma_wait3A_98 = arith.constant 0 : i32
        %dma_wait3A_99 = arith.constant 0 : i32
        %dma_wait3A_100 = tpu.memref_slice %arg2[%dma_wait3A_98, %dma_wait3A_99] : memref<10240x128xf32, #tpu.memory_space<hbm>> -> memref<10240x128xf32, #tpu.memory_space<hbm>>
        tpu.wait_indirect_dma semaphore(%arg15 : memref<!tpu.dma_semaphore, #tpu.memory_space<semaphore_mem>>) src(%dma_wait3A_100 : memref<10240x128xf32, #tpu.memory_space<hbm>>) dst(%arg12 : memref<80x128xf32, #tpu.memory_space<vmem>>)
        %dma_start3A_101 = arith.constant 4 : i32
        %dma_start3A_102 = arith.constant 0 : i32
        %dma_start3A_103 = tpu.memref_slice %arg7[%dma_start3A_101, %dma_start3A_102] : memref<8x80xi32, #tpu.memory_space<vmem>> -> memref<1x80xi32, #tpu.memory_space<vmem>>
        %dma_start3A_104 = tpu.memref_squeeze %dma_start3A_103 : memref<1x80xi32, #tpu.memory_space<vmem>> -> memref<80xi32, #tpu.memory_space<vmem>>
        %dma_start3A_105 = arith.constant 0 : i32
        %dma_start3A_106 = arith.constant 0 : i32
        %dma_start3A_107 = tpu.memref_slice %arg2[%dma_start3A_105, %dma_start3A_106] : memref<10240x128xf32, #tpu.memory_space<hbm>> -> memref<10240x128xf32, #tpu.memory_space<hbm>>
        tpu.enqueue_indirect_dma source(%dma_start3A_107 : memref<10240x128xf32, #tpu.memory_space<hbm>>) target(%arg11 : memref<80x128xf32, #tpu.memory_space<vmem>>) offsets(%dma_start3A_104 : memref<80xi32, #tpu.memory_space<vmem>>) semaphore(%arg14 : memref<!tpu.dma_semaphore, #tpu.memory_space<semaphore_mem>>)
        %run_scoped3A_108 = arith.constant 3 : i32
        "tpu.region"() ({
          %run_scoped3A_318 = tpu.sem_alloc : memref<!tpu.dma_semaphore, #tpu.memory_space<semaphore_mem>>
          %dma_start3A_319 = arith.constant 0 : i32
          %dma_start3A_320 = tpu.memref_slice %arg8[%run_scoped3A_108, %dma_start3A_319] : memref<8x80xi32, #tpu.memory_space<vmem>> -> memref<1x80xi32, #tpu.memory_space<vmem>>
          %dma_start3A_321 = tpu.memref_squeeze %dma_start3A_320 : memref<1x80xi32, #tpu.memory_space<vmem>> -> memref<80xi32, #tpu.memory_space<vmem>>
          %dma_start3A_322 = arith.constant 0 : i32
          %dma_start3A_323 = arith.constant 0 : i32
          %dma_start3A_324 = tpu.memref_slice %arg13[%dma_start3A_322, %dma_start3A_323] : memref<10240x128xf32, #tpu.memory_space<vmem_shared>> -> memref<10240x128xf32, #tpu.memory_space<vmem_shared>>
          tpu.enqueue_indirect_dma source(%arg12 : memref<80x128xf32, #tpu.memory_space<vmem>>) target(%dma_start3A_324 : memref<10240x128xf32, #tpu.memory_space<vmem_shared>>) offsets(%dma_start3A_321 : memref<80xi32, #tpu.memory_space<vmem>>) semaphore(%run_scoped3A_318 : memref<!tpu.dma_semaphore, #tpu.memory_space<semaphore_mem>>) {add = true}
          %dma_wait3A_325 = arith.constant 0 : i32
          %dma_wait3A_326 = tpu.memref_slice %arg8[%run_scoped3A_108, %dma_wait3A_325] : memref<8x80xi32, #tpu.memory_space<vmem>> -> memref<1x80xi32, #tpu.memory_space<vmem>>
          %dma_wait3A_327 = tpu.memref_squeeze %dma_wait3A_326 : memref<1x80xi32, #tpu.memory_space<vmem>> -> memref<80xi32, #tpu.memory_space<vmem>>
          %dma_wait3A_328 = arith.constant 0 : i32
          %dma_wait3A_329 = arith.constant 0 : i32
          %dma_wait3A_330 = tpu.memref_slice %arg13[%dma_wait3A_328, %dma_wait3A_329] : memref<10240x128xf32, #tpu.memory_space<vmem_shared>> -> memref<10240x128xf32, #tpu.memory_space<vmem_shared>>
          tpu.wait_indirect_dma semaphore(%run_scoped3A_318 : memref<!tpu.dma_semaphore, #tpu.memory_space<semaphore_mem>>) src(%arg12 : memref<80x128xf32, #tpu.memory_space<vmem>>) dst(%dma_wait3A_330 : memref<10240x128xf32, #tpu.memory_space<vmem_shared>>)
          tpu.yield
        }) : () -> ()
        %dma_wait3A_109 = arith.constant 4 : i32
        %dma_wait3A_110 = arith.constant 0 : i32
        %dma_wait3A_111 = tpu.memref_slice %arg7[%dma_wait3A_109, %dma_wait3A_110] : memref<8x80xi32, #tpu.memory_space<vmem>> -> memref<1x80xi32, #tpu.memory_space<vmem>>
        %dma_wait3A_112 = tpu.memref_squeeze %dma_wait3A_111 : memref<1x80xi32, #tpu.memory_space<vmem>> -> memref<80xi32, #tpu.memory_space<vmem>>
        %dma_wait3A_113 = arith.constant 0 : i32
        %dma_wait3A_114 = arith.constant 0 : i32
        %dma_wait3A_115 = tpu.memref_slice %arg2[%dma_wait3A_113, %dma_wait3A_114] : memref<10240x128xf32, #tpu.memory_space<hbm>> -> memref<10240x128xf32, #tpu.memory_space<hbm>>
        tpu.wait_indirect_dma semaphore(%arg14 : memref<!tpu.dma_semaphore, #tpu.memory_space<semaphore_mem>>) src(%dma_wait3A_115 : memref<10240x128xf32, #tpu.memory_space<hbm>>) dst(%arg11 : memref<80x128xf32, #tpu.memory_space<vmem>>)
        %dma_start3A_116 = arith.constant 5 : i32
        %dma_start3A_117 = arith.constant 0 : i32
        %dma_start3A_118 = tpu.memref_slice %arg7[%dma_start3A_116, %dma_start3A_117] : memref<8x80xi32, #tpu.memory_space<vmem>> -> memref<1x80xi32, #tpu.memory_space<vmem>>
        %dma_start3A_119 = tpu.memref_squeeze %dma_start3A_118 : memref<1x80xi32, #tpu.memory_space<vmem>> -> memref<80xi32, #tpu.memory_space<vmem>>
        %dma_start3A_120 = arith.constant 0 : i32
        %dma_start3A_121 = arith.constant 0 : i32
        %dma_start3A_122 = tpu.memref_slice %arg2[%dma_start3A_120, %dma_start3A_121] : memref<10240x128xf32, #tpu.memory_space<hbm>> -> memref<10240x128xf32, #tpu.memory_space<hbm>>
        tpu.enqueue_indirect_dma source(%dma_start3A_122 : memref<10240x128xf32, #tpu.memory_space<hbm>>) target(%arg12 : memref<80x128xf32, #tpu.memory_space<vmem>>) offsets(%dma_start3A_119 : memref<80xi32, #tpu.memory_space<vmem>>) semaphore(%arg15 : memref<!tpu.dma_semaphore, #tpu.memory_space<semaphore_mem>>)
        %run_scoped3A_123 = arith.constant 4 : i32
        "tpu.region"() ({
          %run_scoped3A_318 = tpu.sem_alloc : memref<!tpu.dma_semaphore, #tpu.memory_space<semaphore_mem>>
          %dma_start3A_319 = arith.constant 0 : i32
          %dma_start3A_320 = tpu.memref_slice %arg8[%run_scoped3A_123, %dma_start3A_319] : memref<8x80xi32, #tpu.memory_space<vmem>> -> memref<1x80xi32, #tpu.memory_space<vmem>>
          %dma_start3A_321 = tpu.memref_squeeze %dma_start3A_320 : memref<1x80xi32, #tpu.memory_space<vmem>> -> memref<80xi32, #tpu.memory_space<vmem>>
          %dma_start3A_322 = arith.constant 0 : i32
          %dma_start3A_323 = arith.constant 0 : i32
          %dma_start3A_324 = tpu.memref_slice %arg13[%dma_start3A_322, %dma_start3A_323] : memref<10240x128xf32, #tpu.memory_space<vmem_shared>> -> memref<10240x128xf32, #tpu.memory_space<vmem_shared>>
          tpu.enqueue_indirect_dma source(%arg11 : memref<80x128xf32, #tpu.memory_space<vmem>>) target(%dma_start3A_324 : memref<10240x128xf32, #tpu.memory_space<vmem_shared>>) offsets(%dma_start3A_321 : memref<80xi32, #tpu.memory_space<vmem>>) semaphore(%run_scoped3A_318 : memref<!tpu.dma_semaphore, #tpu.memory_space<semaphore_mem>>) {add = true}
          %dma_wait3A_325 = arith.constant 0 : i32
          %dma_wait3A_326 = tpu.memref_slice %arg8[%run_scoped3A_123, %dma_wait3A_325] : memref<8x80xi32, #tpu.memory_space<vmem>> -> memref<1x80xi32, #tpu.memory_space<vmem>>
          %dma_wait3A_327 = tpu.memref_squeeze %dma_wait3A_326 : memref<1x80xi32, #tpu.memory_space<vmem>> -> memref<80xi32, #tpu.memory_space<vmem>>
          %dma_wait3A_328 = arith.constant 0 : i32
          %dma_wait3A_329 = arith.constant 0 : i32
          %dma_wait3A_330 = tpu.memref_slice %arg13[%dma_wait3A_328, %dma_wait3A_329] : memref<10240x128xf32, #tpu.memory_space<vmem_shared>> -> memref<10240x128xf32, #tpu.memory_space<vmem_shared>>
          tpu.wait_indirect_dma semaphore(%run_scoped3A_318 : memref<!tpu.dma_semaphore, #tpu.memory_space<semaphore_mem>>) src(%arg11 : memref<80x128xf32, #tpu.memory_space<vmem>>) dst(%dma_wait3A_330 : memref<10240x128xf32, #tpu.memory_space<vmem_shared>>)
          tpu.yield
        }) : () -> ()
        %dma_wait3A_124 = arith.constant 5 : i32
        %dma_wait3A_125 = arith.constant 0 : i32
        %dma_wait3A_126 = tpu.memref_slice %arg7[%dma_wait3A_124, %dma_wait3A_125] : memref<8x80xi32, #tpu.memory_space<vmem>> -> memref<1x80xi32, #tpu.memory_space<vmem>>
        %dma_wait3A_127 = tpu.memref_squeeze %dma_wait3A_126 : memref<1x80xi32, #tpu.memory_space<vmem>> -> memref<80xi32, #tpu.memory_space<vmem>>
        %dma_wait3A_128 = arith.constant 0 : i32
        %dma_wait3A_129 = arith.constant 0 : i32
        %dma_wait3A_130 = tpu.memref_slice %arg2[%dma_wait3A_128, %dma_wait3A_129] : memref<10240x128xf32, #tpu.memory_space<hbm>> -> memref<10240x128xf32, #tpu.memory_space<hbm>>
        tpu.wait_indirect_dma semaphore(%arg15 : memref<!tpu.dma_semaphore, #tpu.memory_space<semaphore_mem>>) src(%dma_wait3A_130 : memref<10240x128xf32, #tpu.memory_space<hbm>>) dst(%arg12 : memref<80x128xf32, #tpu.memory_space<vmem>>)
        %dma_start3A_131 = arith.constant 6 : i32
        %dma_start3A_132 = arith.constant 0 : i32
        %dma_start3A_133 = tpu.memref_slice %arg7[%dma_start3A_131, %dma_start3A_132] : memref<8x80xi32, #tpu.memory_space<vmem>> -> memref<1x80xi32, #tpu.memory_space<vmem>>
        %dma_start3A_134 = tpu.memref_squeeze %dma_start3A_133 : memref<1x80xi32, #tpu.memory_space<vmem>> -> memref<80xi32, #tpu.memory_space<vmem>>
        %dma_start3A_135 = arith.constant 0 : i32
        %dma_start3A_136 = arith.constant 0 : i32
        %dma_start3A_137 = tpu.memref_slice %arg2[%dma_start3A_135, %dma_start3A_136] : memref<10240x128xf32, #tpu.memory_space<hbm>> -> memref<10240x128xf32, #tpu.memory_space<hbm>>
        tpu.enqueue_indirect_dma source(%dma_start3A_137 : memref<10240x128xf32, #tpu.memory_space<hbm>>) target(%arg11 : memref<80x128xf32, #tpu.memory_space<vmem>>) offsets(%dma_start3A_134 : memref<80xi32, #tpu.memory_space<vmem>>) semaphore(%arg14 : memref<!tpu.dma_semaphore, #tpu.memory_space<semaphore_mem>>)
        %run_scoped3A_138 = arith.constant 5 : i32
        "tpu.region"() ({
          %run_scoped3A_318 = tpu.sem_alloc : memref<!tpu.dma_semaphore, #tpu.memory_space<semaphore_mem>>
          %dma_start3A_319 = arith.constant 0 : i32
          %dma_start3A_320 = tpu.memref_slice %arg8[%run_scoped3A_138, %dma_start3A_319] : memref<8x80xi32, #tpu.memory_space<vmem>> -> memref<1x80xi32, #tpu.memory_space<vmem>>
          %dma_start3A_321 = tpu.memref_squeeze %dma_start3A_320 : memref<1x80xi32, #tpu.memory_space<vmem>> -> memref<80xi32, #tpu.memory_space<vmem>>
          %dma_start3A_322 = arith.constant 0 : i32
          %dma_start3A_323 = arith.constant 0 : i32
          %dma_start3A_324 = tpu.memref_slice %arg13[%dma_start3A_322, %dma_start3A_323] : memref<10240x128xf32, #tpu.memory_space<vmem_shared>> -> memref<10240x128xf32, #tpu.memory_space<vmem_shared>>
          tpu.enqueue_indirect_dma source(%arg12 : memref<80x128xf32, #tpu.memory_space<vmem>>) target(%dma_start3A_324 : memref<10240x128xf32, #tpu.memory_space<vmem_shared>>) offsets(%dma_start3A_321 : memref<80xi32, #tpu.memory_space<vmem>>) semaphore(%run_scoped3A_318 : memref<!tpu.dma_semaphore, #tpu.memory_space<semaphore_mem>>) {add = true}
          %dma_wait3A_325 = arith.constant 0 : i32
          %dma_wait3A_326 = tpu.memref_slice %arg8[%run_scoped3A_138, %dma_wait3A_325] : memref<8x80xi32, #tpu.memory_space<vmem>> -> memref<1x80xi32, #tpu.memory_space<vmem>>
          %dma_wait3A_327 = tpu.memref_squeeze %dma_wait3A_326 : memref<1x80xi32, #tpu.memory_space<vmem>> -> memref<80xi32, #tpu.memory_space<vmem>>
          %dma_wait3A_328 = arith.constant 0 : i32
          %dma_wait3A_329 = arith.constant 0 : i32
          %dma_wait3A_330 = tpu.memref_slice %arg13[%dma_wait3A_328, %dma_wait3A_329] : memref<10240x128xf32, #tpu.memory_space<vmem_shared>> -> memref<10240x128xf32, #tpu.memory_space<vmem_shared>>
          tpu.wait_indirect_dma semaphore(%run_scoped3A_318 : memref<!tpu.dma_semaphore, #tpu.memory_space<semaphore_mem>>) src(%arg12 : memref<80x128xf32, #tpu.memory_space<vmem>>) dst(%dma_wait3A_330 : memref<10240x128xf32, #tpu.memory_space<vmem_shared>>)
          tpu.yield
        }) : () -> ()
        %dma_wait3A_139 = arith.constant 6 : i32
        %dma_wait3A_140 = arith.constant 0 : i32
        %dma_wait3A_141 = tpu.memref_slice %arg7[%dma_wait3A_139, %dma_wait3A_140] : memref<8x80xi32, #tpu.memory_space<vmem>> -> memref<1x80xi32, #tpu.memory_space<vmem>>
        %dma_wait3A_142 = tpu.memref_squeeze %dma_wait3A_141 : memref<1x80xi32, #tpu.memory_space<vmem>> -> memref<80xi32, #tpu.memory_space<vmem>>
        %dma_wait3A_143 = arith.constant 0 : i32
        %dma_wait3A_144 = arith.constant 0 : i32
        %dma_wait3A_145 = tpu.memref_slice %arg2[%dma_wait3A_143, %dma_wait3A_144] : memref<10240x128xf32, #tpu.memory_space<hbm>> -> memref<10240x128xf32, #tpu.memory_space<hbm>>
        tpu.wait_indirect_dma semaphore(%arg14 : memref<!tpu.dma_semaphore, #tpu.memory_space<semaphore_mem>>) src(%dma_wait3A_145 : memref<10240x128xf32, #tpu.memory_space<hbm>>) dst(%arg11 : memref<80x128xf32, #tpu.memory_space<vmem>>)
        %dma_start3A_146 = arith.constant 7 : i32
        %dma_start3A_147 = arith.constant 0 : i32
        %dma_start3A_148 = tpu.memref_slice %arg7[%dma_start3A_146, %dma_start3A_147] : memref<8x80xi32, #tpu.memory_space<vmem>> -> memref<1x80xi32, #tpu.memory_space<vmem>>
        %dma_start3A_149 = tpu.memref_squeeze %dma_start3A_148 : memref<1x80xi32, #tpu.memory_space<vmem>> -> memref<80xi32, #tpu.memory_space<vmem>>
        %dma_start3A_150 = arith.constant 0 : i32
        %dma_start3A_151 = arith.constant 0 : i32
        %dma_start3A_152 = tpu.memref_slice %arg2[%dma_start3A_150, %dma_start3A_151] : memref<10240x128xf32, #tpu.memory_space<hbm>> -> memref<10240x128xf32, #tpu.memory_space<hbm>>
        tpu.enqueue_indirect_dma source(%dma_start3A_152 : memref<10240x128xf32, #tpu.memory_space<hbm>>) target(%arg12 : memref<80x128xf32, #tpu.memory_space<vmem>>) offsets(%dma_start3A_149 : memref<80xi32, #tpu.memory_space<vmem>>) semaphore(%arg15 : memref<!tpu.dma_semaphore, #tpu.memory_space<semaphore_mem>>)
        %run_scoped3A_153 = arith.constant 6 : i32
        "tpu.region"() ({
          %run_scoped3A_318 = tpu.sem_alloc : memref<!tpu.dma_semaphore, #tpu.memory_space<semaphore_mem>>
          %dma_start3A_319 = arith.constant 0 : i32
          %dma_start3A_320 = tpu.memref_slice %arg8[%run_scoped3A_153, %dma_start3A_319] : memref<8x80xi32, #tpu.memory_space<vmem>> -> memref<1x80xi32, #tpu.memory_space<vmem>>
          %dma_start3A_321 = tpu.memref_squeeze %dma_start3A_320 : memref<1x80xi32, #tpu.memory_space<vmem>> -> memref<80xi32, #tpu.memory_space<vmem>>
          %dma_start3A_322 = arith.constant 0 : i32
          %dma_start3A_323 = arith.constant 0 : i32
          %dma_start3A_324 = tpu.memref_slice %arg13[%dma_start3A_322, %dma_start3A_323] : memref<10240x128xf32, #tpu.memory_space<vmem_shared>> -> memref<10240x128xf32, #tpu.memory_space<vmem_shared>>
          tpu.enqueue_indirect_dma source(%arg11 : memref<80x128xf32, #tpu.memory_space<vmem>>) target(%dma_start3A_324 : memref<10240x128xf32, #tpu.memory_space<vmem_shared>>) offsets(%dma_start3A_321 : memref<80xi32, #tpu.memory_space<vmem>>) semaphore(%run_scoped3A_318 : memref<!tpu.dma_semaphore, #tpu.memory_space<semaphore_mem>>) {add = true}
          %dma_wait3A_325 = arith.constant 0 : i32
          %dma_wait3A_326 = tpu.memref_slice %arg8[%run_scoped3A_153, %dma_wait3A_325] : memref<8x80xi32, #tpu.memory_space<vmem>> -> memref<1x80xi32, #tpu.memory_space<vmem>>
          %dma_wait3A_327 = tpu.memref_squeeze %dma_wait3A_326 : memref<1x80xi32, #tpu.memory_space<vmem>> -> memref<80xi32, #tpu.memory_space<vmem>>
          %dma_wait3A_328 = arith.constant 0 : i32
          %dma_wait3A_329 = arith.constant 0 : i32
          %dma_wait3A_330 = tpu.memref_slice %arg13[%dma_wait3A_328, %dma_wait3A_329] : memref<10240x128xf32, #tpu.memory_space<vmem_shared>> -> memref<10240x128xf32, #tpu.memory_space<vmem_shared>>
          tpu.wait_indirect_dma semaphore(%run_scoped3A_318 : memref<!tpu.dma_semaphore, #tpu.memory_space<semaphore_mem>>) src(%arg11 : memref<80x128xf32, #tpu.memory_space<vmem>>) dst(%dma_wait3A_330 : memref<10240x128xf32, #tpu.memory_space<vmem_shared>>)
          tpu.yield
        }) : () -> ()
        %dma_wait3A_154 = arith.constant 7 : i32
        %dma_wait3A_155 = arith.constant 0 : i32
        %dma_wait3A_156 = tpu.memref_slice %arg7[%dma_wait3A_154, %dma_wait3A_155] : memref<8x80xi32, #tpu.memory_space<vmem>> -> memref<1x80xi32, #tpu.memory_space<vmem>>
        %dma_wait3A_157 = tpu.memref_squeeze %dma_wait3A_156 : memref<1x80xi32, #tpu.memory_space<vmem>> -> memref<80xi32, #tpu.memory_space<vmem>>
        %dma_wait3A_158 = arith.constant 0 : i32
        %dma_wait3A_159 = arith.constant 0 : i32
        %dma_wait3A_160 = tpu.memref_slice %arg2[%dma_wait3A_158, %dma_wait3A_159] : memref<10240x128xf32, #tpu.memory_space<hbm>> -> memref<10240x128xf32, #tpu.memory_space<hbm>>
        tpu.wait_indirect_dma semaphore(%arg15 : memref<!tpu.dma_semaphore, #tpu.memory_space<semaphore_mem>>) src(%dma_wait3A_160 : memref<10240x128xf32, #tpu.memory_space<hbm>>) dst(%arg12 : memref<80x128xf32, #tpu.memory_space<vmem>>)
        %add3A_161 = arith.constant 1 : i32
        %add3A_162 = arith.addi %add3A_50, %add3A_161 : i32
        %dma_wait3A_163 = arith.constant 0 : i32
        %dma_wait3A_164 = arith.constant 0 : i32
        %dma_wait3A_165 = tpu.memref_slice %arg3[%add3A_162, %dma_wait3A_163, %dma_wait3A_164] : memref<512x8x80xi32, #tpu.memory_space<hbm>> -> memref<1x8x80xi32, #tpu.memory_space<hbm>>
        %dma_wait3A_166 = tpu.memref_squeeze %dma_wait3A_165 : memref<1x8x80xi32, #tpu.memory_space<hbm>> -> memref<8x80xi32, #tpu.memory_space<hbm>>
        %dma_wait3A_167 = arith.constant 0 : i32
        %dma_wait3A_168 = arith.constant 0 : i32
        %dma_wait3A_169 = tpu.memref_slice %arg3[%add3A_162, %dma_wait3A_167, %dma_wait3A_168] : memref<512x8x80xi32, #tpu.memory_space<hbm>> -> memref<1x8x80xi32, #tpu.memory_space<hbm>>
        %dma_wait3A_170 = tpu.memref_squeeze %dma_wait3A_169 : memref<1x8x80xi32, #tpu.memory_space<hbm>> -> memref<8x80xi32, #tpu.memory_space<hbm>>
        tpu.wait_dma2 semaphore(%arg16 : memref<!tpu.dma_semaphore, #tpu.memory_space<semaphore_mem>>) src(%dma_wait3A_170 : memref<8x80xi32, #tpu.memory_space<hbm>>) dst(%arg9 : memref<8x80xi32, #tpu.memory_space<vmem>>)
        %add3A_171 = arith.constant 1 : i32
        %add3A_172 = arith.addi %add3A_50, %add3A_171 : i32
        %dma_wait3A_173 = arith.constant 0 : i32
        %dma_wait3A_174 = arith.constant 0 : i32
        %dma_wait3A_175 = tpu.memref_slice %arg4[%add3A_172, %dma_wait3A_173, %dma_wait3A_174] : memref<512x8x80xi32, #tpu.memory_space<hbm>> -> memref<1x8x80xi32, #tpu.memory_space<hbm>>
        %dma_wait3A_176 = tpu.memref_squeeze %dma_wait3A_175 : memref<1x8x80xi32, #tpu.memory_space<hbm>> -> memref<8x80xi32, #tpu.memory_space<hbm>>
        %dma_wait3A_177 = arith.constant 0 : i32
        %dma_wait3A_178 = arith.constant 0 : i32
        %dma_wait3A_179 = tpu.memref_slice %arg4[%add3A_172, %dma_wait3A_177, %dma_wait3A_178] : memref<512x8x80xi32, #tpu.memory_space<hbm>> -> memref<1x8x80xi32, #tpu.memory_space<hbm>>
        %dma_wait3A_180 = tpu.memref_squeeze %dma_wait3A_179 : memref<1x8x80xi32, #tpu.memory_space<hbm>> -> memref<8x80xi32, #tpu.memory_space<hbm>>
        tpu.wait_dma2 semaphore(%arg17 : memref<!tpu.dma_semaphore, #tpu.memory_space<semaphore_mem>>) src(%dma_wait3A_180 : memref<8x80xi32, #tpu.memory_space<hbm>>) dst(%arg10 : memref<8x80xi32, #tpu.memory_space<vmem>>)
        %dma_start3A_181 = arith.constant 0 : i32
        %dma_start3A_182 = arith.constant 0 : i32
        %dma_start3A_183 = tpu.memref_slice %arg9[%dma_start3A_181, %dma_start3A_182] : memref<8x80xi32, #tpu.memory_space<vmem>> -> memref<1x80xi32, #tpu.memory_space<vmem>>
        %dma_start3A_184 = tpu.memref_squeeze %dma_start3A_183 : memref<1x80xi32, #tpu.memory_space<vmem>> -> memref<80xi32, #tpu.memory_space<vmem>>
        %dma_start3A_185 = arith.constant 0 : i32
        %dma_start3A_186 = arith.constant 0 : i32
        %dma_start3A_187 = tpu.memref_slice %arg2[%dma_start3A_185, %dma_start3A_186] : memref<10240x128xf32, #tpu.memory_space<hbm>> -> memref<10240x128xf32, #tpu.memory_space<hbm>>
        tpu.enqueue_indirect_dma source(%dma_start3A_187 : memref<10240x128xf32, #tpu.memory_space<hbm>>) target(%arg11 : memref<80x128xf32, #tpu.memory_space<vmem>>) offsets(%dma_start3A_184 : memref<80xi32, #tpu.memory_space<vmem>>) semaphore(%arg14 : memref<!tpu.dma_semaphore, #tpu.memory_space<semaphore_mem>>)
        %run_scoped3A_188 = arith.constant 7 : i32
        "tpu.region"() ({
          %run_scoped3A_318 = tpu.sem_alloc : memref<!tpu.dma_semaphore, #tpu.memory_space<semaphore_mem>>
          %dma_start3A_319 = arith.constant 0 : i32
          %dma_start3A_320 = tpu.memref_slice %arg8[%run_scoped3A_188, %dma_start3A_319] : memref<8x80xi32, #tpu.memory_space<vmem>> -> memref<1x80xi32, #tpu.memory_space<vmem>>
          %dma_start3A_321 = tpu.memref_squeeze %dma_start3A_320 : memref<1x80xi32, #tpu.memory_space<vmem>> -> memref<80xi32, #tpu.memory_space<vmem>>
          %dma_start3A_322 = arith.constant 0 : i32
          %dma_start3A_323 = arith.constant 0 : i32
          %dma_start3A_324 = tpu.memref_slice %arg13[%dma_start3A_322, %dma_start3A_323] : memref<10240x128xf32, #tpu.memory_space<vmem_shared>> -> memref<10240x128xf32, #tpu.memory_space<vmem_shared>>
          tpu.enqueue_indirect_dma source(%arg12 : memref<80x128xf32, #tpu.memory_space<vmem>>) target(%dma_start3A_324 : memref<10240x128xf32, #tpu.memory_space<vmem_shared>>) offsets(%dma_start3A_321 : memref<80xi32, #tpu.memory_space<vmem>>) semaphore(%run_scoped3A_318 : memref<!tpu.dma_semaphore, #tpu.memory_space<semaphore_mem>>) {add = true}
          %dma_wait3A_325 = arith.constant 0 : i32
          %dma_wait3A_326 = tpu.memref_slice %arg8[%run_scoped3A_188, %dma_wait3A_325] : memref<8x80xi32, #tpu.memory_space<vmem>> -> memref<1x80xi32, #tpu.memory_space<vmem>>
          %dma_wait3A_327 = tpu.memref_squeeze %dma_wait3A_326 : memref<1x80xi32, #tpu.memory_space<vmem>> -> memref<80xi32, #tpu.memory_space<vmem>>
          %dma_wait3A_328 = arith.constant 0 : i32
          %dma_wait3A_329 = arith.constant 0 : i32
          %dma_wait3A_330 = tpu.memref_slice %arg13[%dma_wait3A_328, %dma_wait3A_329] : memref<10240x128xf32, #tpu.memory_space<vmem_shared>> -> memref<10240x128xf32, #tpu.memory_space<vmem_shared>>
          tpu.wait_indirect_dma semaphore(%run_scoped3A_318 : memref<!tpu.dma_semaphore, #tpu.memory_space<semaphore_mem>>) src(%arg12 : memref<80x128xf32, #tpu.memory_space<vmem>>) dst(%dma_wait3A_330 : memref<10240x128xf32, #tpu.memory_space<vmem_shared>>)
          tpu.yield
        }) : () -> ()
        %sub3A = arith.constant 1 : i32
        %sub3A_189 = arith.subi %select_n3A, %sub3A : i32
        %lt3A = arith.cmpi slt, %while3A_47, %sub3A_189 : i32
        %convert_element_type3A_190 = arith.extui %lt3A : i1 to i32
        %cond3A_191 = arith.constant 0 : i32
        %cond3A_192 = arith.cmpi ne, %convert_element_type3A_190, %cond3A_191 : i32
        scf.if %cond3A_192 {
          %add3A_318 = arith.constant 2 : i32
          %add3A_319 = arith.addi %add3A_50, %add3A_318 : i32
          %dma_start3A_320 = arith.constant 0 : i32
          %dma_start3A_321 = arith.constant 0 : i32
          %dma_start3A_322 = tpu.memref_slice %arg3[%add3A_319, %dma_start3A_320, %dma_start3A_321] : memref<512x8x80xi32, #tpu.memory_space<hbm>> -> memref<1x8x80xi32, #tpu.memory_space<hbm>>
          %dma_start3A_323 = tpu.memref_squeeze %dma_start3A_322 : memref<1x8x80xi32, #tpu.memory_space<hbm>> -> memref<8x80xi32, #tpu.memory_space<hbm>>
          %dma_start3A_324 = arith.constant 0 : i32
          %dma_start3A_325 = arith.constant 0 : i32
          %dma_start3A_326 = tpu.memref_slice %arg3[%add3A_319, %dma_start3A_324, %dma_start3A_325] : memref<512x8x80xi32, #tpu.memory_space<hbm>> -> memref<1x8x80xi32, #tpu.memory_space<hbm>>
          %dma_start3A_327 = tpu.memref_squeeze %dma_start3A_326 : memref<1x8x80xi32, #tpu.memory_space<hbm>> -> memref<8x80xi32, #tpu.memory_space<hbm>>
          tpu.enqueue_dma source(%dma_start3A_327 : memref<8x80xi32, #tpu.memory_space<hbm>>) target(%arg7 : memref<8x80xi32, #tpu.memory_space<vmem>>) target_semaphore(%arg16 : memref<!tpu.dma_semaphore, #tpu.memory_space<semaphore_mem>>)
          %add3A_328 = arith.constant 2 : i32
          %add3A_329 = arith.addi %add3A_50, %add3A_328 : i32
          %dma_start3A_330 = arith.constant 0 : i32
          %dma_start3A_331 = arith.constant 0 : i32
          %dma_start3A_332 = tpu.memref_slice %arg4[%add3A_329, %dma_start3A_330, %dma_start3A_331] : memref<512x8x80xi32, #tpu.memory_space<hbm>> -> memref<1x8x80xi32, #tpu.memory_space<hbm>>
          %dma_start3A_333 = tpu.memref_squeeze %dma_start3A_332 : memref<1x8x80xi32, #tpu.memory_space<hbm>> -> memref<8x80xi32, #tpu.memory_space<hbm>>
          %dma_start3A_334 = arith.constant 0 : i32
          %dma_start3A_335 = arith.constant 0 : i32
          %dma_start3A_336 = tpu.memref_slice %arg4[%add3A_329, %dma_start3A_334, %dma_start3A_335] : memref<512x8x80xi32, #tpu.memory_space<hbm>> -> memref<1x8x80xi32, #tpu.memory_space<hbm>>
          %dma_start3A_337 = tpu.memref_squeeze %dma_start3A_336 : memref<1x8x80xi32, #tpu.memory_space<hbm>> -> memref<8x80xi32, #tpu.memory_space<hbm>>
          tpu.enqueue_dma source(%dma_start3A_337 : memref<8x80xi32, #tpu.memory_space<hbm>>) target(%arg8 : memref<8x80xi32, #tpu.memory_space<vmem>>) target_semaphore(%arg17 : memref<!tpu.dma_semaphore, #tpu.memory_space<semaphore_mem>>)
        } else {
        }
        %dma_wait3A_193 = arith.constant 0 : i32
        %dma_wait3A_194 = arith.constant 0 : i32
        %dma_wait3A_195 = tpu.memref_slice %arg9[%dma_wait3A_193, %dma_wait3A_194] : memref<8x80xi32, #tpu.memory_space<vmem>> -> memref<1x80xi32, #tpu.memory_space<vmem>>
        %dma_wait3A_196 = tpu.memref_squeeze %dma_wait3A_195 : memref<1x80xi32, #tpu.memory_space<vmem>> -> memref<80xi32, #tpu.memory_space<vmem>>
        %dma_wait3A_197 = arith.constant 0 : i32
        %dma_wait3A_198 = arith.constant 0 : i32
        %dma_wait3A_199 = tpu.memref_slice %arg2[%dma_wait3A_197, %dma_wait3A_198] : memref<10240x128xf32, #tpu.memory_space<hbm>> -> memref<10240x128xf32, #tpu.memory_space<hbm>>
        tpu.wait_indirect_dma semaphore(%arg14 : memref<!tpu.dma_semaphore, #tpu.memory_space<semaphore_mem>>) src(%dma_wait3A_199 : memref<10240x128xf32, #tpu.memory_space<hbm>>) dst(%arg11 : memref<80x128xf32, #tpu.memory_space<vmem>>)
        %dma_start3A_200 = arith.constant 1 : i32
        %dma_start3A_201 = arith.constant 0 : i32
        %dma_start3A_202 = tpu.memref_slice %arg9[%dma_start3A_200, %dma_start3A_201] : memref<8x80xi32, #tpu.memory_space<vmem>> -> memref<1x80xi32, #tpu.memory_space<vmem>>
        %dma_start3A_203 = tpu.memref_squeeze %dma_start3A_202 : memref<1x80xi32, #tpu.memory_space<vmem>> -> memref<80xi32, #tpu.memory_space<vmem>>
        %dma_start3A_204 = arith.constant 0 : i32
        %dma_start3A_205 = arith.constant 0 : i32
        %dma_start3A_206 = tpu.memref_slice %arg2[%dma_start3A_204, %dma_start3A_205] : memref<10240x128xf32, #tpu.memory_space<hbm>> -> memref<10240x128xf32, #tpu.memory_space<hbm>>
        tpu.enqueue_indirect_dma source(%dma_start3A_206 : memref<10240x128xf32, #tpu.memory_space<hbm>>) target(%arg12 : memref<80x128xf32, #tpu.memory_space<vmem>>) offsets(%dma_start3A_203 : memref<80xi32, #tpu.memory_space<vmem>>) semaphore(%arg15 : memref<!tpu.dma_semaphore, #tpu.memory_space<semaphore_mem>>)
        %run_scoped3A_207 = arith.constant 0 : i32
        "tpu.region"() ({
          %run_scoped3A_318 = tpu.sem_alloc : memref<!tpu.dma_semaphore, #tpu.memory_space<semaphore_mem>>
          %dma_start3A_319 = arith.constant 0 : i32
          %dma_start3A_320 = tpu.memref_slice %arg10[%run_scoped3A_207, %dma_start3A_319] : memref<8x80xi32, #tpu.memory_space<vmem>> -> memref<1x80xi32, #tpu.memory_space<vmem>>
          %dma_start3A_321 = tpu.memref_squeeze %dma_start3A_320 : memref<1x80xi32, #tpu.memory_space<vmem>> -> memref<80xi32, #tpu.memory_space<vmem>>
          %dma_start3A_322 = arith.constant 0 : i32
          %dma_start3A_323 = arith.constant 0 : i32
          %dma_start3A_324 = tpu.memref_slice %arg13[%dma_start3A_322, %dma_start3A_323] : memref<10240x128xf32, #tpu.memory_space<vmem_shared>> -> memref<10240x128xf32, #tpu.memory_space<vmem_shared>>
          tpu.enqueue_indirect_dma source(%arg11 : memref<80x128xf32, #tpu.memory_space<vmem>>) target(%dma_start3A_324 : memref<10240x128xf32, #tpu.memory_space<vmem_shared>>) offsets(%dma_start3A_321 : memref<80xi32, #tpu.memory_space<vmem>>) semaphore(%run_scoped3A_318 : memref<!tpu.dma_semaphore, #tpu.memory_space<semaphore_mem>>) {add = true}
          %dma_wait3A_325 = arith.constant 0 : i32
          %dma_wait3A_326 = tpu.memref_slice %arg10[%run_scoped3A_207, %dma_wait3A_325] : memref<8x80xi32, #tpu.memory_space<vmem>> -> memref<1x80xi32, #tpu.memory_space<vmem>>
          %dma_wait3A_327 = tpu.memref_squeeze %dma_wait3A_326 : memref<1x80xi32, #tpu.memory_space<vmem>> -> memref<80xi32, #tpu.memory_space<vmem>>
          %dma_wait3A_328 = arith.constant 0 : i32
          %dma_wait3A_329 = arith.constant 0 : i32
          %dma_wait3A_330 = tpu.memref_slice %arg13[%dma_wait3A_328, %dma_wait3A_329] : memref<10240x128xf32, #tpu.memory_space<vmem_shared>> -> memref<10240x128xf32, #tpu.memory_space<vmem_shared>>
          tpu.wait_indirect_dma semaphore(%run_scoped3A_318 : memref<!tpu.dma_semaphore, #tpu.memory_space<semaphore_mem>>) src(%arg11 : memref<80x128xf32, #tpu.memory_space<vmem>>) dst(%dma_wait3A_330 : memref<10240x128xf32, #tpu.memory_space<vmem_shared>>)
          tpu.yield
        }) : () -> ()
        %dma_wait3A_208 = arith.constant 1 : i32
        %dma_wait3A_209 = arith.constant 0 : i32
        %dma_wait3A_210 = tpu.memref_slice %arg9[%dma_wait3A_208, %dma_wait3A_209] : memref<8x80xi32, #tpu.memory_space<vmem>> -> memref<1x80xi32, #tpu.memory_space<vmem>>
        %dma_wait3A_211 = tpu.memref_squeeze %dma_wait3A_210 : memref<1x80xi32, #tpu.memory_space<vmem>> -> memref<80xi32, #tpu.memory_space<vmem>>
        %dma_wait3A_212 = arith.constant 0 : i32
        %dma_wait3A_213 = arith.constant 0 : i32
        %dma_wait3A_214 = tpu.memref_slice %arg2[%dma_wait3A_212, %dma_wait3A_213] : memref<10240x128xf32, #tpu.memory_space<hbm>> -> memref<10240x128xf32, #tpu.memory_space<hbm>>
        tpu.wait_indirect_dma semaphore(%arg15 : memref<!tpu.dma_semaphore, #tpu.memory_space<semaphore_mem>>) src(%dma_wait3A_214 : memref<10240x128xf32, #tpu.memory_space<hbm>>) dst(%arg12 : memref<80x128xf32, #tpu.memory_space<vmem>>)
        %dma_start3A_215 = arith.constant 2 : i32
        %dma_start3A_216 = arith.constant 0 : i32
        %dma_start3A_217 = tpu.memref_slice %arg9[%dma_start3A_215, %dma_start3A_216] : memref<8x80xi32, #tpu.memory_space<vmem>> -> memref<1x80xi32, #tpu.memory_space<vmem>>
        %dma_start3A_218 = tpu.memref_squeeze %dma_start3A_217 : memref<1x80xi32, #tpu.memory_space<vmem>> -> memref<80xi32, #tpu.memory_space<vmem>>
        %dma_start3A_219 = arith.constant 0 : i32
        %dma_start3A_220 = arith.constant 0 : i32
        %dma_start3A_221 = tpu.memref_slice %arg2[%dma_start3A_219, %dma_start3A_220] : memref<10240x128xf32, #tpu.memory_space<hbm>> -> memref<10240x128xf32, #tpu.memory_space<hbm>>
        tpu.enqueue_indirect_dma source(%dma_start3A_221 : memref<10240x128xf32, #tpu.memory_space<hbm>>) target(%arg11 : memref<80x128xf32, #tpu.memory_space<vmem>>) offsets(%dma_start3A_218 : memref<80xi32, #tpu.memory_space<vmem>>) semaphore(%arg14 : memref<!tpu.dma_semaphore, #tpu.memory_space<semaphore_mem>>)
        %run_scoped3A_222 = arith.constant 1 : i32
        "tpu.region"() ({
          %run_scoped3A_318 = tpu.sem_alloc : memref<!tpu.dma_semaphore, #tpu.memory_space<semaphore_mem>>
          %dma_start3A_319 = arith.constant 0 : i32
          %dma_start3A_320 = tpu.memref_slice %arg10[%run_scoped3A_222, %dma_start3A_319] : memref<8x80xi32, #tpu.memory_space<vmem>> -> memref<1x80xi32, #tpu.memory_space<vmem>>
          %dma_start3A_321 = tpu.memref_squeeze %dma_start3A_320 : memref<1x80xi32, #tpu.memory_space<vmem>> -> memref<80xi32, #tpu.memory_space<vmem>>
          %dma_start3A_322 = arith.constant 0 : i32
          %dma_start3A_323 = arith.constant 0 : i32
          %dma_start3A_324 = tpu.memref_slice %arg13[%dma_start3A_322, %dma_start3A_323] : memref<10240x128xf32, #tpu.memory_space<vmem_shared>> -> memref<10240x128xf32, #tpu.memory_space<vmem_shared>>
          tpu.enqueue_indirect_dma source(%arg12 : memref<80x128xf32, #tpu.memory_space<vmem>>) target(%dma_start3A_324 : memref<10240x128xf32, #tpu.memory_space<vmem_shared>>) offsets(%dma_start3A_321 : memref<80xi32, #tpu.memory_space<vmem>>) semaphore(%run_scoped3A_318 : memref<!tpu.dma_semaphore, #tpu.memory_space<semaphore_mem>>) {add = true}
          %dma_wait3A_325 = arith.constant 0 : i32
          %dma_wait3A_326 = tpu.memref_slice %arg10[%run_scoped3A_222, %dma_wait3A_325] : memref<8x80xi32, #tpu.memory_space<vmem>> -> memref<1x80xi32, #tpu.memory_space<vmem>>
          %dma_wait3A_327 = tpu.memref_squeeze %dma_wait3A_326 : memref<1x80xi32, #tpu.memory_space<vmem>> -> memref<80xi32, #tpu.memory_space<vmem>>
          %dma_wait3A_328 = arith.constant 0 : i32
          %dma_wait3A_329 = arith.constant 0 : i32
          %dma_wait3A_330 = tpu.memref_slice %arg13[%dma_wait3A_328, %dma_wait3A_329] : memref<10240x128xf32, #tpu.memory_space<vmem_shared>> -> memref<10240x128xf32, #tpu.memory_space<vmem_shared>>
          tpu.wait_indirect_dma semaphore(%run_scoped3A_318 : memref<!tpu.dma_semaphore, #tpu.memory_space<semaphore_mem>>) src(%arg12 : memref<80x128xf32, #tpu.memory_space<vmem>>) dst(%dma_wait3A_330 : memref<10240x128xf32, #tpu.memory_space<vmem_shared>>)
          tpu.yield
        }) : () -> ()
        %dma_wait3A_223 = arith.constant 2 : i32
        %dma_wait3A_224 = arith.constant 0 : i32
        %dma_wait3A_225 = tpu.memref_slice %arg9[%dma_wait3A_223, %dma_wait3A_224] : memref<8x80xi32, #tpu.memory_space<vmem>> -> memref<1x80xi32, #tpu.memory_space<vmem>>
        %dma_wait3A_226 = tpu.memref_squeeze %dma_wait3A_225 : memref<1x80xi32, #tpu.memory_space<vmem>> -> memref<80xi32, #tpu.memory_space<vmem>>
        %dma_wait3A_227 = arith.constant 0 : i32
        %dma_wait3A_228 = arith.constant 0 : i32
        %dma_wait3A_229 = tpu.memref_slice %arg2[%dma_wait3A_227, %dma_wait3A_228] : memref<10240x128xf32, #tpu.memory_space<hbm>> -> memref<10240x128xf32, #tpu.memory_space<hbm>>
        tpu.wait_indirect_dma semaphore(%arg14 : memref<!tpu.dma_semaphore, #tpu.memory_space<semaphore_mem>>) src(%dma_wait3A_229 : memref<10240x128xf32, #tpu.memory_space<hbm>>) dst(%arg11 : memref<80x128xf32, #tpu.memory_space<vmem>>)
        %dma_start3A_230 = arith.constant 3 : i32
        %dma_start3A_231 = arith.constant 0 : i32
        %dma_start3A_232 = tpu.memref_slice %arg9[%dma_start3A_230, %dma_start3A_231] : memref<8x80xi32, #tpu.memory_space<vmem>> -> memref<1x80xi32, #tpu.memory_space<vmem>>
        %dma_start3A_233 = tpu.memref_squeeze %dma_start3A_232 : memref<1x80xi32, #tpu.memory_space<vmem>> -> memref<80xi32, #tpu.memory_space<vmem>>
        %dma_start3A_234 = arith.constant 0 : i32
        %dma_start3A_235 = arith.constant 0 : i32
        %dma_start3A_236 = tpu.memref_slice %arg2[%dma_start3A_234, %dma_start3A_235] : memref<10240x128xf32, #tpu.memory_space<hbm>> -> memref<10240x128xf32, #tpu.memory_space<hbm>>
        tpu.enqueue_indirect_dma source(%dma_start3A_236 : memref<10240x128xf32, #tpu.memory_space<hbm>>) target(%arg12 : memref<80x128xf32, #tpu.memory_space<vmem>>) offsets(%dma_start3A_233 : memref<80xi32, #tpu.memory_space<vmem>>) semaphore(%arg15 : memref<!tpu.dma_semaphore, #tpu.memory_space<semaphore_mem>>)
        %run_scoped3A_237 = arith.constant 2 : i32
        "tpu.region"() ({
          %run_scoped3A_318 = tpu.sem_alloc : memref<!tpu.dma_semaphore, #tpu.memory_space<semaphore_mem>>
          %dma_start3A_319 = arith.constant 0 : i32
          %dma_start3A_320 = tpu.memref_slice %arg10[%run_scoped3A_237, %dma_start3A_319] : memref<8x80xi32, #tpu.memory_space<vmem>> -> memref<1x80xi32, #tpu.memory_space<vmem>>
          %dma_start3A_321 = tpu.memref_squeeze %dma_start3A_320 : memref<1x80xi32, #tpu.memory_space<vmem>> -> memref<80xi32, #tpu.memory_space<vmem>>
          %dma_start3A_322 = arith.constant 0 : i32
          %dma_start3A_323 = arith.constant 0 : i32
          %dma_start3A_324 = tpu.memref_slice %arg13[%dma_start3A_322, %dma_start3A_323] : memref<10240x128xf32, #tpu.memory_space<vmem_shared>> -> memref<10240x128xf32, #tpu.memory_space<vmem_shared>>
          tpu.enqueue_indirect_dma source(%arg11 : memref<80x128xf32, #tpu.memory_space<vmem>>) target(%dma_start3A_324 : memref<10240x128xf32, #tpu.memory_space<vmem_shared>>) offsets(%dma_start3A_321 : memref<80xi32, #tpu.memory_space<vmem>>) semaphore(%run_scoped3A_318 : memref<!tpu.dma_semaphore, #tpu.memory_space<semaphore_mem>>) {add = true}
          %dma_wait3A_325 = arith.constant 0 : i32
          %dma_wait3A_326 = tpu.memref_slice %arg10[%run_scoped3A_237, %dma_wait3A_325] : memref<8x80xi32, #tpu.memory_space<vmem>> -> memref<1x80xi32, #tpu.memory_space<vmem>>
          %dma_wait3A_327 = tpu.memref_squeeze %dma_wait3A_326 : memref<1x80xi32, #tpu.memory_space<vmem>> -> memref<80xi32, #tpu.memory_space<vmem>>
          %dma_wait3A_328 = arith.constant 0 : i32
          %dma_wait3A_329 = arith.constant 0 : i32
          %dma_wait3A_330 = tpu.memref_slice %arg13[%dma_wait3A_328, %dma_wait3A_329] : memref<10240x128xf32, #tpu.memory_space<vmem_shared>> -> memref<10240x128xf32, #tpu.memory_space<vmem_shared>>
          tpu.wait_indirect_dma semaphore(%run_scoped3A_318 : memref<!tpu.dma_semaphore, #tpu.memory_space<semaphore_mem>>) src(%arg11 : memref<80x128xf32, #tpu.memory_space<vmem>>) dst(%dma_wait3A_330 : memref<10240x128xf32, #tpu.memory_space<vmem_shared>>)
          tpu.yield
        }) : () -> ()
        %dma_wait3A_238 = arith.constant 3 : i32
        %dma_wait3A_239 = arith.constant 0 : i32
        %dma_wait3A_240 = tpu.memref_slice %arg9[%dma_wait3A_238, %dma_wait3A_239] : memref<8x80xi32, #tpu.memory_space<vmem>> -> memref<1x80xi32, #tpu.memory_space<vmem>>
        %dma_wait3A_241 = tpu.memref_squeeze %dma_wait3A_240 : memref<1x80xi32, #tpu.memory_space<vmem>> -> memref<80xi32, #tpu.memory_space<vmem>>
        %dma_wait3A_242 = arith.constant 0 : i32
        %dma_wait3A_243 = arith.constant 0 : i32
        %dma_wait3A_244 = tpu.memref_slice %arg2[%dma_wait3A_242, %dma_wait3A_243] : memref<10240x128xf32, #tpu.memory_space<hbm>> -> memref<10240x128xf32, #tpu.memory_space<hbm>>
        tpu.wait_indirect_dma semaphore(%arg15 : memref<!tpu.dma_semaphore, #tpu.memory_space<semaphore_mem>>) src(%dma_wait3A_244 : memref<10240x128xf32, #tpu.memory_space<hbm>>) dst(%arg12 : memref<80x128xf32, #tpu.memory_space<vmem>>)
        %dma_start3A_245 = arith.constant 4 : i32
        %dma_start3A_246 = arith.constant 0 : i32
        %dma_start3A_247 = tpu.memref_slice %arg9[%dma_start3A_245, %dma_start3A_246] : memref<8x80xi32, #tpu.memory_space<vmem>> -> memref<1x80xi32, #tpu.memory_space<vmem>>
        %dma_start3A_248 = tpu.memref_squeeze %dma_start3A_247 : memref<1x80xi32, #tpu.memory_space<vmem>> -> memref<80xi32, #tpu.memory_space<vmem>>
        %dma_start3A_249 = arith.constant 0 : i32
        %dma_start3A_250 = arith.constant 0 : i32
        %dma_start3A_251 = tpu.memref_slice %arg2[%dma_start3A_249, %dma_start3A_250] : memref<10240x128xf32, #tpu.memory_space<hbm>> -> memref<10240x128xf32, #tpu.memory_space<hbm>>
        tpu.enqueue_indirect_dma source(%dma_start3A_251 : memref<10240x128xf32, #tpu.memory_space<hbm>>) target(%arg11 : memref<80x128xf32, #tpu.memory_space<vmem>>) offsets(%dma_start3A_248 : memref<80xi32, #tpu.memory_space<vmem>>) semaphore(%arg14 : memref<!tpu.dma_semaphore, #tpu.memory_space<semaphore_mem>>)
        %run_scoped3A_252 = arith.constant 3 : i32
        "tpu.region"() ({
          %run_scoped3A_318 = tpu.sem_alloc : memref<!tpu.dma_semaphore, #tpu.memory_space<semaphore_mem>>
          %dma_start3A_319 = arith.constant 0 : i32
          %dma_start3A_320 = tpu.memref_slice %arg10[%run_scoped3A_252, %dma_start3A_319] : memref<8x80xi32, #tpu.memory_space<vmem>> -> memref<1x80xi32, #tpu.memory_space<vmem>>
          %dma_start3A_321 = tpu.memref_squeeze %dma_start3A_320 : memref<1x80xi32, #tpu.memory_space<vmem>> -> memref<80xi32, #tpu.memory_space<vmem>>
          %dma_start3A_322 = arith.constant 0 : i32
          %dma_start3A_323 = arith.constant 0 : i32
          %dma_start3A_324 = tpu.memref_slice %arg13[%dma_start3A_322, %dma_start3A_323] : memref<10240x128xf32, #tpu.memory_space<vmem_shared>> -> memref<10240x128xf32, #tpu.memory_space<vmem_shared>>
          tpu.enqueue_indirect_dma source(%arg12 : memref<80x128xf32, #tpu.memory_space<vmem>>) target(%dma_start3A_324 : memref<10240x128xf32, #tpu.memory_space<vmem_shared>>) offsets(%dma_start3A_321 : memref<80xi32, #tpu.memory_space<vmem>>) semaphore(%run_scoped3A_318 : memref<!tpu.dma_semaphore, #tpu.memory_space<semaphore_mem>>) {add = true}
          %dma_wait3A_325 = arith.constant 0 : i32
          %dma_wait3A_326 = tpu.memref_slice %arg10[%run_scoped3A_252, %dma_wait3A_325] : memref<8x80xi32, #tpu.memory_space<vmem>> -> memref<1x80xi32, #tpu.memory_space<vmem>>
          %dma_wait3A_327 = tpu.memref_squeeze %dma_wait3A_326 : memref<1x80xi32, #tpu.memory_space<vmem>> -> memref<80xi32, #tpu.memory_space<vmem>>
          %dma_wait3A_328 = arith.constant 0 : i32
          %dma_wait3A_329 = arith.constant 0 : i32
          %dma_wait3A_330 = tpu.memref_slice %arg13[%dma_wait3A_328, %dma_wait3A_329] : memref<10240x128xf32, #tpu.memory_space<vmem_shared>> -> memref<10240x128xf32, #tpu.memory_space<vmem_shared>>
          tpu.wait_indirect_dma semaphore(%run_scoped3A_318 : memref<!tpu.dma_semaphore, #tpu.memory_space<semaphore_mem>>) src(%arg12 : memref<80x128xf32, #tpu.memory_space<vmem>>) dst(%dma_wait3A_330 : memref<10240x128xf32, #tpu.memory_space<vmem_shared>>)
          tpu.yield
        }) : () -> ()
        %dma_wait3A_253 = arith.constant 4 : i32
        %dma_wait3A_254 = arith.constant 0 : i32
        %dma_wait3A_255 = tpu.memref_slice %arg9[%dma_wait3A_253, %dma_wait3A_254] : memref<8x80xi32, #tpu.memory_space<vmem>> -> memref<1x80xi32, #tpu.memory_space<vmem>>
        %dma_wait3A_256 = tpu.memref_squeeze %dma_wait3A_255 : memref<1x80xi32, #tpu.memory_space<vmem>> -> memref<80xi32, #tpu.memory_space<vmem>>
        %dma_wait3A_257 = arith.constant 0 : i32
        %dma_wait3A_258 = arith.constant 0 : i32
        %dma_wait3A_259 = tpu.memref_slice %arg2[%dma_wait3A_257, %dma_wait3A_258] : memref<10240x128xf32, #tpu.memory_space<hbm>> -> memref<10240x128xf32, #tpu.memory_space<hbm>>
        tpu.wait_indirect_dma semaphore(%arg14 : memref<!tpu.dma_semaphore, #tpu.memory_space<semaphore_mem>>) src(%dma_wait3A_259 : memref<10240x128xf32, #tpu.memory_space<hbm>>) dst(%arg11 : memref<80x128xf32, #tpu.memory_space<vmem>>)
        %dma_start3A_260 = arith.constant 5 : i32
        %dma_start3A_261 = arith.constant 0 : i32
        %dma_start3A_262 = tpu.memref_slice %arg9[%dma_start3A_260, %dma_start3A_261] : memref<8x80xi32, #tpu.memory_space<vmem>> -> memref<1x80xi32, #tpu.memory_space<vmem>>
        %dma_start3A_263 = tpu.memref_squeeze %dma_start3A_262 : memref<1x80xi32, #tpu.memory_space<vmem>> -> memref<80xi32, #tpu.memory_space<vmem>>
        %dma_start3A_264 = arith.constant 0 : i32
        %dma_start3A_265 = arith.constant 0 : i32
        %dma_start3A_266 = tpu.memref_slice %arg2[%dma_start3A_264, %dma_start3A_265] : memref<10240x128xf32, #tpu.memory_space<hbm>> -> memref<10240x128xf32, #tpu.memory_space<hbm>>
        tpu.enqueue_indirect_dma source(%dma_start3A_266 : memref<10240x128xf32, #tpu.memory_space<hbm>>) target(%arg12 : memref<80x128xf32, #tpu.memory_space<vmem>>) offsets(%dma_start3A_263 : memref<80xi32, #tpu.memory_space<vmem>>) semaphore(%arg15 : memref<!tpu.dma_semaphore, #tpu.memory_space<semaphore_mem>>)
        %run_scoped3A_267 = arith.constant 4 : i32
        "tpu.region"() ({
          %run_scoped3A_318 = tpu.sem_alloc : memref<!tpu.dma_semaphore, #tpu.memory_space<semaphore_mem>>
          %dma_start3A_319 = arith.constant 0 : i32
          %dma_start3A_320 = tpu.memref_slice %arg10[%run_scoped3A_267, %dma_start3A_319] : memref<8x80xi32, #tpu.memory_space<vmem>> -> memref<1x80xi32, #tpu.memory_space<vmem>>
          %dma_start3A_321 = tpu.memref_squeeze %dma_start3A_320 : memref<1x80xi32, #tpu.memory_space<vmem>> -> memref<80xi32, #tpu.memory_space<vmem>>
          %dma_start3A_322 = arith.constant 0 : i32
          %dma_start3A_323 = arith.constant 0 : i32
          %dma_start3A_324 = tpu.memref_slice %arg13[%dma_start3A_322, %dma_start3A_323] : memref<10240x128xf32, #tpu.memory_space<vmem_shared>> -> memref<10240x128xf32, #tpu.memory_space<vmem_shared>>
          tpu.enqueue_indirect_dma source(%arg11 : memref<80x128xf32, #tpu.memory_space<vmem>>) target(%dma_start3A_324 : memref<10240x128xf32, #tpu.memory_space<vmem_shared>>) offsets(%dma_start3A_321 : memref<80xi32, #tpu.memory_space<vmem>>) semaphore(%run_scoped3A_318 : memref<!tpu.dma_semaphore, #tpu.memory_space<semaphore_mem>>) {add = true}
          %dma_wait3A_325 = arith.constant 0 : i32
          %dma_wait3A_326 = tpu.memref_slice %arg10[%run_scoped3A_267, %dma_wait3A_325] : memref<8x80xi32, #tpu.memory_space<vmem>> -> memref<1x80xi32, #tpu.memory_space<vmem>>
          %dma_wait3A_327 = tpu.memref_squeeze %dma_wait3A_326 : memref<1x80xi32, #tpu.memory_space<vmem>> -> memref<80xi32, #tpu.memory_space<vmem>>
          %dma_wait3A_328 = arith.constant 0 : i32
          %dma_wait3A_329 = arith.constant 0 : i32
          %dma_wait3A_330 = tpu.memref_slice %arg13[%dma_wait3A_328, %dma_wait3A_329] : memref<10240x128xf32, #tpu.memory_space<vmem_shared>> -> memref<10240x128xf32, #tpu.memory_space<vmem_shared>>
          tpu.wait_indirect_dma semaphore(%run_scoped3A_318 : memref<!tpu.dma_semaphore, #tpu.memory_space<semaphore_mem>>) src(%arg11 : memref<80x128xf32, #tpu.memory_space<vmem>>) dst(%dma_wait3A_330 : memref<10240x128xf32, #tpu.memory_space<vmem_shared>>)
          tpu.yield
        }) : () -> ()
        %dma_wait3A_268 = arith.constant 5 : i32
        %dma_wait3A_269 = arith.constant 0 : i32
        %dma_wait3A_270 = tpu.memref_slice %arg9[%dma_wait3A_268, %dma_wait3A_269] : memref<8x80xi32, #tpu.memory_space<vmem>> -> memref<1x80xi32, #tpu.memory_space<vmem>>
        %dma_wait3A_271 = tpu.memref_squeeze %dma_wait3A_270 : memref<1x80xi32, #tpu.memory_space<vmem>> -> memref<80xi32, #tpu.memory_space<vmem>>
        %dma_wait3A_272 = arith.constant 0 : i32
        %dma_wait3A_273 = arith.constant 0 : i32
        %dma_wait3A_274 = tpu.memref_slice %arg2[%dma_wait3A_272, %dma_wait3A_273] : memref<10240x128xf32, #tpu.memory_space<hbm>> -> memref<10240x128xf32, #tpu.memory_space<hbm>>
        tpu.wait_indirect_dma semaphore(%arg15 : memref<!tpu.dma_semaphore, #tpu.memory_space<semaphore_mem>>) src(%dma_wait3A_274 : memref<10240x128xf32, #tpu.memory_space<hbm>>) dst(%arg12 : memref<80x128xf32, #tpu.memory_space<vmem>>)
        %dma_start3A_275 = arith.constant 6 : i32
        %dma_start3A_276 = arith.constant 0 : i32
        %dma_start3A_277 = tpu.memref_slice %arg9[%dma_start3A_275, %dma_start3A_276] : memref<8x80xi32, #tpu.memory_space<vmem>> -> memref<1x80xi32, #tpu.memory_space<vmem>>
        %dma_start3A_278 = tpu.memref_squeeze %dma_start3A_277 : memref<1x80xi32, #tpu.memory_space<vmem>> -> memref<80xi32, #tpu.memory_space<vmem>>
        %dma_start3A_279 = arith.constant 0 : i32
        %dma_start3A_280 = arith.constant 0 : i32
        %dma_start3A_281 = tpu.memref_slice %arg2[%dma_start3A_279, %dma_start3A_280] : memref<10240x128xf32, #tpu.memory_space<hbm>> -> memref<10240x128xf32, #tpu.memory_space<hbm>>
        tpu.enqueue_indirect_dma source(%dma_start3A_281 : memref<10240x128xf32, #tpu.memory_space<hbm>>) target(%arg11 : memref<80x128xf32, #tpu.memory_space<vmem>>) offsets(%dma_start3A_278 : memref<80xi32, #tpu.memory_space<vmem>>) semaphore(%arg14 : memref<!tpu.dma_semaphore, #tpu.memory_space<semaphore_mem>>)
        %run_scoped3A_282 = arith.constant 5 : i32
        "tpu.region"() ({
          %run_scoped3A_318 = tpu.sem_alloc : memref<!tpu.dma_semaphore, #tpu.memory_space<semaphore_mem>>
          %dma_start3A_319 = arith.constant 0 : i32
          %dma_start3A_320 = tpu.memref_slice %arg10[%run_scoped3A_282, %dma_start3A_319] : memref<8x80xi32, #tpu.memory_space<vmem>> -> memref<1x80xi32, #tpu.memory_space<vmem>>
          %dma_start3A_321 = tpu.memref_squeeze %dma_start3A_320 : memref<1x80xi32, #tpu.memory_space<vmem>> -> memref<80xi32, #tpu.memory_space<vmem>>
          %dma_start3A_322 = arith.constant 0 : i32
          %dma_start3A_323 = arith.constant 0 : i32
          %dma_start3A_324 = tpu.memref_slice %arg13[%dma_start3A_322, %dma_start3A_323] : memref<10240x128xf32, #tpu.memory_space<vmem_shared>> -> memref<10240x128xf32, #tpu.memory_space<vmem_shared>>
          tpu.enqueue_indirect_dma source(%arg12 : memref<80x128xf32, #tpu.memory_space<vmem>>) target(%dma_start3A_324 : memref<10240x128xf32, #tpu.memory_space<vmem_shared>>) offsets(%dma_start3A_321 : memref<80xi32, #tpu.memory_space<vmem>>) semaphore(%run_scoped3A_318 : memref<!tpu.dma_semaphore, #tpu.memory_space<semaphore_mem>>) {add = true}
          %dma_wait3A_325 = arith.constant 0 : i32
          %dma_wait3A_326 = tpu.memref_slice %arg10[%run_scoped3A_282, %dma_wait3A_325] : memref<8x80xi32, #tpu.memory_space<vmem>> -> memref<1x80xi32, #tpu.memory_space<vmem>>
          %dma_wait3A_327 = tpu.memref_squeeze %dma_wait3A_326 : memref<1x80xi32, #tpu.memory_space<vmem>> -> memref<80xi32, #tpu.memory_space<vmem>>
          %dma_wait3A_328 = arith.constant 0 : i32
          %dma_wait3A_329 = arith.constant 0 : i32
          %dma_wait3A_330 = tpu.memref_slice %arg13[%dma_wait3A_328, %dma_wait3A_329] : memref<10240x128xf32, #tpu.memory_space<vmem_shared>> -> memref<10240x128xf32, #tpu.memory_space<vmem_shared>>
          tpu.wait_indirect_dma semaphore(%run_scoped3A_318 : memref<!tpu.dma_semaphore, #tpu.memory_space<semaphore_mem>>) src(%arg12 : memref<80x128xf32, #tpu.memory_space<vmem>>) dst(%dma_wait3A_330 : memref<10240x128xf32, #tpu.memory_space<vmem_shared>>)
          tpu.yield
        }) : () -> ()
        %dma_wait3A_283 = arith.constant 6 : i32
        %dma_wait3A_284 = arith.constant 0 : i32
        %dma_wait3A_285 = tpu.memref_slice %arg9[%dma_wait3A_283, %dma_wait3A_284] : memref<8x80xi32, #tpu.memory_space<vmem>> -> memref<1x80xi32, #tpu.memory_space<vmem>>
        %dma_wait3A_286 = tpu.memref_squeeze %dma_wait3A_285 : memref<1x80xi32, #tpu.memory_space<vmem>> -> memref<80xi32, #tpu.memory_space<vmem>>
        %dma_wait3A_287 = arith.constant 0 : i32
        %dma_wait3A_288 = arith.constant 0 : i32
        %dma_wait3A_289 = tpu.memref_slice %arg2[%dma_wait3A_287, %dma_wait3A_288] : memref<10240x128xf32, #tpu.memory_space<hbm>> -> memref<10240x128xf32, #tpu.memory_space<hbm>>
        tpu.wait_indirect_dma semaphore(%arg14 : memref<!tpu.dma_semaphore, #tpu.memory_space<semaphore_mem>>) src(%dma_wait3A_289 : memref<10240x128xf32, #tpu.memory_space<hbm>>) dst(%arg11 : memref<80x128xf32, #tpu.memory_space<vmem>>)
        %dma_start3A_290 = arith.constant 7 : i32
        %dma_start3A_291 = arith.constant 0 : i32
        %dma_start3A_292 = tpu.memref_slice %arg9[%dma_start3A_290, %dma_start3A_291] : memref<8x80xi32, #tpu.memory_space<vmem>> -> memref<1x80xi32, #tpu.memory_space<vmem>>
        %dma_start3A_293 = tpu.memref_squeeze %dma_start3A_292 : memref<1x80xi32, #tpu.memory_space<vmem>> -> memref<80xi32, #tpu.memory_space<vmem>>
        %dma_start3A_294 = arith.constant 0 : i32
        %dma_start3A_295 = arith.constant 0 : i32
        %dma_start3A_296 = tpu.memref_slice %arg2[%dma_start3A_294, %dma_start3A_295] : memref<10240x128xf32, #tpu.memory_space<hbm>> -> memref<10240x128xf32, #tpu.memory_space<hbm>>
        tpu.enqueue_indirect_dma source(%dma_start3A_296 : memref<10240x128xf32, #tpu.memory_space<hbm>>) target(%arg12 : memref<80x128xf32, #tpu.memory_space<vmem>>) offsets(%dma_start3A_293 : memref<80xi32, #tpu.memory_space<vmem>>) semaphore(%arg15 : memref<!tpu.dma_semaphore, #tpu.memory_space<semaphore_mem>>)
        %run_scoped3A_297 = arith.constant 6 : i32
        "tpu.region"() ({
          %run_scoped3A_318 = tpu.sem_alloc : memref<!tpu.dma_semaphore, #tpu.memory_space<semaphore_mem>>
          %dma_start3A_319 = arith.constant 0 : i32
          %dma_start3A_320 = tpu.memref_slice %arg10[%run_scoped3A_297, %dma_start3A_319] : memref<8x80xi32, #tpu.memory_space<vmem>> -> memref<1x80xi32, #tpu.memory_space<vmem>>
          %dma_start3A_321 = tpu.memref_squeeze %dma_start3A_320 : memref<1x80xi32, #tpu.memory_space<vmem>> -> memref<80xi32, #tpu.memory_space<vmem>>
          %dma_start3A_322 = arith.constant 0 : i32
          %dma_start3A_323 = arith.constant 0 : i32
          %dma_start3A_324 = tpu.memref_slice %arg13[%dma_start3A_322, %dma_start3A_323] : memref<10240x128xf32, #tpu.memory_space<vmem_shared>> -> memref<10240x128xf32, #tpu.memory_space<vmem_shared>>
          tpu.enqueue_indirect_dma source(%arg11 : memref<80x128xf32, #tpu.memory_space<vmem>>) target(%dma_start3A_324 : memref<10240x128xf32, #tpu.memory_space<vmem_shared>>) offsets(%dma_start3A_321 : memref<80xi32, #tpu.memory_space<vmem>>) semaphore(%run_scoped3A_318 : memref<!tpu.dma_semaphore, #tpu.memory_space<semaphore_mem>>) {add = true}
          %dma_wait3A_325 = arith.constant 0 : i32
          %dma_wait3A_326 = tpu.memref_slice %arg10[%run_scoped3A_297, %dma_wait3A_325] : memref<8x80xi32, #tpu.memory_space<vmem>> -> memref<1x80xi32, #tpu.memory_space<vmem>>
          %dma_wait3A_327 = tpu.memref_squeeze %dma_wait3A_326 : memref<1x80xi32, #tpu.memory_space<vmem>> -> memref<80xi32, #tpu.memory_space<vmem>>
          %dma_wait3A_328 = arith.constant 0 : i32
          %dma_wait3A_329 = arith.constant 0 : i32
          %dma_wait3A_330 = tpu.memref_slice %arg13[%dma_wait3A_328, %dma_wait3A_329] : memref<10240x128xf32, #tpu.memory_space<vmem_shared>> -> memref<10240x128xf32, #tpu.memory_space<vmem_shared>>
          tpu.wait_indirect_dma semaphore(%run_scoped3A_318 : memref<!tpu.dma_semaphore, #tpu.memory_space<semaphore_mem>>) src(%arg11 : memref<80x128xf32, #tpu.memory_space<vmem>>) dst(%dma_wait3A_330 : memref<10240x128xf32, #tpu.memory_space<vmem_shared>>)
          tpu.yield
        }) : () -> ()
        %dma_wait3A_298 = arith.constant 7 : i32
        %dma_wait3A_299 = arith.constant 0 : i32
        %dma_wait3A_300 = tpu.memref_slice %arg9[%dma_wait3A_298, %dma_wait3A_299] : memref<8x80xi32, #tpu.memory_space<vmem>> -> memref<1x80xi32, #tpu.memory_space<vmem>>
        %dma_wait3A_301 = tpu.memref_squeeze %dma_wait3A_300 : memref<1x80xi32, #tpu.memory_space<vmem>> -> memref<80xi32, #tpu.memory_space<vmem>>
        %dma_wait3A_302 = arith.constant 0 : i32
        %dma_wait3A_303 = arith.constant 0 : i32
        %dma_wait3A_304 = tpu.memref_slice %arg2[%dma_wait3A_302, %dma_wait3A_303] : memref<10240x128xf32, #tpu.memory_space<hbm>> -> memref<10240x128xf32, #tpu.memory_space<hbm>>
        tpu.wait_indirect_dma semaphore(%arg15 : memref<!tpu.dma_semaphore, #tpu.memory_space<semaphore_mem>>) src(%dma_wait3A_304 : memref<10240x128xf32, #tpu.memory_space<hbm>>) dst(%arg12 : memref<80x128xf32, #tpu.memory_space<vmem>>)
        %sub3A_305 = arith.constant 1 : i32
        %sub3A_306 = arith.subi %select_n3A, %sub3A_305 : i32
        %lt3A_307 = arith.cmpi slt, %while3A_47, %sub3A_306 : i32
        %convert_element_type3A_308 = arith.extui %lt3A_307 : i1 to i32
        %cond3A_309 = arith.constant 0 : i32
        %cond3A_310 = arith.cmpi ne, %convert_element_type3A_308, %cond3A_309 : i32
        scf.if %cond3A_310 {
          %add3A_318 = arith.constant 2 : i32
          %add3A_319 = arith.addi %add3A_50, %add3A_318 : i32
          %dma_wait3A_320 = arith.constant 0 : i32
          %dma_wait3A_321 = arith.constant 0 : i32
          %dma_wait3A_322 = tpu.memref_slice %arg3[%add3A_319, %dma_wait3A_320, %dma_wait3A_321] : memref<512x8x80xi32, #tpu.memory_space<hbm>> -> memref<1x8x80xi32, #tpu.memory_space<hbm>>
          %dma_wait3A_323 = tpu.memref_squeeze %dma_wait3A_322 : memref<1x8x80xi32, #tpu.memory_space<hbm>> -> memref<8x80xi32, #tpu.memory_space<hbm>>
          %dma_wait3A_324 = arith.constant 0 : i32
          %dma_wait3A_325 = arith.constant 0 : i32
          %dma_wait3A_326 = tpu.memref_slice %arg3[%add3A_319, %dma_wait3A_324, %dma_wait3A_325] : memref<512x8x80xi32, #tpu.memory_space<hbm>> -> memref<1x8x80xi32, #tpu.memory_space<hbm>>
          %dma_wait3A_327 = tpu.memref_squeeze %dma_wait3A_326 : memref<1x8x80xi32, #tpu.memory_space<hbm>> -> memref<8x80xi32, #tpu.memory_space<hbm>>
          tpu.wait_dma2 semaphore(%arg16 : memref<!tpu.dma_semaphore, #tpu.memory_space<semaphore_mem>>) src(%dma_wait3A_327 : memref<8x80xi32, #tpu.memory_space<hbm>>) dst(%arg7 : memref<8x80xi32, #tpu.memory_space<vmem>>)
          %add3A_328 = arith.constant 2 : i32
          %add3A_329 = arith.addi %add3A_50, %add3A_328 : i32
          %dma_wait3A_330 = arith.constant 0 : i32
          %dma_wait3A_331 = arith.constant 0 : i32
          %dma_wait3A_332 = tpu.memref_slice %arg4[%add3A_329, %dma_wait3A_330, %dma_wait3A_331] : memref<512x8x80xi32, #tpu.memory_space<hbm>> -> memref<1x8x80xi32, #tpu.memory_space<hbm>>
          %dma_wait3A_333 = tpu.memref_squeeze %dma_wait3A_332 : memref<1x8x80xi32, #tpu.memory_space<hbm>> -> memref<8x80xi32, #tpu.memory_space<hbm>>
          %dma_wait3A_334 = arith.constant 0 : i32
          %dma_wait3A_335 = arith.constant 0 : i32
          %dma_wait3A_336 = tpu.memref_slice %arg4[%add3A_329, %dma_wait3A_334, %dma_wait3A_335] : memref<512x8x80xi32, #tpu.memory_space<hbm>> -> memref<1x8x80xi32, #tpu.memory_space<hbm>>
          %dma_wait3A_337 = tpu.memref_squeeze %dma_wait3A_336 : memref<1x8x80xi32, #tpu.memory_space<hbm>> -> memref<8x80xi32, #tpu.memory_space<hbm>>
          tpu.wait_dma2 semaphore(%arg17 : memref<!tpu.dma_semaphore, #tpu.memory_space<semaphore_mem>>) src(%dma_wait3A_337 : memref<8x80xi32, #tpu.memory_space<hbm>>) dst(%arg8 : memref<8x80xi32, #tpu.memory_space<vmem>>)
          %dma_start3A_338 = arith.constant 0 : i32
          %dma_start3A_339 = arith.constant 0 : i32
          %dma_start3A_340 = tpu.memref_slice %arg7[%dma_start3A_338, %dma_start3A_339] : memref<8x80xi32, #tpu.memory_space<vmem>> -> memref<1x80xi32, #tpu.memory_space<vmem>>
          %dma_start3A_341 = tpu.memref_squeeze %dma_start3A_340 : memref<1x80xi32, #tpu.memory_space<vmem>> -> memref<80xi32, #tpu.memory_space<vmem>>
          %dma_start3A_342 = arith.constant 0 : i32
          %dma_start3A_343 = arith.constant 0 : i32
          %dma_start3A_344 = tpu.memref_slice %arg2[%dma_start3A_342, %dma_start3A_343] : memref<10240x128xf32, #tpu.memory_space<hbm>> -> memref<10240x128xf32, #tpu.memory_space<hbm>>
          tpu.enqueue_indirect_dma source(%dma_start3A_344 : memref<10240x128xf32, #tpu.memory_space<hbm>>) target(%arg11 : memref<80x128xf32, #tpu.memory_space<vmem>>) offsets(%dma_start3A_341 : memref<80xi32, #tpu.memory_space<vmem>>) semaphore(%arg14 : memref<!tpu.dma_semaphore, #tpu.memory_space<semaphore_mem>>)
        } else {
        }
        %run_scoped3A_311 = arith.constant 7 : i32
        "tpu.region"() ({
          %run_scoped3A_318 = tpu.sem_alloc : memref<!tpu.dma_semaphore, #tpu.memory_space<semaphore_mem>>
          %dma_start3A_319 = arith.constant 0 : i32
          %dma_start3A_320 = tpu.memref_slice %arg10[%run_scoped3A_311, %dma_start3A_319] : memref<8x80xi32, #tpu.memory_space<vmem>> -> memref<1x80xi32, #tpu.memory_space<vmem>>
          %dma_start3A_321 = tpu.memref_squeeze %dma_start3A_320 : memref<1x80xi32, #tpu.memory_space<vmem>> -> memref<80xi32, #tpu.memory_space<vmem>>
          %dma_start3A_322 = arith.constant 0 : i32
          %dma_start3A_323 = arith.constant 0 : i32
          %dma_start3A_324 = tpu.memref_slice %arg13[%dma_start3A_322, %dma_start3A_323] : memref<10240x128xf32, #tpu.memory_space<vmem_shared>> -> memref<10240x128xf32, #tpu.memory_space<vmem_shared>>
          tpu.enqueue_indirect_dma source(%arg12 : memref<80x128xf32, #tpu.memory_space<vmem>>) target(%dma_start3A_324 : memref<10240x128xf32, #tpu.memory_space<vmem_shared>>) offsets(%dma_start3A_321 : memref<80xi32, #tpu.memory_space<vmem>>) semaphore(%run_scoped3A_318 : memref<!tpu.dma_semaphore, #tpu.memory_space<semaphore_mem>>) {add = true}
          %dma_wait3A_325 = arith.constant 0 : i32
          %dma_wait3A_326 = tpu.memref_slice %arg10[%run_scoped3A_311, %dma_wait3A_325] : memref<8x80xi32, #tpu.memory_space<vmem>> -> memref<1x80xi32, #tpu.memory_space<vmem>>
          %dma_wait3A_327 = tpu.memref_squeeze %dma_wait3A_326 : memref<1x80xi32, #tpu.memory_space<vmem>> -> memref<80xi32, #tpu.memory_space<vmem>>
          %dma_wait3A_328 = arith.constant 0 : i32
          %dma_wait3A_329 = arith.constant 0 : i32
          %dma_wait3A_330 = tpu.memref_slice %arg13[%dma_wait3A_328, %dma_wait3A_329] : memref<10240x128xf32, #tpu.memory_space<vmem_shared>> -> memref<10240x128xf32, #tpu.memory_space<vmem_shared>>
          tpu.wait_indirect_dma semaphore(%run_scoped3A_318 : memref<!tpu.dma_semaphore, #tpu.memory_space<semaphore_mem>>) src(%arg12 : memref<80x128xf32, #tpu.memory_space<vmem>>) dst(%dma_wait3A_330 : memref<10240x128xf32, #tpu.memory_space<vmem_shared>>)
          tpu.yield
        }) : () -> ()
        %sub3A_312 = arith.constant 1 : i32
        %sub3A_313 = arith.subi %select_n3A, %sub3A_312 : i32
        %lt3A_314 = arith.cmpi slt, %while3A_47, %sub3A_313 : i32
        %convert_element_type3A_315 = arith.extui %lt3A_314 : i1 to i32
        %cond3A_316 = arith.constant 0 : i32
        %cond3A_317 = arith.cmpi ne, %convert_element_type3A_315, %cond3A_316 : i32
        scf.if %cond3A_317 {
          %add3A_318 = arith.constant 3 : i32
          %add3A_319 = arith.addi %add3A_50, %add3A_318 : i32
          %dma_start3A_320 = arith.constant 0 : i32
          %dma_start3A_321 = arith.constant 0 : i32
          %dma_start3A_322 = tpu.memref_slice %arg3[%add3A_319, %dma_start3A_320, %dma_start3A_321] : memref<512x8x80xi32, #tpu.memory_space<hbm>> -> memref<1x8x80xi32, #tpu.memory_space<hbm>>
          %dma_start3A_323 = tpu.memref_squeeze %dma_start3A_322 : memref<1x8x80xi32, #tpu.memory_space<hbm>> -> memref<8x80xi32, #tpu.memory_space<hbm>>
          %dma_start3A_324 = arith.constant 0 : i32
          %dma_start3A_325 = arith.constant 0 : i32
          %dma_start3A_326 = tpu.memref_slice %arg3[%add3A_319, %dma_start3A_324, %dma_start3A_325] : memref<512x8x80xi32, #tpu.memory_space<hbm>> -> memref<1x8x80xi32, #tpu.memory_space<hbm>>
          %dma_start3A_327 = tpu.memref_squeeze %dma_start3A_326 : memref<1x8x80xi32, #tpu.memory_space<hbm>> -> memref<8x80xi32, #tpu.memory_space<hbm>>
          tpu.enqueue_dma source(%dma_start3A_327 : memref<8x80xi32, #tpu.memory_space<hbm>>) target(%arg9 : memref<8x80xi32, #tpu.memory_space<vmem>>) target_semaphore(%arg16 : memref<!tpu.dma_semaphore, #tpu.memory_space<semaphore_mem>>)
          %add3A_328 = arith.constant 3 : i32
          %add3A_329 = arith.addi %add3A_50, %add3A_328 : i32
          %dma_start3A_330 = arith.constant 0 : i32
          %dma_start3A_331 = arith.constant 0 : i32
          %dma_start3A_332 = tpu.memref_slice %arg4[%add3A_329, %dma_start3A_330, %dma_start3A_331] : memref<512x8x80xi32, #tpu.memory_space<hbm>> -> memref<1x8x80xi32, #tpu.memory_space<hbm>>
          %dma_start3A_333 = tpu.memref_squeeze %dma_start3A_332 : memref<1x8x80xi32, #tpu.memory_space<hbm>> -> memref<8x80xi32, #tpu.memory_space<hbm>>
          %dma_start3A_334 = arith.constant 0 : i32
          %dma_start3A_335 = arith.constant 0 : i32
          %dma_start3A_336 = tpu.memref_slice %arg4[%add3A_329, %dma_start3A_334, %dma_start3A_335] : memref<512x8x80xi32, #tpu.memory_space<hbm>> -> memref<1x8x80xi32, #tpu.memory_space<hbm>>
          %dma_start3A_337 = tpu.memref_squeeze %dma_start3A_336 : memref<1x8x80xi32, #tpu.memory_space<hbm>> -> memref<8x80xi32, #tpu.memory_space<hbm>>
          tpu.enqueue_dma source(%dma_start3A_337 : memref<8x80xi32, #tpu.memory_space<hbm>>) target(%arg10 : memref<8x80xi32, #tpu.memory_space<vmem>>) target_semaphore(%arg17 : memref<!tpu.dma_semaphore, #tpu.memory_space<semaphore_mem>>)
        } else {
        }
      }
      %barrier3A_42 = arith.constant 0 : index
      tpu.barrier barrier_id(%barrier3A_42)
      %mul3A_43 = arith.constant 640 : i32
      %mul3A_44 = arith.muli %arg1, %mul3A_43 : i32
      %mul3A_45 = arith.constant 640 : i32
      %mul3A_46 = arith.muli %arg1, %mul3A_45 : i32
      "tpu.region"() ({
        %run_scoped3A = tpu.sem_alloc : memref<!tpu.dma_semaphore, #tpu.memory_space<semaphore_mem>>
        %dma_start3A_47 = arith.constant 0 : i32
        %dma_start3A_48 = tpu.memref_slice %arg6[%mul3A_46, %dma_start3A_47] : memref<10240x128xf32, #tpu.memory_space<hbm>> -> memref<640x128xf32, #tpu.memory_space<hbm>>
        %dma_start3A_49 = arith.constant 0 : i32
        %dma_start3A_50 = tpu.memref_slice %arg13[%mul3A_44, %dma_start3A_49] : memref<10240x128xf32, #tpu.memory_space<vmem_shared>> -> memref<640x128xf32, #tpu.memory_space<vmem_shared>>
        tpu.enqueue_dma source(%dma_start3A_50 : memref<640x128xf32, #tpu.memory_space<vmem_shared>>) target(%dma_start3A_48 : memref<640x128xf32, #tpu.memory_space<hbm>>) target_semaphore(%run_scoped3A : memref<!tpu.dma_semaphore, #tpu.memory_space<semaphore_mem>>)
        %dma_wait3A = arith.constant 0 : i32
        %dma_wait3A_51 = tpu.memref_slice %arg6[%mul3A_46, %dma_wait3A] : memref<10240x128xf32, #tpu.memory_space<hbm>> -> memref<640x128xf32, #tpu.memory_space<hbm>>
        %dma_wait3A_52 = arith.constant 0 : i32
        %dma_wait3A_53 = tpu.memref_slice %arg13[%mul3A_44, %dma_wait3A_52] : memref<10240x128xf32, #tpu.memory_space<vmem_shared>> -> memref<640x128xf32, #tpu.memory_space<vmem_shared>>
        tpu.wait_dma2 semaphore(%run_scoped3A : memref<!tpu.dma_semaphore, #tpu.memory_space<semaphore_mem>>) src(%dma_wait3A_53 : memref<640x128xf32, #tpu.memory_space<vmem_shared>>) dst(%dma_wait3A_51 : memref<640x128xf32, #tpu.memory_space<hbm>>)
        tpu.yield
      }) : () -> ()
    } else {
    }
    return
  }
}

#map = affine_map<(d0, d1) -> (0, 0, 0)>
#map1 = affine_map<(d0, d1) -> (0, 0)>
module attributes {stable_mosaic.version = 14 : i64} {
  func.func @_deg_kernel(%arg0: i32, %arg1: i32, %arg2: memref<32x80x128xi32, #tpu.memory_space<hbm>>, %arg3: memref<640x128xf32, #tpu.memory_space<hbm>>, %arg4: memref<32x80x128xf32, #tpu.memory_space<hbm>>, %arg5: memref<80x128xi32, #tpu.memory_space<vmem>>, %arg6: memref<80x128xf32, #tpu.memory_space<vmem>>) attributes {dimension_semantics = [#tpu.dimension_semantics<core_parallel>, #tpu.dimension_semantics<subcore_parallel>], iteration_bounds = array<i64: 2, 16>, scalar_prefetch = 0 : i64, scratch_operands = 2 : i64, tpu.core_type = #tpu.core_type<sc_vector_subcore>, window_params = [{transform_indices = #map}, {transform_indices = #map1}, {transform_indices = #map}]} {
    %mul3A = arith.constant 16 : i32
    %mul3A_0 = arith.muli %arg0, %mul3A : i32
    %add3A = arith.addi %mul3A_0, %arg1 : i32
    "tpu.region"() ({
      %run_scoped3A = tpu.sem_alloc : memref<!tpu.dma_semaphore, #tpu.memory_space<semaphore_mem>>
      %dma_start3A = arith.constant 0 : i32
      %dma_start3A_7 = arith.constant 0 : i32
      %dma_start3A_8 = tpu.memref_slice %arg2[%add3A, %dma_start3A, %dma_start3A_7] : memref<32x80x128xi32, #tpu.memory_space<hbm>> -> memref<1x80x128xi32, #tpu.memory_space<hbm>>
      %dma_start3A_9 = tpu.memref_squeeze %dma_start3A_8 : memref<1x80x128xi32, #tpu.memory_space<hbm>> -> memref<80x128xi32, #tpu.memory_space<hbm>>
      %dma_start3A_10 = arith.constant 0 : i32
      %dma_start3A_11 = arith.constant 0 : i32
      %dma_start3A_12 = tpu.memref_slice %arg2[%add3A, %dma_start3A_10, %dma_start3A_11] : memref<32x80x128xi32, #tpu.memory_space<hbm>> -> memref<1x80x128xi32, #tpu.memory_space<hbm>>
      %dma_start3A_13 = tpu.memref_squeeze %dma_start3A_12 : memref<1x80x128xi32, #tpu.memory_space<hbm>> -> memref<80x128xi32, #tpu.memory_space<hbm>>
      tpu.enqueue_dma source(%dma_start3A_13 : memref<80x128xi32, #tpu.memory_space<hbm>>) target(%arg5 : memref<80x128xi32, #tpu.memory_space<vmem>>) target_semaphore(%run_scoped3A : memref<!tpu.dma_semaphore, #tpu.memory_space<semaphore_mem>>)
      %dma_wait3A = arith.constant 0 : i32
      %dma_wait3A_14 = arith.constant 0 : i32
      %dma_wait3A_15 = tpu.memref_slice %arg2[%add3A, %dma_wait3A, %dma_wait3A_14] : memref<32x80x128xi32, #tpu.memory_space<hbm>> -> memref<1x80x128xi32, #tpu.memory_space<hbm>>
      %dma_wait3A_16 = tpu.memref_squeeze %dma_wait3A_15 : memref<1x80x128xi32, #tpu.memory_space<hbm>> -> memref<80x128xi32, #tpu.memory_space<hbm>>
      %dma_wait3A_17 = arith.constant 0 : i32
      %dma_wait3A_18 = arith.constant 0 : i32
      %dma_wait3A_19 = tpu.memref_slice %arg2[%add3A, %dma_wait3A_17, %dma_wait3A_18] : memref<32x80x128xi32, #tpu.memory_space<hbm>> -> memref<1x80x128xi32, #tpu.memory_space<hbm>>
      %dma_wait3A_20 = tpu.memref_squeeze %dma_wait3A_19 : memref<1x80x128xi32, #tpu.memory_space<hbm>> -> memref<80x128xi32, #tpu.memory_space<hbm>>
      tpu.wait_dma2 semaphore(%run_scoped3A : memref<!tpu.dma_semaphore, #tpu.memory_space<semaphore_mem>>) src(%dma_wait3A_20 : memref<80x128xi32, #tpu.memory_space<hbm>>) dst(%arg5 : memref<80x128xi32, #tpu.memory_space<vmem>>)
      tpu.yield
    }) : () -> ()
    "tpu.region"() ({
      %run_scoped3A = tpu.sem_alloc : memref<!tpu.dma_semaphore, #tpu.memory_space<semaphore_mem>>
      %dma_start3A = arith.constant 0 : i32
      %dma_start3A_7 = arith.constant 0 : i32
      %dma_start3A_8 = tpu.memref_slice %arg3[%dma_start3A, %dma_start3A_7] : memref<640x128xf32, #tpu.memory_space<hbm>> -> memref<80x128xf32, #tpu.memory_space<hbm>>
      %dma_start3A_9 = arith.constant 0 : i32
      %dma_start3A_10 = arith.constant 0 : i32
      %dma_start3A_11 = tpu.memref_slice %arg3[%dma_start3A_9, %dma_start3A_10] : memref<640x128xf32, #tpu.memory_space<hbm>> -> memref<80x128xf32, #tpu.memory_space<hbm>>
      tpu.enqueue_dma source(%dma_start3A_11 : memref<80x128xf32, #tpu.memory_space<hbm>>) target(%arg6 : memref<80x128xf32, #tpu.memory_space<vmem>>) target_semaphore(%run_scoped3A : memref<!tpu.dma_semaphore, #tpu.memory_space<semaphore_mem>>)
      %dma_wait3A = arith.constant 0 : i32
      %dma_wait3A_12 = arith.constant 0 : i32
      %dma_wait3A_13 = tpu.memref_slice %arg3[%dma_wait3A, %dma_wait3A_12] : memref<640x128xf32, #tpu.memory_space<hbm>> -> memref<80x128xf32, #tpu.memory_space<hbm>>
      %dma_wait3A_14 = arith.constant 0 : i32
      %dma_wait3A_15 = arith.constant 0 : i32
      %dma_wait3A_16 = tpu.memref_slice %arg3[%dma_wait3A_14, %dma_wait3A_15] : memref<640x128xf32, #tpu.memory_space<hbm>> -> memref<80x128xf32, #tpu.memory_space<hbm>>
      tpu.wait_dma2 semaphore(%run_scoped3A : memref<!tpu.dma_semaphore, #tpu.memory_space<semaphore_mem>>) src(%dma_wait3A_16 : memref<80x128xf32, #tpu.memory_space<hbm>>) dst(%arg6 : memref<80x128xf32, #tpu.memory_space<vmem>>)
      tpu.yield
    }) : () -> ()
    %broadcast_in_dim3A = arith.constant 1.000000e+00 : f32
    %broadcast_in_dim3A_1 = vector.broadcast %broadcast_in_dim3A : f32 to vector<16xf32>
    %scan3A = arith.constant 0 : i32
    %scan3A_2 = arith.constant 0 : i32
    %scan3A_3 = arith.constant 80 : i32
    %scan3A_4 = arith.addi %scan3A_2, %scan3A_3 : i32
    %scan3A_5 = arith.constant 1 : i32
    scf.for %scan3A_7 = %scan3A_2 to %scan3A_4 step %scan3A_5  : i32 {
      %scan3A_8 = arith.constant 0 : i32
      %scan3A_9 = arith.constant 8 : i32
      %scan3A_10 = arith.addi %scan3A_8, %scan3A_9 : i32
      %scan3A_11 = arith.constant 1 : i32
      scf.for %scan3A_13 = %scan3A_8 to %scan3A_10 step %scan3A_11  : i32 {
        %mul3A_14 = arith.constant 16 : i32
        %mul3A_15 = arith.muli %scan3A_13, %mul3A_14 : i32
        %multiple_of3A = tpu.assume_multiple %mul3A_15, 16 : i32
        %get3A = arith.index_cast %scan3A_7 : i32 to index
        %get3A_16 = arith.index_cast %multiple_of3A : i32 to index
        %get3A_17 = tpu.vector_load %arg5[%get3A, %get3A_16] {strides = array<i32>} : memref<80x128xi32, #tpu.memory_space<vmem>>, vector<16xi32>,
        %shift_right_logical3A = arith.constant 7 : i32
        %shift_right_logical3A_18 = vector.broadcast %shift_right_logical3A : i32 to vector<16xi32>
        %shift_right_logical3A_19 = arith.shrui %get3A_17, %shift_right_logical3A_18 : vector<16xi32>
        %and3A = arith.constant 127 : i32
        %and3A_20 = vector.broadcast %and3A : i32 to vector<16xi32>
        %and3A_21 = arith.andi %get3A_17, %and3A_20 : vector<16xi32>
        tpu.vector_store_idx %arg6[%shift_right_logical3A_19, %and3A_21], %broadcast_in_dim3A_1 {add = true} : memref<80x128xf32, #tpu.memory_space<vmem>>[vector<16xi32>, vector<16xi32>], vector<16xf32>,
      }
      %scan3A_12 = arith.constant 8 : i32
    }
    %scan3A_6 = arith.constant 80 : i32
    "tpu.region"() ({
      %run_scoped3A = tpu.sem_alloc : memref<!tpu.dma_semaphore, #tpu.memory_space<semaphore_mem>>
      %dma_start3A = arith.constant 0 : i32
      %dma_start3A_7 = arith.constant 0 : i32
      %dma_start3A_8 = tpu.memref_slice %arg4[%add3A, %dma_start3A, %dma_start3A_7] : memref<32x80x128xf32, #tpu.memory_space<hbm>> -> memref<1x80x128xf32, #tpu.memory_space<hbm>>
      %dma_start3A_9 = tpu.memref_squeeze %dma_start3A_8 : memref<1x80x128xf32, #tpu.memory_space<hbm>> -> memref<80x128xf32, #tpu.memory_space<hbm>>
      %dma_start3A_10 = arith.constant 0 : i32
      %dma_start3A_11 = arith.constant 0 : i32
      %dma_start3A_12 = tpu.memref_slice %arg4[%add3A, %dma_start3A_10, %dma_start3A_11] : memref<32x80x128xf32, #tpu.memory_space<hbm>> -> memref<1x80x128xf32, #tpu.memory_space<hbm>>
      %dma_start3A_13 = tpu.memref_squeeze %dma_start3A_12 : memref<1x80x128xf32, #tpu.memory_space<hbm>> -> memref<80x128xf32, #tpu.memory_space<hbm>>
      tpu.enqueue_dma source(%arg6 : memref<80x128xf32, #tpu.memory_space<vmem>>) target(%dma_start3A_13 : memref<80x128xf32, #tpu.memory_space<hbm>>) target_semaphore(%run_scoped3A : memref<!tpu.dma_semaphore, #tpu.memory_space<semaphore_mem>>)
      %dma_wait3A = arith.constant 0 : i32
      %dma_wait3A_14 = arith.constant 0 : i32
      %dma_wait3A_15 = tpu.memref_slice %arg4[%add3A, %dma_wait3A, %dma_wait3A_14] : memref<32x80x128xf32, #tpu.memory_space<hbm>> -> memref<1x80x128xf32, #tpu.memory_space<hbm>>
      %dma_wait3A_16 = tpu.memref_squeeze %dma_wait3A_15 : memref<1x80x128xf32, #tpu.memory_space<hbm>> -> memref<80x128xf32, #tpu.memory_space<hbm>>
      %dma_wait3A_17 = arith.constant 0 : i32
      %dma_wait3A_18 = arith.constant 0 : i32
      %dma_wait3A_19 = tpu.memref_slice %arg4[%add3A, %dma_wait3A_17, %dma_wait3A_18] : memref<32x80x128xf32, #tpu.memory_space<hbm>> -> memref<1x80x128xf32, #tpu.memory_space<hbm>>
      %dma_wait3A_20 = tpu.memref_squeeze %dma_wait3A_19 : memref<1x80x128xf32, #tpu.memory_space<hbm>> -> memref<80x128xf32, #tpu.memory_space<hbm>>
      tpu.wait_dma2 semaphore(%run_scoped3A : memref<!tpu.dma_semaphore, #tpu.memory_space<semaphore_mem>>) src(%arg6 : memref<80x128xf32, #tpu.memory_space<vmem>>) dst(%dma_wait3A_20 : memref<80x128xf32, #tpu.memory_space<hbm>>)
      tpu.yield
    }) : () -> ()
    return
  }
}

#map = affine_map<(d0, d1) -> (0, 0)>
#map1 = affine_map<(d0, d1) -> (0, 0, 0)>
module attributes {stable_mosaic.version = 14 : i64} {
  func.func @_agg_kernel(%arg0: i32, %arg1: i32, %arg2: memref<10240x128xf32, #tpu.memory_space<hbm>>, %arg3: memref<512x8x80xi32, #tpu.memory_space<hbm>>, %arg4: memref<512x8x80xi32, #tpu.memory_space<hbm>>, %arg5: memref<640x128xf32, #tpu.memory_space<hbm>>, %arg6: memref<10240x128xf32, #tpu.memory_space<hbm>>, %arg7: memref<8x80xi32, #tpu.memory_space<vmem>>, %arg8: memref<8x80xi32, #tpu.memory_space<vmem>>, %arg9: memref<8x80xi32, #tpu.memory_space<vmem>>, %arg10: memref<8x80xi32, #tpu.memory_space<vmem>>, %arg11: memref<80x128xf32, #tpu.memory_space<vmem>>, %arg12: memref<80x128xf32, #tpu.memory_space<vmem>>, %arg13: memref<10240x128xf32, #tpu.memory_space<vmem_shared>>, %arg14: memref<!tpu.dma_semaphore, #tpu.memory_space<semaphore_mem>>, %arg15: memref<!tpu.dma_semaphore, #tpu.memory_space<semaphore_mem>>, %arg16: memref<!tpu.dma_semaphore, #tpu.memory_space<semaphore_mem>>, %arg17: memref<!tpu.dma_semaphore, #tpu.memory_space<semaphore_mem>>) attributes {dimension_semantics = [#tpu.dimension_semantics<core_parallel>, #tpu.dimension_semantics<subcore_parallel>], iteration_bounds = array<i64: 2, 16>, scalar_prefetch = 0 : i64, scratch_operands = 11 : i64, tpu.core_type = #tpu.core_type<sc_vector_subcore>, window_params = [{transform_indices = #map}, {transform_indices = #map1}, {transform_indices = #map1}, {transform_indices = #map}, {transform_indices = #map}]} {
    %eq3A = arith.constant 0 : i32
    %eq3A_0 = arith.cmpi eq, %arg0, %eq3A : i32
    %convert_element_type3A = arith.extui %eq3A_0 : i1 to i32
    %cond3A = arith.constant 0 : i32
    %cond3A_1 = arith.cmpi ne, %convert_element_type3A, %cond3A : i32
    scf.if %cond3A_1 {
      %eq3A_2 = arith.constant 0 : i32
      %eq3A_3 = arith.cmpi eq, %arg0, %eq3A_2 : i32
      %jit3A = arith.constant 16 : i32
      %jit3A_4 = arith.constant 1 : i32
      %select_n3A = arith.select %eq3A_3, %jit3A, %jit3A_4 : i32
      %mul3A = arith.constant 32 : i32
      %mul3A_5 = arith.muli %arg1, %mul3A : i32
      %mul3A_6 = arith.constant 640 : i32
      %mul3A_7 = arith.muli %arg1, %mul3A_6 : i32
      "tpu.region"() ({
        %run_scoped3A = tpu.sem_alloc : memref<!tpu.dma_semaphore, #tpu.memory_space<semaphore_mem>>
        %dma_start3A_47 = arith.constant 0 : i32
        %dma_start3A_48 = tpu.memref_slice %arg13[%mul3A_7, %dma_start3A_47] : memref<10240x128xf32, #tpu.memory_space<vmem_shared>> -> memref<640x128xf32, #tpu.memory_space<vmem_shared>>
        tpu.enqueue_dma source(%arg5 : memref<640x128xf32, #tpu.memory_space<hbm>>) target(%dma_start3A_48 : memref<640x128xf32, #tpu.memory_space<vmem_shared>>) target_semaphore(%run_scoped3A : memref<!tpu.dma_semaphore, #tpu.memory_space<semaphore_mem>>)
        %dma_wait3A = arith.constant 0 : i32
        %dma_wait3A_49 = tpu.memref_slice %arg13[%mul3A_7, %dma_wait3A] : memref<10240x128xf32, #tpu.memory_space<vmem_shared>> -> memref<640x128xf32, #tpu.memory_space<vmem_shared>>
        tpu.wait_dma2 semaphore(%run_scoped3A : memref<!tpu.dma_semaphore, #tpu.memory_space<semaphore_mem>>) src(%arg5 : memref<640x128xf32, #tpu.memory_space<hbm>>) dst(%dma_wait3A_49 : memref<640x128xf32, #tpu.memory_space<vmem_shared>>)
        tpu.yield
      }) : () -> ()
      "tpu.region"() ({
        %run_scoped3A = tpu.sem_alloc : memref<!tpu.dma_semaphore, #tpu.memory_space<semaphore_mem>>
        %dma_start3A_47 = arith.constant 0 : i32
        %dma_start3A_48 = arith.constant 0 : i32
        %dma_start3A_49 = tpu.memref_slice %arg3[%mul3A_5, %dma_start3A_47, %dma_start3A_48] : memref<512x8x80xi32, #tpu.memory_space<hbm>> -> memref<1x8x80xi32, #tpu.memory_space<hbm>>
        %dma_start3A_50 = tpu.memref_squeeze %dma_start3A_49 : memref<1x8x80xi32, #tpu.memory_space<hbm>> -> memref<8x80xi32, #tpu.memory_space<hbm>>
        %dma_start3A_51 = arith.constant 0 : i32
        %dma_start3A_52 = arith.constant 0 : i32
        %dma_start3A_53 = tpu.memref_slice %arg3[%mul3A_5, %dma_start3A_51, %dma_start3A_52] : memref<512x8x80xi32, #tpu.memory_space<hbm>> -> memref<1x8x80xi32, #tpu.memory_space<hbm>>
        %dma_start3A_54 = tpu.memref_squeeze %dma_start3A_53 : memref<1x8x80xi32, #tpu.memory_space<hbm>> -> memref<8x80xi32, #tpu.memory_space<hbm>>
        tpu.enqueue_dma source(%dma_start3A_54 : memref<8x80xi32, #tpu.memory_space<hbm>>) target(%arg7 : memref<8x80xi32, #tpu.memory_space<vmem>>) target_semaphore(%run_scoped3A : memref<!tpu.dma_semaphore, #tpu.memory_space<semaphore_mem>>)
        %dma_wait3A = arith.constant 0 : i32
        %dma_wait3A_55 = arith.constant 0 : i32
        %dma_wait3A_56 = tpu.memref_slice %arg3[%mul3A_5, %dma_wait3A, %dma_wait3A_55] : memref<512x8x80xi32, #tpu.memory_space<hbm>> -> memref<1x8x80xi32, #tpu.memory_space<hbm>>
        %dma_wait3A_57 = tpu.memref_squeeze %dma_wait3A_56 : memref<1x8x80xi32, #tpu.memory_space<hbm>> -> memref<8x80xi32, #tpu.memory_space<hbm>>
        %dma_wait3A_58 = arith.constant 0 : i32
        %dma_wait3A_59 = arith.constant 0 : i32
        %dma_wait3A_60 = tpu.memref_slice %arg3[%mul3A_5, %dma_wait3A_58, %dma_wait3A_59] : memref<512x8x80xi32, #tpu.memory_space<hbm>> -> memref<1x8x80xi32, #tpu.memory_space<hbm>>
        %dma_wait3A_61 = tpu.memref_squeeze %dma_wait3A_60 : memref<1x8x80xi32, #tpu.memory_space<hbm>> -> memref<8x80xi32, #tpu.memory_space<hbm>>
        tpu.wait_dma2 semaphore(%run_scoped3A : memref<!tpu.dma_semaphore, #tpu.memory_space<semaphore_mem>>) src(%dma_wait3A_61 : memref<8x80xi32, #tpu.memory_space<hbm>>) dst(%arg7 : memref<8x80xi32, #tpu.memory_space<vmem>>)
        tpu.yield
      }) : () -> ()
      "tpu.region"() ({
        %run_scoped3A = tpu.sem_alloc : memref<!tpu.dma_semaphore, #tpu.memory_space<semaphore_mem>>
        %dma_start3A_47 = arith.constant 0 : i32
        %dma_start3A_48 = arith.constant 0 : i32
        %dma_start3A_49 = tpu.memref_slice %arg4[%mul3A_5, %dma_start3A_47, %dma_start3A_48] : memref<512x8x80xi32, #tpu.memory_space<hbm>> -> memref<1x8x80xi32, #tpu.memory_space<hbm>>
        %dma_start3A_50 = tpu.memref_squeeze %dma_start3A_49 : memref<1x8x80xi32, #tpu.memory_space<hbm>> -> memref<8x80xi32, #tpu.memory_space<hbm>>
        %dma_start3A_51 = arith.constant 0 : i32
        %dma_start3A_52 = arith.constant 0 : i32
        %dma_start3A_53 = tpu.memref_slice %arg4[%mul3A_5, %dma_start3A_51, %dma_start3A_52] : memref<512x8x80xi32, #tpu.memory_space<hbm>> -> memref<1x8x80xi32, #tpu.memory_space<hbm>>
        %dma_start3A_54 = tpu.memref_squeeze %dma_start3A_53 : memref<1x8x80xi32, #tpu.memory_space<hbm>> -> memref<8x80xi32, #tpu.memory_space<hbm>>
        tpu.enqueue_dma source(%dma_start3A_54 : memref<8x80xi32, #tpu.memory_space<hbm>>) target(%arg8 : memref<8x80xi32, #tpu.memory_space<vmem>>) target_semaphore(%run_scoped3A : memref<!tpu.dma_semaphore, #tpu.memory_space<semaphore_mem>>)
        %dma_wait3A = arith.constant 0 : i32
        %dma_wait3A_55 = arith.constant 0 : i32
        %dma_wait3A_56 = tpu.memref_slice %arg4[%mul3A_5, %dma_wait3A, %dma_wait3A_55] : memref<512x8x80xi32, #tpu.memory_space<hbm>> -> memref<1x8x80xi32, #tpu.memory_space<hbm>>
        %dma_wait3A_57 = tpu.memref_squeeze %dma_wait3A_56 : memref<1x8x80xi32, #tpu.memory_space<hbm>> -> memref<8x80xi32, #tpu.memory_space<hbm>>
        %dma_wait3A_58 = arith.constant 0 : i32
        %dma_wait3A_59 = arith.constant 0 : i32
        %dma_wait3A_60 = tpu.memref_slice %arg4[%mul3A_5, %dma_wait3A_58, %dma_wait3A_59] : memref<512x8x80xi32, #tpu.memory_space<hbm>> -> memref<1x8x80xi32, #tpu.memory_space<hbm>>
        %dma_wait3A_61 = tpu.memref_squeeze %dma_wait3A_60 : memref<1x8x80xi32, #tpu.memory_space<hbm>> -> memref<8x80xi32, #tpu.memory_space<hbm>>
        tpu.wait_dma2 semaphore(%run_scoped3A : memref<!tpu.dma_semaphore, #tpu.memory_space<semaphore_mem>>) src(%dma_wait3A_61 : memref<8x80xi32, #tpu.memory_space<hbm>>) dst(%arg8 : memref<8x80xi32, #tpu.memory_space<vmem>>)
        tpu.yield
      }) : () -> ()
      %add3A = arith.constant 1 : i32
      %add3A_8 = arith.addi %mul3A_5, %add3A : i32
      %dma_start3A = arith.constant 0 : i32
      %dma_start3A_9 = arith.constant 0 : i32
      %dma_start3A_10 = tpu.memref_slice %arg3[%add3A_8, %dma_start3A, %dma_start3A_9] : memref<512x8x80xi32, #tpu.memory_space<hbm>> -> memref<1x8x80xi32, #tpu.memory_space<hbm>>
      %dma_start3A_11 = tpu.memref_squeeze %dma_start3A_10 : memref<1x8x80xi32, #tpu.memory_space<hbm>> -> memref<8x80xi32, #tpu.memory_space<hbm>>
      %dma_start3A_12 = arith.constant 0 : i32
      %dma_start3A_13 = arith.constant 0 : i32
      %dma_start3A_14 = tpu.memref_slice %arg3[%add3A_8, %dma_start3A_12, %dma_start3A_13] : memref<512x8x80xi32, #tpu.memory_space<hbm>> -> memref<1x8x80xi32, #tpu.memory_space<hbm>>
      %dma_start3A_15 = tpu.memref_squeeze %dma_start3A_14 : memref<1x8x80xi32, #tpu.memory_space<hbm>> -> memref<8x80xi32, #tpu.memory_space<hbm>>
      tpu.enqueue_dma source(%dma_start3A_15 : memref<8x80xi32, #tpu.memory_space<hbm>>) target(%arg9 : memref<8x80xi32, #tpu.memory_space<vmem>>) target_semaphore(%arg16 : memref<!tpu.dma_semaphore, #tpu.memory_space<semaphore_mem>>)
      %add3A_16 = arith.constant 1 : i32
      %add3A_17 = arith.addi %mul3A_5, %add3A_16 : i32
      %dma_start3A_18 = arith.constant 0 : i32
      %dma_start3A_19 = arith.constant 0 : i32
      %dma_start3A_20 = tpu.memref_slice %arg4[%add3A_17, %dma_start3A_18, %dma_start3A_19] : memref<512x8x80xi32, #tpu.memory_space<hbm>> -> memref<1x8x80xi32, #tpu.memory_space<hbm>>
      %dma_start3A_21 = tpu.memref_squeeze %dma_start3A_20 : memref<1x8x80xi32, #tpu.memory_space<hbm>> -> memref<8x80xi32, #tpu.memory_space<hbm>>
      %dma_start3A_22 = arith.constant 0 : i32
      %dma_start3A_23 = arith.constant 0 : i32
      %dma_start3A_24 = tpu.memref_slice %arg4[%add3A_17, %dma_start3A_22, %dma_start3A_23] : memref<512x8x80xi32, #tpu.memory_space<hbm>> -> memref<1x8x80xi32, #tpu.memory_space<hbm>>
      %dma_start3A_25 = tpu.memref_squeeze %dma_start3A_24 : memref<1x8x80xi32, #tpu.memory_space<hbm>> -> memref<8x80xi32, #tpu.memory_space<hbm>>
      tpu.enqueue_dma source(%dma_start3A_25 : memref<8x80xi32, #tpu.memory_space<hbm>>) target(%arg10 : memref<8x80xi32, #tpu.memory_space<vmem>>) target_semaphore(%arg17 : memref<!tpu.dma_semaphore, #tpu.memory_space<semaphore_mem>>)
      %barrier3A = arith.constant 0 : index
      tpu.barrier barrier_id(%barrier3A)
      %dma_start3A_26 = arith.constant 0 : i32
      %dma_start3A_27 = arith.constant 0 : i32
      %dma_start3A_28 = tpu.memref_slice %arg7[%dma_start3A_26, %dma_start3A_27] : memref<8x80xi32, #tpu.memory_space<vmem>> -> memref<1x80xi32, #tpu.memory_space<vmem>>
      %dma_start3A_29 = tpu.memref_squeeze %dma_start3A_28 : memref<1x80xi32, #tpu.memory_space<vmem>> -> memref<80xi32, #tpu.memory_space<vmem>>
      %dma_start3A_30 = arith.constant 0 : i32
      %dma_start3A_31 = arith.constant 0 : i32
      %dma_start3A_32 = tpu.memref_slice %arg2[%dma_start3A_30, %dma_start3A_31] : memref<10240x128xf32, #tpu.memory_space<hbm>> -> memref<10240x128xf32, #tpu.memory_space<hbm>>
      tpu.enqueue_indirect_dma source(%dma_start3A_32 : memref<10240x128xf32, #tpu.memory_space<hbm>>) target(%arg11 : memref<80x128xf32, #tpu.memory_space<vmem>>) offsets(%dma_start3A_29 : memref<80xi32, #tpu.memory_space<vmem>>) semaphore(%arg14 : memref<!tpu.dma_semaphore, #tpu.memory_space<semaphore_mem>>)
      %while3A = arith.constant 0 : i32
      %while3A_33 = arith.constant 0 : i32
      %while3A_34 = arith.subi %select_n3A, %while3A_33 : i32
      %while3A_35 = arith.addi %while3A_33, %while3A_34 : i32
      %while3A_36 = arith.constant 1 : i32
      %while3A_37 = arith.divsi %while3A_34, %while3A_36 : i32
      %while3A_38 = arith.muli %while3A_37, %while3A_36 : i32
      %while3A_39 = arith.addi %while3A_33, %while3A_38 : i32
      %while3A_40 = arith.constant 1 : i32
      scf.for %while3A_47 = %while3A_33 to %while3A_39 step %while3A_40  : i32 {
        %mul3A_48 = arith.constant 2 : i32
        %mul3A_49 = arith.muli %mul3A_48, %while3A_47 : i32
        %add3A_50 = arith.addi %mul3A_5, %mul3A_49 : i32
        %dma_wait3A = arith.constant 0 : i32
        %dma_wait3A_51 = arith.constant 0 : i32
        %dma_wait3A_52 = tpu.memref_slice %arg7[%dma_wait3A, %dma_wait3A_51] : memref<8x80xi32, #tpu.memory_space<vmem>> -> memref<1x80xi32, #tpu.memory_space<vmem>>
        %dma_wait3A_53 = tpu.memref_squeeze %dma_wait3A_52 : memref<1x80xi32, #tpu.memory_space<vmem>> -> memref<80xi32, #tpu.memory_space<vmem>>
        %dma_wait3A_54 = arith.constant 0 : i32
        %dma_wait3A_55 = arith.constant 0 : i32
        %dma_wait3A_56 = tpu.memref_slice %arg2[%dma_wait3A_54, %dma_wait3A_55] : memref<10240x128xf32, #tpu.memory_space<hbm>> -> memref<10240x128xf32, #tpu.memory_space<hbm>>
        tpu.wait_indirect_dma semaphore(%arg14 : memref<!tpu.dma_semaphore, #tpu.memory_space<semaphore_mem>>) src(%dma_wait3A_56 : memref<10240x128xf32, #tpu.memory_space<hbm>>) dst(%arg11 : memref<80x128xf32, #tpu.memory_space<vmem>>)
        %dma_start3A_57 = arith.constant 1 : i32
        %dma_start3A_58 = arith.constant 0 : i32
        %dma_start3A_59 = tpu.memref_slice %arg7[%dma_start3A_57, %dma_start3A_58] : memref<8x80xi32, #tpu.memory_space<vmem>> -> memref<1x80xi32, #tpu.memory_space<vmem>>
        %dma_start3A_60 = tpu.memref_squeeze %dma_start3A_59 : memref<1x80xi32, #tpu.memory_space<vmem>> -> memref<80xi32, #tpu.memory_space<vmem>>
        %dma_start3A_61 = arith.constant 0 : i32
        %dma_start3A_62 = arith.constant 0 : i32
        %dma_start3A_63 = tpu.memref_slice %arg2[%dma_start3A_61, %dma_start3A_62] : memref<10240x128xf32, #tpu.memory_space<hbm>> -> memref<10240x128xf32, #tpu.memory_space<hbm>>
        tpu.enqueue_indirect_dma source(%dma_start3A_63 : memref<10240x128xf32, #tpu.memory_space<hbm>>) target(%arg12 : memref<80x128xf32, #tpu.memory_space<vmem>>) offsets(%dma_start3A_60 : memref<80xi32, #tpu.memory_space<vmem>>) semaphore(%arg15 : memref<!tpu.dma_semaphore, #tpu.memory_space<semaphore_mem>>)
        %run_scoped3A = arith.constant 0 : i32
        "tpu.region"() ({
          %run_scoped3A_318 = tpu.sem_alloc : memref<!tpu.dma_semaphore, #tpu.memory_space<semaphore_mem>>
          %dma_start3A_319 = arith.constant 0 : i32
          %dma_start3A_320 = tpu.memref_slice %arg8[%run_scoped3A, %dma_start3A_319] : memref<8x80xi32, #tpu.memory_space<vmem>> -> memref<1x80xi32, #tpu.memory_space<vmem>>
          %dma_start3A_321 = tpu.memref_squeeze %dma_start3A_320 : memref<1x80xi32, #tpu.memory_space<vmem>> -> memref<80xi32, #tpu.memory_space<vmem>>
          %dma_start3A_322 = arith.constant 0 : i32
          %dma_start3A_323 = arith.constant 0 : i32
          %dma_start3A_324 = tpu.memref_slice %arg13[%dma_start3A_322, %dma_start3A_323] : memref<10240x128xf32, #tpu.memory_space<vmem_shared>> -> memref<10240x128xf32, #tpu.memory_space<vmem_shared>>
          tpu.enqueue_indirect_dma source(%arg11 : memref<80x128xf32, #tpu.memory_space<vmem>>) target(%dma_start3A_324 : memref<10240x128xf32, #tpu.memory_space<vmem_shared>>) offsets(%dma_start3A_321 : memref<80xi32, #tpu.memory_space<vmem>>) semaphore(%run_scoped3A_318 : memref<!tpu.dma_semaphore, #tpu.memory_space<semaphore_mem>>) {add = true}
          %dma_wait3A_325 = arith.constant 0 : i32
          %dma_wait3A_326 = tpu.memref_slice %arg8[%run_scoped3A, %dma_wait3A_325] : memref<8x80xi32, #tpu.memory_space<vmem>> -> memref<1x80xi32, #tpu.memory_space<vmem>>
          %dma_wait3A_327 = tpu.memref_squeeze %dma_wait3A_326 : memref<1x80xi32, #tpu.memory_space<vmem>> -> memref<80xi32, #tpu.memory_space<vmem>>
          %dma_wait3A_328 = arith.constant 0 : i32
          %dma_wait3A_329 = arith.constant 0 : i32
          %dma_wait3A_330 = tpu.memref_slice %arg13[%dma_wait3A_328, %dma_wait3A_329] : memref<10240x128xf32, #tpu.memory_space<vmem_shared>> -> memref<10240x128xf32, #tpu.memory_space<vmem_shared>>
          tpu.wait_indirect_dma semaphore(%run_scoped3A_318 : memref<!tpu.dma_semaphore, #tpu.memory_space<semaphore_mem>>) src(%arg11 : memref<80x128xf32, #tpu.memory_space<vmem>>) dst(%dma_wait3A_330 : memref<10240x128xf32, #tpu.memory_space<vmem_shared>>)
          tpu.yield
        }) : () -> ()
        %dma_wait3A_64 = arith.constant 1 : i32
        %dma_wait3A_65 = arith.constant 0 : i32
        %dma_wait3A_66 = tpu.memref_slice %arg7[%dma_wait3A_64, %dma_wait3A_65] : memref<8x80xi32, #tpu.memory_space<vmem>> -> memref<1x80xi32, #tpu.memory_space<vmem>>
        %dma_wait3A_67 = tpu.memref_squeeze %dma_wait3A_66 : memref<1x80xi32, #tpu.memory_space<vmem>> -> memref<80xi32, #tpu.memory_space<vmem>>
        %dma_wait3A_68 = arith.constant 0 : i32
        %dma_wait3A_69 = arith.constant 0 : i32
        %dma_wait3A_70 = tpu.memref_slice %arg2[%dma_wait3A_68, %dma_wait3A_69] : memref<10240x128xf32, #tpu.memory_space<hbm>> -> memref<10240x128xf32, #tpu.memory_space<hbm>>
        tpu.wait_indirect_dma semaphore(%arg15 : memref<!tpu.dma_semaphore, #tpu.memory_space<semaphore_mem>>) src(%dma_wait3A_70 : memref<10240x128xf32, #tpu.memory_space<hbm>>) dst(%arg12 : memref<80x128xf32, #tpu.memory_space<vmem>>)
        %dma_start3A_71 = arith.constant 2 : i32
        %dma_start3A_72 = arith.constant 0 : i32
        %dma_start3A_73 = tpu.memref_slice %arg7[%dma_start3A_71, %dma_start3A_72] : memref<8x80xi32, #tpu.memory_space<vmem>> -> memref<1x80xi32, #tpu.memory_space<vmem>>
        %dma_start3A_74 = tpu.memref_squeeze %dma_start3A_73 : memref<1x80xi32, #tpu.memory_space<vmem>> -> memref<80xi32, #tpu.memory_space<vmem>>
        %dma_start3A_75 = arith.constant 0 : i32
        %dma_start3A_76 = arith.constant 0 : i32
        %dma_start3A_77 = tpu.memref_slice %arg2[%dma_start3A_75, %dma_start3A_76] : memref<10240x128xf32, #tpu.memory_space<hbm>> -> memref<10240x128xf32, #tpu.memory_space<hbm>>
        tpu.enqueue_indirect_dma source(%dma_start3A_77 : memref<10240x128xf32, #tpu.memory_space<hbm>>) target(%arg11 : memref<80x128xf32, #tpu.memory_space<vmem>>) offsets(%dma_start3A_74 : memref<80xi32, #tpu.memory_space<vmem>>) semaphore(%arg14 : memref<!tpu.dma_semaphore, #tpu.memory_space<semaphore_mem>>)
        %run_scoped3A_78 = arith.constant 1 : i32
        "tpu.region"() ({
          %run_scoped3A_318 = tpu.sem_alloc : memref<!tpu.dma_semaphore, #tpu.memory_space<semaphore_mem>>
          %dma_start3A_319 = arith.constant 0 : i32
          %dma_start3A_320 = tpu.memref_slice %arg8[%run_scoped3A_78, %dma_start3A_319] : memref<8x80xi32, #tpu.memory_space<vmem>> -> memref<1x80xi32, #tpu.memory_space<vmem>>
          %dma_start3A_321 = tpu.memref_squeeze %dma_start3A_320 : memref<1x80xi32, #tpu.memory_space<vmem>> -> memref<80xi32, #tpu.memory_space<vmem>>
          %dma_start3A_322 = arith.constant 0 : i32
          %dma_start3A_323 = arith.constant 0 : i32
          %dma_start3A_324 = tpu.memref_slice %arg13[%dma_start3A_322, %dma_start3A_323] : memref<10240x128xf32, #tpu.memory_space<vmem_shared>> -> memref<10240x128xf32, #tpu.memory_space<vmem_shared>>
          tpu.enqueue_indirect_dma source(%arg12 : memref<80x128xf32, #tpu.memory_space<vmem>>) target(%dma_start3A_324 : memref<10240x128xf32, #tpu.memory_space<vmem_shared>>) offsets(%dma_start3A_321 : memref<80xi32, #tpu.memory_space<vmem>>) semaphore(%run_scoped3A_318 : memref<!tpu.dma_semaphore, #tpu.memory_space<semaphore_mem>>) {add = true}
          %dma_wait3A_325 = arith.constant 0 : i32
          %dma_wait3A_326 = tpu.memref_slice %arg8[%run_scoped3A_78, %dma_wait3A_325] : memref<8x80xi32, #tpu.memory_space<vmem>> -> memref<1x80xi32, #tpu.memory_space<vmem>>
          %dma_wait3A_327 = tpu.memref_squeeze %dma_wait3A_326 : memref<1x80xi32, #tpu.memory_space<vmem>> -> memref<80xi32, #tpu.memory_space<vmem>>
          %dma_wait3A_328 = arith.constant 0 : i32
          %dma_wait3A_329 = arith.constant 0 : i32
          %dma_wait3A_330 = tpu.memref_slice %arg13[%dma_wait3A_328, %dma_wait3A_329] : memref<10240x128xf32, #tpu.memory_space<vmem_shared>> -> memref<10240x128xf32, #tpu.memory_space<vmem_shared>>
          tpu.wait_indirect_dma semaphore(%run_scoped3A_318 : memref<!tpu.dma_semaphore, #tpu.memory_space<semaphore_mem>>) src(%arg12 : memref<80x128xf32, #tpu.memory_space<vmem>>) dst(%dma_wait3A_330 : memref<10240x128xf32, #tpu.memory_space<vmem_shared>>)
          tpu.yield
        }) : () -> ()
        %dma_wait3A_79 = arith.constant 2 : i32
        %dma_wait3A_80 = arith.constant 0 : i32
        %dma_wait3A_81 = tpu.memref_slice %arg7[%dma_wait3A_79, %dma_wait3A_80] : memref<8x80xi32, #tpu.memory_space<vmem>> -> memref<1x80xi32, #tpu.memory_space<vmem>>
        %dma_wait3A_82 = tpu.memref_squeeze %dma_wait3A_81 : memref<1x80xi32, #tpu.memory_space<vmem>> -> memref<80xi32, #tpu.memory_space<vmem>>
        %dma_wait3A_83 = arith.constant 0 : i32
        %dma_wait3A_84 = arith.constant 0 : i32
        %dma_wait3A_85 = tpu.memref_slice %arg2[%dma_wait3A_83, %dma_wait3A_84] : memref<10240x128xf32, #tpu.memory_space<hbm>> -> memref<10240x128xf32, #tpu.memory_space<hbm>>
        tpu.wait_indirect_dma semaphore(%arg14 : memref<!tpu.dma_semaphore, #tpu.memory_space<semaphore_mem>>) src(%dma_wait3A_85 : memref<10240x128xf32, #tpu.memory_space<hbm>>) dst(%arg11 : memref<80x128xf32, #tpu.memory_space<vmem>>)
        %dma_start3A_86 = arith.constant 3 : i32
        %dma_start3A_87 = arith.constant 0 : i32
        %dma_start3A_88 = tpu.memref_slice %arg7[%dma_start3A_86, %dma_start3A_87] : memref<8x80xi32, #tpu.memory_space<vmem>> -> memref<1x80xi32, #tpu.memory_space<vmem>>
        %dma_start3A_89 = tpu.memref_squeeze %dma_start3A_88 : memref<1x80xi32, #tpu.memory_space<vmem>> -> memref<80xi32, #tpu.memory_space<vmem>>
        %dma_start3A_90 = arith.constant 0 : i32
        %dma_start3A_91 = arith.constant 0 : i32
        %dma_start3A_92 = tpu.memref_slice %arg2[%dma_start3A_90, %dma_start3A_91] : memref<10240x128xf32, #tpu.memory_space<hbm>> -> memref<10240x128xf32, #tpu.memory_space<hbm>>
        tpu.enqueue_indirect_dma source(%dma_start3A_92 : memref<10240x128xf32, #tpu.memory_space<hbm>>) target(%arg12 : memref<80x128xf32, #tpu.memory_space<vmem>>) offsets(%dma_start3A_89 : memref<80xi32, #tpu.memory_space<vmem>>) semaphore(%arg15 : memref<!tpu.dma_semaphore, #tpu.memory_space<semaphore_mem>>)
        %run_scoped3A_93 = arith.constant 2 : i32
        "tpu.region"() ({
          %run_scoped3A_318 = tpu.sem_alloc : memref<!tpu.dma_semaphore, #tpu.memory_space<semaphore_mem>>
          %dma_start3A_319 = arith.constant 0 : i32
          %dma_start3A_320 = tpu.memref_slice %arg8[%run_scoped3A_93, %dma_start3A_319] : memref<8x80xi32, #tpu.memory_space<vmem>> -> memref<1x80xi32, #tpu.memory_space<vmem>>
          %dma_start3A_321 = tpu.memref_squeeze %dma_start3A_320 : memref<1x80xi32, #tpu.memory_space<vmem>> -> memref<80xi32, #tpu.memory_space<vmem>>
          %dma_start3A_322 = arith.constant 0 : i32
          %dma_start3A_323 = arith.constant 0 : i32
          %dma_start3A_324 = tpu.memref_slice %arg13[%dma_start3A_322, %dma_start3A_323] : memref<10240x128xf32, #tpu.memory_space<vmem_shared>> -> memref<10240x128xf32, #tpu.memory_space<vmem_shared>>
          tpu.enqueue_indirect_dma source(%arg11 : memref<80x128xf32, #tpu.memory_space<vmem>>) target(%dma_start3A_324 : memref<10240x128xf32, #tpu.memory_space<vmem_shared>>) offsets(%dma_start3A_321 : memref<80xi32, #tpu.memory_space<vmem>>) semaphore(%run_scoped3A_318 : memref<!tpu.dma_semaphore, #tpu.memory_space<semaphore_mem>>) {add = true}
          %dma_wait3A_325 = arith.constant 0 : i32
          %dma_wait3A_326 = tpu.memref_slice %arg8[%run_scoped3A_93, %dma_wait3A_325] : memref<8x80xi32, #tpu.memory_space<vmem>> -> memref<1x80xi32, #tpu.memory_space<vmem>>
          %dma_wait3A_327 = tpu.memref_squeeze %dma_wait3A_326 : memref<1x80xi32, #tpu.memory_space<vmem>> -> memref<80xi32, #tpu.memory_space<vmem>>
          %dma_wait3A_328 = arith.constant 0 : i32
          %dma_wait3A_329 = arith.constant 0 : i32
          %dma_wait3A_330 = tpu.memref_slice %arg13[%dma_wait3A_328, %dma_wait3A_329] : memref<10240x128xf32, #tpu.memory_space<vmem_shared>> -> memref<10240x128xf32, #tpu.memory_space<vmem_shared>>
          tpu.wait_indirect_dma semaphore(%run_scoped3A_318 : memref<!tpu.dma_semaphore, #tpu.memory_space<semaphore_mem>>) src(%arg11 : memref<80x128xf32, #tpu.memory_space<vmem>>) dst(%dma_wait3A_330 : memref<10240x128xf32, #tpu.memory_space<vmem_shared>>)
          tpu.yield
        }) : () -> ()
        %dma_wait3A_94 = arith.constant 3 : i32
        %dma_wait3A_95 = arith.constant 0 : i32
        %dma_wait3A_96 = tpu.memref_slice %arg7[%dma_wait3A_94, %dma_wait3A_95] : memref<8x80xi32, #tpu.memory_space<vmem>> -> memref<1x80xi32, #tpu.memory_space<vmem>>
        %dma_wait3A_97 = tpu.memref_squeeze %dma_wait3A_96 : memref<1x80xi32, #tpu.memory_space<vmem>> -> memref<80xi32, #tpu.memory_space<vmem>>
        %dma_wait3A_98 = arith.constant 0 : i32
        %dma_wait3A_99 = arith.constant 0 : i32
        %dma_wait3A_100 = tpu.memref_slice %arg2[%dma_wait3A_98, %dma_wait3A_99] : memref<10240x128xf32, #tpu.memory_space<hbm>> -> memref<10240x128xf32, #tpu.memory_space<hbm>>
        tpu.wait_indirect_dma semaphore(%arg15 : memref<!tpu.dma_semaphore, #tpu.memory_space<semaphore_mem>>) src(%dma_wait3A_100 : memref<10240x128xf32, #tpu.memory_space<hbm>>) dst(%arg12 : memref<80x128xf32, #tpu.memory_space<vmem>>)
        %dma_start3A_101 = arith.constant 4 : i32
        %dma_start3A_102 = arith.constant 0 : i32
        %dma_start3A_103 = tpu.memref_slice %arg7[%dma_start3A_101, %dma_start3A_102] : memref<8x80xi32, #tpu.memory_space<vmem>> -> memref<1x80xi32, #tpu.memory_space<vmem>>
        %dma_start3A_104 = tpu.memref_squeeze %dma_start3A_103 : memref<1x80xi32, #tpu.memory_space<vmem>> -> memref<80xi32, #tpu.memory_space<vmem>>
        %dma_start3A_105 = arith.constant 0 : i32
        %dma_start3A_106 = arith.constant 0 : i32
        %dma_start3A_107 = tpu.memref_slice %arg2[%dma_start3A_105, %dma_start3A_106] : memref<10240x128xf32, #tpu.memory_space<hbm>> -> memref<10240x128xf32, #tpu.memory_space<hbm>>
        tpu.enqueue_indirect_dma source(%dma_start3A_107 : memref<10240x128xf32, #tpu.memory_space<hbm>>) target(%arg11 : memref<80x128xf32, #tpu.memory_space<vmem>>) offsets(%dma_start3A_104 : memref<80xi32, #tpu.memory_space<vmem>>) semaphore(%arg14 : memref<!tpu.dma_semaphore, #tpu.memory_space<semaphore_mem>>)
        %run_scoped3A_108 = arith.constant 3 : i32
        "tpu.region"() ({
          %run_scoped3A_318 = tpu.sem_alloc : memref<!tpu.dma_semaphore, #tpu.memory_space<semaphore_mem>>
          %dma_start3A_319 = arith.constant 0 : i32
          %dma_start3A_320 = tpu.memref_slice %arg8[%run_scoped3A_108, %dma_start3A_319] : memref<8x80xi32, #tpu.memory_space<vmem>> -> memref<1x80xi32, #tpu.memory_space<vmem>>
          %dma_start3A_321 = tpu.memref_squeeze %dma_start3A_320 : memref<1x80xi32, #tpu.memory_space<vmem>> -> memref<80xi32, #tpu.memory_space<vmem>>
          %dma_start3A_322 = arith.constant 0 : i32
          %dma_start3A_323 = arith.constant 0 : i32
          %dma_start3A_324 = tpu.memref_slice %arg13[%dma_start3A_322, %dma_start3A_323] : memref<10240x128xf32, #tpu.memory_space<vmem_shared>> -> memref<10240x128xf32, #tpu.memory_space<vmem_shared>>
          tpu.enqueue_indirect_dma source(%arg12 : memref<80x128xf32, #tpu.memory_space<vmem>>) target(%dma_start3A_324 : memref<10240x128xf32, #tpu.memory_space<vmem_shared>>) offsets(%dma_start3A_321 : memref<80xi32, #tpu.memory_space<vmem>>) semaphore(%run_scoped3A_318 : memref<!tpu.dma_semaphore, #tpu.memory_space<semaphore_mem>>) {add = true}
          %dma_wait3A_325 = arith.constant 0 : i32
          %dma_wait3A_326 = tpu.memref_slice %arg8[%run_scoped3A_108, %dma_wait3A_325] : memref<8x80xi32, #tpu.memory_space<vmem>> -> memref<1x80xi32, #tpu.memory_space<vmem>>
          %dma_wait3A_327 = tpu.memref_squeeze %dma_wait3A_326 : memref<1x80xi32, #tpu.memory_space<vmem>> -> memref<80xi32, #tpu.memory_space<vmem>>
          %dma_wait3A_328 = arith.constant 0 : i32
          %dma_wait3A_329 = arith.constant 0 : i32
          %dma_wait3A_330 = tpu.memref_slice %arg13[%dma_wait3A_328, %dma_wait3A_329] : memref<10240x128xf32, #tpu.memory_space<vmem_shared>> -> memref<10240x128xf32, #tpu.memory_space<vmem_shared>>
          tpu.wait_indirect_dma semaphore(%run_scoped3A_318 : memref<!tpu.dma_semaphore, #tpu.memory_space<semaphore_mem>>) src(%arg12 : memref<80x128xf32, #tpu.memory_space<vmem>>) dst(%dma_wait3A_330 : memref<10240x128xf32, #tpu.memory_space<vmem_shared>>)
          tpu.yield
        }) : () -> ()
        %dma_wait3A_109 = arith.constant 4 : i32
        %dma_wait3A_110 = arith.constant 0 : i32
        %dma_wait3A_111 = tpu.memref_slice %arg7[%dma_wait3A_109, %dma_wait3A_110] : memref<8x80xi32, #tpu.memory_space<vmem>> -> memref<1x80xi32, #tpu.memory_space<vmem>>
        %dma_wait3A_112 = tpu.memref_squeeze %dma_wait3A_111 : memref<1x80xi32, #tpu.memory_space<vmem>> -> memref<80xi32, #tpu.memory_space<vmem>>
        %dma_wait3A_113 = arith.constant 0 : i32
        %dma_wait3A_114 = arith.constant 0 : i32
        %dma_wait3A_115 = tpu.memref_slice %arg2[%dma_wait3A_113, %dma_wait3A_114] : memref<10240x128xf32, #tpu.memory_space<hbm>> -> memref<10240x128xf32, #tpu.memory_space<hbm>>
        tpu.wait_indirect_dma semaphore(%arg14 : memref<!tpu.dma_semaphore, #tpu.memory_space<semaphore_mem>>) src(%dma_wait3A_115 : memref<10240x128xf32, #tpu.memory_space<hbm>>) dst(%arg11 : memref<80x128xf32, #tpu.memory_space<vmem>>)
        %dma_start3A_116 = arith.constant 5 : i32
        %dma_start3A_117 = arith.constant 0 : i32
        %dma_start3A_118 = tpu.memref_slice %arg7[%dma_start3A_116, %dma_start3A_117] : memref<8x80xi32, #tpu.memory_space<vmem>> -> memref<1x80xi32, #tpu.memory_space<vmem>>
        %dma_start3A_119 = tpu.memref_squeeze %dma_start3A_118 : memref<1x80xi32, #tpu.memory_space<vmem>> -> memref<80xi32, #tpu.memory_space<vmem>>
        %dma_start3A_120 = arith.constant 0 : i32
        %dma_start3A_121 = arith.constant 0 : i32
        %dma_start3A_122 = tpu.memref_slice %arg2[%dma_start3A_120, %dma_start3A_121] : memref<10240x128xf32, #tpu.memory_space<hbm>> -> memref<10240x128xf32, #tpu.memory_space<hbm>>
        tpu.enqueue_indirect_dma source(%dma_start3A_122 : memref<10240x128xf32, #tpu.memory_space<hbm>>) target(%arg12 : memref<80x128xf32, #tpu.memory_space<vmem>>) offsets(%dma_start3A_119 : memref<80xi32, #tpu.memory_space<vmem>>) semaphore(%arg15 : memref<!tpu.dma_semaphore, #tpu.memory_space<semaphore_mem>>)
        %run_scoped3A_123 = arith.constant 4 : i32
        "tpu.region"() ({
          %run_scoped3A_318 = tpu.sem_alloc : memref<!tpu.dma_semaphore, #tpu.memory_space<semaphore_mem>>
          %dma_start3A_319 = arith.constant 0 : i32
          %dma_start3A_320 = tpu.memref_slice %arg8[%run_scoped3A_123, %dma_start3A_319] : memref<8x80xi32, #tpu.memory_space<vmem>> -> memref<1x80xi32, #tpu.memory_space<vmem>>
          %dma_start3A_321 = tpu.memref_squeeze %dma_start3A_320 : memref<1x80xi32, #tpu.memory_space<vmem>> -> memref<80xi32, #tpu.memory_space<vmem>>
          %dma_start3A_322 = arith.constant 0 : i32
          %dma_start3A_323 = arith.constant 0 : i32
          %dma_start3A_324 = tpu.memref_slice %arg13[%dma_start3A_322, %dma_start3A_323] : memref<10240x128xf32, #tpu.memory_space<vmem_shared>> -> memref<10240x128xf32, #tpu.memory_space<vmem_shared>>
          tpu.enqueue_indirect_dma source(%arg11 : memref<80x128xf32, #tpu.memory_space<vmem>>) target(%dma_start3A_324 : memref<10240x128xf32, #tpu.memory_space<vmem_shared>>) offsets(%dma_start3A_321 : memref<80xi32, #tpu.memory_space<vmem>>) semaphore(%run_scoped3A_318 : memref<!tpu.dma_semaphore, #tpu.memory_space<semaphore_mem>>) {add = true}
          %dma_wait3A_325 = arith.constant 0 : i32
          %dma_wait3A_326 = tpu.memref_slice %arg8[%run_scoped3A_123, %dma_wait3A_325] : memref<8x80xi32, #tpu.memory_space<vmem>> -> memref<1x80xi32, #tpu.memory_space<vmem>>
          %dma_wait3A_327 = tpu.memref_squeeze %dma_wait3A_326 : memref<1x80xi32, #tpu.memory_space<vmem>> -> memref<80xi32, #tpu.memory_space<vmem>>
          %dma_wait3A_328 = arith.constant 0 : i32
          %dma_wait3A_329 = arith.constant 0 : i32
          %dma_wait3A_330 = tpu.memref_slice %arg13[%dma_wait3A_328, %dma_wait3A_329] : memref<10240x128xf32, #tpu.memory_space<vmem_shared>> -> memref<10240x128xf32, #tpu.memory_space<vmem_shared>>
          tpu.wait_indirect_dma semaphore(%run_scoped3A_318 : memref<!tpu.dma_semaphore, #tpu.memory_space<semaphore_mem>>) src(%arg11 : memref<80x128xf32, #tpu.memory_space<vmem>>) dst(%dma_wait3A_330 : memref<10240x128xf32, #tpu.memory_space<vmem_shared>>)
          tpu.yield
        }) : () -> ()
        %dma_wait3A_124 = arith.constant 5 : i32
        %dma_wait3A_125 = arith.constant 0 : i32
        %dma_wait3A_126 = tpu.memref_slice %arg7[%dma_wait3A_124, %dma_wait3A_125] : memref<8x80xi32, #tpu.memory_space<vmem>> -> memref<1x80xi32, #tpu.memory_space<vmem>>
        %dma_wait3A_127 = tpu.memref_squeeze %dma_wait3A_126 : memref<1x80xi32, #tpu.memory_space<vmem>> -> memref<80xi32, #tpu.memory_space<vmem>>
        %dma_wait3A_128 = arith.constant 0 : i32
        %dma_wait3A_129 = arith.constant 0 : i32
        %dma_wait3A_130 = tpu.memref_slice %arg2[%dma_wait3A_128, %dma_wait3A_129] : memref<10240x128xf32, #tpu.memory_space<hbm>> -> memref<10240x128xf32, #tpu.memory_space<hbm>>
        tpu.wait_indirect_dma semaphore(%arg15 : memref<!tpu.dma_semaphore, #tpu.memory_space<semaphore_mem>>) src(%dma_wait3A_130 : memref<10240x128xf32, #tpu.memory_space<hbm>>) dst(%arg12 : memref<80x128xf32, #tpu.memory_space<vmem>>)
        %dma_start3A_131 = arith.constant 6 : i32
        %dma_start3A_132 = arith.constant 0 : i32
        %dma_start3A_133 = tpu.memref_slice %arg7[%dma_start3A_131, %dma_start3A_132] : memref<8x80xi32, #tpu.memory_space<vmem>> -> memref<1x80xi32, #tpu.memory_space<vmem>>
        %dma_start3A_134 = tpu.memref_squeeze %dma_start3A_133 : memref<1x80xi32, #tpu.memory_space<vmem>> -> memref<80xi32, #tpu.memory_space<vmem>>
        %dma_start3A_135 = arith.constant 0 : i32
        %dma_start3A_136 = arith.constant 0 : i32
        %dma_start3A_137 = tpu.memref_slice %arg2[%dma_start3A_135, %dma_start3A_136] : memref<10240x128xf32, #tpu.memory_space<hbm>> -> memref<10240x128xf32, #tpu.memory_space<hbm>>
        tpu.enqueue_indirect_dma source(%dma_start3A_137 : memref<10240x128xf32, #tpu.memory_space<hbm>>) target(%arg11 : memref<80x128xf32, #tpu.memory_space<vmem>>) offsets(%dma_start3A_134 : memref<80xi32, #tpu.memory_space<vmem>>) semaphore(%arg14 : memref<!tpu.dma_semaphore, #tpu.memory_space<semaphore_mem>>)
        %run_scoped3A_138 = arith.constant 5 : i32
        "tpu.region"() ({
          %run_scoped3A_318 = tpu.sem_alloc : memref<!tpu.dma_semaphore, #tpu.memory_space<semaphore_mem>>
          %dma_start3A_319 = arith.constant 0 : i32
          %dma_start3A_320 = tpu.memref_slice %arg8[%run_scoped3A_138, %dma_start3A_319] : memref<8x80xi32, #tpu.memory_space<vmem>> -> memref<1x80xi32, #tpu.memory_space<vmem>>
          %dma_start3A_321 = tpu.memref_squeeze %dma_start3A_320 : memref<1x80xi32, #tpu.memory_space<vmem>> -> memref<80xi32, #tpu.memory_space<vmem>>
          %dma_start3A_322 = arith.constant 0 : i32
          %dma_start3A_323 = arith.constant 0 : i32
          %dma_start3A_324 = tpu.memref_slice %arg13[%dma_start3A_322, %dma_start3A_323] : memref<10240x128xf32, #tpu.memory_space<vmem_shared>> -> memref<10240x128xf32, #tpu.memory_space<vmem_shared>>
          tpu.enqueue_indirect_dma source(%arg12 : memref<80x128xf32, #tpu.memory_space<vmem>>) target(%dma_start3A_324 : memref<10240x128xf32, #tpu.memory_space<vmem_shared>>) offsets(%dma_start3A_321 : memref<80xi32, #tpu.memory_space<vmem>>) semaphore(%run_scoped3A_318 : memref<!tpu.dma_semaphore, #tpu.memory_space<semaphore_mem>>) {add = true}
          %dma_wait3A_325 = arith.constant 0 : i32
          %dma_wait3A_326 = tpu.memref_slice %arg8[%run_scoped3A_138, %dma_wait3A_325] : memref<8x80xi32, #tpu.memory_space<vmem>> -> memref<1x80xi32, #tpu.memory_space<vmem>>
          %dma_wait3A_327 = tpu.memref_squeeze %dma_wait3A_326 : memref<1x80xi32, #tpu.memory_space<vmem>> -> memref<80xi32, #tpu.memory_space<vmem>>
          %dma_wait3A_328 = arith.constant 0 : i32
          %dma_wait3A_329 = arith.constant 0 : i32
          %dma_wait3A_330 = tpu.memref_slice %arg13[%dma_wait3A_328, %dma_wait3A_329] : memref<10240x128xf32, #tpu.memory_space<vmem_shared>> -> memref<10240x128xf32, #tpu.memory_space<vmem_shared>>
          tpu.wait_indirect_dma semaphore(%run_scoped3A_318 : memref<!tpu.dma_semaphore, #tpu.memory_space<semaphore_mem>>) src(%arg12 : memref<80x128xf32, #tpu.memory_space<vmem>>) dst(%dma_wait3A_330 : memref<10240x128xf32, #tpu.memory_space<vmem_shared>>)
          tpu.yield
        }) : () -> ()
        %dma_wait3A_139 = arith.constant 6 : i32
        %dma_wait3A_140 = arith.constant 0 : i32
        %dma_wait3A_141 = tpu.memref_slice %arg7[%dma_wait3A_139, %dma_wait3A_140] : memref<8x80xi32, #tpu.memory_space<vmem>> -> memref<1x80xi32, #tpu.memory_space<vmem>>
        %dma_wait3A_142 = tpu.memref_squeeze %dma_wait3A_141 : memref<1x80xi32, #tpu.memory_space<vmem>> -> memref<80xi32, #tpu.memory_space<vmem>>
        %dma_wait3A_143 = arith.constant 0 : i32
        %dma_wait3A_144 = arith.constant 0 : i32
        %dma_wait3A_145 = tpu.memref_slice %arg2[%dma_wait3A_143, %dma_wait3A_144] : memref<10240x128xf32, #tpu.memory_space<hbm>> -> memref<10240x128xf32, #tpu.memory_space<hbm>>
        tpu.wait_indirect_dma semaphore(%arg14 : memref<!tpu.dma_semaphore, #tpu.memory_space<semaphore_mem>>) src(%dma_wait3A_145 : memref<10240x128xf32, #tpu.memory_space<hbm>>) dst(%arg11 : memref<80x128xf32, #tpu.memory_space<vmem>>)
        %dma_start3A_146 = arith.constant 7 : i32
        %dma_start3A_147 = arith.constant 0 : i32
        %dma_start3A_148 = tpu.memref_slice %arg7[%dma_start3A_146, %dma_start3A_147] : memref<8x80xi32, #tpu.memory_space<vmem>> -> memref<1x80xi32, #tpu.memory_space<vmem>>
        %dma_start3A_149 = tpu.memref_squeeze %dma_start3A_148 : memref<1x80xi32, #tpu.memory_space<vmem>> -> memref<80xi32, #tpu.memory_space<vmem>>
        %dma_start3A_150 = arith.constant 0 : i32
        %dma_start3A_151 = arith.constant 0 : i32
        %dma_start3A_152 = tpu.memref_slice %arg2[%dma_start3A_150, %dma_start3A_151] : memref<10240x128xf32, #tpu.memory_space<hbm>> -> memref<10240x128xf32, #tpu.memory_space<hbm>>
        tpu.enqueue_indirect_dma source(%dma_start3A_152 : memref<10240x128xf32, #tpu.memory_space<hbm>>) target(%arg12 : memref<80x128xf32, #tpu.memory_space<vmem>>) offsets(%dma_start3A_149 : memref<80xi32, #tpu.memory_space<vmem>>) semaphore(%arg15 : memref<!tpu.dma_semaphore, #tpu.memory_space<semaphore_mem>>)
        %run_scoped3A_153 = arith.constant 6 : i32
        "tpu.region"() ({
          %run_scoped3A_318 = tpu.sem_alloc : memref<!tpu.dma_semaphore, #tpu.memory_space<semaphore_mem>>
          %dma_start3A_319 = arith.constant 0 : i32
          %dma_start3A_320 = tpu.memref_slice %arg8[%run_scoped3A_153, %dma_start3A_319] : memref<8x80xi32, #tpu.memory_space<vmem>> -> memref<1x80xi32, #tpu.memory_space<vmem>>
          %dma_start3A_321 = tpu.memref_squeeze %dma_start3A_320 : memref<1x80xi32, #tpu.memory_space<vmem>> -> memref<80xi32, #tpu.memory_space<vmem>>
          %dma_start3A_322 = arith.constant 0 : i32
          %dma_start3A_323 = arith.constant 0 : i32
          %dma_start3A_324 = tpu.memref_slice %arg13[%dma_start3A_322, %dma_start3A_323] : memref<10240x128xf32, #tpu.memory_space<vmem_shared>> -> memref<10240x128xf32, #tpu.memory_space<vmem_shared>>
          tpu.enqueue_indirect_dma source(%arg11 : memref<80x128xf32, #tpu.memory_space<vmem>>) target(%dma_start3A_324 : memref<10240x128xf32, #tpu.memory_space<vmem_shared>>) offsets(%dma_start3A_321 : memref<80xi32, #tpu.memory_space<vmem>>) semaphore(%run_scoped3A_318 : memref<!tpu.dma_semaphore, #tpu.memory_space<semaphore_mem>>) {add = true}
          %dma_wait3A_325 = arith.constant 0 : i32
          %dma_wait3A_326 = tpu.memref_slice %arg8[%run_scoped3A_153, %dma_wait3A_325] : memref<8x80xi32, #tpu.memory_space<vmem>> -> memref<1x80xi32, #tpu.memory_space<vmem>>
          %dma_wait3A_327 = tpu.memref_squeeze %dma_wait3A_326 : memref<1x80xi32, #tpu.memory_space<vmem>> -> memref<80xi32, #tpu.memory_space<vmem>>
          %dma_wait3A_328 = arith.constant 0 : i32
          %dma_wait3A_329 = arith.constant 0 : i32
          %dma_wait3A_330 = tpu.memref_slice %arg13[%dma_wait3A_328, %dma_wait3A_329] : memref<10240x128xf32, #tpu.memory_space<vmem_shared>> -> memref<10240x128xf32, #tpu.memory_space<vmem_shared>>
          tpu.wait_indirect_dma semaphore(%run_scoped3A_318 : memref<!tpu.dma_semaphore, #tpu.memory_space<semaphore_mem>>) src(%arg11 : memref<80x128xf32, #tpu.memory_space<vmem>>) dst(%dma_wait3A_330 : memref<10240x128xf32, #tpu.memory_space<vmem_shared>>)
          tpu.yield
        }) : () -> ()
        %dma_wait3A_154 = arith.constant 7 : i32
        %dma_wait3A_155 = arith.constant 0 : i32
        %dma_wait3A_156 = tpu.memref_slice %arg7[%dma_wait3A_154, %dma_wait3A_155] : memref<8x80xi32, #tpu.memory_space<vmem>> -> memref<1x80xi32, #tpu.memory_space<vmem>>
        %dma_wait3A_157 = tpu.memref_squeeze %dma_wait3A_156 : memref<1x80xi32, #tpu.memory_space<vmem>> -> memref<80xi32, #tpu.memory_space<vmem>>
        %dma_wait3A_158 = arith.constant 0 : i32
        %dma_wait3A_159 = arith.constant 0 : i32
        %dma_wait3A_160 = tpu.memref_slice %arg2[%dma_wait3A_158, %dma_wait3A_159] : memref<10240x128xf32, #tpu.memory_space<hbm>> -> memref<10240x128xf32, #tpu.memory_space<hbm>>
        tpu.wait_indirect_dma semaphore(%arg15 : memref<!tpu.dma_semaphore, #tpu.memory_space<semaphore_mem>>) src(%dma_wait3A_160 : memref<10240x128xf32, #tpu.memory_space<hbm>>) dst(%arg12 : memref<80x128xf32, #tpu.memory_space<vmem>>)
        %add3A_161 = arith.constant 1 : i32
        %add3A_162 = arith.addi %add3A_50, %add3A_161 : i32
        %dma_wait3A_163 = arith.constant 0 : i32
        %dma_wait3A_164 = arith.constant 0 : i32
        %dma_wait3A_165 = tpu.memref_slice %arg3[%add3A_162, %dma_wait3A_163, %dma_wait3A_164] : memref<512x8x80xi32, #tpu.memory_space<hbm>> -> memref<1x8x80xi32, #tpu.memory_space<hbm>>
        %dma_wait3A_166 = tpu.memref_squeeze %dma_wait3A_165 : memref<1x8x80xi32, #tpu.memory_space<hbm>> -> memref<8x80xi32, #tpu.memory_space<hbm>>
        %dma_wait3A_167 = arith.constant 0 : i32
        %dma_wait3A_168 = arith.constant 0 : i32
        %dma_wait3A_169 = tpu.memref_slice %arg3[%add3A_162, %dma_wait3A_167, %dma_wait3A_168] : memref<512x8x80xi32, #tpu.memory_space<hbm>> -> memref<1x8x80xi32, #tpu.memory_space<hbm>>
        %dma_wait3A_170 = tpu.memref_squeeze %dma_wait3A_169 : memref<1x8x80xi32, #tpu.memory_space<hbm>> -> memref<8x80xi32, #tpu.memory_space<hbm>>
        tpu.wait_dma2 semaphore(%arg16 : memref<!tpu.dma_semaphore, #tpu.memory_space<semaphore_mem>>) src(%dma_wait3A_170 : memref<8x80xi32, #tpu.memory_space<hbm>>) dst(%arg9 : memref<8x80xi32, #tpu.memory_space<vmem>>)
        %add3A_171 = arith.constant 1 : i32
        %add3A_172 = arith.addi %add3A_50, %add3A_171 : i32
        %dma_wait3A_173 = arith.constant 0 : i32
        %dma_wait3A_174 = arith.constant 0 : i32
        %dma_wait3A_175 = tpu.memref_slice %arg4[%add3A_172, %dma_wait3A_173, %dma_wait3A_174] : memref<512x8x80xi32, #tpu.memory_space<hbm>> -> memref<1x8x80xi32, #tpu.memory_space<hbm>>
        %dma_wait3A_176 = tpu.memref_squeeze %dma_wait3A_175 : memref<1x8x80xi32, #tpu.memory_space<hbm>> -> memref<8x80xi32, #tpu.memory_space<hbm>>
        %dma_wait3A_177 = arith.constant 0 : i32
        %dma_wait3A_178 = arith.constant 0 : i32
        %dma_wait3A_179 = tpu.memref_slice %arg4[%add3A_172, %dma_wait3A_177, %dma_wait3A_178] : memref<512x8x80xi32, #tpu.memory_space<hbm>> -> memref<1x8x80xi32, #tpu.memory_space<hbm>>
        %dma_wait3A_180 = tpu.memref_squeeze %dma_wait3A_179 : memref<1x8x80xi32, #tpu.memory_space<hbm>> -> memref<8x80xi32, #tpu.memory_space<hbm>>
        tpu.wait_dma2 semaphore(%arg17 : memref<!tpu.dma_semaphore, #tpu.memory_space<semaphore_mem>>) src(%dma_wait3A_180 : memref<8x80xi32, #tpu.memory_space<hbm>>) dst(%arg10 : memref<8x80xi32, #tpu.memory_space<vmem>>)
        %dma_start3A_181 = arith.constant 0 : i32
        %dma_start3A_182 = arith.constant 0 : i32
        %dma_start3A_183 = tpu.memref_slice %arg9[%dma_start3A_181, %dma_start3A_182] : memref<8x80xi32, #tpu.memory_space<vmem>> -> memref<1x80xi32, #tpu.memory_space<vmem>>
        %dma_start3A_184 = tpu.memref_squeeze %dma_start3A_183 : memref<1x80xi32, #tpu.memory_space<vmem>> -> memref<80xi32, #tpu.memory_space<vmem>>
        %dma_start3A_185 = arith.constant 0 : i32
        %dma_start3A_186 = arith.constant 0 : i32
        %dma_start3A_187 = tpu.memref_slice %arg2[%dma_start3A_185, %dma_start3A_186] : memref<10240x128xf32, #tpu.memory_space<hbm>> -> memref<10240x128xf32, #tpu.memory_space<hbm>>
        tpu.enqueue_indirect_dma source(%dma_start3A_187 : memref<10240x128xf32, #tpu.memory_space<hbm>>) target(%arg11 : memref<80x128xf32, #tpu.memory_space<vmem>>) offsets(%dma_start3A_184 : memref<80xi32, #tpu.memory_space<vmem>>) semaphore(%arg14 : memref<!tpu.dma_semaphore, #tpu.memory_space<semaphore_mem>>)
        %run_scoped3A_188 = arith.constant 7 : i32
        "tpu.region"() ({
          %run_scoped3A_318 = tpu.sem_alloc : memref<!tpu.dma_semaphore, #tpu.memory_space<semaphore_mem>>
          %dma_start3A_319 = arith.constant 0 : i32
          %dma_start3A_320 = tpu.memref_slice %arg8[%run_scoped3A_188, %dma_start3A_319] : memref<8x80xi32, #tpu.memory_space<vmem>> -> memref<1x80xi32, #tpu.memory_space<vmem>>
          %dma_start3A_321 = tpu.memref_squeeze %dma_start3A_320 : memref<1x80xi32, #tpu.memory_space<vmem>> -> memref<80xi32, #tpu.memory_space<vmem>>
          %dma_start3A_322 = arith.constant 0 : i32
          %dma_start3A_323 = arith.constant 0 : i32
          %dma_start3A_324 = tpu.memref_slice %arg13[%dma_start3A_322, %dma_start3A_323] : memref<10240x128xf32, #tpu.memory_space<vmem_shared>> -> memref<10240x128xf32, #tpu.memory_space<vmem_shared>>
          tpu.enqueue_indirect_dma source(%arg12 : memref<80x128xf32, #tpu.memory_space<vmem>>) target(%dma_start3A_324 : memref<10240x128xf32, #tpu.memory_space<vmem_shared>>) offsets(%dma_start3A_321 : memref<80xi32, #tpu.memory_space<vmem>>) semaphore(%run_scoped3A_318 : memref<!tpu.dma_semaphore, #tpu.memory_space<semaphore_mem>>) {add = true}
          %dma_wait3A_325 = arith.constant 0 : i32
          %dma_wait3A_326 = tpu.memref_slice %arg8[%run_scoped3A_188, %dma_wait3A_325] : memref<8x80xi32, #tpu.memory_space<vmem>> -> memref<1x80xi32, #tpu.memory_space<vmem>>
          %dma_wait3A_327 = tpu.memref_squeeze %dma_wait3A_326 : memref<1x80xi32, #tpu.memory_space<vmem>> -> memref<80xi32, #tpu.memory_space<vmem>>
          %dma_wait3A_328 = arith.constant 0 : i32
          %dma_wait3A_329 = arith.constant 0 : i32
          %dma_wait3A_330 = tpu.memref_slice %arg13[%dma_wait3A_328, %dma_wait3A_329] : memref<10240x128xf32, #tpu.memory_space<vmem_shared>> -> memref<10240x128xf32, #tpu.memory_space<vmem_shared>>
          tpu.wait_indirect_dma semaphore(%run_scoped3A_318 : memref<!tpu.dma_semaphore, #tpu.memory_space<semaphore_mem>>) src(%arg12 : memref<80x128xf32, #tpu.memory_space<vmem>>) dst(%dma_wait3A_330 : memref<10240x128xf32, #tpu.memory_space<vmem_shared>>)
          tpu.yield
        }) : () -> ()
        %sub3A = arith.constant 1 : i32
        %sub3A_189 = arith.subi %select_n3A, %sub3A : i32
        %lt3A = arith.cmpi slt, %while3A_47, %sub3A_189 : i32
        %convert_element_type3A_190 = arith.extui %lt3A : i1 to i32
        %cond3A_191 = arith.constant 0 : i32
        %cond3A_192 = arith.cmpi ne, %convert_element_type3A_190, %cond3A_191 : i32
        scf.if %cond3A_192 {
          %add3A_318 = arith.constant 2 : i32
          %add3A_319 = arith.addi %add3A_50, %add3A_318 : i32
          %dma_start3A_320 = arith.constant 0 : i32
          %dma_start3A_321 = arith.constant 0 : i32
          %dma_start3A_322 = tpu.memref_slice %arg3[%add3A_319, %dma_start3A_320, %dma_start3A_321] : memref<512x8x80xi32, #tpu.memory_space<hbm>> -> memref<1x8x80xi32, #tpu.memory_space<hbm>>
          %dma_start3A_323 = tpu.memref_squeeze %dma_start3A_322 : memref<1x8x80xi32, #tpu.memory_space<hbm>> -> memref<8x80xi32, #tpu.memory_space<hbm>>
          %dma_start3A_324 = arith.constant 0 : i32
          %dma_start3A_325 = arith.constant 0 : i32
          %dma_start3A_326 = tpu.memref_slice %arg3[%add3A_319, %dma_start3A_324, %dma_start3A_325] : memref<512x8x80xi32, #tpu.memory_space<hbm>> -> memref<1x8x80xi32, #tpu.memory_space<hbm>>
          %dma_start3A_327 = tpu.memref_squeeze %dma_start3A_326 : memref<1x8x80xi32, #tpu.memory_space<hbm>> -> memref<8x80xi32, #tpu.memory_space<hbm>>
          tpu.enqueue_dma source(%dma_start3A_327 : memref<8x80xi32, #tpu.memory_space<hbm>>) target(%arg7 : memref<8x80xi32, #tpu.memory_space<vmem>>) target_semaphore(%arg16 : memref<!tpu.dma_semaphore, #tpu.memory_space<semaphore_mem>>)
          %add3A_328 = arith.constant 2 : i32
          %add3A_329 = arith.addi %add3A_50, %add3A_328 : i32
          %dma_start3A_330 = arith.constant 0 : i32
          %dma_start3A_331 = arith.constant 0 : i32
          %dma_start3A_332 = tpu.memref_slice %arg4[%add3A_329, %dma_start3A_330, %dma_start3A_331] : memref<512x8x80xi32, #tpu.memory_space<hbm>> -> memref<1x8x80xi32, #tpu.memory_space<hbm>>
          %dma_start3A_333 = tpu.memref_squeeze %dma_start3A_332 : memref<1x8x80xi32, #tpu.memory_space<hbm>> -> memref<8x80xi32, #tpu.memory_space<hbm>>
          %dma_start3A_334 = arith.constant 0 : i32
          %dma_start3A_335 = arith.constant 0 : i32
          %dma_start3A_336 = tpu.memref_slice %arg4[%add3A_329, %dma_start3A_334, %dma_start3A_335] : memref<512x8x80xi32, #tpu.memory_space<hbm>> -> memref<1x8x80xi32, #tpu.memory_space<hbm>>
          %dma_start3A_337 = tpu.memref_squeeze %dma_start3A_336 : memref<1x8x80xi32, #tpu.memory_space<hbm>> -> memref<8x80xi32, #tpu.memory_space<hbm>>
          tpu.enqueue_dma source(%dma_start3A_337 : memref<8x80xi32, #tpu.memory_space<hbm>>) target(%arg8 : memref<8x80xi32, #tpu.memory_space<vmem>>) target_semaphore(%arg17 : memref<!tpu.dma_semaphore, #tpu.memory_space<semaphore_mem>>)
        } else {
        }
        %dma_wait3A_193 = arith.constant 0 : i32
        %dma_wait3A_194 = arith.constant 0 : i32
        %dma_wait3A_195 = tpu.memref_slice %arg9[%dma_wait3A_193, %dma_wait3A_194] : memref<8x80xi32, #tpu.memory_space<vmem>> -> memref<1x80xi32, #tpu.memory_space<vmem>>
        %dma_wait3A_196 = tpu.memref_squeeze %dma_wait3A_195 : memref<1x80xi32, #tpu.memory_space<vmem>> -> memref<80xi32, #tpu.memory_space<vmem>>
        %dma_wait3A_197 = arith.constant 0 : i32
        %dma_wait3A_198 = arith.constant 0 : i32
        %dma_wait3A_199 = tpu.memref_slice %arg2[%dma_wait3A_197, %dma_wait3A_198] : memref<10240x128xf32, #tpu.memory_space<hbm>> -> memref<10240x128xf32, #tpu.memory_space<hbm>>
        tpu.wait_indirect_dma semaphore(%arg14 : memref<!tpu.dma_semaphore, #tpu.memory_space<semaphore_mem>>) src(%dma_wait3A_199 : memref<10240x128xf32, #tpu.memory_space<hbm>>) dst(%arg11 : memref<80x128xf32, #tpu.memory_space<vmem>>)
        %dma_start3A_200 = arith.constant 1 : i32
        %dma_start3A_201 = arith.constant 0 : i32
        %dma_start3A_202 = tpu.memref_slice %arg9[%dma_start3A_200, %dma_start3A_201] : memref<8x80xi32, #tpu.memory_space<vmem>> -> memref<1x80xi32, #tpu.memory_space<vmem>>
        %dma_start3A_203 = tpu.memref_squeeze %dma_start3A_202 : memref<1x80xi32, #tpu.memory_space<vmem>> -> memref<80xi32, #tpu.memory_space<vmem>>
        %dma_start3A_204 = arith.constant 0 : i32
        %dma_start3A_205 = arith.constant 0 : i32
        %dma_start3A_206 = tpu.memref_slice %arg2[%dma_start3A_204, %dma_start3A_205] : memref<10240x128xf32, #tpu.memory_space<hbm>> -> memref<10240x128xf32, #tpu.memory_space<hbm>>
        tpu.enqueue_indirect_dma source(%dma_start3A_206 : memref<10240x128xf32, #tpu.memory_space<hbm>>) target(%arg12 : memref<80x128xf32, #tpu.memory_space<vmem>>) offsets(%dma_start3A_203 : memref<80xi32, #tpu.memory_space<vmem>>) semaphore(%arg15 : memref<!tpu.dma_semaphore, #tpu.memory_space<semaphore_mem>>)
        %run_scoped3A_207 = arith.constant 0 : i32
        "tpu.region"() ({
          %run_scoped3A_318 = tpu.sem_alloc : memref<!tpu.dma_semaphore, #tpu.memory_space<semaphore_mem>>
          %dma_start3A_319 = arith.constant 0 : i32
          %dma_start3A_320 = tpu.memref_slice %arg10[%run_scoped3A_207, %dma_start3A_319] : memref<8x80xi32, #tpu.memory_space<vmem>> -> memref<1x80xi32, #tpu.memory_space<vmem>>
          %dma_start3A_321 = tpu.memref_squeeze %dma_start3A_320 : memref<1x80xi32, #tpu.memory_space<vmem>> -> memref<80xi32, #tpu.memory_space<vmem>>
          %dma_start3A_322 = arith.constant 0 : i32
          %dma_start3A_323 = arith.constant 0 : i32
          %dma_start3A_324 = tpu.memref_slice %arg13[%dma_start3A_322, %dma_start3A_323] : memref<10240x128xf32, #tpu.memory_space<vmem_shared>> -> memref<10240x128xf32, #tpu.memory_space<vmem_shared>>
          tpu.enqueue_indirect_dma source(%arg11 : memref<80x128xf32, #tpu.memory_space<vmem>>) target(%dma_start3A_324 : memref<10240x128xf32, #tpu.memory_space<vmem_shared>>) offsets(%dma_start3A_321 : memref<80xi32, #tpu.memory_space<vmem>>) semaphore(%run_scoped3A_318 : memref<!tpu.dma_semaphore, #tpu.memory_space<semaphore_mem>>) {add = true}
          %dma_wait3A_325 = arith.constant 0 : i32
          %dma_wait3A_326 = tpu.memref_slice %arg10[%run_scoped3A_207, %dma_wait3A_325] : memref<8x80xi32, #tpu.memory_space<vmem>> -> memref<1x80xi32, #tpu.memory_space<vmem>>
          %dma_wait3A_327 = tpu.memref_squeeze %dma_wait3A_326 : memref<1x80xi32, #tpu.memory_space<vmem>> -> memref<80xi32, #tpu.memory_space<vmem>>
          %dma_wait3A_328 = arith.constant 0 : i32
          %dma_wait3A_329 = arith.constant 0 : i32
          %dma_wait3A_330 = tpu.memref_slice %arg13[%dma_wait3A_328, %dma_wait3A_329] : memref<10240x128xf32, #tpu.memory_space<vmem_shared>> -> memref<10240x128xf32, #tpu.memory_space<vmem_shared>>
          tpu.wait_indirect_dma semaphore(%run_scoped3A_318 : memref<!tpu.dma_semaphore, #tpu.memory_space<semaphore_mem>>) src(%arg11 : memref<80x128xf32, #tpu.memory_space<vmem>>) dst(%dma_wait3A_330 : memref<10240x128xf32, #tpu.memory_space<vmem_shared>>)
          tpu.yield
        }) : () -> ()
        %dma_wait3A_208 = arith.constant 1 : i32
        %dma_wait3A_209 = arith.constant 0 : i32
        %dma_wait3A_210 = tpu.memref_slice %arg9[%dma_wait3A_208, %dma_wait3A_209] : memref<8x80xi32, #tpu.memory_space<vmem>> -> memref<1x80xi32, #tpu.memory_space<vmem>>
        %dma_wait3A_211 = tpu.memref_squeeze %dma_wait3A_210 : memref<1x80xi32, #tpu.memory_space<vmem>> -> memref<80xi32, #tpu.memory_space<vmem>>
        %dma_wait3A_212 = arith.constant 0 : i32
        %dma_wait3A_213 = arith.constant 0 : i32
        %dma_wait3A_214 = tpu.memref_slice %arg2[%dma_wait3A_212, %dma_wait3A_213] : memref<10240x128xf32, #tpu.memory_space<hbm>> -> memref<10240x128xf32, #tpu.memory_space<hbm>>
        tpu.wait_indirect_dma semaphore(%arg15 : memref<!tpu.dma_semaphore, #tpu.memory_space<semaphore_mem>>) src(%dma_wait3A_214 : memref<10240x128xf32, #tpu.memory_space<hbm>>) dst(%arg12 : memref<80x128xf32, #tpu.memory_space<vmem>>)
        %dma_start3A_215 = arith.constant 2 : i32
        %dma_start3A_216 = arith.constant 0 : i32
        %dma_start3A_217 = tpu.memref_slice %arg9[%dma_start3A_215, %dma_start3A_216] : memref<8x80xi32, #tpu.memory_space<vmem>> -> memref<1x80xi32, #tpu.memory_space<vmem>>
        %dma_start3A_218 = tpu.memref_squeeze %dma_start3A_217 : memref<1x80xi32, #tpu.memory_space<vmem>> -> memref<80xi32, #tpu.memory_space<vmem>>
        %dma_start3A_219 = arith.constant 0 : i32
        %dma_start3A_220 = arith.constant 0 : i32
        %dma_start3A_221 = tpu.memref_slice %arg2[%dma_start3A_219, %dma_start3A_220] : memref<10240x128xf32, #tpu.memory_space<hbm>> -> memref<10240x128xf32, #tpu.memory_space<hbm>>
        tpu.enqueue_indirect_dma source(%dma_start3A_221 : memref<10240x128xf32, #tpu.memory_space<hbm>>) target(%arg11 : memref<80x128xf32, #tpu.memory_space<vmem>>) offsets(%dma_start3A_218 : memref<80xi32, #tpu.memory_space<vmem>>) semaphore(%arg14 : memref<!tpu.dma_semaphore, #tpu.memory_space<semaphore_mem>>)
        %run_scoped3A_222 = arith.constant 1 : i32
        "tpu.region"() ({
          %run_scoped3A_318 = tpu.sem_alloc : memref<!tpu.dma_semaphore, #tpu.memory_space<semaphore_mem>>
          %dma_start3A_319 = arith.constant 0 : i32
          %dma_start3A_320 = tpu.memref_slice %arg10[%run_scoped3A_222, %dma_start3A_319] : memref<8x80xi32, #tpu.memory_space<vmem>> -> memref<1x80xi32, #tpu.memory_space<vmem>>
          %dma_start3A_321 = tpu.memref_squeeze %dma_start3A_320 : memref<1x80xi32, #tpu.memory_space<vmem>> -> memref<80xi32, #tpu.memory_space<vmem>>
          %dma_start3A_322 = arith.constant 0 : i32
          %dma_start3A_323 = arith.constant 0 : i32
          %dma_start3A_324 = tpu.memref_slice %arg13[%dma_start3A_322, %dma_start3A_323] : memref<10240x128xf32, #tpu.memory_space<vmem_shared>> -> memref<10240x128xf32, #tpu.memory_space<vmem_shared>>
          tpu.enqueue_indirect_dma source(%arg12 : memref<80x128xf32, #tpu.memory_space<vmem>>) target(%dma_start3A_324 : memref<10240x128xf32, #tpu.memory_space<vmem_shared>>) offsets(%dma_start3A_321 : memref<80xi32, #tpu.memory_space<vmem>>) semaphore(%run_scoped3A_318 : memref<!tpu.dma_semaphore, #tpu.memory_space<semaphore_mem>>) {add = true}
          %dma_wait3A_325 = arith.constant 0 : i32
          %dma_wait3A_326 = tpu.memref_slice %arg10[%run_scoped3A_222, %dma_wait3A_325] : memref<8x80xi32, #tpu.memory_space<vmem>> -> memref<1x80xi32, #tpu.memory_space<vmem>>
          %dma_wait3A_327 = tpu.memref_squeeze %dma_wait3A_326 : memref<1x80xi32, #tpu.memory_space<vmem>> -> memref<80xi32, #tpu.memory_space<vmem>>
          %dma_wait3A_328 = arith.constant 0 : i32
          %dma_wait3A_329 = arith.constant 0 : i32
          %dma_wait3A_330 = tpu.memref_slice %arg13[%dma_wait3A_328, %dma_wait3A_329] : memref<10240x128xf32, #tpu.memory_space<vmem_shared>> -> memref<10240x128xf32, #tpu.memory_space<vmem_shared>>
          tpu.wait_indirect_dma semaphore(%run_scoped3A_318 : memref<!tpu.dma_semaphore, #tpu.memory_space<semaphore_mem>>) src(%arg12 : memref<80x128xf32, #tpu.memory_space<vmem>>) dst(%dma_wait3A_330 : memref<10240x128xf32, #tpu.memory_space<vmem_shared>>)
          tpu.yield
        }) : () -> ()
        %dma_wait3A_223 = arith.constant 2 : i32
        %dma_wait3A_224 = arith.constant 0 : i32
        %dma_wait3A_225 = tpu.memref_slice %arg9[%dma_wait3A_223, %dma_wait3A_224] : memref<8x80xi32, #tpu.memory_space<vmem>> -> memref<1x80xi32, #tpu.memory_space<vmem>>
        %dma_wait3A_226 = tpu.memref_squeeze %dma_wait3A_225 : memref<1x80xi32, #tpu.memory_space<vmem>> -> memref<80xi32, #tpu.memory_space<vmem>>
        %dma_wait3A_227 = arith.constant 0 : i32
        %dma_wait3A_228 = arith.constant 0 : i32
        %dma_wait3A_229 = tpu.memref_slice %arg2[%dma_wait3A_227, %dma_wait3A_228] : memref<10240x128xf32, #tpu.memory_space<hbm>> -> memref<10240x128xf32, #tpu.memory_space<hbm>>
        tpu.wait_indirect_dma semaphore(%arg14 : memref<!tpu.dma_semaphore, #tpu.memory_space<semaphore_mem>>) src(%dma_wait3A_229 : memref<10240x128xf32, #tpu.memory_space<hbm>>) dst(%arg11 : memref<80x128xf32, #tpu.memory_space<vmem>>)
        %dma_start3A_230 = arith.constant 3 : i32
        %dma_start3A_231 = arith.constant 0 : i32
        %dma_start3A_232 = tpu.memref_slice %arg9[%dma_start3A_230, %dma_start3A_231] : memref<8x80xi32, #tpu.memory_space<vmem>> -> memref<1x80xi32, #tpu.memory_space<vmem>>
        %dma_start3A_233 = tpu.memref_squeeze %dma_start3A_232 : memref<1x80xi32, #tpu.memory_space<vmem>> -> memref<80xi32, #tpu.memory_space<vmem>>
        %dma_start3A_234 = arith.constant 0 : i32
        %dma_start3A_235 = arith.constant 0 : i32
        %dma_start3A_236 = tpu.memref_slice %arg2[%dma_start3A_234, %dma_start3A_235] : memref<10240x128xf32, #tpu.memory_space<hbm>> -> memref<10240x128xf32, #tpu.memory_space<hbm>>
        tpu.enqueue_indirect_dma source(%dma_start3A_236 : memref<10240x128xf32, #tpu.memory_space<hbm>>) target(%arg12 : memref<80x128xf32, #tpu.memory_space<vmem>>) offsets(%dma_start3A_233 : memref<80xi32, #tpu.memory_space<vmem>>) semaphore(%arg15 : memref<!tpu.dma_semaphore, #tpu.memory_space<semaphore_mem>>)
        %run_scoped3A_237 = arith.constant 2 : i32
        "tpu.region"() ({
          %run_scoped3A_318 = tpu.sem_alloc : memref<!tpu.dma_semaphore, #tpu.memory_space<semaphore_mem>>
          %dma_start3A_319 = arith.constant 0 : i32
          %dma_start3A_320 = tpu.memref_slice %arg10[%run_scoped3A_237, %dma_start3A_319] : memref<8x80xi32, #tpu.memory_space<vmem>> -> memref<1x80xi32, #tpu.memory_space<vmem>>
          %dma_start3A_321 = tpu.memref_squeeze %dma_start3A_320 : memref<1x80xi32, #tpu.memory_space<vmem>> -> memref<80xi32, #tpu.memory_space<vmem>>
          %dma_start3A_322 = arith.constant 0 : i32
          %dma_start3A_323 = arith.constant 0 : i32
          %dma_start3A_324 = tpu.memref_slice %arg13[%dma_start3A_322, %dma_start3A_323] : memref<10240x128xf32, #tpu.memory_space<vmem_shared>> -> memref<10240x128xf32, #tpu.memory_space<vmem_shared>>
          tpu.enqueue_indirect_dma source(%arg11 : memref<80x128xf32, #tpu.memory_space<vmem>>) target(%dma_start3A_324 : memref<10240x128xf32, #tpu.memory_space<vmem_shared>>) offsets(%dma_start3A_321 : memref<80xi32, #tpu.memory_space<vmem>>) semaphore(%run_scoped3A_318 : memref<!tpu.dma_semaphore, #tpu.memory_space<semaphore_mem>>) {add = true}
          %dma_wait3A_325 = arith.constant 0 : i32
          %dma_wait3A_326 = tpu.memref_slice %arg10[%run_scoped3A_237, %dma_wait3A_325] : memref<8x80xi32, #tpu.memory_space<vmem>> -> memref<1x80xi32, #tpu.memory_space<vmem>>
          %dma_wait3A_327 = tpu.memref_squeeze %dma_wait3A_326 : memref<1x80xi32, #tpu.memory_space<vmem>> -> memref<80xi32, #tpu.memory_space<vmem>>
          %dma_wait3A_328 = arith.constant 0 : i32
          %dma_wait3A_329 = arith.constant 0 : i32
          %dma_wait3A_330 = tpu.memref_slice %arg13[%dma_wait3A_328, %dma_wait3A_329] : memref<10240x128xf32, #tpu.memory_space<vmem_shared>> -> memref<10240x128xf32, #tpu.memory_space<vmem_shared>>
          tpu.wait_indirect_dma semaphore(%run_scoped3A_318 : memref<!tpu.dma_semaphore, #tpu.memory_space<semaphore_mem>>) src(%arg11 : memref<80x128xf32, #tpu.memory_space<vmem>>) dst(%dma_wait3A_330 : memref<10240x128xf32, #tpu.memory_space<vmem_shared>>)
          tpu.yield
        }) : () -> ()
        %dma_wait3A_238 = arith.constant 3 : i32
        %dma_wait3A_239 = arith.constant 0 : i32
        %dma_wait3A_240 = tpu.memref_slice %arg9[%dma_wait3A_238, %dma_wait3A_239] : memref<8x80xi32, #tpu.memory_space<vmem>> -> memref<1x80xi32, #tpu.memory_space<vmem>>
        %dma_wait3A_241 = tpu.memref_squeeze %dma_wait3A_240 : memref<1x80xi32, #tpu.memory_space<vmem>> -> memref<80xi32, #tpu.memory_space<vmem>>
        %dma_wait3A_242 = arith.constant 0 : i32
        %dma_wait3A_243 = arith.constant 0 : i32
        %dma_wait3A_244 = tpu.memref_slice %arg2[%dma_wait3A_242, %dma_wait3A_243] : memref<10240x128xf32, #tpu.memory_space<hbm>> -> memref<10240x128xf32, #tpu.memory_space<hbm>>
        tpu.wait_indirect_dma semaphore(%arg15 : memref<!tpu.dma_semaphore, #tpu.memory_space<semaphore_mem>>) src(%dma_wait3A_244 : memref<10240x128xf32, #tpu.memory_space<hbm>>) dst(%arg12 : memref<80x128xf32, #tpu.memory_space<vmem>>)
        %dma_start3A_245 = arith.constant 4 : i32
        %dma_start3A_246 = arith.constant 0 : i32
        %dma_start3A_247 = tpu.memref_slice %arg9[%dma_start3A_245, %dma_start3A_246] : memref<8x80xi32, #tpu.memory_space<vmem>> -> memref<1x80xi32, #tpu.memory_space<vmem>>
        %dma_start3A_248 = tpu.memref_squeeze %dma_start3A_247 : memref<1x80xi32, #tpu.memory_space<vmem>> -> memref<80xi32, #tpu.memory_space<vmem>>
        %dma_start3A_249 = arith.constant 0 : i32
        %dma_start3A_250 = arith.constant 0 : i32
        %dma_start3A_251 = tpu.memref_slice %arg2[%dma_start3A_249, %dma_start3A_250] : memref<10240x128xf32, #tpu.memory_space<hbm>> -> memref<10240x128xf32, #tpu.memory_space<hbm>>
        tpu.enqueue_indirect_dma source(%dma_start3A_251 : memref<10240x128xf32, #tpu.memory_space<hbm>>) target(%arg11 : memref<80x128xf32, #tpu.memory_space<vmem>>) offsets(%dma_start3A_248 : memref<80xi32, #tpu.memory_space<vmem>>) semaphore(%arg14 : memref<!tpu.dma_semaphore, #tpu.memory_space<semaphore_mem>>)
        %run_scoped3A_252 = arith.constant 3 : i32
        "tpu.region"() ({
          %run_scoped3A_318 = tpu.sem_alloc : memref<!tpu.dma_semaphore, #tpu.memory_space<semaphore_mem>>
          %dma_start3A_319 = arith.constant 0 : i32
          %dma_start3A_320 = tpu.memref_slice %arg10[%run_scoped3A_252, %dma_start3A_319] : memref<8x80xi32, #tpu.memory_space<vmem>> -> memref<1x80xi32, #tpu.memory_space<vmem>>
          %dma_start3A_321 = tpu.memref_squeeze %dma_start3A_320 : memref<1x80xi32, #tpu.memory_space<vmem>> -> memref<80xi32, #tpu.memory_space<vmem>>
          %dma_start3A_322 = arith.constant 0 : i32
          %dma_start3A_323 = arith.constant 0 : i32
          %dma_start3A_324 = tpu.memref_slice %arg13[%dma_start3A_322, %dma_start3A_323] : memref<10240x128xf32, #tpu.memory_space<vmem_shared>> -> memref<10240x128xf32, #tpu.memory_space<vmem_shared>>
          tpu.enqueue_indirect_dma source(%arg12 : memref<80x128xf32, #tpu.memory_space<vmem>>) target(%dma_start3A_324 : memref<10240x128xf32, #tpu.memory_space<vmem_shared>>) offsets(%dma_start3A_321 : memref<80xi32, #tpu.memory_space<vmem>>) semaphore(%run_scoped3A_318 : memref<!tpu.dma_semaphore, #tpu.memory_space<semaphore_mem>>) {add = true}
          %dma_wait3A_325 = arith.constant 0 : i32
          %dma_wait3A_326 = tpu.memref_slice %arg10[%run_scoped3A_252, %dma_wait3A_325] : memref<8x80xi32, #tpu.memory_space<vmem>> -> memref<1x80xi32, #tpu.memory_space<vmem>>
          %dma_wait3A_327 = tpu.memref_squeeze %dma_wait3A_326 : memref<1x80xi32, #tpu.memory_space<vmem>> -> memref<80xi32, #tpu.memory_space<vmem>>
          %dma_wait3A_328 = arith.constant 0 : i32
          %dma_wait3A_329 = arith.constant 0 : i32
          %dma_wait3A_330 = tpu.memref_slice %arg13[%dma_wait3A_328, %dma_wait3A_329] : memref<10240x128xf32, #tpu.memory_space<vmem_shared>> -> memref<10240x128xf32, #tpu.memory_space<vmem_shared>>
          tpu.wait_indirect_dma semaphore(%run_scoped3A_318 : memref<!tpu.dma_semaphore, #tpu.memory_space<semaphore_mem>>) src(%arg12 : memref<80x128xf32, #tpu.memory_space<vmem>>) dst(%dma_wait3A_330 : memref<10240x128xf32, #tpu.memory_space<vmem_shared>>)
          tpu.yield
        }) : () -> ()
        %dma_wait3A_253 = arith.constant 4 : i32
        %dma_wait3A_254 = arith.constant 0 : i32
        %dma_wait3A_255 = tpu.memref_slice %arg9[%dma_wait3A_253, %dma_wait3A_254] : memref<8x80xi32, #tpu.memory_space<vmem>> -> memref<1x80xi32, #tpu.memory_space<vmem>>
        %dma_wait3A_256 = tpu.memref_squeeze %dma_wait3A_255 : memref<1x80xi32, #tpu.memory_space<vmem>> -> memref<80xi32, #tpu.memory_space<vmem>>
        %dma_wait3A_257 = arith.constant 0 : i32
        %dma_wait3A_258 = arith.constant 0 : i32
        %dma_wait3A_259 = tpu.memref_slice %arg2[%dma_wait3A_257, %dma_wait3A_258] : memref<10240x128xf32, #tpu.memory_space<hbm>> -> memref<10240x128xf32, #tpu.memory_space<hbm>>
        tpu.wait_indirect_dma semaphore(%arg14 : memref<!tpu.dma_semaphore, #tpu.memory_space<semaphore_mem>>) src(%dma_wait3A_259 : memref<10240x128xf32, #tpu.memory_space<hbm>>) dst(%arg11 : memref<80x128xf32, #tpu.memory_space<vmem>>)
        %dma_start3A_260 = arith.constant 5 : i32
        %dma_start3A_261 = arith.constant 0 : i32
        %dma_start3A_262 = tpu.memref_slice %arg9[%dma_start3A_260, %dma_start3A_261] : memref<8x80xi32, #tpu.memory_space<vmem>> -> memref<1x80xi32, #tpu.memory_space<vmem>>
        %dma_start3A_263 = tpu.memref_squeeze %dma_start3A_262 : memref<1x80xi32, #tpu.memory_space<vmem>> -> memref<80xi32, #tpu.memory_space<vmem>>
        %dma_start3A_264 = arith.constant 0 : i32
        %dma_start3A_265 = arith.constant 0 : i32
        %dma_start3A_266 = tpu.memref_slice %arg2[%dma_start3A_264, %dma_start3A_265] : memref<10240x128xf32, #tpu.memory_space<hbm>> -> memref<10240x128xf32, #tpu.memory_space<hbm>>
        tpu.enqueue_indirect_dma source(%dma_start3A_266 : memref<10240x128xf32, #tpu.memory_space<hbm>>) target(%arg12 : memref<80x128xf32, #tpu.memory_space<vmem>>) offsets(%dma_start3A_263 : memref<80xi32, #tpu.memory_space<vmem>>) semaphore(%arg15 : memref<!tpu.dma_semaphore, #tpu.memory_space<semaphore_mem>>)
        %run_scoped3A_267 = arith.constant 4 : i32
        "tpu.region"() ({
          %run_scoped3A_318 = tpu.sem_alloc : memref<!tpu.dma_semaphore, #tpu.memory_space<semaphore_mem>>
          %dma_start3A_319 = arith.constant 0 : i32
          %dma_start3A_320 = tpu.memref_slice %arg10[%run_scoped3A_267, %dma_start3A_319] : memref<8x80xi32, #tpu.memory_space<vmem>> -> memref<1x80xi32, #tpu.memory_space<vmem>>
          %dma_start3A_321 = tpu.memref_squeeze %dma_start3A_320 : memref<1x80xi32, #tpu.memory_space<vmem>> -> memref<80xi32, #tpu.memory_space<vmem>>
          %dma_start3A_322 = arith.constant 0 : i32
          %dma_start3A_323 = arith.constant 0 : i32
          %dma_start3A_324 = tpu.memref_slice %arg13[%dma_start3A_322, %dma_start3A_323] : memref<10240x128xf32, #tpu.memory_space<vmem_shared>> -> memref<10240x128xf32, #tpu.memory_space<vmem_shared>>
          tpu.enqueue_indirect_dma source(%arg11 : memref<80x128xf32, #tpu.memory_space<vmem>>) target(%dma_start3A_324 : memref<10240x128xf32, #tpu.memory_space<vmem_shared>>) offsets(%dma_start3A_321 : memref<80xi32, #tpu.memory_space<vmem>>) semaphore(%run_scoped3A_318 : memref<!tpu.dma_semaphore, #tpu.memory_space<semaphore_mem>>) {add = true}
          %dma_wait3A_325 = arith.constant 0 : i32
          %dma_wait3A_326 = tpu.memref_slice %arg10[%run_scoped3A_267, %dma_wait3A_325] : memref<8x80xi32, #tpu.memory_space<vmem>> -> memref<1x80xi32, #tpu.memory_space<vmem>>
          %dma_wait3A_327 = tpu.memref_squeeze %dma_wait3A_326 : memref<1x80xi32, #tpu.memory_space<vmem>> -> memref<80xi32, #tpu.memory_space<vmem>>
          %dma_wait3A_328 = arith.constant 0 : i32
          %dma_wait3A_329 = arith.constant 0 : i32
          %dma_wait3A_330 = tpu.memref_slice %arg13[%dma_wait3A_328, %dma_wait3A_329] : memref<10240x128xf32, #tpu.memory_space<vmem_shared>> -> memref<10240x128xf32, #tpu.memory_space<vmem_shared>>
          tpu.wait_indirect_dma semaphore(%run_scoped3A_318 : memref<!tpu.dma_semaphore, #tpu.memory_space<semaphore_mem>>) src(%arg11 : memref<80x128xf32, #tpu.memory_space<vmem>>) dst(%dma_wait3A_330 : memref<10240x128xf32, #tpu.memory_space<vmem_shared>>)
          tpu.yield
        }) : () -> ()
        %dma_wait3A_268 = arith.constant 5 : i32
        %dma_wait3A_269 = arith.constant 0 : i32
        %dma_wait3A_270 = tpu.memref_slice %arg9[%dma_wait3A_268, %dma_wait3A_269] : memref<8x80xi32, #tpu.memory_space<vmem>> -> memref<1x80xi32, #tpu.memory_space<vmem>>
        %dma_wait3A_271 = tpu.memref_squeeze %dma_wait3A_270 : memref<1x80xi32, #tpu.memory_space<vmem>> -> memref<80xi32, #tpu.memory_space<vmem>>
        %dma_wait3A_272 = arith.constant 0 : i32
        %dma_wait3A_273 = arith.constant 0 : i32
        %dma_wait3A_274 = tpu.memref_slice %arg2[%dma_wait3A_272, %dma_wait3A_273] : memref<10240x128xf32, #tpu.memory_space<hbm>> -> memref<10240x128xf32, #tpu.memory_space<hbm>>
        tpu.wait_indirect_dma semaphore(%arg15 : memref<!tpu.dma_semaphore, #tpu.memory_space<semaphore_mem>>) src(%dma_wait3A_274 : memref<10240x128xf32, #tpu.memory_space<hbm>>) dst(%arg12 : memref<80x128xf32, #tpu.memory_space<vmem>>)
        %dma_start3A_275 = arith.constant 6 : i32
        %dma_start3A_276 = arith.constant 0 : i32
        %dma_start3A_277 = tpu.memref_slice %arg9[%dma_start3A_275, %dma_start3A_276] : memref<8x80xi32, #tpu.memory_space<vmem>> -> memref<1x80xi32, #tpu.memory_space<vmem>>
        %dma_start3A_278 = tpu.memref_squeeze %dma_start3A_277 : memref<1x80xi32, #tpu.memory_space<vmem>> -> memref<80xi32, #tpu.memory_space<vmem>>
        %dma_start3A_279 = arith.constant 0 : i32
        %dma_start3A_280 = arith.constant 0 : i32
        %dma_start3A_281 = tpu.memref_slice %arg2[%dma_start3A_279, %dma_start3A_280] : memref<10240x128xf32, #tpu.memory_space<hbm>> -> memref<10240x128xf32, #tpu.memory_space<hbm>>
        tpu.enqueue_indirect_dma source(%dma_start3A_281 : memref<10240x128xf32, #tpu.memory_space<hbm>>) target(%arg11 : memref<80x128xf32, #tpu.memory_space<vmem>>) offsets(%dma_start3A_278 : memref<80xi32, #tpu.memory_space<vmem>>) semaphore(%arg14 : memref<!tpu.dma_semaphore, #tpu.memory_space<semaphore_mem>>)
        %run_scoped3A_282 = arith.constant 5 : i32
        "tpu.region"() ({
          %run_scoped3A_318 = tpu.sem_alloc : memref<!tpu.dma_semaphore, #tpu.memory_space<semaphore_mem>>
          %dma_start3A_319 = arith.constant 0 : i32
          %dma_start3A_320 = tpu.memref_slice %arg10[%run_scoped3A_282, %dma_start3A_319] : memref<8x80xi32, #tpu.memory_space<vmem>> -> memref<1x80xi32, #tpu.memory_space<vmem>>
          %dma_start3A_321 = tpu.memref_squeeze %dma_start3A_320 : memref<1x80xi32, #tpu.memory_space<vmem>> -> memref<80xi32, #tpu.memory_space<vmem>>
          %dma_start3A_322 = arith.constant 0 : i32
          %dma_start3A_323 = arith.constant 0 : i32
          %dma_start3A_324 = tpu.memref_slice %arg13[%dma_start3A_322, %dma_start3A_323] : memref<10240x128xf32, #tpu.memory_space<vmem_shared>> -> memref<10240x128xf32, #tpu.memory_space<vmem_shared>>
          tpu.enqueue_indirect_dma source(%arg12 : memref<80x128xf32, #tpu.memory_space<vmem>>) target(%dma_start3A_324 : memref<10240x128xf32, #tpu.memory_space<vmem_shared>>) offsets(%dma_start3A_321 : memref<80xi32, #tpu.memory_space<vmem>>) semaphore(%run_scoped3A_318 : memref<!tpu.dma_semaphore, #tpu.memory_space<semaphore_mem>>) {add = true}
          %dma_wait3A_325 = arith.constant 0 : i32
          %dma_wait3A_326 = tpu.memref_slice %arg10[%run_scoped3A_282, %dma_wait3A_325] : memref<8x80xi32, #tpu.memory_space<vmem>> -> memref<1x80xi32, #tpu.memory_space<vmem>>
          %dma_wait3A_327 = tpu.memref_squeeze %dma_wait3A_326 : memref<1x80xi32, #tpu.memory_space<vmem>> -> memref<80xi32, #tpu.memory_space<vmem>>
          %dma_wait3A_328 = arith.constant 0 : i32
          %dma_wait3A_329 = arith.constant 0 : i32
          %dma_wait3A_330 = tpu.memref_slice %arg13[%dma_wait3A_328, %dma_wait3A_329] : memref<10240x128xf32, #tpu.memory_space<vmem_shared>> -> memref<10240x128xf32, #tpu.memory_space<vmem_shared>>
          tpu.wait_indirect_dma semaphore(%run_scoped3A_318 : memref<!tpu.dma_semaphore, #tpu.memory_space<semaphore_mem>>) src(%arg12 : memref<80x128xf32, #tpu.memory_space<vmem>>) dst(%dma_wait3A_330 : memref<10240x128xf32, #tpu.memory_space<vmem_shared>>)
          tpu.yield
        }) : () -> ()
        %dma_wait3A_283 = arith.constant 6 : i32
        %dma_wait3A_284 = arith.constant 0 : i32
        %dma_wait3A_285 = tpu.memref_slice %arg9[%dma_wait3A_283, %dma_wait3A_284] : memref<8x80xi32, #tpu.memory_space<vmem>> -> memref<1x80xi32, #tpu.memory_space<vmem>>
        %dma_wait3A_286 = tpu.memref_squeeze %dma_wait3A_285 : memref<1x80xi32, #tpu.memory_space<vmem>> -> memref<80xi32, #tpu.memory_space<vmem>>
        %dma_wait3A_287 = arith.constant 0 : i32
        %dma_wait3A_288 = arith.constant 0 : i32
        %dma_wait3A_289 = tpu.memref_slice %arg2[%dma_wait3A_287, %dma_wait3A_288] : memref<10240x128xf32, #tpu.memory_space<hbm>> -> memref<10240x128xf32, #tpu.memory_space<hbm>>
        tpu.wait_indirect_dma semaphore(%arg14 : memref<!tpu.dma_semaphore, #tpu.memory_space<semaphore_mem>>) src(%dma_wait3A_289 : memref<10240x128xf32, #tpu.memory_space<hbm>>) dst(%arg11 : memref<80x128xf32, #tpu.memory_space<vmem>>)
        %dma_start3A_290 = arith.constant 7 : i32
        %dma_start3A_291 = arith.constant 0 : i32
        %dma_start3A_292 = tpu.memref_slice %arg9[%dma_start3A_290, %dma_start3A_291] : memref<8x80xi32, #tpu.memory_space<vmem>> -> memref<1x80xi32, #tpu.memory_space<vmem>>
        %dma_start3A_293 = tpu.memref_squeeze %dma_start3A_292 : memref<1x80xi32, #tpu.memory_space<vmem>> -> memref<80xi32, #tpu.memory_space<vmem>>
        %dma_start3A_294 = arith.constant 0 : i32
        %dma_start3A_295 = arith.constant 0 : i32
        %dma_start3A_296 = tpu.memref_slice %arg2[%dma_start3A_294, %dma_start3A_295] : memref<10240x128xf32, #tpu.memory_space<hbm>> -> memref<10240x128xf32, #tpu.memory_space<hbm>>
        tpu.enqueue_indirect_dma source(%dma_start3A_296 : memref<10240x128xf32, #tpu.memory_space<hbm>>) target(%arg12 : memref<80x128xf32, #tpu.memory_space<vmem>>) offsets(%dma_start3A_293 : memref<80xi32, #tpu.memory_space<vmem>>) semaphore(%arg15 : memref<!tpu.dma_semaphore, #tpu.memory_space<semaphore_mem>>)
        %run_scoped3A_297 = arith.constant 6 : i32
        "tpu.region"() ({
          %run_scoped3A_318 = tpu.sem_alloc : memref<!tpu.dma_semaphore, #tpu.memory_space<semaphore_mem>>
          %dma_start3A_319 = arith.constant 0 : i32
          %dma_start3A_320 = tpu.memref_slice %arg10[%run_scoped3A_297, %dma_start3A_319] : memref<8x80xi32, #tpu.memory_space<vmem>> -> memref<1x80xi32, #tpu.memory_space<vmem>>
          %dma_start3A_321 = tpu.memref_squeeze %dma_start3A_320 : memref<1x80xi32, #tpu.memory_space<vmem>> -> memref<80xi32, #tpu.memory_space<vmem>>
          %dma_start3A_322 = arith.constant 0 : i32
          %dma_start3A_323 = arith.constant 0 : i32
          %dma_start3A_324 = tpu.memref_slice %arg13[%dma_start3A_322, %dma_start3A_323] : memref<10240x128xf32, #tpu.memory_space<vmem_shared>> -> memref<10240x128xf32, #tpu.memory_space<vmem_shared>>
          tpu.enqueue_indirect_dma source(%arg11 : memref<80x128xf32, #tpu.memory_space<vmem>>) target(%dma_start3A_324 : memref<10240x128xf32, #tpu.memory_space<vmem_shared>>) offsets(%dma_start3A_321 : memref<80xi32, #tpu.memory_space<vmem>>) semaphore(%run_scoped3A_318 : memref<!tpu.dma_semaphore, #tpu.memory_space<semaphore_mem>>) {add = true}
          %dma_wait3A_325 = arith.constant 0 : i32
          %dma_wait3A_326 = tpu.memref_slice %arg10[%run_scoped3A_297, %dma_wait3A_325] : memref<8x80xi32, #tpu.memory_space<vmem>> -> memref<1x80xi32, #tpu.memory_space<vmem>>
          %dma_wait3A_327 = tpu.memref_squeeze %dma_wait3A_326 : memref<1x80xi32, #tpu.memory_space<vmem>> -> memref<80xi32, #tpu.memory_space<vmem>>
          %dma_wait3A_328 = arith.constant 0 : i32
          %dma_wait3A_329 = arith.constant 0 : i32
          %dma_wait3A_330 = tpu.memref_slice %arg13[%dma_wait3A_328, %dma_wait3A_329] : memref<10240x128xf32, #tpu.memory_space<vmem_shared>> -> memref<10240x128xf32, #tpu.memory_space<vmem_shared>>
          tpu.wait_indirect_dma semaphore(%run_scoped3A_318 : memref<!tpu.dma_semaphore, #tpu.memory_space<semaphore_mem>>) src(%arg11 : memref<80x128xf32, #tpu.memory_space<vmem>>) dst(%dma_wait3A_330 : memref<10240x128xf32, #tpu.memory_space<vmem_shared>>)
          tpu.yield
        }) : () -> ()
        %dma_wait3A_298 = arith.constant 7 : i32
        %dma_wait3A_299 = arith.constant 0 : i32
        %dma_wait3A_300 = tpu.memref_slice %arg9[%dma_wait3A_298, %dma_wait3A_299] : memref<8x80xi32, #tpu.memory_space<vmem>> -> memref<1x80xi32, #tpu.memory_space<vmem>>
        %dma_wait3A_301 = tpu.memref_squeeze %dma_wait3A_300 : memref<1x80xi32, #tpu.memory_space<vmem>> -> memref<80xi32, #tpu.memory_space<vmem>>
        %dma_wait3A_302 = arith.constant 0 : i32
        %dma_wait3A_303 = arith.constant 0 : i32
        %dma_wait3A_304 = tpu.memref_slice %arg2[%dma_wait3A_302, %dma_wait3A_303] : memref<10240x128xf32, #tpu.memory_space<hbm>> -> memref<10240x128xf32, #tpu.memory_space<hbm>>
        tpu.wait_indirect_dma semaphore(%arg15 : memref<!tpu.dma_semaphore, #tpu.memory_space<semaphore_mem>>) src(%dma_wait3A_304 : memref<10240x128xf32, #tpu.memory_space<hbm>>) dst(%arg12 : memref<80x128xf32, #tpu.memory_space<vmem>>)
        %sub3A_305 = arith.constant 1 : i32
        %sub3A_306 = arith.subi %select_n3A, %sub3A_305 : i32
        %lt3A_307 = arith.cmpi slt, %while3A_47, %sub3A_306 : i32
        %convert_element_type3A_308 = arith.extui %lt3A_307 : i1 to i32
        %cond3A_309 = arith.constant 0 : i32
        %cond3A_310 = arith.cmpi ne, %convert_element_type3A_308, %cond3A_309 : i32
        scf.if %cond3A_310 {
          %add3A_318 = arith.constant 2 : i32
          %add3A_319 = arith.addi %add3A_50, %add3A_318 : i32
          %dma_wait3A_320 = arith.constant 0 : i32
          %dma_wait3A_321 = arith.constant 0 : i32
          %dma_wait3A_322 = tpu.memref_slice %arg3[%add3A_319, %dma_wait3A_320, %dma_wait3A_321] : memref<512x8x80xi32, #tpu.memory_space<hbm>> -> memref<1x8x80xi32, #tpu.memory_space<hbm>>
          %dma_wait3A_323 = tpu.memref_squeeze %dma_wait3A_322 : memref<1x8x80xi32, #tpu.memory_space<hbm>> -> memref<8x80xi32, #tpu.memory_space<hbm>>
          %dma_wait3A_324 = arith.constant 0 : i32
          %dma_wait3A_325 = arith.constant 0 : i32
          %dma_wait3A_326 = tpu.memref_slice %arg3[%add3A_319, %dma_wait3A_324, %dma_wait3A_325] : memref<512x8x80xi32, #tpu.memory_space<hbm>> -> memref<1x8x80xi32, #tpu.memory_space<hbm>>
          %dma_wait3A_327 = tpu.memref_squeeze %dma_wait3A_326 : memref<1x8x80xi32, #tpu.memory_space<hbm>> -> memref<8x80xi32, #tpu.memory_space<hbm>>
          tpu.wait_dma2 semaphore(%arg16 : memref<!tpu.dma_semaphore, #tpu.memory_space<semaphore_mem>>) src(%dma_wait3A_327 : memref<8x80xi32, #tpu.memory_space<hbm>>) dst(%arg7 : memref<8x80xi32, #tpu.memory_space<vmem>>)
          %add3A_328 = arith.constant 2 : i32
          %add3A_329 = arith.addi %add3A_50, %add3A_328 : i32
          %dma_wait3A_330 = arith.constant 0 : i32
          %dma_wait3A_331 = arith.constant 0 : i32
          %dma_wait3A_332 = tpu.memref_slice %arg4[%add3A_329, %dma_wait3A_330, %dma_wait3A_331] : memref<512x8x80xi32, #tpu.memory_space<hbm>> -> memref<1x8x80xi32, #tpu.memory_space<hbm>>
          %dma_wait3A_333 = tpu.memref_squeeze %dma_wait3A_332 : memref<1x8x80xi32, #tpu.memory_space<hbm>> -> memref<8x80xi32, #tpu.memory_space<hbm>>
          %dma_wait3A_334 = arith.constant 0 : i32
          %dma_wait3A_335 = arith.constant 0 : i32
          %dma_wait3A_336 = tpu.memref_slice %arg4[%add3A_329, %dma_wait3A_334, %dma_wait3A_335] : memref<512x8x80xi32, #tpu.memory_space<hbm>> -> memref<1x8x80xi32, #tpu.memory_space<hbm>>
          %dma_wait3A_337 = tpu.memref_squeeze %dma_wait3A_336 : memref<1x8x80xi32, #tpu.memory_space<hbm>> -> memref<8x80xi32, #tpu.memory_space<hbm>>
          tpu.wait_dma2 semaphore(%arg17 : memref<!tpu.dma_semaphore, #tpu.memory_space<semaphore_mem>>) src(%dma_wait3A_337 : memref<8x80xi32, #tpu.memory_space<hbm>>) dst(%arg8 : memref<8x80xi32, #tpu.memory_space<vmem>>)
          %dma_start3A_338 = arith.constant 0 : i32
          %dma_start3A_339 = arith.constant 0 : i32
          %dma_start3A_340 = tpu.memref_slice %arg7[%dma_start3A_338, %dma_start3A_339] : memref<8x80xi32, #tpu.memory_space<vmem>> -> memref<1x80xi32, #tpu.memory_space<vmem>>
          %dma_start3A_341 = tpu.memref_squeeze %dma_start3A_340 : memref<1x80xi32, #tpu.memory_space<vmem>> -> memref<80xi32, #tpu.memory_space<vmem>>
          %dma_start3A_342 = arith.constant 0 : i32
          %dma_start3A_343 = arith.constant 0 : i32
          %dma_start3A_344 = tpu.memref_slice %arg2[%dma_start3A_342, %dma_start3A_343] : memref<10240x128xf32, #tpu.memory_space<hbm>> -> memref<10240x128xf32, #tpu.memory_space<hbm>>
          tpu.enqueue_indirect_dma source(%dma_start3A_344 : memref<10240x128xf32, #tpu.memory_space<hbm>>) target(%arg11 : memref<80x128xf32, #tpu.memory_space<vmem>>) offsets(%dma_start3A_341 : memref<80xi32, #tpu.memory_space<vmem>>) semaphore(%arg14 : memref<!tpu.dma_semaphore, #tpu.memory_space<semaphore_mem>>)
        } else {
        }
        %run_scoped3A_311 = arith.constant 7 : i32
        "tpu.region"() ({
          %run_scoped3A_318 = tpu.sem_alloc : memref<!tpu.dma_semaphore, #tpu.memory_space<semaphore_mem>>
          %dma_start3A_319 = arith.constant 0 : i32
          %dma_start3A_320 = tpu.memref_slice %arg10[%run_scoped3A_311, %dma_start3A_319] : memref<8x80xi32, #tpu.memory_space<vmem>> -> memref<1x80xi32, #tpu.memory_space<vmem>>
          %dma_start3A_321 = tpu.memref_squeeze %dma_start3A_320 : memref<1x80xi32, #tpu.memory_space<vmem>> -> memref<80xi32, #tpu.memory_space<vmem>>
          %dma_start3A_322 = arith.constant 0 : i32
          %dma_start3A_323 = arith.constant 0 : i32
          %dma_start3A_324 = tpu.memref_slice %arg13[%dma_start3A_322, %dma_start3A_323] : memref<10240x128xf32, #tpu.memory_space<vmem_shared>> -> memref<10240x128xf32, #tpu.memory_space<vmem_shared>>
          tpu.enqueue_indirect_dma source(%arg12 : memref<80x128xf32, #tpu.memory_space<vmem>>) target(%dma_start3A_324 : memref<10240x128xf32, #tpu.memory_space<vmem_shared>>) offsets(%dma_start3A_321 : memref<80xi32, #tpu.memory_space<vmem>>) semaphore(%run_scoped3A_318 : memref<!tpu.dma_semaphore, #tpu.memory_space<semaphore_mem>>) {add = true}
          %dma_wait3A_325 = arith.constant 0 : i32
          %dma_wait3A_326 = tpu.memref_slice %arg10[%run_scoped3A_311, %dma_wait3A_325] : memref<8x80xi32, #tpu.memory_space<vmem>> -> memref<1x80xi32, #tpu.memory_space<vmem>>
          %dma_wait3A_327 = tpu.memref_squeeze %dma_wait3A_326 : memref<1x80xi32, #tpu.memory_space<vmem>> -> memref<80xi32, #tpu.memory_space<vmem>>
          %dma_wait3A_328 = arith.constant 0 : i32
          %dma_wait3A_329 = arith.constant 0 : i32
          %dma_wait3A_330 = tpu.memref_slice %arg13[%dma_wait3A_328, %dma_wait3A_329] : memref<10240x128xf32, #tpu.memory_space<vmem_shared>> -> memref<10240x128xf32, #tpu.memory_space<vmem_shared>>
          tpu.wait_indirect_dma semaphore(%run_scoped3A_318 : memref<!tpu.dma_semaphore, #tpu.memory_space<semaphore_mem>>) src(%arg12 : memref<80x128xf32, #tpu.memory_space<vmem>>) dst(%dma_wait3A_330 : memref<10240x128xf32, #tpu.memory_space<vmem_shared>>)
          tpu.yield
        }) : () -> ()
        %sub3A_312 = arith.constant 1 : i32
        %sub3A_313 = arith.subi %select_n3A, %sub3A_312 : i32
        %lt3A_314 = arith.cmpi slt, %while3A_47, %sub3A_313 : i32
        %convert_element_type3A_315 = arith.extui %lt3A_314 : i1 to i32
        %cond3A_316 = arith.constant 0 : i32
        %cond3A_317 = arith.cmpi ne, %convert_element_type3A_315, %cond3A_316 : i32
        scf.if %cond3A_317 {
          %add3A_318 = arith.constant 3 : i32
          %add3A_319 = arith.addi %add3A_50, %add3A_318 : i32
          %dma_start3A_320 = arith.constant 0 : i32
          %dma_start3A_321 = arith.constant 0 : i32
          %dma_start3A_322 = tpu.memref_slice %arg3[%add3A_319, %dma_start3A_320, %dma_start3A_321] : memref<512x8x80xi32, #tpu.memory_space<hbm>> -> memref<1x8x80xi32, #tpu.memory_space<hbm>>
          %dma_start3A_323 = tpu.memref_squeeze %dma_start3A_322 : memref<1x8x80xi32, #tpu.memory_space<hbm>> -> memref<8x80xi32, #tpu.memory_space<hbm>>
          %dma_start3A_324 = arith.constant 0 : i32
          %dma_start3A_325 = arith.constant 0 : i32
          %dma_start3A_326 = tpu.memref_slice %arg3[%add3A_319, %dma_start3A_324, %dma_start3A_325] : memref<512x8x80xi32, #tpu.memory_space<hbm>> -> memref<1x8x80xi32, #tpu.memory_space<hbm>>
          %dma_start3A_327 = tpu.memref_squeeze %dma_start3A_326 : memref<1x8x80xi32, #tpu.memory_space<hbm>> -> memref<8x80xi32, #tpu.memory_space<hbm>>
          tpu.enqueue_dma source(%dma_start3A_327 : memref<8x80xi32, #tpu.memory_space<hbm>>) target(%arg9 : memref<8x80xi32, #tpu.memory_space<vmem>>) target_semaphore(%arg16 : memref<!tpu.dma_semaphore, #tpu.memory_space<semaphore_mem>>)
          %add3A_328 = arith.constant 3 : i32
          %add3A_329 = arith.addi %add3A_50, %add3A_328 : i32
          %dma_start3A_330 = arith.constant 0 : i32
          %dma_start3A_331 = arith.constant 0 : i32
          %dma_start3A_332 = tpu.memref_slice %arg4[%add3A_329, %dma_start3A_330, %dma_start3A_331] : memref<512x8x80xi32, #tpu.memory_space<hbm>> -> memref<1x8x80xi32, #tpu.memory_space<hbm>>
          %dma_start3A_333 = tpu.memref_squeeze %dma_start3A_332 : memref<1x8x80xi32, #tpu.memory_space<hbm>> -> memref<8x80xi32, #tpu.memory_space<hbm>>
          %dma_start3A_334 = arith.constant 0 : i32
          %dma_start3A_335 = arith.constant 0 : i32
          %dma_start3A_336 = tpu.memref_slice %arg4[%add3A_329, %dma_start3A_334, %dma_start3A_335] : memref<512x8x80xi32, #tpu.memory_space<hbm>> -> memref<1x8x80xi32, #tpu.memory_space<hbm>>
          %dma_start3A_337 = tpu.memref_squeeze %dma_start3A_336 : memref<1x8x80xi32, #tpu.memory_space<hbm>> -> memref<8x80xi32, #tpu.memory_space<hbm>>
          tpu.enqueue_dma source(%dma_start3A_337 : memref<8x80xi32, #tpu.memory_space<hbm>>) target(%arg10 : memref<8x80xi32, #tpu.memory_space<vmem>>) target_semaphore(%arg17 : memref<!tpu.dma_semaphore, #tpu.memory_space<semaphore_mem>>)
        } else {
        }
      }
      %while3A_41 = arith.constant 1 : i32
      scf.for %while3A_47 = %while3A_39 to %while3A_35 step %while3A_41  : i32 {
        %mul3A_48 = arith.constant 2 : i32
        %mul3A_49 = arith.muli %mul3A_48, %while3A_47 : i32
        %add3A_50 = arith.addi %mul3A_5, %mul3A_49 : i32
        %dma_wait3A = arith.constant 0 : i32
        %dma_wait3A_51 = arith.constant 0 : i32
        %dma_wait3A_52 = tpu.memref_slice %arg7[%dma_wait3A, %dma_wait3A_51] : memref<8x80xi32, #tpu.memory_space<vmem>> -> memref<1x80xi32, #tpu.memory_space<vmem>>
        %dma_wait3A_53 = tpu.memref_squeeze %dma_wait3A_52 : memref<1x80xi32, #tpu.memory_space<vmem>> -> memref<80xi32, #tpu.memory_space<vmem>>
        %dma_wait3A_54 = arith.constant 0 : i32
        %dma_wait3A_55 = arith.constant 0 : i32
        %dma_wait3A_56 = tpu.memref_slice %arg2[%dma_wait3A_54, %dma_wait3A_55] : memref<10240x128xf32, #tpu.memory_space<hbm>> -> memref<10240x128xf32, #tpu.memory_space<hbm>>
        tpu.wait_indirect_dma semaphore(%arg14 : memref<!tpu.dma_semaphore, #tpu.memory_space<semaphore_mem>>) src(%dma_wait3A_56 : memref<10240x128xf32, #tpu.memory_space<hbm>>) dst(%arg11 : memref<80x128xf32, #tpu.memory_space<vmem>>)
        %dma_start3A_57 = arith.constant 1 : i32
        %dma_start3A_58 = arith.constant 0 : i32
        %dma_start3A_59 = tpu.memref_slice %arg7[%dma_start3A_57, %dma_start3A_58] : memref<8x80xi32, #tpu.memory_space<vmem>> -> memref<1x80xi32, #tpu.memory_space<vmem>>
        %dma_start3A_60 = tpu.memref_squeeze %dma_start3A_59 : memref<1x80xi32, #tpu.memory_space<vmem>> -> memref<80xi32, #tpu.memory_space<vmem>>
        %dma_start3A_61 = arith.constant 0 : i32
        %dma_start3A_62 = arith.constant 0 : i32
        %dma_start3A_63 = tpu.memref_slice %arg2[%dma_start3A_61, %dma_start3A_62] : memref<10240x128xf32, #tpu.memory_space<hbm>> -> memref<10240x128xf32, #tpu.memory_space<hbm>>
        tpu.enqueue_indirect_dma source(%dma_start3A_63 : memref<10240x128xf32, #tpu.memory_space<hbm>>) target(%arg12 : memref<80x128xf32, #tpu.memory_space<vmem>>) offsets(%dma_start3A_60 : memref<80xi32, #tpu.memory_space<vmem>>) semaphore(%arg15 : memref<!tpu.dma_semaphore, #tpu.memory_space<semaphore_mem>>)
        %run_scoped3A = arith.constant 0 : i32
        "tpu.region"() ({
          %run_scoped3A_318 = tpu.sem_alloc : memref<!tpu.dma_semaphore, #tpu.memory_space<semaphore_mem>>
          %dma_start3A_319 = arith.constant 0 : i32
          %dma_start3A_320 = tpu.memref_slice %arg8[%run_scoped3A, %dma_start3A_319] : memref<8x80xi32, #tpu.memory_space<vmem>> -> memref<1x80xi32, #tpu.memory_space<vmem>>
          %dma_start3A_321 = tpu.memref_squeeze %dma_start3A_320 : memref<1x80xi32, #tpu.memory_space<vmem>> -> memref<80xi32, #tpu.memory_space<vmem>>
          %dma_start3A_322 = arith.constant 0 : i32
          %dma_start3A_323 = arith.constant 0 : i32
          %dma_start3A_324 = tpu.memref_slice %arg13[%dma_start3A_322, %dma_start3A_323] : memref<10240x128xf32, #tpu.memory_space<vmem_shared>> -> memref<10240x128xf32, #tpu.memory_space<vmem_shared>>
          tpu.enqueue_indirect_dma source(%arg11 : memref<80x128xf32, #tpu.memory_space<vmem>>) target(%dma_start3A_324 : memref<10240x128xf32, #tpu.memory_space<vmem_shared>>) offsets(%dma_start3A_321 : memref<80xi32, #tpu.memory_space<vmem>>) semaphore(%run_scoped3A_318 : memref<!tpu.dma_semaphore, #tpu.memory_space<semaphore_mem>>) {add = true}
          %dma_wait3A_325 = arith.constant 0 : i32
          %dma_wait3A_326 = tpu.memref_slice %arg8[%run_scoped3A, %dma_wait3A_325] : memref<8x80xi32, #tpu.memory_space<vmem>> -> memref<1x80xi32, #tpu.memory_space<vmem>>
          %dma_wait3A_327 = tpu.memref_squeeze %dma_wait3A_326 : memref<1x80xi32, #tpu.memory_space<vmem>> -> memref<80xi32, #tpu.memory_space<vmem>>
          %dma_wait3A_328 = arith.constant 0 : i32
          %dma_wait3A_329 = arith.constant 0 : i32
          %dma_wait3A_330 = tpu.memref_slice %arg13[%dma_wait3A_328, %dma_wait3A_329] : memref<10240x128xf32, #tpu.memory_space<vmem_shared>> -> memref<10240x128xf32, #tpu.memory_space<vmem_shared>>
          tpu.wait_indirect_dma semaphore(%run_scoped3A_318 : memref<!tpu.dma_semaphore, #tpu.memory_space<semaphore_mem>>) src(%arg11 : memref<80x128xf32, #tpu.memory_space<vmem>>) dst(%dma_wait3A_330 : memref<10240x128xf32, #tpu.memory_space<vmem_shared>>)
          tpu.yield
        }) : () -> ()
        %dma_wait3A_64 = arith.constant 1 : i32
        %dma_wait3A_65 = arith.constant 0 : i32
        %dma_wait3A_66 = tpu.memref_slice %arg7[%dma_wait3A_64, %dma_wait3A_65] : memref<8x80xi32, #tpu.memory_space<vmem>> -> memref<1x80xi32, #tpu.memory_space<vmem>>
        %dma_wait3A_67 = tpu.memref_squeeze %dma_wait3A_66 : memref<1x80xi32, #tpu.memory_space<vmem>> -> memref<80xi32, #tpu.memory_space<vmem>>
        %dma_wait3A_68 = arith.constant 0 : i32
        %dma_wait3A_69 = arith.constant 0 : i32
        %dma_wait3A_70 = tpu.memref_slice %arg2[%dma_wait3A_68, %dma_wait3A_69] : memref<10240x128xf32, #tpu.memory_space<hbm>> -> memref<10240x128xf32, #tpu.memory_space<hbm>>
        tpu.wait_indirect_dma semaphore(%arg15 : memref<!tpu.dma_semaphore, #tpu.memory_space<semaphore_mem>>) src(%dma_wait3A_70 : memref<10240x128xf32, #tpu.memory_space<hbm>>) dst(%arg12 : memref<80x128xf32, #tpu.memory_space<vmem>>)
        %dma_start3A_71 = arith.constant 2 : i32
        %dma_start3A_72 = arith.constant 0 : i32
        %dma_start3A_73 = tpu.memref_slice %arg7[%dma_start3A_71, %dma_start3A_72] : memref<8x80xi32, #tpu.memory_space<vmem>> -> memref<1x80xi32, #tpu.memory_space<vmem>>
        %dma_start3A_74 = tpu.memref_squeeze %dma_start3A_73 : memref<1x80xi32, #tpu.memory_space<vmem>> -> memref<80xi32, #tpu.memory_space<vmem>>
        %dma_start3A_75 = arith.constant 0 : i32
        %dma_start3A_76 = arith.constant 0 : i32
        %dma_start3A_77 = tpu.memref_slice %arg2[%dma_start3A_75, %dma_start3A_76] : memref<10240x128xf32, #tpu.memory_space<hbm>> -> memref<10240x128xf32, #tpu.memory_space<hbm>>
        tpu.enqueue_indirect_dma source(%dma_start3A_77 : memref<10240x128xf32, #tpu.memory_space<hbm>>) target(%arg11 : memref<80x128xf32, #tpu.memory_space<vmem>>) offsets(%dma_start3A_74 : memref<80xi32, #tpu.memory_space<vmem>>) semaphore(%arg14 : memref<!tpu.dma_semaphore, #tpu.memory_space<semaphore_mem>>)
        %run_scoped3A_78 = arith.constant 1 : i32
        "tpu.region"() ({
          %run_scoped3A_318 = tpu.sem_alloc : memref<!tpu.dma_semaphore, #tpu.memory_space<semaphore_mem>>
          %dma_start3A_319 = arith.constant 0 : i32
          %dma_start3A_320 = tpu.memref_slice %arg8[%run_scoped3A_78, %dma_start3A_319] : memref<8x80xi32, #tpu.memory_space<vmem>> -> memref<1x80xi32, #tpu.memory_space<vmem>>
          %dma_start3A_321 = tpu.memref_squeeze %dma_start3A_320 : memref<1x80xi32, #tpu.memory_space<vmem>> -> memref<80xi32, #tpu.memory_space<vmem>>
          %dma_start3A_322 = arith.constant 0 : i32
          %dma_start3A_323 = arith.constant 0 : i32
          %dma_start3A_324 = tpu.memref_slice %arg13[%dma_start3A_322, %dma_start3A_323] : memref<10240x128xf32, #tpu.memory_space<vmem_shared>> -> memref<10240x128xf32, #tpu.memory_space<vmem_shared>>
          tpu.enqueue_indirect_dma source(%arg12 : memref<80x128xf32, #tpu.memory_space<vmem>>) target(%dma_start3A_324 : memref<10240x128xf32, #tpu.memory_space<vmem_shared>>) offsets(%dma_start3A_321 : memref<80xi32, #tpu.memory_space<vmem>>) semaphore(%run_scoped3A_318 : memref<!tpu.dma_semaphore, #tpu.memory_space<semaphore_mem>>) {add = true}
          %dma_wait3A_325 = arith.constant 0 : i32
          %dma_wait3A_326 = tpu.memref_slice %arg8[%run_scoped3A_78, %dma_wait3A_325] : memref<8x80xi32, #tpu.memory_space<vmem>> -> memref<1x80xi32, #tpu.memory_space<vmem>>
          %dma_wait3A_327 = tpu.memref_squeeze %dma_wait3A_326 : memref<1x80xi32, #tpu.memory_space<vmem>> -> memref<80xi32, #tpu.memory_space<vmem>>
          %dma_wait3A_328 = arith.constant 0 : i32
          %dma_wait3A_329 = arith.constant 0 : i32
          %dma_wait3A_330 = tpu.memref_slice %arg13[%dma_wait3A_328, %dma_wait3A_329] : memref<10240x128xf32, #tpu.memory_space<vmem_shared>> -> memref<10240x128xf32, #tpu.memory_space<vmem_shared>>
          tpu.wait_indirect_dma semaphore(%run_scoped3A_318 : memref<!tpu.dma_semaphore, #tpu.memory_space<semaphore_mem>>) src(%arg12 : memref<80x128xf32, #tpu.memory_space<vmem>>) dst(%dma_wait3A_330 : memref<10240x128xf32, #tpu.memory_space<vmem_shared>>)
          tpu.yield
        }) : () -> ()
        %dma_wait3A_79 = arith.constant 2 : i32
        %dma_wait3A_80 = arith.constant 0 : i32
        %dma_wait3A_81 = tpu.memref_slice %arg7[%dma_wait3A_79, %dma_wait3A_80] : memref<8x80xi32, #tpu.memory_space<vmem>> -> memref<1x80xi32, #tpu.memory_space<vmem>>
        %dma_wait3A_82 = tpu.memref_squeeze %dma_wait3A_81 : memref<1x80xi32, #tpu.memory_space<vmem>> -> memref<80xi32, #tpu.memory_space<vmem>>
        %dma_wait3A_83 = arith.constant 0 : i32
        %dma_wait3A_84 = arith.constant 0 : i32
        %dma_wait3A_85 = tpu.memref_slice %arg2[%dma_wait3A_83, %dma_wait3A_84] : memref<10240x128xf32, #tpu.memory_space<hbm>> -> memref<10240x128xf32, #tpu.memory_space<hbm>>
        tpu.wait_indirect_dma semaphore(%arg14 : memref<!tpu.dma_semaphore, #tpu.memory_space<semaphore_mem>>) src(%dma_wait3A_85 : memref<10240x128xf32, #tpu.memory_space<hbm>>) dst(%arg11 : memref<80x128xf32, #tpu.memory_space<vmem>>)
        %dma_start3A_86 = arith.constant 3 : i32
        %dma_start3A_87 = arith.constant 0 : i32
        %dma_start3A_88 = tpu.memref_slice %arg7[%dma_start3A_86, %dma_start3A_87] : memref<8x80xi32, #tpu.memory_space<vmem>> -> memref<1x80xi32, #tpu.memory_space<vmem>>
        %dma_start3A_89 = tpu.memref_squeeze %dma_start3A_88 : memref<1x80xi32, #tpu.memory_space<vmem>> -> memref<80xi32, #tpu.memory_space<vmem>>
        %dma_start3A_90 = arith.constant 0 : i32
        %dma_start3A_91 = arith.constant 0 : i32
        %dma_start3A_92 = tpu.memref_slice %arg2[%dma_start3A_90, %dma_start3A_91] : memref<10240x128xf32, #tpu.memory_space<hbm>> -> memref<10240x128xf32, #tpu.memory_space<hbm>>
        tpu.enqueue_indirect_dma source(%dma_start3A_92 : memref<10240x128xf32, #tpu.memory_space<hbm>>) target(%arg12 : memref<80x128xf32, #tpu.memory_space<vmem>>) offsets(%dma_start3A_89 : memref<80xi32, #tpu.memory_space<vmem>>) semaphore(%arg15 : memref<!tpu.dma_semaphore, #tpu.memory_space<semaphore_mem>>)
        %run_scoped3A_93 = arith.constant 2 : i32
        "tpu.region"() ({
          %run_scoped3A_318 = tpu.sem_alloc : memref<!tpu.dma_semaphore, #tpu.memory_space<semaphore_mem>>
          %dma_start3A_319 = arith.constant 0 : i32
          %dma_start3A_320 = tpu.memref_slice %arg8[%run_scoped3A_93, %dma_start3A_319] : memref<8x80xi32, #tpu.memory_space<vmem>> -> memref<1x80xi32, #tpu.memory_space<vmem>>
          %dma_start3A_321 = tpu.memref_squeeze %dma_start3A_320 : memref<1x80xi32, #tpu.memory_space<vmem>> -> memref<80xi32, #tpu.memory_space<vmem>>
          %dma_start3A_322 = arith.constant 0 : i32
          %dma_start3A_323 = arith.constant 0 : i32
          %dma_start3A_324 = tpu.memref_slice %arg13[%dma_start3A_322, %dma_start3A_323] : memref<10240x128xf32, #tpu.memory_space<vmem_shared>> -> memref<10240x128xf32, #tpu.memory_space<vmem_shared>>
          tpu.enqueue_indirect_dma source(%arg11 : memref<80x128xf32, #tpu.memory_space<vmem>>) target(%dma_start3A_324 : memref<10240x128xf32, #tpu.memory_space<vmem_shared>>) offsets(%dma_start3A_321 : memref<80xi32, #tpu.memory_space<vmem>>) semaphore(%run_scoped3A_318 : memref<!tpu.dma_semaphore, #tpu.memory_space<semaphore_mem>>) {add = true}
          %dma_wait3A_325 = arith.constant 0 : i32
          %dma_wait3A_326 = tpu.memref_slice %arg8[%run_scoped3A_93, %dma_wait3A_325] : memref<8x80xi32, #tpu.memory_space<vmem>> -> memref<1x80xi32, #tpu.memory_space<vmem>>
          %dma_wait3A_327 = tpu.memref_squeeze %dma_wait3A_326 : memref<1x80xi32, #tpu.memory_space<vmem>> -> memref<80xi32, #tpu.memory_space<vmem>>
          %dma_wait3A_328 = arith.constant 0 : i32
          %dma_wait3A_329 = arith.constant 0 : i32
          %dma_wait3A_330 = tpu.memref_slice %arg13[%dma_wait3A_328, %dma_wait3A_329] : memref<10240x128xf32, #tpu.memory_space<vmem_shared>> -> memref<10240x128xf32, #tpu.memory_space<vmem_shared>>
          tpu.wait_indirect_dma semaphore(%run_scoped3A_318 : memref<!tpu.dma_semaphore, #tpu.memory_space<semaphore_mem>>) src(%arg11 : memref<80x128xf32, #tpu.memory_space<vmem>>) dst(%dma_wait3A_330 : memref<10240x128xf32, #tpu.memory_space<vmem_shared>>)
          tpu.yield
        }) : () -> ()
        %dma_wait3A_94 = arith.constant 3 : i32
        %dma_wait3A_95 = arith.constant 0 : i32
        %dma_wait3A_96 = tpu.memref_slice %arg7[%dma_wait3A_94, %dma_wait3A_95] : memref<8x80xi32, #tpu.memory_space<vmem>> -> memref<1x80xi32, #tpu.memory_space<vmem>>
        %dma_wait3A_97 = tpu.memref_squeeze %dma_wait3A_96 : memref<1x80xi32, #tpu.memory_space<vmem>> -> memref<80xi32, #tpu.memory_space<vmem>>
        %dma_wait3A_98 = arith.constant 0 : i32
        %dma_wait3A_99 = arith.constant 0 : i32
        %dma_wait3A_100 = tpu.memref_slice %arg2[%dma_wait3A_98, %dma_wait3A_99] : memref<10240x128xf32, #tpu.memory_space<hbm>> -> memref<10240x128xf32, #tpu.memory_space<hbm>>
        tpu.wait_indirect_dma semaphore(%arg15 : memref<!tpu.dma_semaphore, #tpu.memory_space<semaphore_mem>>) src(%dma_wait3A_100 : memref<10240x128xf32, #tpu.memory_space<hbm>>) dst(%arg12 : memref<80x128xf32, #tpu.memory_space<vmem>>)
        %dma_start3A_101 = arith.constant 4 : i32
        %dma_start3A_102 = arith.constant 0 : i32
        %dma_start3A_103 = tpu.memref_slice %arg7[%dma_start3A_101, %dma_start3A_102] : memref<8x80xi32, #tpu.memory_space<vmem>> -> memref<1x80xi32, #tpu.memory_space<vmem>>
        %dma_start3A_104 = tpu.memref_squeeze %dma_start3A_103 : memref<1x80xi32, #tpu.memory_space<vmem>> -> memref<80xi32, #tpu.memory_space<vmem>>
        %dma_start3A_105 = arith.constant 0 : i32
        %dma_start3A_106 = arith.constant 0 : i32
        %dma_start3A_107 = tpu.memref_slice %arg2[%dma_start3A_105, %dma_start3A_106] : memref<10240x128xf32, #tpu.memory_space<hbm>> -> memref<10240x128xf32, #tpu.memory_space<hbm>>
        tpu.enqueue_indirect_dma source(%dma_start3A_107 : memref<10240x128xf32, #tpu.memory_space<hbm>>) target(%arg11 : memref<80x128xf32, #tpu.memory_space<vmem>>) offsets(%dma_start3A_104 : memref<80xi32, #tpu.memory_space<vmem>>) semaphore(%arg14 : memref<!tpu.dma_semaphore, #tpu.memory_space<semaphore_mem>>)
        %run_scoped3A_108 = arith.constant 3 : i32
        "tpu.region"() ({
          %run_scoped3A_318 = tpu.sem_alloc : memref<!tpu.dma_semaphore, #tpu.memory_space<semaphore_mem>>
          %dma_start3A_319 = arith.constant 0 : i32
          %dma_start3A_320 = tpu.memref_slice %arg8[%run_scoped3A_108, %dma_start3A_319] : memref<8x80xi32, #tpu.memory_space<vmem>> -> memref<1x80xi32, #tpu.memory_space<vmem>>
          %dma_start3A_321 = tpu.memref_squeeze %dma_start3A_320 : memref<1x80xi32, #tpu.memory_space<vmem>> -> memref<80xi32, #tpu.memory_space<vmem>>
          %dma_start3A_322 = arith.constant 0 : i32
          %dma_start3A_323 = arith.constant 0 : i32
          %dma_start3A_324 = tpu.memref_slice %arg13[%dma_start3A_322, %dma_start3A_323] : memref<10240x128xf32, #tpu.memory_space<vmem_shared>> -> memref<10240x128xf32, #tpu.memory_space<vmem_shared>>
          tpu.enqueue_indirect_dma source(%arg12 : memref<80x128xf32, #tpu.memory_space<vmem>>) target(%dma_start3A_324 : memref<10240x128xf32, #tpu.memory_space<vmem_shared>>) offsets(%dma_start3A_321 : memref<80xi32, #tpu.memory_space<vmem>>) semaphore(%run_scoped3A_318 : memref<!tpu.dma_semaphore, #tpu.memory_space<semaphore_mem>>) {add = true}
          %dma_wait3A_325 = arith.constant 0 : i32
          %dma_wait3A_326 = tpu.memref_slice %arg8[%run_scoped3A_108, %dma_wait3A_325] : memref<8x80xi32, #tpu.memory_space<vmem>> -> memref<1x80xi32, #tpu.memory_space<vmem>>
          %dma_wait3A_327 = tpu.memref_squeeze %dma_wait3A_326 : memref<1x80xi32, #tpu.memory_space<vmem>> -> memref<80xi32, #tpu.memory_space<vmem>>
          %dma_wait3A_328 = arith.constant 0 : i32
          %dma_wait3A_329 = arith.constant 0 : i32
          %dma_wait3A_330 = tpu.memref_slice %arg13[%dma_wait3A_328, %dma_wait3A_329] : memref<10240x128xf32, #tpu.memory_space<vmem_shared>> -> memref<10240x128xf32, #tpu.memory_space<vmem_shared>>
          tpu.wait_indirect_dma semaphore(%run_scoped3A_318 : memref<!tpu.dma_semaphore, #tpu.memory_space<semaphore_mem>>) src(%arg12 : memref<80x128xf32, #tpu.memory_space<vmem>>) dst(%dma_wait3A_330 : memref<10240x128xf32, #tpu.memory_space<vmem_shared>>)
          tpu.yield
        }) : () -> ()
        %dma_wait3A_109 = arith.constant 4 : i32
        %dma_wait3A_110 = arith.constant 0 : i32
        %dma_wait3A_111 = tpu.memref_slice %arg7[%dma_wait3A_109, %dma_wait3A_110] : memref<8x80xi32, #tpu.memory_space<vmem>> -> memref<1x80xi32, #tpu.memory_space<vmem>>
        %dma_wait3A_112 = tpu.memref_squeeze %dma_wait3A_111 : memref<1x80xi32, #tpu.memory_space<vmem>> -> memref<80xi32, #tpu.memory_space<vmem>>
        %dma_wait3A_113 = arith.constant 0 : i32
        %dma_wait3A_114 = arith.constant 0 : i32
        %dma_wait3A_115 = tpu.memref_slice %arg2[%dma_wait3A_113, %dma_wait3A_114] : memref<10240x128xf32, #tpu.memory_space<hbm>> -> memref<10240x128xf32, #tpu.memory_space<hbm>>
        tpu.wait_indirect_dma semaphore(%arg14 : memref<!tpu.dma_semaphore, #tpu.memory_space<semaphore_mem>>) src(%dma_wait3A_115 : memref<10240x128xf32, #tpu.memory_space<hbm>>) dst(%arg11 : memref<80x128xf32, #tpu.memory_space<vmem>>)
        %dma_start3A_116 = arith.constant 5 : i32
        %dma_start3A_117 = arith.constant 0 : i32
        %dma_start3A_118 = tpu.memref_slice %arg7[%dma_start3A_116, %dma_start3A_117] : memref<8x80xi32, #tpu.memory_space<vmem>> -> memref<1x80xi32, #tpu.memory_space<vmem>>
        %dma_start3A_119 = tpu.memref_squeeze %dma_start3A_118 : memref<1x80xi32, #tpu.memory_space<vmem>> -> memref<80xi32, #tpu.memory_space<vmem>>
        %dma_start3A_120 = arith.constant 0 : i32
        %dma_start3A_121 = arith.constant 0 : i32
        %dma_start3A_122 = tpu.memref_slice %arg2[%dma_start3A_120, %dma_start3A_121] : memref<10240x128xf32, #tpu.memory_space<hbm>> -> memref<10240x128xf32, #tpu.memory_space<hbm>>
        tpu.enqueue_indirect_dma source(%dma_start3A_122 : memref<10240x128xf32, #tpu.memory_space<hbm>>) target(%arg12 : memref<80x128xf32, #tpu.memory_space<vmem>>) offsets(%dma_start3A_119 : memref<80xi32, #tpu.memory_space<vmem>>) semaphore(%arg15 : memref<!tpu.dma_semaphore, #tpu.memory_space<semaphore_mem>>)
        %run_scoped3A_123 = arith.constant 4 : i32
        "tpu.region"() ({
          %run_scoped3A_318 = tpu.sem_alloc : memref<!tpu.dma_semaphore, #tpu.memory_space<semaphore_mem>>
          %dma_start3A_319 = arith.constant 0 : i32
          %dma_start3A_320 = tpu.memref_slice %arg8[%run_scoped3A_123, %dma_start3A_319] : memref<8x80xi32, #tpu.memory_space<vmem>> -> memref<1x80xi32, #tpu.memory_space<vmem>>
          %dma_start3A_321 = tpu.memref_squeeze %dma_start3A_320 : memref<1x80xi32, #tpu.memory_space<vmem>> -> memref<80xi32, #tpu.memory_space<vmem>>
          %dma_start3A_322 = arith.constant 0 : i32
          %dma_start3A_323 = arith.constant 0 : i32
          %dma_start3A_324 = tpu.memref_slice %arg13[%dma_start3A_322, %dma_start3A_323] : memref<10240x128xf32, #tpu.memory_space<vmem_shared>> -> memref<10240x128xf32, #tpu.memory_space<vmem_shared>>
          tpu.enqueue_indirect_dma source(%arg11 : memref<80x128xf32, #tpu.memory_space<vmem>>) target(%dma_start3A_324 : memref<10240x128xf32, #tpu.memory_space<vmem_shared>>) offsets(%dma_start3A_321 : memref<80xi32, #tpu.memory_space<vmem>>) semaphore(%run_scoped3A_318 : memref<!tpu.dma_semaphore, #tpu.memory_space<semaphore_mem>>) {add = true}
          %dma_wait3A_325 = arith.constant 0 : i32
          %dma_wait3A_326 = tpu.memref_slice %arg8[%run_scoped3A_123, %dma_wait3A_325] : memref<8x80xi32, #tpu.memory_space<vmem>> -> memref<1x80xi32, #tpu.memory_space<vmem>>
          %dma_wait3A_327 = tpu.memref_squeeze %dma_wait3A_326 : memref<1x80xi32, #tpu.memory_space<vmem>> -> memref<80xi32, #tpu.memory_space<vmem>>
          %dma_wait3A_328 = arith.constant 0 : i32
          %dma_wait3A_329 = arith.constant 0 : i32
          %dma_wait3A_330 = tpu.memref_slice %arg13[%dma_wait3A_328, %dma_wait3A_329] : memref<10240x128xf32, #tpu.memory_space<vmem_shared>> -> memref<10240x128xf32, #tpu.memory_space<vmem_shared>>
          tpu.wait_indirect_dma semaphore(%run_scoped3A_318 : memref<!tpu.dma_semaphore, #tpu.memory_space<semaphore_mem>>) src(%arg11 : memref<80x128xf32, #tpu.memory_space<vmem>>) dst(%dma_wait3A_330 : memref<10240x128xf32, #tpu.memory_space<vmem_shared>>)
          tpu.yield
        }) : () -> ()
        %dma_wait3A_124 = arith.constant 5 : i32
        %dma_wait3A_125 = arith.constant 0 : i32
        %dma_wait3A_126 = tpu.memref_slice %arg7[%dma_wait3A_124, %dma_wait3A_125] : memref<8x80xi32, #tpu.memory_space<vmem>> -> memref<1x80xi32, #tpu.memory_space<vmem>>
        %dma_wait3A_127 = tpu.memref_squeeze %dma_wait3A_126 : memref<1x80xi32, #tpu.memory_space<vmem>> -> memref<80xi32, #tpu.memory_space<vmem>>
        %dma_wait3A_128 = arith.constant 0 : i32
        %dma_wait3A_129 = arith.constant 0 : i32
        %dma_wait3A_130 = tpu.memref_slice %arg2[%dma_wait3A_128, %dma_wait3A_129] : memref<10240x128xf32, #tpu.memory_space<hbm>> -> memref<10240x128xf32, #tpu.memory_space<hbm>>
        tpu.wait_indirect_dma semaphore(%arg15 : memref<!tpu.dma_semaphore, #tpu.memory_space<semaphore_mem>>) src(%dma_wait3A_130 : memref<10240x128xf32, #tpu.memory_space<hbm>>) dst(%arg12 : memref<80x128xf32, #tpu.memory_space<vmem>>)
        %dma_start3A_131 = arith.constant 6 : i32
        %dma_start3A_132 = arith.constant 0 : i32
        %dma_start3A_133 = tpu.memref_slice %arg7[%dma_start3A_131, %dma_start3A_132] : memref<8x80xi32, #tpu.memory_space<vmem>> -> memref<1x80xi32, #tpu.memory_space<vmem>>
        %dma_start3A_134 = tpu.memref_squeeze %dma_start3A_133 : memref<1x80xi32, #tpu.memory_space<vmem>> -> memref<80xi32, #tpu.memory_space<vmem>>
        %dma_start3A_135 = arith.constant 0 : i32
        %dma_start3A_136 = arith.constant 0 : i32
        %dma_start3A_137 = tpu.memref_slice %arg2[%dma_start3A_135, %dma_start3A_136] : memref<10240x128xf32, #tpu.memory_space<hbm>> -> memref<10240x128xf32, #tpu.memory_space<hbm>>
        tpu.enqueue_indirect_dma source(%dma_start3A_137 : memref<10240x128xf32, #tpu.memory_space<hbm>>) target(%arg11 : memref<80x128xf32, #tpu.memory_space<vmem>>) offsets(%dma_start3A_134 : memref<80xi32, #tpu.memory_space<vmem>>) semaphore(%arg14 : memref<!tpu.dma_semaphore, #tpu.memory_space<semaphore_mem>>)
        %run_scoped3A_138 = arith.constant 5 : i32
        "tpu.region"() ({
          %run_scoped3A_318 = tpu.sem_alloc : memref<!tpu.dma_semaphore, #tpu.memory_space<semaphore_mem>>
          %dma_start3A_319 = arith.constant 0 : i32
          %dma_start3A_320 = tpu.memref_slice %arg8[%run_scoped3A_138, %dma_start3A_319] : memref<8x80xi32, #tpu.memory_space<vmem>> -> memref<1x80xi32, #tpu.memory_space<vmem>>
          %dma_start3A_321 = tpu.memref_squeeze %dma_start3A_320 : memref<1x80xi32, #tpu.memory_space<vmem>> -> memref<80xi32, #tpu.memory_space<vmem>>
          %dma_start3A_322 = arith.constant 0 : i32
          %dma_start3A_323 = arith.constant 0 : i32
          %dma_start3A_324 = tpu.memref_slice %arg13[%dma_start3A_322, %dma_start3A_323] : memref<10240x128xf32, #tpu.memory_space<vmem_shared>> -> memref<10240x128xf32, #tpu.memory_space<vmem_shared>>
          tpu.enqueue_indirect_dma source(%arg12 : memref<80x128xf32, #tpu.memory_space<vmem>>) target(%dma_start3A_324 : memref<10240x128xf32, #tpu.memory_space<vmem_shared>>) offsets(%dma_start3A_321 : memref<80xi32, #tpu.memory_space<vmem>>) semaphore(%run_scoped3A_318 : memref<!tpu.dma_semaphore, #tpu.memory_space<semaphore_mem>>) {add = true}
          %dma_wait3A_325 = arith.constant 0 : i32
          %dma_wait3A_326 = tpu.memref_slice %arg8[%run_scoped3A_138, %dma_wait3A_325] : memref<8x80xi32, #tpu.memory_space<vmem>> -> memref<1x80xi32, #tpu.memory_space<vmem>>
          %dma_wait3A_327 = tpu.memref_squeeze %dma_wait3A_326 : memref<1x80xi32, #tpu.memory_space<vmem>> -> memref<80xi32, #tpu.memory_space<vmem>>
          %dma_wait3A_328 = arith.constant 0 : i32
          %dma_wait3A_329 = arith.constant 0 : i32
          %dma_wait3A_330 = tpu.memref_slice %arg13[%dma_wait3A_328, %dma_wait3A_329] : memref<10240x128xf32, #tpu.memory_space<vmem_shared>> -> memref<10240x128xf32, #tpu.memory_space<vmem_shared>>
          tpu.wait_indirect_dma semaphore(%run_scoped3A_318 : memref<!tpu.dma_semaphore, #tpu.memory_space<semaphore_mem>>) src(%arg12 : memref<80x128xf32, #tpu.memory_space<vmem>>) dst(%dma_wait3A_330 : memref<10240x128xf32, #tpu.memory_space<vmem_shared>>)
          tpu.yield
        }) : () -> ()
        %dma_wait3A_139 = arith.constant 6 : i32
        %dma_wait3A_140 = arith.constant 0 : i32
        %dma_wait3A_141 = tpu.memref_slice %arg7[%dma_wait3A_139, %dma_wait3A_140] : memref<8x80xi32, #tpu.memory_space<vmem>> -> memref<1x80xi32, #tpu.memory_space<vmem>>
        %dma_wait3A_142 = tpu.memref_squeeze %dma_wait3A_141 : memref<1x80xi32, #tpu.memory_space<vmem>> -> memref<80xi32, #tpu.memory_space<vmem>>
        %dma_wait3A_143 = arith.constant 0 : i32
        %dma_wait3A_144 = arith.constant 0 : i32
        %dma_wait3A_145 = tpu.memref_slice %arg2[%dma_wait3A_143, %dma_wait3A_144] : memref<10240x128xf32, #tpu.memory_space<hbm>> -> memref<10240x128xf32, #tpu.memory_space<hbm>>
        tpu.wait_indirect_dma semaphore(%arg14 : memref<!tpu.dma_semaphore, #tpu.memory_space<semaphore_mem>>) src(%dma_wait3A_145 : memref<10240x128xf32, #tpu.memory_space<hbm>>) dst(%arg11 : memref<80x128xf32, #tpu.memory_space<vmem>>)
        %dma_start3A_146 = arith.constant 7 : i32
        %dma_start3A_147 = arith.constant 0 : i32
        %dma_start3A_148 = tpu.memref_slice %arg7[%dma_start3A_146, %dma_start3A_147] : memref<8x80xi32, #tpu.memory_space<vmem>> -> memref<1x80xi32, #tpu.memory_space<vmem>>
        %dma_start3A_149 = tpu.memref_squeeze %dma_start3A_148 : memref<1x80xi32, #tpu.memory_space<vmem>> -> memref<80xi32, #tpu.memory_space<vmem>>
        %dma_start3A_150 = arith.constant 0 : i32
        %dma_start3A_151 = arith.constant 0 : i32
        %dma_start3A_152 = tpu.memref_slice %arg2[%dma_start3A_150, %dma_start3A_151] : memref<10240x128xf32, #tpu.memory_space<hbm>> -> memref<10240x128xf32, #tpu.memory_space<hbm>>
        tpu.enqueue_indirect_dma source(%dma_start3A_152 : memref<10240x128xf32, #tpu.memory_space<hbm>>) target(%arg12 : memref<80x128xf32, #tpu.memory_space<vmem>>) offsets(%dma_start3A_149 : memref<80xi32, #tpu.memory_space<vmem>>) semaphore(%arg15 : memref<!tpu.dma_semaphore, #tpu.memory_space<semaphore_mem>>)
        %run_scoped3A_153 = arith.constant 6 : i32
        "tpu.region"() ({
          %run_scoped3A_318 = tpu.sem_alloc : memref<!tpu.dma_semaphore, #tpu.memory_space<semaphore_mem>>
          %dma_start3A_319 = arith.constant 0 : i32
          %dma_start3A_320 = tpu.memref_slice %arg8[%run_scoped3A_153, %dma_start3A_319] : memref<8x80xi32, #tpu.memory_space<vmem>> -> memref<1x80xi32, #tpu.memory_space<vmem>>
          %dma_start3A_321 = tpu.memref_squeeze %dma_start3A_320 : memref<1x80xi32, #tpu.memory_space<vmem>> -> memref<80xi32, #tpu.memory_space<vmem>>
          %dma_start3A_322 = arith.constant 0 : i32
          %dma_start3A_323 = arith.constant 0 : i32
          %dma_start3A_324 = tpu.memref_slice %arg13[%dma_start3A_322, %dma_start3A_323] : memref<10240x128xf32, #tpu.memory_space<vmem_shared>> -> memref<10240x128xf32, #tpu.memory_space<vmem_shared>>
          tpu.enqueue_indirect_dma source(%arg11 : memref<80x128xf32, #tpu.memory_space<vmem>>) target(%dma_start3A_324 : memref<10240x128xf32, #tpu.memory_space<vmem_shared>>) offsets(%dma_start3A_321 : memref<80xi32, #tpu.memory_space<vmem>>) semaphore(%run_scoped3A_318 : memref<!tpu.dma_semaphore, #tpu.memory_space<semaphore_mem>>) {add = true}
          %dma_wait3A_325 = arith.constant 0 : i32
          %dma_wait3A_326 = tpu.memref_slice %arg8[%run_scoped3A_153, %dma_wait3A_325] : memref<8x80xi32, #tpu.memory_space<vmem>> -> memref<1x80xi32, #tpu.memory_space<vmem>>
          %dma_wait3A_327 = tpu.memref_squeeze %dma_wait3A_326 : memref<1x80xi32, #tpu.memory_space<vmem>> -> memref<80xi32, #tpu.memory_space<vmem>>
          %dma_wait3A_328 = arith.constant 0 : i32
          %dma_wait3A_329 = arith.constant 0 : i32
          %dma_wait3A_330 = tpu.memref_slice %arg13[%dma_wait3A_328, %dma_wait3A_329] : memref<10240x128xf32, #tpu.memory_space<vmem_shared>> -> memref<10240x128xf32, #tpu.memory_space<vmem_shared>>
          tpu.wait_indirect_dma semaphore(%run_scoped3A_318 : memref<!tpu.dma_semaphore, #tpu.memory_space<semaphore_mem>>) src(%arg11 : memref<80x128xf32, #tpu.memory_space<vmem>>) dst(%dma_wait3A_330 : memref<10240x128xf32, #tpu.memory_space<vmem_shared>>)
          tpu.yield
        }) : () -> ()
        %dma_wait3A_154 = arith.constant 7 : i32
        %dma_wait3A_155 = arith.constant 0 : i32
        %dma_wait3A_156 = tpu.memref_slice %arg7[%dma_wait3A_154, %dma_wait3A_155] : memref<8x80xi32, #tpu.memory_space<vmem>> -> memref<1x80xi32, #tpu.memory_space<vmem>>
        %dma_wait3A_157 = tpu.memref_squeeze %dma_wait3A_156 : memref<1x80xi32, #tpu.memory_space<vmem>> -> memref<80xi32, #tpu.memory_space<vmem>>
        %dma_wait3A_158 = arith.constant 0 : i32
        %dma_wait3A_159 = arith.constant 0 : i32
        %dma_wait3A_160 = tpu.memref_slice %arg2[%dma_wait3A_158, %dma_wait3A_159] : memref<10240x128xf32, #tpu.memory_space<hbm>> -> memref<10240x128xf32, #tpu.memory_space<hbm>>
        tpu.wait_indirect_dma semaphore(%arg15 : memref<!tpu.dma_semaphore, #tpu.memory_space<semaphore_mem>>) src(%dma_wait3A_160 : memref<10240x128xf32, #tpu.memory_space<hbm>>) dst(%arg12 : memref<80x128xf32, #tpu.memory_space<vmem>>)
        %add3A_161 = arith.constant 1 : i32
        %add3A_162 = arith.addi %add3A_50, %add3A_161 : i32
        %dma_wait3A_163 = arith.constant 0 : i32
        %dma_wait3A_164 = arith.constant 0 : i32
        %dma_wait3A_165 = tpu.memref_slice %arg3[%add3A_162, %dma_wait3A_163, %dma_wait3A_164] : memref<512x8x80xi32, #tpu.memory_space<hbm>> -> memref<1x8x80xi32, #tpu.memory_space<hbm>>
        %dma_wait3A_166 = tpu.memref_squeeze %dma_wait3A_165 : memref<1x8x80xi32, #tpu.memory_space<hbm>> -> memref<8x80xi32, #tpu.memory_space<hbm>>
        %dma_wait3A_167 = arith.constant 0 : i32
        %dma_wait3A_168 = arith.constant 0 : i32
        %dma_wait3A_169 = tpu.memref_slice %arg3[%add3A_162, %dma_wait3A_167, %dma_wait3A_168] : memref<512x8x80xi32, #tpu.memory_space<hbm>> -> memref<1x8x80xi32, #tpu.memory_space<hbm>>
        %dma_wait3A_170 = tpu.memref_squeeze %dma_wait3A_169 : memref<1x8x80xi32, #tpu.memory_space<hbm>> -> memref<8x80xi32, #tpu.memory_space<hbm>>
        tpu.wait_dma2 semaphore(%arg16 : memref<!tpu.dma_semaphore, #tpu.memory_space<semaphore_mem>>) src(%dma_wait3A_170 : memref<8x80xi32, #tpu.memory_space<hbm>>) dst(%arg9 : memref<8x80xi32, #tpu.memory_space<vmem>>)
        %add3A_171 = arith.constant 1 : i32
        %add3A_172 = arith.addi %add3A_50, %add3A_171 : i32
        %dma_wait3A_173 = arith.constant 0 : i32
        %dma_wait3A_174 = arith.constant 0 : i32
        %dma_wait3A_175 = tpu.memref_slice %arg4[%add3A_172, %dma_wait3A_173, %dma_wait3A_174] : memref<512x8x80xi32, #tpu.memory_space<hbm>> -> memref<1x8x80xi32, #tpu.memory_space<hbm>>
        %dma_wait3A_176 = tpu.memref_squeeze %dma_wait3A_175 : memref<1x8x80xi32, #tpu.memory_space<hbm>> -> memref<8x80xi32, #tpu.memory_space<hbm>>
        %dma_wait3A_177 = arith.constant 0 : i32
        %dma_wait3A_178 = arith.constant 0 : i32
        %dma_wait3A_179 = tpu.memref_slice %arg4[%add3A_172, %dma_wait3A_177, %dma_wait3A_178] : memref<512x8x80xi32, #tpu.memory_space<hbm>> -> memref<1x8x80xi32, #tpu.memory_space<hbm>>
        %dma_wait3A_180 = tpu.memref_squeeze %dma_wait3A_179 : memref<1x8x80xi32, #tpu.memory_space<hbm>> -> memref<8x80xi32, #tpu.memory_space<hbm>>
        tpu.wait_dma2 semaphore(%arg17 : memref<!tpu.dma_semaphore, #tpu.memory_space<semaphore_mem>>) src(%dma_wait3A_180 : memref<8x80xi32, #tpu.memory_space<hbm>>) dst(%arg10 : memref<8x80xi32, #tpu.memory_space<vmem>>)
        %dma_start3A_181 = arith.constant 0 : i32
        %dma_start3A_182 = arith.constant 0 : i32
        %dma_start3A_183 = tpu.memref_slice %arg9[%dma_start3A_181, %dma_start3A_182] : memref<8x80xi32, #tpu.memory_space<vmem>> -> memref<1x80xi32, #tpu.memory_space<vmem>>
        %dma_start3A_184 = tpu.memref_squeeze %dma_start3A_183 : memref<1x80xi32, #tpu.memory_space<vmem>> -> memref<80xi32, #tpu.memory_space<vmem>>
        %dma_start3A_185 = arith.constant 0 : i32
        %dma_start3A_186 = arith.constant 0 : i32
        %dma_start3A_187 = tpu.memref_slice %arg2[%dma_start3A_185, %dma_start3A_186] : memref<10240x128xf32, #tpu.memory_space<hbm>> -> memref<10240x128xf32, #tpu.memory_space<hbm>>
        tpu.enqueue_indirect_dma source(%dma_start3A_187 : memref<10240x128xf32, #tpu.memory_space<hbm>>) target(%arg11 : memref<80x128xf32, #tpu.memory_space<vmem>>) offsets(%dma_start3A_184 : memref<80xi32, #tpu.memory_space<vmem>>) semaphore(%arg14 : memref<!tpu.dma_semaphore, #tpu.memory_space<semaphore_mem>>)
        %run_scoped3A_188 = arith.constant 7 : i32
        "tpu.region"() ({
          %run_scoped3A_318 = tpu.sem_alloc : memref<!tpu.dma_semaphore, #tpu.memory_space<semaphore_mem>>
          %dma_start3A_319 = arith.constant 0 : i32
          %dma_start3A_320 = tpu.memref_slice %arg8[%run_scoped3A_188, %dma_start3A_319] : memref<8x80xi32, #tpu.memory_space<vmem>> -> memref<1x80xi32, #tpu.memory_space<vmem>>
          %dma_start3A_321 = tpu.memref_squeeze %dma_start3A_320 : memref<1x80xi32, #tpu.memory_space<vmem>> -> memref<80xi32, #tpu.memory_space<vmem>>
          %dma_start3A_322 = arith.constant 0 : i32
          %dma_start3A_323 = arith.constant 0 : i32
          %dma_start3A_324 = tpu.memref_slice %arg13[%dma_start3A_322, %dma_start3A_323] : memref<10240x128xf32, #tpu.memory_space<vmem_shared>> -> memref<10240x128xf32, #tpu.memory_space<vmem_shared>>
          tpu.enqueue_indirect_dma source(%arg12 : memref<80x128xf32, #tpu.memory_space<vmem>>) target(%dma_start3A_324 : memref<10240x128xf32, #tpu.memory_space<vmem_shared>>) offsets(%dma_start3A_321 : memref<80xi32, #tpu.memory_space<vmem>>) semaphore(%run_scoped3A_318 : memref<!tpu.dma_semaphore, #tpu.memory_space<semaphore_mem>>) {add = true}
          %dma_wait3A_325 = arith.constant 0 : i32
          %dma_wait3A_326 = tpu.memref_slice %arg8[%run_scoped3A_188, %dma_wait3A_325] : memref<8x80xi32, #tpu.memory_space<vmem>> -> memref<1x80xi32, #tpu.memory_space<vmem>>
          %dma_wait3A_327 = tpu.memref_squeeze %dma_wait3A_326 : memref<1x80xi32, #tpu.memory_space<vmem>> -> memref<80xi32, #tpu.memory_space<vmem>>
          %dma_wait3A_328 = arith.constant 0 : i32
          %dma_wait3A_329 = arith.constant 0 : i32
          %dma_wait3A_330 = tpu.memref_slice %arg13[%dma_wait3A_328, %dma_wait3A_329] : memref<10240x128xf32, #tpu.memory_space<vmem_shared>> -> memref<10240x128xf32, #tpu.memory_space<vmem_shared>>
          tpu.wait_indirect_dma semaphore(%run_scoped3A_318 : memref<!tpu.dma_semaphore, #tpu.memory_space<semaphore_mem>>) src(%arg12 : memref<80x128xf32, #tpu.memory_space<vmem>>) dst(%dma_wait3A_330 : memref<10240x128xf32, #tpu.memory_space<vmem_shared>>)
          tpu.yield
        }) : () -> ()
        %sub3A = arith.constant 1 : i32
        %sub3A_189 = arith.subi %select_n3A, %sub3A : i32
        %lt3A = arith.cmpi slt, %while3A_47, %sub3A_189 : i32
        %convert_element_type3A_190 = arith.extui %lt3A : i1 to i32
        %cond3A_191 = arith.constant 0 : i32
        %cond3A_192 = arith.cmpi ne, %convert_element_type3A_190, %cond3A_191 : i32
        scf.if %cond3A_192 {
          %add3A_318 = arith.constant 2 : i32
          %add3A_319 = arith.addi %add3A_50, %add3A_318 : i32
          %dma_start3A_320 = arith.constant 0 : i32
          %dma_start3A_321 = arith.constant 0 : i32
          %dma_start3A_322 = tpu.memref_slice %arg3[%add3A_319, %dma_start3A_320, %dma_start3A_321] : memref<512x8x80xi32, #tpu.memory_space<hbm>> -> memref<1x8x80xi32, #tpu.memory_space<hbm>>
          %dma_start3A_323 = tpu.memref_squeeze %dma_start3A_322 : memref<1x8x80xi32, #tpu.memory_space<hbm>> -> memref<8x80xi32, #tpu.memory_space<hbm>>
          %dma_start3A_324 = arith.constant 0 : i32
          %dma_start3A_325 = arith.constant 0 : i32
          %dma_start3A_326 = tpu.memref_slice %arg3[%add3A_319, %dma_start3A_324, %dma_start3A_325] : memref<512x8x80xi32, #tpu.memory_space<hbm>> -> memref<1x8x80xi32, #tpu.memory_space<hbm>>
          %dma_start3A_327 = tpu.memref_squeeze %dma_start3A_326 : memref<1x8x80xi32, #tpu.memory_space<hbm>> -> memref<8x80xi32, #tpu.memory_space<hbm>>
          tpu.enqueue_dma source(%dma_start3A_327 : memref<8x80xi32, #tpu.memory_space<hbm>>) target(%arg7 : memref<8x80xi32, #tpu.memory_space<vmem>>) target_semaphore(%arg16 : memref<!tpu.dma_semaphore, #tpu.memory_space<semaphore_mem>>)
          %add3A_328 = arith.constant 2 : i32
          %add3A_329 = arith.addi %add3A_50, %add3A_328 : i32
          %dma_start3A_330 = arith.constant 0 : i32
          %dma_start3A_331 = arith.constant 0 : i32
          %dma_start3A_332 = tpu.memref_slice %arg4[%add3A_329, %dma_start3A_330, %dma_start3A_331] : memref<512x8x80xi32, #tpu.memory_space<hbm>> -> memref<1x8x80xi32, #tpu.memory_space<hbm>>
          %dma_start3A_333 = tpu.memref_squeeze %dma_start3A_332 : memref<1x8x80xi32, #tpu.memory_space<hbm>> -> memref<8x80xi32, #tpu.memory_space<hbm>>
          %dma_start3A_334 = arith.constant 0 : i32
          %dma_start3A_335 = arith.constant 0 : i32
          %dma_start3A_336 = tpu.memref_slice %arg4[%add3A_329, %dma_start3A_334, %dma_start3A_335] : memref<512x8x80xi32, #tpu.memory_space<hbm>> -> memref<1x8x80xi32, #tpu.memory_space<hbm>>
          %dma_start3A_337 = tpu.memref_squeeze %dma_start3A_336 : memref<1x8x80xi32, #tpu.memory_space<hbm>> -> memref<8x80xi32, #tpu.memory_space<hbm>>
          tpu.enqueue_dma source(%dma_start3A_337 : memref<8x80xi32, #tpu.memory_space<hbm>>) target(%arg8 : memref<8x80xi32, #tpu.memory_space<vmem>>) target_semaphore(%arg17 : memref<!tpu.dma_semaphore, #tpu.memory_space<semaphore_mem>>)
        } else {
        }
        %dma_wait3A_193 = arith.constant 0 : i32
        %dma_wait3A_194 = arith.constant 0 : i32
        %dma_wait3A_195 = tpu.memref_slice %arg9[%dma_wait3A_193, %dma_wait3A_194] : memref<8x80xi32, #tpu.memory_space<vmem>> -> memref<1x80xi32, #tpu.memory_space<vmem>>
        %dma_wait3A_196 = tpu.memref_squeeze %dma_wait3A_195 : memref<1x80xi32, #tpu.memory_space<vmem>> -> memref<80xi32, #tpu.memory_space<vmem>>
        %dma_wait3A_197 = arith.constant 0 : i32
        %dma_wait3A_198 = arith.constant 0 : i32
        %dma_wait3A_199 = tpu.memref_slice %arg2[%dma_wait3A_197, %dma_wait3A_198] : memref<10240x128xf32, #tpu.memory_space<hbm>> -> memref<10240x128xf32, #tpu.memory_space<hbm>>
        tpu.wait_indirect_dma semaphore(%arg14 : memref<!tpu.dma_semaphore, #tpu.memory_space<semaphore_mem>>) src(%dma_wait3A_199 : memref<10240x128xf32, #tpu.memory_space<hbm>>) dst(%arg11 : memref<80x128xf32, #tpu.memory_space<vmem>>)
        %dma_start3A_200 = arith.constant 1 : i32
        %dma_start3A_201 = arith.constant 0 : i32
        %dma_start3A_202 = tpu.memref_slice %arg9[%dma_start3A_200, %dma_start3A_201] : memref<8x80xi32, #tpu.memory_space<vmem>> -> memref<1x80xi32, #tpu.memory_space<vmem>>
        %dma_start3A_203 = tpu.memref_squeeze %dma_start3A_202 : memref<1x80xi32, #tpu.memory_space<vmem>> -> memref<80xi32, #tpu.memory_space<vmem>>
        %dma_start3A_204 = arith.constant 0 : i32
        %dma_start3A_205 = arith.constant 0 : i32
        %dma_start3A_206 = tpu.memref_slice %arg2[%dma_start3A_204, %dma_start3A_205] : memref<10240x128xf32, #tpu.memory_space<hbm>> -> memref<10240x128xf32, #tpu.memory_space<hbm>>
        tpu.enqueue_indirect_dma source(%dma_start3A_206 : memref<10240x128xf32, #tpu.memory_space<hbm>>) target(%arg12 : memref<80x128xf32, #tpu.memory_space<vmem>>) offsets(%dma_start3A_203 : memref<80xi32, #tpu.memory_space<vmem>>) semaphore(%arg15 : memref<!tpu.dma_semaphore, #tpu.memory_space<semaphore_mem>>)
        %run_scoped3A_207 = arith.constant 0 : i32
        "tpu.region"() ({
          %run_scoped3A_318 = tpu.sem_alloc : memref<!tpu.dma_semaphore, #tpu.memory_space<semaphore_mem>>
          %dma_start3A_319 = arith.constant 0 : i32
          %dma_start3A_320 = tpu.memref_slice %arg10[%run_scoped3A_207, %dma_start3A_319] : memref<8x80xi32, #tpu.memory_space<vmem>> -> memref<1x80xi32, #tpu.memory_space<vmem>>
          %dma_start3A_321 = tpu.memref_squeeze %dma_start3A_320 : memref<1x80xi32, #tpu.memory_space<vmem>> -> memref<80xi32, #tpu.memory_space<vmem>>
          %dma_start3A_322 = arith.constant 0 : i32
          %dma_start3A_323 = arith.constant 0 : i32
          %dma_start3A_324 = tpu.memref_slice %arg13[%dma_start3A_322, %dma_start3A_323] : memref<10240x128xf32, #tpu.memory_space<vmem_shared>> -> memref<10240x128xf32, #tpu.memory_space<vmem_shared>>
          tpu.enqueue_indirect_dma source(%arg11 : memref<80x128xf32, #tpu.memory_space<vmem>>) target(%dma_start3A_324 : memref<10240x128xf32, #tpu.memory_space<vmem_shared>>) offsets(%dma_start3A_321 : memref<80xi32, #tpu.memory_space<vmem>>) semaphore(%run_scoped3A_318 : memref<!tpu.dma_semaphore, #tpu.memory_space<semaphore_mem>>) {add = true}
          %dma_wait3A_325 = arith.constant 0 : i32
          %dma_wait3A_326 = tpu.memref_slice %arg10[%run_scoped3A_207, %dma_wait3A_325] : memref<8x80xi32, #tpu.memory_space<vmem>> -> memref<1x80xi32, #tpu.memory_space<vmem>>
          %dma_wait3A_327 = tpu.memref_squeeze %dma_wait3A_326 : memref<1x80xi32, #tpu.memory_space<vmem>> -> memref<80xi32, #tpu.memory_space<vmem>>
          %dma_wait3A_328 = arith.constant 0 : i32
          %dma_wait3A_329 = arith.constant 0 : i32
          %dma_wait3A_330 = tpu.memref_slice %arg13[%dma_wait3A_328, %dma_wait3A_329] : memref<10240x128xf32, #tpu.memory_space<vmem_shared>> -> memref<10240x128xf32, #tpu.memory_space<vmem_shared>>
          tpu.wait_indirect_dma semaphore(%run_scoped3A_318 : memref<!tpu.dma_semaphore, #tpu.memory_space<semaphore_mem>>) src(%arg11 : memref<80x128xf32, #tpu.memory_space<vmem>>) dst(%dma_wait3A_330 : memref<10240x128xf32, #tpu.memory_space<vmem_shared>>)
          tpu.yield
        }) : () -> ()
        %dma_wait3A_208 = arith.constant 1 : i32
        %dma_wait3A_209 = arith.constant 0 : i32
        %dma_wait3A_210 = tpu.memref_slice %arg9[%dma_wait3A_208, %dma_wait3A_209] : memref<8x80xi32, #tpu.memory_space<vmem>> -> memref<1x80xi32, #tpu.memory_space<vmem>>
        %dma_wait3A_211 = tpu.memref_squeeze %dma_wait3A_210 : memref<1x80xi32, #tpu.memory_space<vmem>> -> memref<80xi32, #tpu.memory_space<vmem>>
        %dma_wait3A_212 = arith.constant 0 : i32
        %dma_wait3A_213 = arith.constant 0 : i32
        %dma_wait3A_214 = tpu.memref_slice %arg2[%dma_wait3A_212, %dma_wait3A_213] : memref<10240x128xf32, #tpu.memory_space<hbm>> -> memref<10240x128xf32, #tpu.memory_space<hbm>>
        tpu.wait_indirect_dma semaphore(%arg15 : memref<!tpu.dma_semaphore, #tpu.memory_space<semaphore_mem>>) src(%dma_wait3A_214 : memref<10240x128xf32, #tpu.memory_space<hbm>>) dst(%arg12 : memref<80x128xf32, #tpu.memory_space<vmem>>)
        %dma_start3A_215 = arith.constant 2 : i32
        %dma_start3A_216 = arith.constant 0 : i32
        %dma_start3A_217 = tpu.memref_slice %arg9[%dma_start3A_215, %dma_start3A_216] : memref<8x80xi32, #tpu.memory_space<vmem>> -> memref<1x80xi32, #tpu.memory_space<vmem>>
        %dma_start3A_218 = tpu.memref_squeeze %dma_start3A_217 : memref<1x80xi32, #tpu.memory_space<vmem>> -> memref<80xi32, #tpu.memory_space<vmem>>
        %dma_start3A_219 = arith.constant 0 : i32
        %dma_start3A_220 = arith.constant 0 : i32
        %dma_start3A_221 = tpu.memref_slice %arg2[%dma_start3A_219, %dma_start3A_220] : memref<10240x128xf32, #tpu.memory_space<hbm>> -> memref<10240x128xf32, #tpu.memory_space<hbm>>
        tpu.enqueue_indirect_dma source(%dma_start3A_221 : memref<10240x128xf32, #tpu.memory_space<hbm>>) target(%arg11 : memref<80x128xf32, #tpu.memory_space<vmem>>) offsets(%dma_start3A_218 : memref<80xi32, #tpu.memory_space<vmem>>) semaphore(%arg14 : memref<!tpu.dma_semaphore, #tpu.memory_space<semaphore_mem>>)
        %run_scoped3A_222 = arith.constant 1 : i32
        "tpu.region"() ({
          %run_scoped3A_318 = tpu.sem_alloc : memref<!tpu.dma_semaphore, #tpu.memory_space<semaphore_mem>>
          %dma_start3A_319 = arith.constant 0 : i32
          %dma_start3A_320 = tpu.memref_slice %arg10[%run_scoped3A_222, %dma_start3A_319] : memref<8x80xi32, #tpu.memory_space<vmem>> -> memref<1x80xi32, #tpu.memory_space<vmem>>
          %dma_start3A_321 = tpu.memref_squeeze %dma_start3A_320 : memref<1x80xi32, #tpu.memory_space<vmem>> -> memref<80xi32, #tpu.memory_space<vmem>>
          %dma_start3A_322 = arith.constant 0 : i32
          %dma_start3A_323 = arith.constant 0 : i32
          %dma_start3A_324 = tpu.memref_slice %arg13[%dma_start3A_322, %dma_start3A_323] : memref<10240x128xf32, #tpu.memory_space<vmem_shared>> -> memref<10240x128xf32, #tpu.memory_space<vmem_shared>>
          tpu.enqueue_indirect_dma source(%arg12 : memref<80x128xf32, #tpu.memory_space<vmem>>) target(%dma_start3A_324 : memref<10240x128xf32, #tpu.memory_space<vmem_shared>>) offsets(%dma_start3A_321 : memref<80xi32, #tpu.memory_space<vmem>>) semaphore(%run_scoped3A_318 : memref<!tpu.dma_semaphore, #tpu.memory_space<semaphore_mem>>) {add = true}
          %dma_wait3A_325 = arith.constant 0 : i32
          %dma_wait3A_326 = tpu.memref_slice %arg10[%run_scoped3A_222, %dma_wait3A_325] : memref<8x80xi32, #tpu.memory_space<vmem>> -> memref<1x80xi32, #tpu.memory_space<vmem>>
          %dma_wait3A_327 = tpu.memref_squeeze %dma_wait3A_326 : memref<1x80xi32, #tpu.memory_space<vmem>> -> memref<80xi32, #tpu.memory_space<vmem>>
          %dma_wait3A_328 = arith.constant 0 : i32
          %dma_wait3A_329 = arith.constant 0 : i32
          %dma_wait3A_330 = tpu.memref_slice %arg13[%dma_wait3A_328, %dma_wait3A_329] : memref<10240x128xf32, #tpu.memory_space<vmem_shared>> -> memref<10240x128xf32, #tpu.memory_space<vmem_shared>>
          tpu.wait_indirect_dma semaphore(%run_scoped3A_318 : memref<!tpu.dma_semaphore, #tpu.memory_space<semaphore_mem>>) src(%arg12 : memref<80x128xf32, #tpu.memory_space<vmem>>) dst(%dma_wait3A_330 : memref<10240x128xf32, #tpu.memory_space<vmem_shared>>)
          tpu.yield
        }) : () -> ()
        %dma_wait3A_223 = arith.constant 2 : i32
        %dma_wait3A_224 = arith.constant 0 : i32
        %dma_wait3A_225 = tpu.memref_slice %arg9[%dma_wait3A_223, %dma_wait3A_224] : memref<8x80xi32, #tpu.memory_space<vmem>> -> memref<1x80xi32, #tpu.memory_space<vmem>>
        %dma_wait3A_226 = tpu.memref_squeeze %dma_wait3A_225 : memref<1x80xi32, #tpu.memory_space<vmem>> -> memref<80xi32, #tpu.memory_space<vmem>>
        %dma_wait3A_227 = arith.constant 0 : i32
        %dma_wait3A_228 = arith.constant 0 : i32
        %dma_wait3A_229 = tpu.memref_slice %arg2[%dma_wait3A_227, %dma_wait3A_228] : memref<10240x128xf32, #tpu.memory_space<hbm>> -> memref<10240x128xf32, #tpu.memory_space<hbm>>
        tpu.wait_indirect_dma semaphore(%arg14 : memref<!tpu.dma_semaphore, #tpu.memory_space<semaphore_mem>>) src(%dma_wait3A_229 : memref<10240x128xf32, #tpu.memory_space<hbm>>) dst(%arg11 : memref<80x128xf32, #tpu.memory_space<vmem>>)
        %dma_start3A_230 = arith.constant 3 : i32
        %dma_start3A_231 = arith.constant 0 : i32
        %dma_start3A_232 = tpu.memref_slice %arg9[%dma_start3A_230, %dma_start3A_231] : memref<8x80xi32, #tpu.memory_space<vmem>> -> memref<1x80xi32, #tpu.memory_space<vmem>>
        %dma_start3A_233 = tpu.memref_squeeze %dma_start3A_232 : memref<1x80xi32, #tpu.memory_space<vmem>> -> memref<80xi32, #tpu.memory_space<vmem>>
        %dma_start3A_234 = arith.constant 0 : i32
        %dma_start3A_235 = arith.constant 0 : i32
        %dma_start3A_236 = tpu.memref_slice %arg2[%dma_start3A_234, %dma_start3A_235] : memref<10240x128xf32, #tpu.memory_space<hbm>> -> memref<10240x128xf32, #tpu.memory_space<hbm>>
        tpu.enqueue_indirect_dma source(%dma_start3A_236 : memref<10240x128xf32, #tpu.memory_space<hbm>>) target(%arg12 : memref<80x128xf32, #tpu.memory_space<vmem>>) offsets(%dma_start3A_233 : memref<80xi32, #tpu.memory_space<vmem>>) semaphore(%arg15 : memref<!tpu.dma_semaphore, #tpu.memory_space<semaphore_mem>>)
        %run_scoped3A_237 = arith.constant 2 : i32
        "tpu.region"() ({
          %run_scoped3A_318 = tpu.sem_alloc : memref<!tpu.dma_semaphore, #tpu.memory_space<semaphore_mem>>
          %dma_start3A_319 = arith.constant 0 : i32
          %dma_start3A_320 = tpu.memref_slice %arg10[%run_scoped3A_237, %dma_start3A_319] : memref<8x80xi32, #tpu.memory_space<vmem>> -> memref<1x80xi32, #tpu.memory_space<vmem>>
          %dma_start3A_321 = tpu.memref_squeeze %dma_start3A_320 : memref<1x80xi32, #tpu.memory_space<vmem>> -> memref<80xi32, #tpu.memory_space<vmem>>
          %dma_start3A_322 = arith.constant 0 : i32
          %dma_start3A_323 = arith.constant 0 : i32
          %dma_start3A_324 = tpu.memref_slice %arg13[%dma_start3A_322, %dma_start3A_323] : memref<10240x128xf32, #tpu.memory_space<vmem_shared>> -> memref<10240x128xf32, #tpu.memory_space<vmem_shared>>
          tpu.enqueue_indirect_dma source(%arg11 : memref<80x128xf32, #tpu.memory_space<vmem>>) target(%dma_start3A_324 : memref<10240x128xf32, #tpu.memory_space<vmem_shared>>) offsets(%dma_start3A_321 : memref<80xi32, #tpu.memory_space<vmem>>) semaphore(%run_scoped3A_318 : memref<!tpu.dma_semaphore, #tpu.memory_space<semaphore_mem>>) {add = true}
          %dma_wait3A_325 = arith.constant 0 : i32
          %dma_wait3A_326 = tpu.memref_slice %arg10[%run_scoped3A_237, %dma_wait3A_325] : memref<8x80xi32, #tpu.memory_space<vmem>> -> memref<1x80xi32, #tpu.memory_space<vmem>>
          %dma_wait3A_327 = tpu.memref_squeeze %dma_wait3A_326 : memref<1x80xi32, #tpu.memory_space<vmem>> -> memref<80xi32, #tpu.memory_space<vmem>>
          %dma_wait3A_328 = arith.constant 0 : i32
          %dma_wait3A_329 = arith.constant 0 : i32
          %dma_wait3A_330 = tpu.memref_slice %arg13[%dma_wait3A_328, %dma_wait3A_329] : memref<10240x128xf32, #tpu.memory_space<vmem_shared>> -> memref<10240x128xf32, #tpu.memory_space<vmem_shared>>
          tpu.wait_indirect_dma semaphore(%run_scoped3A_318 : memref<!tpu.dma_semaphore, #tpu.memory_space<semaphore_mem>>) src(%arg11 : memref<80x128xf32, #tpu.memory_space<vmem>>) dst(%dma_wait3A_330 : memref<10240x128xf32, #tpu.memory_space<vmem_shared>>)
          tpu.yield
        }) : () -> ()
        %dma_wait3A_238 = arith.constant 3 : i32
        %dma_wait3A_239 = arith.constant 0 : i32
        %dma_wait3A_240 = tpu.memref_slice %arg9[%dma_wait3A_238, %dma_wait3A_239] : memref<8x80xi32, #tpu.memory_space<vmem>> -> memref<1x80xi32, #tpu.memory_space<vmem>>
        %dma_wait3A_241 = tpu.memref_squeeze %dma_wait3A_240 : memref<1x80xi32, #tpu.memory_space<vmem>> -> memref<80xi32, #tpu.memory_space<vmem>>
        %dma_wait3A_242 = arith.constant 0 : i32
        %dma_wait3A_243 = arith.constant 0 : i32
        %dma_wait3A_244 = tpu.memref_slice %arg2[%dma_wait3A_242, %dma_wait3A_243] : memref<10240x128xf32, #tpu.memory_space<hbm>> -> memref<10240x128xf32, #tpu.memory_space<hbm>>
        tpu.wait_indirect_dma semaphore(%arg15 : memref<!tpu.dma_semaphore, #tpu.memory_space<semaphore_mem>>) src(%dma_wait3A_244 : memref<10240x128xf32, #tpu.memory_space<hbm>>) dst(%arg12 : memref<80x128xf32, #tpu.memory_space<vmem>>)
        %dma_start3A_245 = arith.constant 4 : i32
        %dma_start3A_246 = arith.constant 0 : i32
        %dma_start3A_247 = tpu.memref_slice %arg9[%dma_start3A_245, %dma_start3A_246] : memref<8x80xi32, #tpu.memory_space<vmem>> -> memref<1x80xi32, #tpu.memory_space<vmem>>
        %dma_start3A_248 = tpu.memref_squeeze %dma_start3A_247 : memref<1x80xi32, #tpu.memory_space<vmem>> -> memref<80xi32, #tpu.memory_space<vmem>>
        %dma_start3A_249 = arith.constant 0 : i32
        %dma_start3A_250 = arith.constant 0 : i32
        %dma_start3A_251 = tpu.memref_slice %arg2[%dma_start3A_249, %dma_start3A_250] : memref<10240x128xf32, #tpu.memory_space<hbm>> -> memref<10240x128xf32, #tpu.memory_space<hbm>>
        tpu.enqueue_indirect_dma source(%dma_start3A_251 : memref<10240x128xf32, #tpu.memory_space<hbm>>) target(%arg11 : memref<80x128xf32, #tpu.memory_space<vmem>>) offsets(%dma_start3A_248 : memref<80xi32, #tpu.memory_space<vmem>>) semaphore(%arg14 : memref<!tpu.dma_semaphore, #tpu.memory_space<semaphore_mem>>)
        %run_scoped3A_252 = arith.constant 3 : i32
        "tpu.region"() ({
          %run_scoped3A_318 = tpu.sem_alloc : memref<!tpu.dma_semaphore, #tpu.memory_space<semaphore_mem>>
          %dma_start3A_319 = arith.constant 0 : i32
          %dma_start3A_320 = tpu.memref_slice %arg10[%run_scoped3A_252, %dma_start3A_319] : memref<8x80xi32, #tpu.memory_space<vmem>> -> memref<1x80xi32, #tpu.memory_space<vmem>>
          %dma_start3A_321 = tpu.memref_squeeze %dma_start3A_320 : memref<1x80xi32, #tpu.memory_space<vmem>> -> memref<80xi32, #tpu.memory_space<vmem>>
          %dma_start3A_322 = arith.constant 0 : i32
          %dma_start3A_323 = arith.constant 0 : i32
          %dma_start3A_324 = tpu.memref_slice %arg13[%dma_start3A_322, %dma_start3A_323] : memref<10240x128xf32, #tpu.memory_space<vmem_shared>> -> memref<10240x128xf32, #tpu.memory_space<vmem_shared>>
          tpu.enqueue_indirect_dma source(%arg12 : memref<80x128xf32, #tpu.memory_space<vmem>>) target(%dma_start3A_324 : memref<10240x128xf32, #tpu.memory_space<vmem_shared>>) offsets(%dma_start3A_321 : memref<80xi32, #tpu.memory_space<vmem>>) semaphore(%run_scoped3A_318 : memref<!tpu.dma_semaphore, #tpu.memory_space<semaphore_mem>>) {add = true}
          %dma_wait3A_325 = arith.constant 0 : i32
          %dma_wait3A_326 = tpu.memref_slice %arg10[%run_scoped3A_252, %dma_wait3A_325] : memref<8x80xi32, #tpu.memory_space<vmem>> -> memref<1x80xi32, #tpu.memory_space<vmem>>
          %dma_wait3A_327 = tpu.memref_squeeze %dma_wait3A_326 : memref<1x80xi32, #tpu.memory_space<vmem>> -> memref<80xi32, #tpu.memory_space<vmem>>
          %dma_wait3A_328 = arith.constant 0 : i32
          %dma_wait3A_329 = arith.constant 0 : i32
          %dma_wait3A_330 = tpu.memref_slice %arg13[%dma_wait3A_328, %dma_wait3A_329] : memref<10240x128xf32, #tpu.memory_space<vmem_shared>> -> memref<10240x128xf32, #tpu.memory_space<vmem_shared>>
          tpu.wait_indirect_dma semaphore(%run_scoped3A_318 : memref<!tpu.dma_semaphore, #tpu.memory_space<semaphore_mem>>) src(%arg12 : memref<80x128xf32, #tpu.memory_space<vmem>>) dst(%dma_wait3A_330 : memref<10240x128xf32, #tpu.memory_space<vmem_shared>>)
          tpu.yield
        }) : () -> ()
        %dma_wait3A_253 = arith.constant 4 : i32
        %dma_wait3A_254 = arith.constant 0 : i32
        %dma_wait3A_255 = tpu.memref_slice %arg9[%dma_wait3A_253, %dma_wait3A_254] : memref<8x80xi32, #tpu.memory_space<vmem>> -> memref<1x80xi32, #tpu.memory_space<vmem>>
        %dma_wait3A_256 = tpu.memref_squeeze %dma_wait3A_255 : memref<1x80xi32, #tpu.memory_space<vmem>> -> memref<80xi32, #tpu.memory_space<vmem>>
        %dma_wait3A_257 = arith.constant 0 : i32
        %dma_wait3A_258 = arith.constant 0 : i32
        %dma_wait3A_259 = tpu.memref_slice %arg2[%dma_wait3A_257, %dma_wait3A_258] : memref<10240x128xf32, #tpu.memory_space<hbm>> -> memref<10240x128xf32, #tpu.memory_space<hbm>>
        tpu.wait_indirect_dma semaphore(%arg14 : memref<!tpu.dma_semaphore, #tpu.memory_space<semaphore_mem>>) src(%dma_wait3A_259 : memref<10240x128xf32, #tpu.memory_space<hbm>>) dst(%arg11 : memref<80x128xf32, #tpu.memory_space<vmem>>)
        %dma_start3A_260 = arith.constant 5 : i32
        %dma_start3A_261 = arith.constant 0 : i32
        %dma_start3A_262 = tpu.memref_slice %arg9[%dma_start3A_260, %dma_start3A_261] : memref<8x80xi32, #tpu.memory_space<vmem>> -> memref<1x80xi32, #tpu.memory_space<vmem>>
        %dma_start3A_263 = tpu.memref_squeeze %dma_start3A_262 : memref<1x80xi32, #tpu.memory_space<vmem>> -> memref<80xi32, #tpu.memory_space<vmem>>
        %dma_start3A_264 = arith.constant 0 : i32
        %dma_start3A_265 = arith.constant 0 : i32
        %dma_start3A_266 = tpu.memref_slice %arg2[%dma_start3A_264, %dma_start3A_265] : memref<10240x128xf32, #tpu.memory_space<hbm>> -> memref<10240x128xf32, #tpu.memory_space<hbm>>
        tpu.enqueue_indirect_dma source(%dma_start3A_266 : memref<10240x128xf32, #tpu.memory_space<hbm>>) target(%arg12 : memref<80x128xf32, #tpu.memory_space<vmem>>) offsets(%dma_start3A_263 : memref<80xi32, #tpu.memory_space<vmem>>) semaphore(%arg15 : memref<!tpu.dma_semaphore, #tpu.memory_space<semaphore_mem>>)
        %run_scoped3A_267 = arith.constant 4 : i32
        "tpu.region"() ({
          %run_scoped3A_318 = tpu.sem_alloc : memref<!tpu.dma_semaphore, #tpu.memory_space<semaphore_mem>>
          %dma_start3A_319 = arith.constant 0 : i32
          %dma_start3A_320 = tpu.memref_slice %arg10[%run_scoped3A_267, %dma_start3A_319] : memref<8x80xi32, #tpu.memory_space<vmem>> -> memref<1x80xi32, #tpu.memory_space<vmem>>
          %dma_start3A_321 = tpu.memref_squeeze %dma_start3A_320 : memref<1x80xi32, #tpu.memory_space<vmem>> -> memref<80xi32, #tpu.memory_space<vmem>>
          %dma_start3A_322 = arith.constant 0 : i32
          %dma_start3A_323 = arith.constant 0 : i32
          %dma_start3A_324 = tpu.memref_slice %arg13[%dma_start3A_322, %dma_start3A_323] : memref<10240x128xf32, #tpu.memory_space<vmem_shared>> -> memref<10240x128xf32, #tpu.memory_space<vmem_shared>>
          tpu.enqueue_indirect_dma source(%arg11 : memref<80x128xf32, #tpu.memory_space<vmem>>) target(%dma_start3A_324 : memref<10240x128xf32, #tpu.memory_space<vmem_shared>>) offsets(%dma_start3A_321 : memref<80xi32, #tpu.memory_space<vmem>>) semaphore(%run_scoped3A_318 : memref<!tpu.dma_semaphore, #tpu.memory_space<semaphore_mem>>) {add = true}
          %dma_wait3A_325 = arith.constant 0 : i32
          %dma_wait3A_326 = tpu.memref_slice %arg10[%run_scoped3A_267, %dma_wait3A_325] : memref<8x80xi32, #tpu.memory_space<vmem>> -> memref<1x80xi32, #tpu.memory_space<vmem>>
          %dma_wait3A_327 = tpu.memref_squeeze %dma_wait3A_326 : memref<1x80xi32, #tpu.memory_space<vmem>> -> memref<80xi32, #tpu.memory_space<vmem>>
          %dma_wait3A_328 = arith.constant 0 : i32
          %dma_wait3A_329 = arith.constant 0 : i32
          %dma_wait3A_330 = tpu.memref_slice %arg13[%dma_wait3A_328, %dma_wait3A_329] : memref<10240x128xf32, #tpu.memory_space<vmem_shared>> -> memref<10240x128xf32, #tpu.memory_space<vmem_shared>>
          tpu.wait_indirect_dma semaphore(%run_scoped3A_318 : memref<!tpu.dma_semaphore, #tpu.memory_space<semaphore_mem>>) src(%arg11 : memref<80x128xf32, #tpu.memory_space<vmem>>) dst(%dma_wait3A_330 : memref<10240x128xf32, #tpu.memory_space<vmem_shared>>)
          tpu.yield
        }) : () -> ()
        %dma_wait3A_268 = arith.constant 5 : i32
        %dma_wait3A_269 = arith.constant 0 : i32
        %dma_wait3A_270 = tpu.memref_slice %arg9[%dma_wait3A_268, %dma_wait3A_269] : memref<8x80xi32, #tpu.memory_space<vmem>> -> memref<1x80xi32, #tpu.memory_space<vmem>>
        %dma_wait3A_271 = tpu.memref_squeeze %dma_wait3A_270 : memref<1x80xi32, #tpu.memory_space<vmem>> -> memref<80xi32, #tpu.memory_space<vmem>>
        %dma_wait3A_272 = arith.constant 0 : i32
        %dma_wait3A_273 = arith.constant 0 : i32
        %dma_wait3A_274 = tpu.memref_slice %arg2[%dma_wait3A_272, %dma_wait3A_273] : memref<10240x128xf32, #tpu.memory_space<hbm>> -> memref<10240x128xf32, #tpu.memory_space<hbm>>
        tpu.wait_indirect_dma semaphore(%arg15 : memref<!tpu.dma_semaphore, #tpu.memory_space<semaphore_mem>>) src(%dma_wait3A_274 : memref<10240x128xf32, #tpu.memory_space<hbm>>) dst(%arg12 : memref<80x128xf32, #tpu.memory_space<vmem>>)
        %dma_start3A_275 = arith.constant 6 : i32
        %dma_start3A_276 = arith.constant 0 : i32
        %dma_start3A_277 = tpu.memref_slice %arg9[%dma_start3A_275, %dma_start3A_276] : memref<8x80xi32, #tpu.memory_space<vmem>> -> memref<1x80xi32, #tpu.memory_space<vmem>>
        %dma_start3A_278 = tpu.memref_squeeze %dma_start3A_277 : memref<1x80xi32, #tpu.memory_space<vmem>> -> memref<80xi32, #tpu.memory_space<vmem>>
        %dma_start3A_279 = arith.constant 0 : i32
        %dma_start3A_280 = arith.constant 0 : i32
        %dma_start3A_281 = tpu.memref_slice %arg2[%dma_start3A_279, %dma_start3A_280] : memref<10240x128xf32, #tpu.memory_space<hbm>> -> memref<10240x128xf32, #tpu.memory_space<hbm>>
        tpu.enqueue_indirect_dma source(%dma_start3A_281 : memref<10240x128xf32, #tpu.memory_space<hbm>>) target(%arg11 : memref<80x128xf32, #tpu.memory_space<vmem>>) offsets(%dma_start3A_278 : memref<80xi32, #tpu.memory_space<vmem>>) semaphore(%arg14 : memref<!tpu.dma_semaphore, #tpu.memory_space<semaphore_mem>>)
        %run_scoped3A_282 = arith.constant 5 : i32
        "tpu.region"() ({
          %run_scoped3A_318 = tpu.sem_alloc : memref<!tpu.dma_semaphore, #tpu.memory_space<semaphore_mem>>
          %dma_start3A_319 = arith.constant 0 : i32
          %dma_start3A_320 = tpu.memref_slice %arg10[%run_scoped3A_282, %dma_start3A_319] : memref<8x80xi32, #tpu.memory_space<vmem>> -> memref<1x80xi32, #tpu.memory_space<vmem>>
          %dma_start3A_321 = tpu.memref_squeeze %dma_start3A_320 : memref<1x80xi32, #tpu.memory_space<vmem>> -> memref<80xi32, #tpu.memory_space<vmem>>
          %dma_start3A_322 = arith.constant 0 : i32
          %dma_start3A_323 = arith.constant 0 : i32
          %dma_start3A_324 = tpu.memref_slice %arg13[%dma_start3A_322, %dma_start3A_323] : memref<10240x128xf32, #tpu.memory_space<vmem_shared>> -> memref<10240x128xf32, #tpu.memory_space<vmem_shared>>
          tpu.enqueue_indirect_dma source(%arg12 : memref<80x128xf32, #tpu.memory_space<vmem>>) target(%dma_start3A_324 : memref<10240x128xf32, #tpu.memory_space<vmem_shared>>) offsets(%dma_start3A_321 : memref<80xi32, #tpu.memory_space<vmem>>) semaphore(%run_scoped3A_318 : memref<!tpu.dma_semaphore, #tpu.memory_space<semaphore_mem>>) {add = true}
          %dma_wait3A_325 = arith.constant 0 : i32
          %dma_wait3A_326 = tpu.memref_slice %arg10[%run_scoped3A_282, %dma_wait3A_325] : memref<8x80xi32, #tpu.memory_space<vmem>> -> memref<1x80xi32, #tpu.memory_space<vmem>>
          %dma_wait3A_327 = tpu.memref_squeeze %dma_wait3A_326 : memref<1x80xi32, #tpu.memory_space<vmem>> -> memref<80xi32, #tpu.memory_space<vmem>>
          %dma_wait3A_328 = arith.constant 0 : i32
          %dma_wait3A_329 = arith.constant 0 : i32
          %dma_wait3A_330 = tpu.memref_slice %arg13[%dma_wait3A_328, %dma_wait3A_329] : memref<10240x128xf32, #tpu.memory_space<vmem_shared>> -> memref<10240x128xf32, #tpu.memory_space<vmem_shared>>
          tpu.wait_indirect_dma semaphore(%run_scoped3A_318 : memref<!tpu.dma_semaphore, #tpu.memory_space<semaphore_mem>>) src(%arg12 : memref<80x128xf32, #tpu.memory_space<vmem>>) dst(%dma_wait3A_330 : memref<10240x128xf32, #tpu.memory_space<vmem_shared>>)
          tpu.yield
        }) : () -> ()
        %dma_wait3A_283 = arith.constant 6 : i32
        %dma_wait3A_284 = arith.constant 0 : i32
        %dma_wait3A_285 = tpu.memref_slice %arg9[%dma_wait3A_283, %dma_wait3A_284] : memref<8x80xi32, #tpu.memory_space<vmem>> -> memref<1x80xi32, #tpu.memory_space<vmem>>
        %dma_wait3A_286 = tpu.memref_squeeze %dma_wait3A_285 : memref<1x80xi32, #tpu.memory_space<vmem>> -> memref<80xi32, #tpu.memory_space<vmem>>
        %dma_wait3A_287 = arith.constant 0 : i32
        %dma_wait3A_288 = arith.constant 0 : i32
        %dma_wait3A_289 = tpu.memref_slice %arg2[%dma_wait3A_287, %dma_wait3A_288] : memref<10240x128xf32, #tpu.memory_space<hbm>> -> memref<10240x128xf32, #tpu.memory_space<hbm>>
        tpu.wait_indirect_dma semaphore(%arg14 : memref<!tpu.dma_semaphore, #tpu.memory_space<semaphore_mem>>) src(%dma_wait3A_289 : memref<10240x128xf32, #tpu.memory_space<hbm>>) dst(%arg11 : memref<80x128xf32, #tpu.memory_space<vmem>>)
        %dma_start3A_290 = arith.constant 7 : i32
        %dma_start3A_291 = arith.constant 0 : i32
        %dma_start3A_292 = tpu.memref_slice %arg9[%dma_start3A_290, %dma_start3A_291] : memref<8x80xi32, #tpu.memory_space<vmem>> -> memref<1x80xi32, #tpu.memory_space<vmem>>
        %dma_start3A_293 = tpu.memref_squeeze %dma_start3A_292 : memref<1x80xi32, #tpu.memory_space<vmem>> -> memref<80xi32, #tpu.memory_space<vmem>>
        %dma_start3A_294 = arith.constant 0 : i32
        %dma_start3A_295 = arith.constant 0 : i32
        %dma_start3A_296 = tpu.memref_slice %arg2[%dma_start3A_294, %dma_start3A_295] : memref<10240x128xf32, #tpu.memory_space<hbm>> -> memref<10240x128xf32, #tpu.memory_space<hbm>>
        tpu.enqueue_indirect_dma source(%dma_start3A_296 : memref<10240x128xf32, #tpu.memory_space<hbm>>) target(%arg12 : memref<80x128xf32, #tpu.memory_space<vmem>>) offsets(%dma_start3A_293 : memref<80xi32, #tpu.memory_space<vmem>>) semaphore(%arg15 : memref<!tpu.dma_semaphore, #tpu.memory_space<semaphore_mem>>)
        %run_scoped3A_297 = arith.constant 6 : i32
        "tpu.region"() ({
          %run_scoped3A_318 = tpu.sem_alloc : memref<!tpu.dma_semaphore, #tpu.memory_space<semaphore_mem>>
          %dma_start3A_319 = arith.constant 0 : i32
          %dma_start3A_320 = tpu.memref_slice %arg10[%run_scoped3A_297, %dma_start3A_319] : memref<8x80xi32, #tpu.memory_space<vmem>> -> memref<1x80xi32, #tpu.memory_space<vmem>>
          %dma_start3A_321 = tpu.memref_squeeze %dma_start3A_320 : memref<1x80xi32, #tpu.memory_space<vmem>> -> memref<80xi32, #tpu.memory_space<vmem>>
          %dma_start3A_322 = arith.constant 0 : i32
          %dma_start3A_323 = arith.constant 0 : i32
          %dma_start3A_324 = tpu.memref_slice %arg13[%dma_start3A_322, %dma_start3A_323] : memref<10240x128xf32, #tpu.memory_space<vmem_shared>> -> memref<10240x128xf32, #tpu.memory_space<vmem_shared>>
          tpu.enqueue_indirect_dma source(%arg11 : memref<80x128xf32, #tpu.memory_space<vmem>>) target(%dma_start3A_324 : memref<10240x128xf32, #tpu.memory_space<vmem_shared>>) offsets(%dma_start3A_321 : memref<80xi32, #tpu.memory_space<vmem>>) semaphore(%run_scoped3A_318 : memref<!tpu.dma_semaphore, #tpu.memory_space<semaphore_mem>>) {add = true}
          %dma_wait3A_325 = arith.constant 0 : i32
          %dma_wait3A_326 = tpu.memref_slice %arg10[%run_scoped3A_297, %dma_wait3A_325] : memref<8x80xi32, #tpu.memory_space<vmem>> -> memref<1x80xi32, #tpu.memory_space<vmem>>
          %dma_wait3A_327 = tpu.memref_squeeze %dma_wait3A_326 : memref<1x80xi32, #tpu.memory_space<vmem>> -> memref<80xi32, #tpu.memory_space<vmem>>
          %dma_wait3A_328 = arith.constant 0 : i32
          %dma_wait3A_329 = arith.constant 0 : i32
          %dma_wait3A_330 = tpu.memref_slice %arg13[%dma_wait3A_328, %dma_wait3A_329] : memref<10240x128xf32, #tpu.memory_space<vmem_shared>> -> memref<10240x128xf32, #tpu.memory_space<vmem_shared>>
          tpu.wait_indirect_dma semaphore(%run_scoped3A_318 : memref<!tpu.dma_semaphore, #tpu.memory_space<semaphore_mem>>) src(%arg11 : memref<80x128xf32, #tpu.memory_space<vmem>>) dst(%dma_wait3A_330 : memref<10240x128xf32, #tpu.memory_space<vmem_shared>>)
          tpu.yield
        }) : () -> ()
        %dma_wait3A_298 = arith.constant 7 : i32
        %dma_wait3A_299 = arith.constant 0 : i32
        %dma_wait3A_300 = tpu.memref_slice %arg9[%dma_wait3A_298, %dma_wait3A_299] : memref<8x80xi32, #tpu.memory_space<vmem>> -> memref<1x80xi32, #tpu.memory_space<vmem>>
        %dma_wait3A_301 = tpu.memref_squeeze %dma_wait3A_300 : memref<1x80xi32, #tpu.memory_space<vmem>> -> memref<80xi32, #tpu.memory_space<vmem>>
        %dma_wait3A_302 = arith.constant 0 : i32
        %dma_wait3A_303 = arith.constant 0 : i32
        %dma_wait3A_304 = tpu.memref_slice %arg2[%dma_wait3A_302, %dma_wait3A_303] : memref<10240x128xf32, #tpu.memory_space<hbm>> -> memref<10240x128xf32, #tpu.memory_space<hbm>>
        tpu.wait_indirect_dma semaphore(%arg15 : memref<!tpu.dma_semaphore, #tpu.memory_space<semaphore_mem>>) src(%dma_wait3A_304 : memref<10240x128xf32, #tpu.memory_space<hbm>>) dst(%arg12 : memref<80x128xf32, #tpu.memory_space<vmem>>)
        %sub3A_305 = arith.constant 1 : i32
        %sub3A_306 = arith.subi %select_n3A, %sub3A_305 : i32
        %lt3A_307 = arith.cmpi slt, %while3A_47, %sub3A_306 : i32
        %convert_element_type3A_308 = arith.extui %lt3A_307 : i1 to i32
        %cond3A_309 = arith.constant 0 : i32
        %cond3A_310 = arith.cmpi ne, %convert_element_type3A_308, %cond3A_309 : i32
        scf.if %cond3A_310 {
          %add3A_318 = arith.constant 2 : i32
          %add3A_319 = arith.addi %add3A_50, %add3A_318 : i32
          %dma_wait3A_320 = arith.constant 0 : i32
          %dma_wait3A_321 = arith.constant 0 : i32
          %dma_wait3A_322 = tpu.memref_slice %arg3[%add3A_319, %dma_wait3A_320, %dma_wait3A_321] : memref<512x8x80xi32, #tpu.memory_space<hbm>> -> memref<1x8x80xi32, #tpu.memory_space<hbm>>
          %dma_wait3A_323 = tpu.memref_squeeze %dma_wait3A_322 : memref<1x8x80xi32, #tpu.memory_space<hbm>> -> memref<8x80xi32, #tpu.memory_space<hbm>>
          %dma_wait3A_324 = arith.constant 0 : i32
          %dma_wait3A_325 = arith.constant 0 : i32
          %dma_wait3A_326 = tpu.memref_slice %arg3[%add3A_319, %dma_wait3A_324, %dma_wait3A_325] : memref<512x8x80xi32, #tpu.memory_space<hbm>> -> memref<1x8x80xi32, #tpu.memory_space<hbm>>
          %dma_wait3A_327 = tpu.memref_squeeze %dma_wait3A_326 : memref<1x8x80xi32, #tpu.memory_space<hbm>> -> memref<8x80xi32, #tpu.memory_space<hbm>>
          tpu.wait_dma2 semaphore(%arg16 : memref<!tpu.dma_semaphore, #tpu.memory_space<semaphore_mem>>) src(%dma_wait3A_327 : memref<8x80xi32, #tpu.memory_space<hbm>>) dst(%arg7 : memref<8x80xi32, #tpu.memory_space<vmem>>)
          %add3A_328 = arith.constant 2 : i32
          %add3A_329 = arith.addi %add3A_50, %add3A_328 : i32
          %dma_wait3A_330 = arith.constant 0 : i32
          %dma_wait3A_331 = arith.constant 0 : i32
          %dma_wait3A_332 = tpu.memref_slice %arg4[%add3A_329, %dma_wait3A_330, %dma_wait3A_331] : memref<512x8x80xi32, #tpu.memory_space<hbm>> -> memref<1x8x80xi32, #tpu.memory_space<hbm>>
          %dma_wait3A_333 = tpu.memref_squeeze %dma_wait3A_332 : memref<1x8x80xi32, #tpu.memory_space<hbm>> -> memref<8x80xi32, #tpu.memory_space<hbm>>
          %dma_wait3A_334 = arith.constant 0 : i32
          %dma_wait3A_335 = arith.constant 0 : i32
          %dma_wait3A_336 = tpu.memref_slice %arg4[%add3A_329, %dma_wait3A_334, %dma_wait3A_335] : memref<512x8x80xi32, #tpu.memory_space<hbm>> -> memref<1x8x80xi32, #tpu.memory_space<hbm>>
          %dma_wait3A_337 = tpu.memref_squeeze %dma_wait3A_336 : memref<1x8x80xi32, #tpu.memory_space<hbm>> -> memref<8x80xi32, #tpu.memory_space<hbm>>
          tpu.wait_dma2 semaphore(%arg17 : memref<!tpu.dma_semaphore, #tpu.memory_space<semaphore_mem>>) src(%dma_wait3A_337 : memref<8x80xi32, #tpu.memory_space<hbm>>) dst(%arg8 : memref<8x80xi32, #tpu.memory_space<vmem>>)
          %dma_start3A_338 = arith.constant 0 : i32
          %dma_start3A_339 = arith.constant 0 : i32
          %dma_start3A_340 = tpu.memref_slice %arg7[%dma_start3A_338, %dma_start3A_339] : memref<8x80xi32, #tpu.memory_space<vmem>> -> memref<1x80xi32, #tpu.memory_space<vmem>>
          %dma_start3A_341 = tpu.memref_squeeze %dma_start3A_340 : memref<1x80xi32, #tpu.memory_space<vmem>> -> memref<80xi32, #tpu.memory_space<vmem>>
          %dma_start3A_342 = arith.constant 0 : i32
          %dma_start3A_343 = arith.constant 0 : i32
          %dma_start3A_344 = tpu.memref_slice %arg2[%dma_start3A_342, %dma_start3A_343] : memref<10240x128xf32, #tpu.memory_space<hbm>> -> memref<10240x128xf32, #tpu.memory_space<hbm>>
          tpu.enqueue_indirect_dma source(%dma_start3A_344 : memref<10240x128xf32, #tpu.memory_space<hbm>>) target(%arg11 : memref<80x128xf32, #tpu.memory_space<vmem>>) offsets(%dma_start3A_341 : memref<80xi32, #tpu.memory_space<vmem>>) semaphore(%arg14 : memref<!tpu.dma_semaphore, #tpu.memory_space<semaphore_mem>>)
        } else {
        }
        %run_scoped3A_311 = arith.constant 7 : i32
        "tpu.region"() ({
          %run_scoped3A_318 = tpu.sem_alloc : memref<!tpu.dma_semaphore, #tpu.memory_space<semaphore_mem>>
          %dma_start3A_319 = arith.constant 0 : i32
          %dma_start3A_320 = tpu.memref_slice %arg10[%run_scoped3A_311, %dma_start3A_319] : memref<8x80xi32, #tpu.memory_space<vmem>> -> memref<1x80xi32, #tpu.memory_space<vmem>>
          %dma_start3A_321 = tpu.memref_squeeze %dma_start3A_320 : memref<1x80xi32, #tpu.memory_space<vmem>> -> memref<80xi32, #tpu.memory_space<vmem>>
          %dma_start3A_322 = arith.constant 0 : i32
          %dma_start3A_323 = arith.constant 0 : i32
          %dma_start3A_324 = tpu.memref_slice %arg13[%dma_start3A_322, %dma_start3A_323] : memref<10240x128xf32, #tpu.memory_space<vmem_shared>> -> memref<10240x128xf32, #tpu.memory_space<vmem_shared>>
          tpu.enqueue_indirect_dma source(%arg12 : memref<80x128xf32, #tpu.memory_space<vmem>>) target(%dma_start3A_324 : memref<10240x128xf32, #tpu.memory_space<vmem_shared>>) offsets(%dma_start3A_321 : memref<80xi32, #tpu.memory_space<vmem>>) semaphore(%run_scoped3A_318 : memref<!tpu.dma_semaphore, #tpu.memory_space<semaphore_mem>>) {add = true}
          %dma_wait3A_325 = arith.constant 0 : i32
          %dma_wait3A_326 = tpu.memref_slice %arg10[%run_scoped3A_311, %dma_wait3A_325] : memref<8x80xi32, #tpu.memory_space<vmem>> -> memref<1x80xi32, #tpu.memory_space<vmem>>
          %dma_wait3A_327 = tpu.memref_squeeze %dma_wait3A_326 : memref<1x80xi32, #tpu.memory_space<vmem>> -> memref<80xi32, #tpu.memory_space<vmem>>
          %dma_wait3A_328 = arith.constant 0 : i32
          %dma_wait3A_329 = arith.constant 0 : i32
          %dma_wait3A_330 = tpu.memref_slice %arg13[%dma_wait3A_328, %dma_wait3A_329] : memref<10240x128xf32, #tpu.memory_space<vmem_shared>> -> memref<10240x128xf32, #tpu.memory_space<vmem_shared>>
          tpu.wait_indirect_dma semaphore(%run_scoped3A_318 : memref<!tpu.dma_semaphore, #tpu.memory_space<semaphore_mem>>) src(%arg12 : memref<80x128xf32, #tpu.memory_space<vmem>>) dst(%dma_wait3A_330 : memref<10240x128xf32, #tpu.memory_space<vmem_shared>>)
          tpu.yield
        }) : () -> ()
        %sub3A_312 = arith.constant 1 : i32
        %sub3A_313 = arith.subi %select_n3A, %sub3A_312 : i32
        %lt3A_314 = arith.cmpi slt, %while3A_47, %sub3A_313 : i32
        %convert_element_type3A_315 = arith.extui %lt3A_314 : i1 to i32
        %cond3A_316 = arith.constant 0 : i32
        %cond3A_317 = arith.cmpi ne, %convert_element_type3A_315, %cond3A_316 : i32
        scf.if %cond3A_317 {
          %add3A_318 = arith.constant 3 : i32
          %add3A_319 = arith.addi %add3A_50, %add3A_318 : i32
          %dma_start3A_320 = arith.constant 0 : i32
          %dma_start3A_321 = arith.constant 0 : i32
          %dma_start3A_322 = tpu.memref_slice %arg3[%add3A_319, %dma_start3A_320, %dma_start3A_321] : memref<512x8x80xi32, #tpu.memory_space<hbm>> -> memref<1x8x80xi32, #tpu.memory_space<hbm>>
          %dma_start3A_323 = tpu.memref_squeeze %dma_start3A_322 : memref<1x8x80xi32, #tpu.memory_space<hbm>> -> memref<8x80xi32, #tpu.memory_space<hbm>>
          %dma_start3A_324 = arith.constant 0 : i32
          %dma_start3A_325 = arith.constant 0 : i32
          %dma_start3A_326 = tpu.memref_slice %arg3[%add3A_319, %dma_start3A_324, %dma_start3A_325] : memref<512x8x80xi32, #tpu.memory_space<hbm>> -> memref<1x8x80xi32, #tpu.memory_space<hbm>>
          %dma_start3A_327 = tpu.memref_squeeze %dma_start3A_326 : memref<1x8x80xi32, #tpu.memory_space<hbm>> -> memref<8x80xi32, #tpu.memory_space<hbm>>
          tpu.enqueue_dma source(%dma_start3A_327 : memref<8x80xi32, #tpu.memory_space<hbm>>) target(%arg9 : memref<8x80xi32, #tpu.memory_space<vmem>>) target_semaphore(%arg16 : memref<!tpu.dma_semaphore, #tpu.memory_space<semaphore_mem>>)
          %add3A_328 = arith.constant 3 : i32
          %add3A_329 = arith.addi %add3A_50, %add3A_328 : i32
          %dma_start3A_330 = arith.constant 0 : i32
          %dma_start3A_331 = arith.constant 0 : i32
          %dma_start3A_332 = tpu.memref_slice %arg4[%add3A_329, %dma_start3A_330, %dma_start3A_331] : memref<512x8x80xi32, #tpu.memory_space<hbm>> -> memref<1x8x80xi32, #tpu.memory_space<hbm>>
          %dma_start3A_333 = tpu.memref_squeeze %dma_start3A_332 : memref<1x8x80xi32, #tpu.memory_space<hbm>> -> memref<8x80xi32, #tpu.memory_space<hbm>>
          %dma_start3A_334 = arith.constant 0 : i32
          %dma_start3A_335 = arith.constant 0 : i32
          %dma_start3A_336 = tpu.memref_slice %arg4[%add3A_329, %dma_start3A_334, %dma_start3A_335] : memref<512x8x80xi32, #tpu.memory_space<hbm>> -> memref<1x8x80xi32, #tpu.memory_space<hbm>>
          %dma_start3A_337 = tpu.memref_squeeze %dma_start3A_336 : memref<1x8x80xi32, #tpu.memory_space<hbm>> -> memref<8x80xi32, #tpu.memory_space<hbm>>
          tpu.enqueue_dma source(%dma_start3A_337 : memref<8x80xi32, #tpu.memory_space<hbm>>) target(%arg10 : memref<8x80xi32, #tpu.memory_space<vmem>>) target_semaphore(%arg17 : memref<!tpu.dma_semaphore, #tpu.memory_space<semaphore_mem>>)
        } else {
        }
      }
      %barrier3A_42 = arith.constant 0 : index
      tpu.barrier barrier_id(%barrier3A_42)
      %mul3A_43 = arith.constant 640 : i32
      %mul3A_44 = arith.muli %arg1, %mul3A_43 : i32
      %mul3A_45 = arith.constant 640 : i32
      %mul3A_46 = arith.muli %arg1, %mul3A_45 : i32
      "tpu.region"() ({
        %run_scoped3A = tpu.sem_alloc : memref<!tpu.dma_semaphore, #tpu.memory_space<semaphore_mem>>
        %dma_start3A_47 = arith.constant 0 : i32
        %dma_start3A_48 = tpu.memref_slice %arg6[%mul3A_46, %dma_start3A_47] : memref<10240x128xf32, #tpu.memory_space<hbm>> -> memref<640x128xf32, #tpu.memory_space<hbm>>
        %dma_start3A_49 = arith.constant 0 : i32
        %dma_start3A_50 = tpu.memref_slice %arg13[%mul3A_44, %dma_start3A_49] : memref<10240x128xf32, #tpu.memory_space<vmem_shared>> -> memref<640x128xf32, #tpu.memory_space<vmem_shared>>
        tpu.enqueue_dma source(%dma_start3A_50 : memref<640x128xf32, #tpu.memory_space<vmem_shared>>) target(%dma_start3A_48 : memref<640x128xf32, #tpu.memory_space<hbm>>) target_semaphore(%run_scoped3A : memref<!tpu.dma_semaphore, #tpu.memory_space<semaphore_mem>>)
        %dma_wait3A = arith.constant 0 : i32
        %dma_wait3A_51 = tpu.memref_slice %arg6[%mul3A_46, %dma_wait3A] : memref<10240x128xf32, #tpu.memory_space<hbm>> -> memref<640x128xf32, #tpu.memory_space<hbm>>
        %dma_wait3A_52 = arith.constant 0 : i32
        %dma_wait3A_53 = tpu.memref_slice %arg13[%mul3A_44, %dma_wait3A_52] : memref<10240x128xf32, #tpu.memory_space<vmem_shared>> -> memref<640x128xf32, #tpu.memory_space<vmem_shared>>
        tpu.wait_dma2 semaphore(%run_scoped3A : memref<!tpu.dma_semaphore, #tpu.memory_space<semaphore_mem>>) src(%dma_wait3A_53 : memref<640x128xf32, #tpu.memory_space<vmem_shared>>) dst(%dma_wait3A_51 : memref<640x128xf32, #tpu.memory_space<hbm>>)
        tpu.yield
      }) : () -> ()
    } else {
    }
    return
  }
}

module attributes {stable_mosaic.version = 14 : i64} {
  func.func @_tc_r_body(%arg0: memref<32x80x128xf32, #tpu.memory_space<vmem>>, %arg1: memref<80x128xf32, #tpu.memory_space<vmem>>) attributes {dimension_semantics = [], scalar_prefetch = 0 : i64, scratch_operands = 0 : i64, tpu.core_type = #tpu.core_type<tc>} {
    %get3A = arith.constant 0 : index
    %get3A_0 = arith.constant 0 : index
    %get3A_1 = arith.constant 0 : index
    %get3A_2 = vector.load %arg0[%get3A, %get3A_0, %get3A_1] : memref<32x80x128xf32, #tpu.memory_space<vmem>>, vector<32x80x128xf32>
    %reduce_sum3A = arith.constant dense<0.000000e+00> : vector<80x128xf32>
    %reduce_sum3A_3 = vector.multi_reduction <add>, %get3A_2, %reduce_sum3A [0] : vector<32x80x128xf32> to vector<80x128xf32>
    %add3A = arith.constant 1.000000e+00 : f32
    %add3A_4 = vector.broadcast %add3A : f32 to vector<80x128xf32>
    %add3A_5 = arith.addf %reduce_sum3A_3, %add3A_4 : vector<80x128xf32>
    %rsqrt3A = math.rsqrt %add3A_5 : vector<80x128xf32>
    %swap3A = arith.constant 0 : index
    %swap3A_6 = arith.constant 0 : index
    %swap3A_7 = vector.load %arg1[%swap3A, %swap3A_6] : memref<80x128xf32, #tpu.memory_space<vmem>>, vector<80x128xf32>
    tpu.vector_store %arg1[%swap3A, %swap3A_6], %rsqrt3A {strides = array<i32>} : memref<80x128xf32, #tpu.memory_space<vmem>>, vector<80x128xf32>,
    return
  }
}

module attributes {stable_mosaic.version = 14 : i64} {
  func.func @_tc_a_body(%arg0: i32, %arg1: memref<1000x1xf32, #tpu.memory_space<vmem>>, %arg2: memref<1000x128xf32, #tpu.memory_space<vmem>>, %arg3: memref<128x128xf32, #tpu.memory_space<vmem>>, %arg4: memref<1000x128xf32, #tpu.memory_space<vmem>>) attributes {dimension_semantics = [#tpu.dimension_semantics<arbitrary>], iteration_bounds = array<i64: 10>, scalar_prefetch = 0 : i64, scratch_operands = 0 : i64, tpu.core_type = #tpu.core_type<tc>, window_params = [{transform_indices = @transform_0, window_bounds = array<i64: 1000, 1>}, {transform_indices = @transform_1, window_bounds = array<i64: 1000, 128>}, {pipeline_mode = #tpu.pipeline_mode<synchronous>, transform_indices = @transform_2, window_bounds = array<i64: 128, 128>}, {transform_indices = @transform_3, window_bounds = array<i64: 1000, 128>}]} {
    %get3A = arith.constant 0 : index
    %get3A_0 = arith.constant 0 : index
    %get3A_1 = vector.load %arg1[%get3A, %get3A_0] : memref<1000x1xf32, #tpu.memory_space<vmem>>, vector<1000x1xf32>
    %get3A_2 = arith.constant 0 : index
    %get3A_3 = arith.constant 0 : index
    %get3A_4 = vector.load %arg2[%get3A_2, %get3A_3] : memref<1000x128xf32, #tpu.memory_space<vmem>>, vector<1000x128xf32>
    %get3A_5 = arith.constant 0 : index
    %get3A_6 = arith.constant 0 : index
    %get3A_7 = vector.load %arg3[%get3A_5, %get3A_6] : memref<128x128xf32, #tpu.memory_space<vmem>>, vector<128x128xf32>
    %dot_general3A = arith.constant dense<0.000000e+00> : vector<1000x128xf32>
    %dot_general3A_8 = tpu.matmul %get3A_4, %get3A_7, %dot_general3A {dimension_numbers = #tpu.dot_dimension_numbers<[1], [0], [0], [1], [0, 0, 1, 1], [], []>, transpose_lhs_hint = false} : vector<1000x128xf32>, vector<128x128xf32>, vector<1000x128xf32> -> vector<1000x128xf32>
    %mul3A = vector.broadcast %get3A_1 : vector<1000x1xf32> to vector<1000x128xf32>
    %mul3A_9 = arith.mulf %dot_general3A_8, %mul3A : vector<1000x128xf32>
    %swap3A = arith.constant 0 : index
    %swap3A_10 = arith.constant 0 : index
    %swap3A_11 = vector.load %arg4[%swap3A, %swap3A_10] : memref<1000x128xf32, #tpu.memory_space<vmem>>, vector<1000x128xf32>
    tpu.vector_store %arg4[%swap3A, %swap3A_10], %mul3A_9 {strides = array<i32>} : memref<1000x128xf32, #tpu.memory_space<vmem>>, vector<1000x128xf32>,
    return
  }
  func.func @transform_0(%arg0: i32) -> (i32, i32) {
    %c0_i32 = arith.constant 0 : i32
    %c0_i32_0 = arith.constant 0 : i32
    return %arg0, %c0_i32 : i32, i32
  }
  func.func @transform_1(%arg0: i32) -> (i32, i32) {
    %c0_i32 = arith.constant 0 : i32
    %c0_i32_0 = arith.constant 0 : i32
    return %arg0, %c0_i32 : i32, i32
  }
  func.func @transform_2(%arg0: i32) -> (i32, i32) {
    %c0_i32 = arith.constant 0 : i32
    %c0_i32_0 = arith.constant 0 : i32
    %c0_i32_1 = arith.constant 0 : i32
    return %c0_i32, %c0_i32_0 : i32, i32
  }
  func.func @transform_3(%arg0: i32) -> (i32, i32) {
    %c0_i32 = arith.constant 0 : i32
    %c0_i32_0 = arith.constant 0 : i32
    return %arg0, %c0_i32 : i32, i32
  }
}

module attributes {stable_mosaic.version = 14 : i64} {
  func.func @_tc_b_body(%arg0: i32, %arg1: memref<1000x1xf32, #tpu.memory_space<vmem>>, %arg2: memref<1000x128xf32, #tpu.memory_space<vmem>>, %arg3: memref<1000x128xf32, #tpu.memory_space<vmem>>, %arg4: memref<1x128xf32, #tpu.memory_space<vmem>>, %arg5: memref<128x128xf32, #tpu.memory_space<vmem>>, %arg6: memref<1000x128xf32, #tpu.memory_space<vmem>>) attributes {dimension_semantics = [#tpu.dimension_semantics<arbitrary>], iteration_bounds = array<i64: 10>, scalar_prefetch = 0 : i64, scratch_operands = 0 : i64, tpu.core_type = #tpu.core_type<tc>, window_params = [{transform_indices = @transform_0, window_bounds = array<i64: 1000, 1>}, {transform_indices = @transform_1, window_bounds = array<i64: 1000, 128>}, {transform_indices = @transform_2, window_bounds = array<i64: 1000, 128>}, {pipeline_mode = #tpu.pipeline_mode<synchronous>, transform_indices = @transform_3, window_bounds = array<i64: 1, 128>}, {pipeline_mode = #tpu.pipeline_mode<synchronous>, transform_indices = @transform_4, window_bounds = array<i64: 128, 128>}, {transform_indices = @transform_5, window_bounds = array<i64: 1000, 128>}]} {
    %get3A = arith.constant 0 : index
    %get3A_0 = arith.constant 0 : index
    %get3A_1 = vector.load %arg1[%get3A, %get3A_0] : memref<1000x1xf32, #tpu.memory_space<vmem>>, vector<1000x1xf32>
    %get3A_2 = arith.constant 0 : index
    %get3A_3 = arith.constant 0 : index
    %get3A_4 = vector.load %arg2[%get3A_2, %get3A_3] : memref<1000x128xf32, #tpu.memory_space<vmem>>, vector<1000x128xf32>
    %get3A_5 = arith.constant 0 : index
    %get3A_6 = arith.constant 0 : index
    %get3A_7 = vector.load %arg3[%get3A_5, %get3A_6] : memref<1000x128xf32, #tpu.memory_space<vmem>>, vector<1000x128xf32>
    %add3A = arith.addf %get3A_4, %get3A_7 : vector<1000x128xf32>
    %mul3A = vector.broadcast %get3A_1 : vector<1000x1xf32> to vector<1000x128xf32>
    %mul3A_8 = arith.mulf %add3A, %mul3A : vector<1000x128xf32>
    %get3A_9 = arith.constant 0 : index
    %get3A_10 = arith.constant 0 : index
    %get3A_11 = vector.load %arg4[%get3A_9, %get3A_10] : memref<1x128xf32, #tpu.memory_space<vmem>>, vector<1x128xf32>
    %add3A_12 = vector.broadcast %get3A_11 : vector<1x128xf32> to vector<1000x128xf32>
    %add3A_13 = arith.addf %mul3A_8, %add3A_12 : vector<1000x128xf32>
    %max3A = arith.constant 0.000000e+00 : f32
    %max3A_14 = vector.broadcast %max3A : f32 to vector<1000x128xf32>
    %max3A_15 = arith.maximumf %add3A_13, %max3A_14 : vector<1000x128xf32>
    %get3A_16 = arith.constant 0 : index
    %get3A_17 = arith.constant 0 : index
    %get3A_18 = vector.load %arg5[%get3A_16, %get3A_17] : memref<128x128xf32, #tpu.memory_space<vmem>>, vector<128x128xf32>
    %dot_general3A = arith.constant dense<0.000000e+00> : vector<1000x128xf32>
    %dot_general3A_19 = tpu.matmul %max3A_15, %get3A_18, %dot_general3A {dimension_numbers = #tpu.dot_dimension_numbers<[1], [0], [0], [1], [0, 0, 1, 1], [], []>, transpose_lhs_hint = false} : vector<1000x128xf32>, vector<128x128xf32>, vector<1000x128xf32> -> vector<1000x128xf32>
    %mul3A_20 = vector.broadcast %get3A_1 : vector<1000x1xf32> to vector<1000x128xf32>
    %mul3A_21 = arith.mulf %dot_general3A_19, %mul3A_20 : vector<1000x128xf32>
    %swap3A = arith.constant 0 : index
    %swap3A_22 = arith.constant 0 : index
    %swap3A_23 = vector.load %arg6[%swap3A, %swap3A_22] : memref<1000x128xf32, #tpu.memory_space<vmem>>, vector<1000x128xf32>
    tpu.vector_store %arg6[%swap3A, %swap3A_22], %mul3A_21 {strides = array<i32>} : memref<1000x128xf32, #tpu.memory_space<vmem>>, vector<1000x128xf32>,
    return
  }
  func.func @transform_0(%arg0: i32) -> (i32, i32) {
    %c0_i32 = arith.constant 0 : i32
    %c0_i32_0 = arith.constant 0 : i32
    return %arg0, %c0_i32 : i32, i32
  }
  func.func @transform_1(%arg0: i32) -> (i32, i32) {
    %c0_i32 = arith.constant 0 : i32
    %c0_i32_0 = arith.constant 0 : i32
    return %arg0, %c0_i32 : i32, i32
  }
  func.func @transform_2(%arg0: i32) -> (i32, i32) {
    %c0_i32 = arith.constant 0 : i32
    %c0_i32_0 = arith.constant 0 : i32
    return %arg0, %c0_i32 : i32, i32
  }
  func.func @transform_3(%arg0: i32) -> (i32, i32) {
    %c0_i32 = arith.constant 0 : i32
    %c0_i32_0 = arith.constant 0 : i32
    %c0_i32_1 = arith.constant 0 : i32
    return %c0_i32, %c0_i32_0 : i32, i32
  }
  func.func @transform_4(%arg0: i32) -> (i32, i32) {
    %c0_i32 = arith.constant 0 : i32
    %c0_i32_0 = arith.constant 0 : i32
    %c0_i32_1 = arith.constant 0 : i32
    return %c0_i32, %c0_i32_0 : i32, i32
  }
  func.func @transform_5(%arg0: i32) -> (i32, i32) {
    %c0_i32 = arith.constant 0 : i32
    %c0_i32_0 = arith.constant 0 : i32
    return %arg0, %c0_i32 : i32, i32
  }
}

module attributes {stable_mosaic.version = 14 : i64} {
  func.func @_tc_c_body(%arg0: i32, %arg1: memref<1000x1xf32, #tpu.memory_space<vmem>>, %arg2: memref<1000x128xf32, #tpu.memory_space<vmem>>, %arg3: memref<1000x128xf32, #tpu.memory_space<vmem>>, %arg4: memref<1x128xf32, #tpu.memory_space<vmem>>, %arg5: memref<1000x128xf32, #tpu.memory_space<vmem>>) attributes {dimension_semantics = [#tpu.dimension_semantics<arbitrary>], iteration_bounds = array<i64: 10>, scalar_prefetch = 0 : i64, scratch_operands = 0 : i64, tpu.core_type = #tpu.core_type<tc>, window_params = [{transform_indices = @transform_0, window_bounds = array<i64: 1000, 1>}, {transform_indices = @transform_1, window_bounds = array<i64: 1000, 128>}, {transform_indices = @transform_2, window_bounds = array<i64: 1000, 128>}, {pipeline_mode = #tpu.pipeline_mode<synchronous>, transform_indices = @transform_3, window_bounds = array<i64: 1, 128>}, {transform_indices = @transform_4, window_bounds = array<i64: 1000, 128>}]} {
    %get3A = arith.constant 0 : index
    %get3A_0 = arith.constant 0 : index
    %get3A_1 = vector.load %arg1[%get3A, %get3A_0] : memref<1000x1xf32, #tpu.memory_space<vmem>>, vector<1000x1xf32>
    %get3A_2 = arith.constant 0 : index
    %get3A_3 = arith.constant 0 : index
    %get3A_4 = vector.load %arg2[%get3A_2, %get3A_3] : memref<1000x128xf32, #tpu.memory_space<vmem>>, vector<1000x128xf32>
    %get3A_5 = arith.constant 0 : index
    %get3A_6 = arith.constant 0 : index
    %get3A_7 = vector.load %arg3[%get3A_5, %get3A_6] : memref<1000x128xf32, #tpu.memory_space<vmem>>, vector<1000x128xf32>
    %add3A = arith.addf %get3A_4, %get3A_7 : vector<1000x128xf32>
    %mul3A = vector.broadcast %get3A_1 : vector<1000x1xf32> to vector<1000x128xf32>
    %mul3A_8 = arith.mulf %add3A, %mul3A : vector<1000x128xf32>
    %get3A_9 = arith.constant 0 : index
    %get3A_10 = arith.constant 0 : index
    %get3A_11 = vector.load %arg4[%get3A_9, %get3A_10] : memref<1x128xf32, #tpu.memory_space<vmem>>, vector<1x128xf32>
    %add3A_12 = vector.broadcast %get3A_11 : vector<1x128xf32> to vector<1000x128xf32>
    %add3A_13 = arith.addf %mul3A_8, %add3A_12 : vector<1000x128xf32>
    %swap3A = arith.constant 0 : index
    %swap3A_14 = arith.constant 0 : index
    %swap3A_15 = vector.load %arg5[%swap3A, %swap3A_14] : memref<1000x128xf32, #tpu.memory_space<vmem>>, vector<1000x128xf32>
    tpu.vector_store %arg5[%swap3A, %swap3A_14], %add3A_13 {strides = array<i32>} : memref<1000x128xf32, #tpu.memory_space<vmem>>, vector<1000x128xf32>,
    return
  }
  func.func @transform_0(%arg0: i32) -> (i32, i32) {
    %c0_i32 = arith.constant 0 : i32
    %c0_i32_0 = arith.constant 0 : i32
    return %arg0, %c0_i32 : i32, i32
  }
  func.func @transform_1(%arg0: i32) -> (i32, i32) {
    %c0_i32 = arith.constant 0 : i32
    %c0_i32_0 = arith.constant 0 : i32
    return %arg0, %c0_i32 : i32, i32
  }
  func.func @transform_2(%arg0: i32) -> (i32, i32) {
    %c0_i32 = arith.constant 0 : i32
    %c0_i32_0 = arith.constant 0 : i32
    return %arg0, %c0_i32 : i32, i32
  }
  func.func @transform_3(%arg0: i32) -> (i32, i32) {
    %c0_i32 = arith.constant 0 : i32
    %c0_i32_0 = arith.constant 0 : i32
    %c0_i32_1 = arith.constant 0 : i32
    return %c0_i32, %c0_i32_0 : i32, i32
  }
  func.func @transform_4(%arg0: i32) -> (i32, i32) {
    %c0_i32 = arith.constant 0 : i32
    %c0_i32_0 = arith.constant 0 : i32
    return %arg0, %c0_i32 : i32, i32
  }
}

</mosaic_0001>

<sc_bundles>
// kernel: kernel.12.cloned.1.call-start
scs
__scs_entry_jumppad:
0x0: {  	(pc) =	sbr.rel $0x88, $3  }
0x1: {  	(tag) =	ssettag $0x0;
	lr =	simm.s32 $0x1  }
0x2: {  	[smem:$0x3F99] =	sst lr;
	_ =	strace $0xD0000000  }
0x3: {  	_ = 	snop  }
0x4: {  	_ = 	snop  }
0x5: {  	_ = 	snop  }
0x6: {  	_ = 	snop  }
0x7: {  	_ = 	snop  }
__scs_overlays_trampoline_lowered:
0x8: {  	[smem:$0x3FA8] =	sst s0  }
0x9: {  	[smem:$0x3FA9] =	sst s1  }
0xa: {  	[smem:$0x3FAA] =	sst s2  }
0xb: {  	[smem:$0x3FAB] =	sst s3  }
0xc: {  	[smem:$0x3FAC] =	sst s4  }
0xd: {  	[smem:$0x3FAD] =	sst s5  }
0xe: {  	[smem:$0x3FAE] =	sst s6  }
0xf: {  	[smem:$0x3FAF] =	sst s7  }
0x10: {  	[smem:$0x3FB0] =	sst s8  }
0x11: {  	[smem:$0x3FB1] =	sst s9;
	s0 =	simm.s32 @!p0 $0x0  }
0x12: {  	s1 =	sld [smem:$0x3F97];
	s0 =	simm.s32 @p0 $0x1  }
0x13: {  	[smem:$0x3FB2] =	sst s0;
	s0 =	simm.s32 @!p1 $0x0  }
0x14: {  	s2 =	sld [smem:$0x3F96];
	s0 =	simm.s32 @p1 $0x1  }
0x15: {  	[smem:$0x3FB3] =	sst s0;
	s0 =	simm.s32 @!p2 $0x0  }
0x16: {  	s3 =	sld [smem:$0x3FDB];
	s0 =	simm.s32 @p2 $0x1  }
0x17: {  	s4 =	simm.s32 $0x1BF5;
	[smem:$0x3FB5] =	sst s0  }
0x18: {  	s0 =	sld [smem:$0x3F98];
	_ =	swait.ge [sflag:s4], $0x0  }
0x19: {  	s7 =	sld [smem:$0x3F99]  }
0x1a: {  	s8 =	sadd.s32 $0xFFFFE003, lr  }
0x1b: {  	s9 =	sadd.s32 $0xFFFFFEF7, lr;
	s5 =	simm.s32 $0xFFFFFFFF;
	p2 =	slt.u32 s8, $0xFFFFF086  }
0x1c: {  	p1 =	slt.u32 s9, $0xF7A;
	s5 =	simm.s32 @!p2 $0x0  }
0x1d: {  	s5 =	simm.s32 @p1 $0x1;
	p0 =	seq.s32 s7, s2  }
0x1e: {  	s7 =	smul.u32 @!p0 $0xF7A, s2;
	p2 =	seq.s32 @!p0 s5, $0x0  }
0x1f: {  	s9 =	smul.u32 $0xF7A, s1;
	s8 =	simm.s32 @!p0 $0x1BF5;
	p2 =	por !p2, p0  }
0x20: {  	[sflag:s8] =	ssyncset.s32 @!p0 $0xFFFFF086;
	s6 =	sadd.s32 @!p0 s3, s7;
	s7 =	simm.s32 @!p0 $0x108  }
0x21: {  	s3 =	sadd.s32 s3, s9;
	s6 =	sadd.s32 @!p0 $0x88, s6;
	s7 =	simm.s32 @p2 $0x1082  }
0x22: {  	[simem:s7], [sflag:s8] =	dma.local @!p0 [hbm:s6], $0xF7A  }
0x23: {  	s9 =	sor.u32 $0xD0000000, s2;
	s6 =	simm.s32 $0x108;
	_ =	swait.ge @!p0 [sflag:s8], $0x0  }
0x24: {  	s3 =	sadd.s32 $0x88, s3;
	s6 =	simm.s32 @!p1 $0x1082;
	[sflag:s4] =	ssyncset.s32 $0xFFFFF086  }
0x25: {  	[simem:s6], [sflag:s4] =	dma.local [hbm:s3], $0xF7A  }
0x26: {  	[smem:$0x3F99] =	sst s1;
	(tag) =	ssettag s2;
	_ =	strace s9  }
0x27: {  	s1 =	sld [smem:$0x3FA9]  }
0x28: {  	s2 =	sld [smem:$0x3FAA]  }
0x29: {  	s4 =	sld [smem:$0x3FAC]  }
0x2a: {  	p0 =	seq.s32 s5, $0x0;
	s5 =	sld [smem:$0x3FAD]  }
0x2b: {  	s6 =	sld [smem:$0x3FAE]  }
0x2c: {  	s7 =	sld [smem:$0x3FAF]  }
0x2d: {  	s3 =	simm.s32 $0x108;
	s8 =	sld [smem:$0x3FB0]  }
0x2e: {  	s3 =	simm.s32 @!p0 $0x1082;
	s9 =	sld [smem:$0x3FB1]  }
0x2f: {  	lr =	sadd.s32 s0, s3;
	s0 =	sld [smem:$0x3FA8]  }
0x30: {  	s3 =	sld [smem:$0x3FAB]  }
0x31: {  	[smem:$0x3FB4] =	sst s10  }
0x32: {  	s10 =	sld [smem:$0x3FB2];
	_ =	sdelay $0x3  }
0x33: {  	p0 =	seq.s32 s10, $0x1;
	s10 =	sld [smem:$0x3FB4];
	_ =	sdelay $0x3  }
0x34: {  	[smem:$0x3FB4] =	sst s10  }
0x35: {  	s10 =	sld [smem:$0x3FB3];
	_ =	sdelay $0x3  }
0x36: {  	p1 =	seq.s32 s10, $0x1;
	s10 =	sld [smem:$0x3FB4];
	_ =	sdelay $0x3  }
0x37: {  	[smem:$0x3FB4] =	sst s10  }
0x38: {  	s10 =	sld [smem:$0x3FB5]  }
0x39: {  	_ = 	snop;
	(pc) =	sbr.ind lr, $3  }
0x3a: {  	_ = 	snop  }
0x3b: {  	_ = 	snop  }
0x3c: {  	p2 =	seq.s32 s10, $0x1;
	s10 =	sld [smem:$0x3FB4]  }
0x3d: {  	_ =	shalt  }
0x3e: {  	_ =	shalt  }
0x3f: {  	_ =	shalt  }
0x40: {  	_ =	shalt  }
0x41: {  	_ =	shalt  }
0x42: {  	_ =	shalt  }
0x43: {  	_ =	shalt  }
0x44: {  	_ =	shalt  }
0x45: {  	_ =	shalt  }
0x46: {  	_ =	shalt  }
0x47: {  	_ =	shalt  }
0x48: {  	_ =	shalt  }
0x49: {  	_ =	shalt  }
0x4a: {  	_ =	shalt  }
0x4b: {  	_ =	shalt  }
0x4c: {  	_ =	shalt  }
0x4d: {  	_ =	shalt  }
0x4e: {  	_ =	shalt  }
0x4f: {  	_ =	shalt  }
0x50: {  	_ =	shalt  }
0x51: {  	_ =	shalt  }
0x52: {  	_ =	shalt  }
0x53: {  	_ =	shalt  }
0x54: {  	_ =	shalt  }
0x55: {  	_ =	shalt  }
0x56: {  	_ =	shalt  }
0x57: {  	_ =	shalt  }
0x58: {  	_ =	shalt  }
0x59: {  	_ =	shalt  }
0x5a: {  	_ =	shalt  }
0x5b: {  	_ =	shalt  }
0x5c: {  	_ =	shalt  }
0x5d: {  	_ =	shalt  }
0x5e: {  	_ =	shalt  }
0x5f: {  	_ =	shalt  }
0x60: {  	_ =	shalt  }
0x61: {  	_ =	shalt  }
0x62: {  	_ =	shalt  }
0x63: {  	_ =	shalt  }
0x64: {  	_ =	shalt  }
0x65: {  	_ =	shalt  }
0x66: {  	_ =	shalt  }
0x67: {  	_ =	shalt  }
0x68: {  	_ =	shalt  }
0x69: {  	_ =	shalt  }
0x6a: {  	_ =	shalt  }
0x6b: {  	_ =	shalt  }
0x6c: {  	_ =	shalt  }
0x6d: {  	_ =	shalt  }
0x6e: {  	_ =	shalt  }
0x6f: {  	_ =	shalt  }
0x70: {  	_ =	shalt  }
0x71: {  	_ =	shalt  }
0x72: {  	_ =	shalt  }
0x73: {  	_ =	shalt  }
0x74: {  	_ =	shalt  }
0x75: {  	_ =	shalt  }
0x76: {  	_ =	shalt  }
0x77: {  	_ =	shalt  }
0x78: {  	_ =	shalt  }
0x79: {  	_ =	shalt  }
0x7a: {  	_ =	shalt  }
0x7b: {  	_ =	shalt  }
0x7c: {  	_ =	shalt  }
0x7d: {  	_ =	shalt  }
0x7e: {  	_ =	shalt  }
0x7f: {  	_ =	shalt  }
0x80: {  	_ =	shalt  }
0x81: {  	_ =	shalt  }
0x82: {  	_ =	shalt  }
0x83: {  	_ =	shalt  }
0x84: {  	_ =	shalt  }
0x85: {  	_ =	shalt  }
0x86: {  	_ =	shalt  }
0x87: {  	_ =	shalt  }
.Lfunc_end0:
.L_simem_size_0:
called_computation.1_lowered:
.L_overlay_start_0:
0x88: {  	s2 =	sld [smem:$0x3FD9]  }
0x89: {  	s3 =	sld [smem:$0x3FFE];
	_ =	sdelay $0x1  }
0x8a: {  	s1 =	srdreg.scid  }
0x8b: {  	s0 =	sand.u32 $0x1, s1  }
0x8c: {  	s14 =	sshll.u32 s0, $0xA;
	s2 =	sadd.s32 s3, s2  }
0x8d: {  	s2 =	sadd.s32 s2, s14  }
0x8e: {  	[smem:$0x3FC0] =	sst s2  }
0x8f: {  	_ = 	snop  }
0x90: {  	s2 =	sld [smem:$0x3FD0];
	_ =	sdelay $0x2  }
0x91: {  	s15 =	simm.s32 $0xA;
	s4 =	simm.s32 $0x10  }
0x92: {  	[smem:s4], [sflag:s15] =	dma.local [hbm:s2], $0x1  }
0x93: {  	_ =	swait.eq [sflag:s15], $0x1  }
0x94: {  	[sflag:s15] =	ssyncset.done $0x0  }
0x95: {  	s16 =	sld [smem:$0x11];
	[sflag:s15] =	ssyncadd.s32 $0xFFFFFFFF  }
0x96: {  	s17 =	sld [smem:$0x12];
	(tm) =	ssettm $0x1  }
0x97: {  	s18 =	sld [smem:$0x3FFB];
	_ =	sdelay $0x3  }
0x98: {  	_ =	strace s18  }
0x99: {  	s4 =	sld [smem:$0x3FFC];
	_ =	sdelay $0x3  }
0x9a: {  	_ =	strace s4  }
0x9b: {  	s4 =	sld [smem:$0x3FFD];
	_ =	sdelay $0x3  }
0x9c: {  	_ =	strace s4  }
0x9d: {  	_ =	strace $0x8FFFFFFF  }
0x9e: {  	s19 =	sld [smem:$0x3FDB];
	_ =	sdelay $0x1  }
0x9f: {  	s5 =	simm.s32 $_scs_section_size  }
0xa0: {  	s6 =	simm.s32 $_size__tile_overlayer_lowered;
	s7 =	simm.s32 $_tile_overlayer_lowered  }
0xa1: {  	s22 =	simm.s32 $0x1BFF;
	s21 =	sshll.u32 s7, $0x1;
	s4 =	sadd.s32 s5, s19  }
0xa2: {  	s8 =	simm.s32 $0x0;
	s20 =	sshll.u32 s6, $0x1;
	s6 =	sadd.s32 s21, s4  }
0xa3: {  	[timem:s8], [sflag:s22] =	dma.local [hbm:s6], s20  }
0xa4: {  	_ =	swait.ge [sflag:s22], s20  }
0xa5: {  	s5 =	ssub.s32 $0x0, s20;
	[sflag:s22] =	ssyncset.done $0x0  }
0xa6: {  	[sflag:s22] =	ssyncadd.s32 s5;
	_ =	sdelay $0x1  }
0xa7: {  	s23 =	simm.s32 $0x1B8B  }
0xa8: {  	_ =	swait.ge [sflag:s23], $0x1  }
0xa9: {  	[sflag:s23] =	ssyncset.done $0x0  }
0xaa: {  	s25 =	simm.s32 $0x1B8E;
	s24 =	sld [smem:$0x3FFE];
	[sflag:s23] =	ssyncadd.s32 $0xFFFFFFFF  }
0xab: {  	s26 =	simm.s32 $execute0_lowered;
	[smem:$0x3FD2] =	sst s25  }
0xac: {  	s6 =	sshll.u32 s26, $0x1;
	_ =	strace $0x80000049;
	[dreg:$0x1] =	wrdreg $0xFFFFFFFF  }
0xad: {  	s28 =	simm.s32 $_size_execute0_lowered;
	s4 =	sadd.s32 s4, s6;
	[dreg:$0x0] =	wrdreg $0x0  }
0xae: {  	s6 =	sshll.u32 s28, $0x1;
	[dreg:$0x2] =	wrdreg s4  }
0xaf: {  	[dreg:$0x3] =	wrdreg s6  }
0xb0: {  	[dreg:$0x4] =	wrdreg $0xC0  }
0xb1: {  	_ =	task [dreg:s8], $0x5FFFF  }
0xb2: {  	[dreg:$0x1] =	wrdreg $0xFFFFFFFF  }
0xb3: {  	[dreg:$0x0] =	wrdreg $0x60  }
0xb4: {  	[dreg:$0x2] =	wrdreg s24  }
0xb5: {  	[dreg:$0x3] =	wrdreg s17  }
0xb6: {  	[dreg:$0x4] =	wrdreg s16  }
0xb7: {  	[dreg:$0x5] =	wrdreg $0x60000  }
0xb8: {  	[dreg:$0x6] =	wrdreg $0x9  }
0xb9: {  	_ =	task.clear_ibuf [dreg:s8], $0x7FFFF;
	_ =	strace $0x90000049  }
0xba: {  	s29 =	simm.s32 $0x9;
	_ =	strace $0x8000004B  }
0xbb: {  	_ =	swait.ge [sflag:s29], $0x1  }
0xbc: {  	[sflag:s29] =	ssyncadd.s32 $0xFFFFFFFF  }
0xbd: {  	_ =	strace $0x9000004B  }
0xbe: {  	_ =	sfence  }
0xbf: {  	s30 =	sld [smem:$0x0];
	_ =	sdelay $0x2  }
0xc0: {  	s31 =	sshll.u32 s1, $0xD;
	s1 =	sshrl.u32 s1, $0x2  }
0xc1: {  	s3 =	sand.u32 $0x4000, s31;
	s1 =	sadd.s32 s1, s30  }
0xc2: {  	s0 =	sor.u32 s3, s0;
	s1 =	sshll.u32 s1, $0x11  }
0xc3: {  	s0 =	sor.u32 s1, s0  }
0xc4: {  	s0 =	sadd.s32 $0x8F2B, s0  }
0xc5: {  	[sflag:s0] =	ssyncadd.remote.s32 $0x1  }
0xc6: {  	_ =	sfence.sel $0xFFFF  }
0xc7: {  	[dreg:$0x0] =	wrdreg $0xFFFFFFFF;
	(pc) =	sbr.abs _section_cstart, $3  }
0xc8: {  	[dreg:$0x1] =	wrdreg $0xFFFFFFFF  }
0xc9: {  	_ =	task.clear_ibuf [dreg:s8], $0x2FFFF;
	_ =	strace $0x9FFFFFFF  }
0xca: {  	(tm) =	ssettm $0x7FFFFFFF  }
0xcb: {  	_ =	shalt  }
tec
execute0_lowered:
.L_overlay_start_1:
0x0: {  	(tag) =	ssettag $0x1  }
0x1: {  	s5 =	srdreg.scid  }
0x2: {  	s5 =	sand.u32 $0x1, s5  }
0x3: {  	s0 =	rddreg [dreg:$0x0];
	p0 =	seq.s32 s5, $0x1  }
.Ltmp0:
0x4: {  	s4 =	rddreg [dreg:$0x1];
	(pc) =	sbr.rel @p0 .LBB2_5-.Ltmp0, $4  }
0x5: {  	s1 =	rddreg [dreg:$0x2]  }
0x6: {  	s2 =	rddreg [dreg:$0x3];
	s3 =	simm.s32 $0x0  }
0x7: {  	[smem:$0x7FF] =	sst s3  }
0x8: {  	s6 =	rddreg [dreg:$0x4];
	s8 =	stileid.u32;
	_ =	strace $0x8000004A  }
0x9: {  	s5 =	smul.u32 $0x50000, s8  }
0xa: {  	s6 =	sshll.u32 s8, $0x6;
	s7 =	sadd.s32 $0x2C00, s0;
	s22 =	sshll.u32 s8, $0xC  }
0xb: {  	s9 =	simm.s32 $0x400;
	s10 =	sadd.s32 $0x5400, s0;
	s5 =	sshrl.u32 s5, $0x2  }
0xc: {  	s23 =	stileid.u32;
	s6 =	sor.u32 $0x1C05, s6;
	s5 =	sadd.s32 s5, s2  }
0xd: {  	s12 =	simm.s32 $0x800;
	[dreg:$0x5] =	wrdreg s6;
	s5 =	sshrl.u32 s5, $0x3  }
0xe: {  	s13 =	simm.s32 $0xC00;
	s14 =	simm.s32 $0x50;
	[dreg:$0x6] =	wrdreg s5  }
0xf: {  	[spmem:s5], [sflag:s6] =	dma.local [hbm:s7], $0x2800  }
0x10: {  	s15 =	simm.s32 $0x1000;
	s16 =	simm.s32 $0xFFFFF100;
	s6 =	simm.s32 $0x5  }
0x11: {  	s17 =	simm.s32 $0x1;
	s19 =	simm.s32 $0x3800;
	_ =	swait.ge [sflag:s6], $0x2800  }
0x12: {  	s20 =	simm.s32 $0x2;
	s21 =	simm.s32 $0xC80;
	[sflag:s6] =	ssyncset.done $0x0  }
0x13: {  	s28 =	simm.s32 $0xE00;
	s7 =	sadd.s32 s4, s22;
	[sflag:s6] =	ssyncadd.s32 $0xFFFFD800  }
0x14: {  	[tilespmem:s3], [sflag:$0x5] =	stream.linear.gather [hbm4b:s7+s3], $0x400, $0x38;
	[tilespmem:$0x1A000] =	vst v63  }
0x15: {  	s29 =	simm.s32 $0xB00;
	s30 =	simm.s32 $0xE80;
	_ =	swait.ge [sflag:s6], $0x400  }
0x16: {  	s31 =	simm.s32 $0xB80;
	s11 =	simm.s32 $0xF80;
	[sflag:s6] =	ssyncset.done $0x0  }
0x17: {  	s8 =	sadd.s32 s1, s22;
	s5 =	sor.u32 $0x80, s22;
	[sflag:s6] =	ssyncadd.s32 $0xFFFFFC00  }
0x18: {  	[tilespmem:s9], [sflag:$0x5] =	stream.linear.gather [hbm4b:s8+s3], $0x400, $0x38;
	[tilespmem:$0x1A000] =	vst v63  }
0x19: {  	s22 =	simm.s32 $0x980;
	s9 =	smul.u32 $0x2800, s23;
	_ =	swait.ge [sflag:s6], $0x400  }
0x1a: {  	s24 =	sadd.s32 s4, s5;
	s26 =	sadd.s32 s1, s5;
	[sflag:s6] =	ssyncset.done $0x0  }
0x1b: {  	s4 =	simm.s32 $0x3;
	s25 =	sadd.s32 s9, s0;
	[sflag:s6] =	ssyncadd.s32 $0xFFFFFC00  }
0x1c: {  	[tilespmem:s12], [sflag:$0x3] =	stream.linear.gather [hbm4b:s24+s3], $0x400, $0x38;
	[tilespmem:$0x1A000] =	vst v63  }
0x1d: {  	s5 =	simm.s32 $0x4;
	s23 =	simm.s32 $0xD00;
	s0 =	sadd.s32 $0x2D400, s25  }
0x1e: {  	[tilespmem:s13], [sflag:$0x4] =	stream.linear.gather [hbm4b:s26+s3], $0x400, $0x38;
	[tilespmem:$0x1A000] =	vst v63  }
0x1f: {  	s25 =	simm.s32 $0xD80;
	s24 =	simm.s32 $0xA00;
	[bflag:$0x0] =	sbarrier.arrive $0xFFFF  }
0x20: {  	[tilespmem:s15], [sflag:$0x1] =	stream.indirect.gather [hbm4b:s10+s14], $0x80, s3, s14, $0xb8;
	[tilespmem:$0x1A000] =	vst v63  }
0x21: {  	s26 =	simm.s32 $0xA80;
	[dreg:$0x7] =	wrdreg s0;
	s0 =	simm.s32 $0xF00  }
.LBB2_2:
0x22: {  	_ =	swait.ge [sflag:s17], $0x2800  }
0x23: {  	[sflag:s17] =	ssyncset.done $0x0  }
0x24: {  	s1 =	simm.s32 $0x80;
	[sflag:s17] =	ssyncadd.s32 $0xFFFFD800  }
0x25: {  	[tilespmem:s19], [sflag:$0x2] =	stream.indirect.gather [hbm4b:s10+s14], $0x80, s1, s14, $0xb8;
	[tilespmem:$0x1A000] =	vst v63  }
0x26: {  	s9 =	simm.s32 $0x400  }
0x27: {  	[spmem:s2] =	stream.indirect.scatter.add.f32 [tilespmem:s15], [sflag:$0x5], $0x80, s9, s14, $0xb8;
	[tilespmem:$0x1A000] =	vst v63  }
0x28: {  	_ =	swait.ge [sflag:s6], $0x2800  }
0x29: {  	[sflag:s6] =	ssyncset.done $0x0  }
0x2a: {  	[sflag:s6] =	ssyncadd.s32 $0xFFFFD800  }
0x2b: {  	_ =	swait.ge [sflag:s20], $0x2800  }
0x2c: {  	[sflag:s20] =	ssyncset.done $0x0  }
0x2d: {  	s18 =	simm.s32 $0x100;
	[sflag:s20] =	ssyncadd.s32 $0xFFFFD800  }
0x2e: {  	[tilespmem:s15], [sflag:$0x1] =	stream.indirect.gather [hbm4b:s10+s14], $0x80, s18, s14, $0xb8;
	[tilespmem:$0x1A000] =	vst v63  }
0x2f: {  	s9 =	simm.s32 $0x480  }
0x30: {  	[spmem:s2] =	stream.indirect.scatter.add.f32 [tilespmem:s19], [sflag:$0x5], $0x80, s9, s14, $0xb8;
	[tilespmem:$0x1A000] =	vst v63  }
0x31: {  	_ =	swait.ge [sflag:s6], $0x2800  }
0x32: {  	[sflag:s6] =	ssyncset.done $0x0  }
0x33: {  	[sflag:s6] =	ssyncadd.s32 $0xFFFFD800  }
0x34: {  	_ =	swait.ge [sflag:s17], $0x2800  }
0x35: {  	[sflag:s17] =	ssyncset.done $0x0  }
0x36: {  	s18 =	simm.s32 $0x180;
	[sflag:s17] =	ssyncadd.s32 $0xFFFFD800  }
0x37: {  	[tilespmem:s19], [sflag:$0x2] =	stream.indirect.gather [hbm4b:s10+s14], $0x80, s18, s14, $0xb8;
	[tilespmem:$0x1A000] =	vst v63  }
0x38: {  	s9 =	simm.s32 $0x500  }
0x39: {  	[spmem:s2] =	stream.indirect.scatter.add.f32 [tilespmem:s15], [sflag:$0x5], $0x80, s9, s14, $0xb8;
	[tilespmem:$0x1A000] =	vst v63  }
0x3a: {  	_ =	swait.ge [sflag:s6], $0x2800  }
0x3b: {  	[sflag:s6] =	ssyncset.done $0x0  }
0x3c: {  	[sflag:s6] =	ssyncadd.s32 $0xFFFFD800  }
0x3d: {  	_ =	swait.ge [sflag:s20], $0x2800  }
0x3e: {  	[sflag:s20] =	ssyncset.done $0x0  }
0x3f: {  	s18 =	simm.s32 $0x200;
	[sflag:s20] =	ssyncadd.s32 $0xFFFFD800  }
0x40: {  	[tilespmem:s15], [sflag:$0x1] =	stream.indirect.gather [hbm4b:s10+s14], $0x80, s18, s14, $0xb8;
	[tilespmem:$0x1A000] =	vst v63  }
0x41: {  	s9 =	simm.s32 $0x580  }
0x42: {  	[spmem:s2] =	stream.indirect.scatter.add.f32 [tilespmem:s19], [sflag:$0x5], $0x80, s9, s14, $0xb8;
	[tilespmem:$0x1A000] =	vst v63  }
0x43: {  	_ =	swait.ge [sflag:s6], $0x2800  }
0x44: {  	[sflag:s6] =	ssyncset.done $0x0  }
0x45: {  	[sflag:s6] =	ssyncadd.s32 $0xFFFFD800  }
0x46: {  	_ =	swait.ge [sflag:s17], $0x2800  }
0x47: {  	[sflag:s17] =	ssyncset.done $0x0  }
0x48: {  	s18 =	simm.s32 $0x280;
	[sflag:s17] =	ssyncadd.s32 $0xFFFFD800  }
0x49: {  	[tilespmem:s19], [sflag:$0x2] =	stream.indirect.gather [hbm4b:s10+s14], $0x80, s18, s14, $0xb8;
	[tilespmem:$0x1A000] =	vst v63  }
0x4a: {  	s9 =	simm.s32 $0x600  }
0x4b: {  	[spmem:s2] =	stream.indirect.scatter.add.f32 [tilespmem:s15], [sflag:$0x5], $0x80, s9, s14, $0xb8;
	[tilespmem:$0x1A000] =	vst v63  }
0x4c: {  	_ =	swait.ge [sflag:s6], $0x2800  }
0x4d: {  	[sflag:s6] =	ssyncset.done $0x0  }
0x4e: {  	[sflag:s6] =	ssyncadd.s32 $0xFFFFD800  }
0x4f: {  	_ =	swait.ge [sflag:s20], $0x2800  }
0x50: {  	[sflag:s20] =	ssyncset.done $0x0  }
0x51: {  	s18 =	simm.s32 $0x300;
	[sflag:s20] =	ssyncadd.s32 $0xFFFFD800  }
0x52: {  	[tilespmem:s15], [sflag:$0x1] =	stream.indirect.gather [hbm4b:s10+s14], $0x80, s18, s14, $0xb8;
	[tilespmem:$0x1A000] =	vst v63  }
0x53: {  	s9 =	simm.s32 $0x680  }
0x54: {  	[spmem:s2] =	stream.indirect.scatter.add.f32 [tilespmem:s19], [sflag:$0x5], $0x80, s9, s14, $0xb8;
	[tilespmem:$0x1A000] =	vst v63  }
0x55: {  	_ =	swait.ge [sflag:s6], $0x2800  }
0x56: {  	[sflag:s6] =	ssyncset.done $0x0  }
0x57: {  	[sflag:s6] =	ssyncadd.s32 $0xFFFFD800  }
0x58: {  	_ =	swait.ge [sflag:s17], $0x2800  }
0x59: {  	[sflag:s17] =	ssyncset.done $0x0  }
0x5a: {  	s18 =	simm.s32 $0x380;
	[sflag:s17] =	ssyncadd.s32 $0xFFFFD800  }
0x5b: {  	[tilespmem:s19], [sflag:$0x2] =	stream.indirect.gather [hbm4b:s10+s14], $0x80, s18, s14, $0xb8;
	[tilespmem:$0x1A000] =	vst v63  }
0x5c: {  	s9 =	simm.s32 $0x700  }
0x5d: {  	[spmem:s2] =	stream.indirect.scatter.add.f32 [tilespmem:s15], [sflag:$0x5], $0x80, s9, s14, $0xb8;
	[tilespmem:$0x1A000] =	vst v63  }
0x5e: {  	_ =	swait.ge [sflag:s6], $0x2800  }
0x5f: {  	[sflag:s6] =	ssyncset.done $0x0  }
0x60: {  	[sflag:s6] =	ssyncadd.s32 $0xFFFFD800  }
0x61: {  	_ =	swait.ge [sflag:s20], $0x2800  }
0x62: {  	[sflag:s20] =	ssyncset.done $0x0  }
0x63: {  	[sflag:s20] =	ssyncadd.s32 $0xFFFFD800  }
0x64: {  	_ =	swait.ge [sflag:s4], $0x400  }
0x65: {  	[sflag:s4] =	ssyncset.done $0x0  }
0x66: {  	[sflag:s4] =	ssyncadd.s32 $0xFFFFFC00  }
0x67: {  	_ =	swait.ge [sflag:s5], $0x400  }
0x68: {  	[sflag:s5] =	ssyncset.done $0x0  }
0x69: {  	[sflag:s5] =	ssyncadd.s32 $0xFFFFFC00  }
0x6a: {  	[tilespmem:s15], [sflag:$0x1] =	stream.indirect.gather [hbm4b:s10+s14], $0x80, s12, s14, $0xb8;
	[tilespmem:$0x1A000] =	vst v63  }
0x6b: {  	s18 =	simm.s32 $0x780  }
0x6c: {  	[spmem:s2] =	stream.indirect.scatter.add.f32 [tilespmem:s19], [sflag:$0x5], $0x80, s18, s14, $0xb8;
	[tilespmem:$0x1A000] =	vst v63  }
0x6d: {  	p0 =	seq.s32 s16, $0x0;
	_ =	swait.ge [sflag:s6], $0x2800  }
0x6e: {  	s1 =	sadd.s32 @!p0 s16, s7;
	[sflag:s6] =	ssyncset.done $0x0  }
0x6f: {  	s1 =	sadd.s32 @!p0 $0x1000, s1;
	s9 =	simm.s32 @!p0 $0x0;
	[sflag:s6] =	ssyncadd.s32 $0xFFFFD800  }
0x70: {  	[tilespmem:s9], [sflag:$0x3] =	stream.linear.gather @!p0 [hbm4b:s1+s9], $0x400, $0x38;
	[tilespmem:$0x1A000] =	vst v63  }
0x71: {  	s1 =	sadd.s32 @!p0 s16, s8  }
0x72: {  	s18 =	simm.s32 @!p0 $0x400;
	s1 =	sadd.s32 @!p0 $0x1000, s1  }
0x73: {  	[tilespmem:s18], [sflag:$0x4] =	stream.linear.gather @!p0 [hbm4b:s1+s9], $0x400, $0x38;
	[tilespmem:$0x1A000] =	vst v63  }
0x74: {  	_ =	swait.ge [sflag:s17], $0x2800  }
0x75: {  	[sflag:s17] =	ssyncset.done $0x0  }
0x76: {  	s9 =	simm.s32 $0x880;
	[sflag:s17] =	ssyncadd.s32 $0xFFFFD800  }
0x77: {  	[tilespmem:s19], [sflag:$0x2] =	stream.indirect.gather [hbm4b:s10+s14], $0x80, s9, s14, $0xb8;
	[tilespmem:$0x1A000] =	vst v63  }
0x78: {  	_ = 	snop  }
0x79: {  	[spmem:s2] =	stream.indirect.scatter.add.f32 [tilespmem:s15], [sflag:$0x5], $0x80, s13, s14, $0xb8;
	[tilespmem:$0x1A000] =	vst v63  }
0x7a: {  	_ =	swait.ge [sflag:s6], $0x2800  }
0x7b: {  	[sflag:s6] =	ssyncset.done $0x0  }
0x7c: {  	[sflag:s6] =	ssyncadd.s32 $0xFFFFD800  }
0x7d: {  	_ =	swait.ge [sflag:s20], $0x2800  }
0x7e: {  	[sflag:s20] =	ssyncset.done $0x0  }
0x7f: {  	s18 =	simm.s32 $0x900;
	[sflag:s20] =	ssyncadd.s32 $0xFFFFD800  }
0x80: {  	[tilespmem:s15], [sflag:$0x1] =	stream.indirect.gather [hbm4b:s10+s14], $0x80, s18, s14, $0xb8;
	[tilespmem:$0x1A000] =	vst v63  }
0x81: {  	_ = 	snop  }
0x82: {  	[spmem:s2] =	stream.indirect.scatter.add.f32 [tilespmem:s19], [sflag:$0x5], $0x80, s21, s14, $0xb8;
	[tilespmem:$0x1A000] =	vst v63  }
0x83: {  	_ =	swait.ge [sflag:s6], $0x2800  }
0x84: {  	[sflag:s6] =	ssyncset.done $0x0  }
0x85: {  	[sflag:s6] =	ssyncadd.s32 $0xFFFFD800  }
0x86: {  	_ =	swait.ge [sflag:s17], $0x2800  }
0x87: {  	[sflag:s17] =	ssyncset.done $0x0  }
0x88: {  	[sflag:s17] =	ssyncadd.s32 $0xFFFFD800  }
0x89: {  	[tilespmem:s19], [sflag:$0x2] =	stream.indirect.gather [hbm4b:s10+s14], $0x80, s22, s14, $0xb8;
	[tilespmem:$0x1A000] =	vst v63  }
0x8a: {  	_ = 	snop  }
0x8b: {  	[spmem:s2] =	stream.indirect.scatter.add.f32 [tilespmem:s15], [sflag:$0x5], $0x80, s23, s14, $0xb8;
	[tilespmem:$0x1A000] =	vst v63  }
0x8c: {  	_ =	swait.ge [sflag:s6], $0x2800  }
0x8d: {  	[sflag:s6] =	ssyncset.done $0x0  }
0x8e: {  	[sflag:s6] =	ssyncadd.s32 $0xFFFFD800  }
0x8f: {  	_ =	swait.ge [sflag:s20], $0x2800  }
0x90: {  	[sflag:s20] =	ssyncset.done $0x0  }
0x91: {  	[sflag:s20] =	ssyncadd.s32 $0xFFFFD800  }
0x92: {  	[tilespmem:s15], [sflag:$0x1] =	stream.indirect.gather [hbm4b:s10+s14], $0x80, s24, s14, $0xb8;
	[tilespmem:$0x1A000] =	vst v63  }
0x93: {  	_ = 	snop  }
0x94: {  	[spmem:s2] =	stream.indirect.scatter.add.f32 [tilespmem:s19], [sflag:$0x5], $0x80, s25, s14, $0xb8;
	[tilespmem:$0x1A000] =	vst v63  }
0x95: {  	_ =	swait.ge [sflag:s6], $0x2800  }
0x96: {  	[sflag:s6] =	ssyncset.done $0x0  }
0x97: {  	[sflag:s6] =	ssyncadd.s32 $0xFFFFD800  }
0x98: {  	_ =	swait.ge [sflag:s17], $0x2800  }
0x99: {  	[sflag:s17] =	ssyncset.done $0x0  }
0x9a: {  	[sflag:s17] =	ssyncadd.s32 $0xFFFFD800  }
0x9b: {  	[tilespmem:s19], [sflag:$0x2] =	stream.indirect.gather [hbm4b:s10+s14], $0x80, s26, s14, $0xb8;
	[tilespmem:$0x1A000] =	vst v63  }
0x9c: {  	_ = 	snop  }
0x9d: {  	[spmem:s2] =	stream.indirect.scatter.add.f32 [tilespmem:s15], [sflag:$0x5], $0x80, s28, s14, $0xb8;
	[tilespmem:$0x1A000] =	vst v63  }
0x9e: {  	_ =	swait.ge [sflag:s6], $0x2800  }
0x9f: {  	[sflag:s6] =	ssyncset.done $0x0  }
0xa0: {  	[sflag:s6] =	ssyncadd.s32 $0xFFFFD800  }
0xa1: {  	_ =	swait.ge [sflag:s20], $0x2800  }
0xa2: {  	[sflag:s20] =	ssyncset.done $0x0  }
0xa3: {  	[sflag:s20] =	ssyncadd.s32 $0xFFFFD800  }
0xa4: {  	[tilespmem:s15], [sflag:$0x1] =	stream.indirect.gather [hbm4b:s10+s14], $0x80, s29, s14, $0xb8;
	[tilespmem:$0x1A000] =	vst v63  }
0xa5: {  	_ = 	snop  }
0xa6: {  	[spmem:s2] =	stream.indirect.scatter.add.f32 [tilespmem:s19], [sflag:$0x5], $0x80, s30, s14, $0xb8;
	[tilespmem:$0x1A000] =	vst v63  }
0xa7: {  	_ =	swait.ge [sflag:s6], $0x2800  }
0xa8: {  	[sflag:s6] =	ssyncset.done $0x0  }
0xa9: {  	[sflag:s6] =	ssyncadd.s32 $0xFFFFD800  }
0xaa: {  	_ =	swait.ge [sflag:s17], $0x2800  }
0xab: {  	[sflag:s17] =	ssyncset.done $0x0  }
0xac: {  	[sflag:s17] =	ssyncadd.s32 $0xFFFFD800  }
0xad: {  	[tilespmem:s19], [sflag:$0x2] =	stream.indirect.gather [hbm4b:s10+s14], $0x80, s31, s14, $0xb8;
	[tilespmem:$0x1A000] =	vst v63  }
0xae: {  	_ = 	snop  }
0xaf: {  	[spmem:s2] =	stream.indirect.scatter.add.f32 [tilespmem:s15], [sflag:$0x5], $0x80, s0, s14, $0xb8;
	[tilespmem:$0x1A000] =	vst v63  }
0xb0: {  	_ =	swait.ge [sflag:s6], $0x2800  }
.Ltmp1:
0xb1: {  	[sflag:s6] =	ssyncset.done $0x0;
	(pc) =	sbr.rel @p0 .LBB2_4-.Ltmp1, $4  }
0xb2: {  	[sflag:s6] =	ssyncadd.s32 $0xFFFFD800  }
0xb3: {  	_ =	swait.ge [sflag:s20], $0x2800  }
0xb4: {  	[sflag:s20] =	ssyncset.done $0x0  }
0xb5: {  	[sflag:s20] =	ssyncadd.s32 $0xFFFFD800  }
0xb6: {  	_ =	swait.ge [sflag:s4], $0x400  }
0xb7: {  	[sflag:s4] =	ssyncset.done $0x0  }
0xb8: {  	[sflag:s4] =	ssyncadd.s32 $0xFFFFFC00  }
0xb9: {  	_ =	swait.ge [sflag:s5], $0x400  }
0xba: {  	[sflag:s5] =	ssyncset.done $0x0  }
0xbb: {  	[sflag:s5] =	ssyncadd.s32 $0xFFFFFC00  }
0xbc: {  	[tilespmem:s15], [sflag:$0x1] =	stream.indirect.gather [hbm4b:s10+s14], $0x80, s3, s14, $0xb8;
	[tilespmem:$0x1A000] =	vst v63  }
0xbd: {  	_ = 	snop  }
0xbe: {  	[spmem:s2] =	stream.indirect.scatter.add.f32 [tilespmem:s19], [sflag:$0x5], $0x80, s11, s14, $0xb8;
	[tilespmem:$0x1A000] =	vst v63  }
0xbf: {  	_ =	swait.ge [sflag:s6], $0x2800  }
.Ltmp2:
0xc0: {  	s1 =	sadd.s32 s16, s7;
	[sflag:s6] =	ssyncset.done $0x0;
	(pc) =	sbr.rel .LBB2_2-.Ltmp2, $4  }
0xc1: {  	s18 =	sadd.s32 s16, s8;
	s1 =	sadd.s32 $0x1080, s1;
	[sflag:s6] =	ssyncadd.s32 $0xFFFFD800  }
0xc2: {  	[tilespmem:s12], [sflag:$0x3] =	stream.linear.gather [hbm4b:s1+s3], $0x400, $0x38;
	[tilespmem:$0x1A000] =	vst v63  }
0xc3: {  	s16 =	sadd.s32 $0x100, s16;
	s1 =	sadd.s32 $0x1080, s18  }
0xc4: {  	[tilespmem:s13], [sflag:$0x4] =	stream.linear.gather [hbm4b:s1+s3], $0x400, $0x38;
	[tilespmem:$0x1A000] =	vst v63  }
.LBB2_4:
0xc5: {  	s0 =	simm.s32 $0x50  }
0xc6: {  	s1 =	simm.s32 $0xF80;
	s3 =	simm.s32 $0x3800;
	s28 =	simm.s32 $0x5  }
0xc7: {  	[spmem:s2] =	stream.indirect.scatter.add.f32 [tilespmem:s3], [sflag:$0x5], $0x80, s1, s0, $0xb8;
	[tilespmem:$0x1A000] =	vst v63  }
0xc8: {  	_ =	swait.ge [sflag:s28], $0x2800  }
0xc9: {  	[sflag:s28] =	ssyncset.done $0x0  }
0xca: {  	[sflag:s28] =	ssyncadd.s32 $0xFFFFD800  }
0xcb: {  	[bflag:$0x0] =	sbarrier.arrive $0xFFFF  }
0xcc: {  	s29 =	rddreg [dreg:$0x5]  }
0xcd: {  	s30 =	rddreg [dreg:$0x6]  }
0xce: {  	s31 =	rddreg [dreg:$0x7]  }
0xcf: {  	[hbm:s31], [sflag:s29] =	dma.local [spmem:s30], $0x2800  }
0xd0: {  	_ =	swait.ge [sflag:s28], $0x2800  }
0xd1: {  	[sflag:s28] =	ssyncset.done $0x0  }
0xd2: {  	[sflag:s28] =	ssyncadd.s32 $0xFFFFD800  }
0xd3: {  	s8 =	stileid.u32;
	s6 =	rddreg [dreg:$0x4]  }
.LBB2_5:
0xd4: {  	_ =	sfence.sel $0x180000  }
0xd5: {  	[bflag:$0x0] =	sbarrier.arrive $0xFFFF  }
0xd6: {  	p0 =	sne.s32 s8, $0x0;
	_ =	strace $0x9000004A  }
0xd7: {  	s0 =	sadd.s32 @!p0 $0x100000, s6;
	[bflag:$0x2] =	sbarrier.arrive $0xFFFF  }
0xd8: {  	[sflag:s0] =	ssyncadd.tile.s32 @!p0 $0x1;
	_ =	shalt  }
.Lfunc_end2:
_tile_overlayer_lowered:
.L_overlay_start_2:
0xd9: {  	(tag) =	ssettag $0x2  }
0xda: {  	s0 =	rddreg [dreg:$0x0];
	s2 =	stileid.u32  }
0xdb: {  	s1 =	rddreg [dreg:$0x1];
	p0 =	sne.s32 s2, $0x0  }
0xdc: {  	s3 =	rddreg [dreg:$0x2];
	[bflag:$0x3] =	sbarrier.arrive $0xFFFF;
	s2 =	simm.s32 @!p0 $0x1C05  }
0xdd: {  	[timem:s3], [sflag:s2] =	dma.local @!p0 [hbm:s0], s1  }
0xde: {  	s0 =	simm.s32 @!p0 $0x5  }
0xdf: {  	_ =	swait.ge @!p0 [sflag:s0], s1  }
0xe0: {  	s1 =	ssub.s32 @!p0 $0x0, s1;
	[sflag:s0] =	ssyncset.done @!p0 $0x0  }
0xe1: {  	[sflag:s0] =	ssyncadd.s32 @!p0 s1  }
0xe2: {  	[bflag:$0x3] =	sbarrier.arrive $0xFFFF  }
0xe3: {  	_ =	shalt  }

// kernel: kernel.15.cloned.1.call-start
scs
__scs_entry_jumppad:
0x0: {  	(pc) =	sbr.rel $0x88, $3  }
0x1: {  	(tag) =	ssettag $0x0;
	lr =	simm.s32 $0x1  }
0x2: {  	[smem:$0x3F99] =	sst lr;
	_ =	strace $0xD0000000  }
0x3: {  	_ = 	snop  }
0x4: {  	_ = 	snop  }
0x5: {  	_ = 	snop  }
0x6: {  	_ = 	snop  }
0x7: {  	_ = 	snop  }
__scs_overlays_trampoline_lowered:
0x8: {  	[smem:$0x3FA8] =	sst s0  }
0x9: {  	[smem:$0x3FA9] =	sst s1  }
0xa: {  	[smem:$0x3FAA] =	sst s2  }
0xb: {  	[smem:$0x3FAB] =	sst s3  }
0xc: {  	[smem:$0x3FAC] =	sst s4  }
0xd: {  	[smem:$0x3FAD] =	sst s5  }
0xe: {  	[smem:$0x3FAE] =	sst s6  }
0xf: {  	[smem:$0x3FAF] =	sst s7  }
0x10: {  	[smem:$0x3FB0] =	sst s8  }
0x11: {  	[smem:$0x3FB1] =	sst s9;
	s0 =	simm.s32 @!p0 $0x0  }
0x12: {  	s1 =	sld [smem:$0x3F97];
	s0 =	simm.s32 @p0 $0x1  }
0x13: {  	[smem:$0x3FB2] =	sst s0;
	s0 =	simm.s32 @!p1 $0x0  }
0x14: {  	s2 =	sld [smem:$0x3F96];
	s0 =	simm.s32 @p1 $0x1  }
0x15: {  	[smem:$0x3FB3] =	sst s0;
	s0 =	simm.s32 @!p2 $0x0  }
0x16: {  	s3 =	sld [smem:$0x3FDB];
	s0 =	simm.s32 @p2 $0x1  }
0x17: {  	s4 =	simm.s32 $0x1BF5;
	[smem:$0x3FB5] =	sst s0  }
0x18: {  	s0 =	sld [smem:$0x3F98];
	_ =	swait.ge [sflag:s4], $0x0  }
0x19: {  	s7 =	sld [smem:$0x3F99]  }
0x1a: {  	s8 =	sadd.s32 $0xFFFFE003, lr  }
0x1b: {  	s9 =	sadd.s32 $0xFFFFFEF7, lr;
	s5 =	simm.s32 $0xFFFFFFFF;
	p2 =	slt.u32 s8, $0xFFFFF086  }
0x1c: {  	p1 =	slt.u32 s9, $0xF7A;
	s5 =	simm.s32 @!p2 $0x0  }
0x1d: {  	s5 =	simm.s32 @p1 $0x1;
	p0 =	seq.s32 s7, s2  }
0x1e: {  	s7 =	smul.u32 @!p0 $0xF7A, s2;
	p2 =	seq.s32 @!p0 s5, $0x0  }
0x1f: {  	s9 =	smul.u32 $0xF7A, s1;
	s8 =	simm.s32 @!p0 $0x1BF5;
	p2 =	por !p2, p0  }
0x20: {  	[sflag:s8] =	ssyncset.s32 @!p0 $0xFFFFF086;
	s6 =	sadd.s32 @!p0 s3, s7;
	s7 =	simm.s32 @!p0 $0x108  }
0x21: {  	s3 =	sadd.s32 s3, s9;
	s6 =	sadd.s32 @!p0 $0x88, s6;
	s7 =	simm.s32 @p2 $0x1082  }
0x22: {  	[simem:s7], [sflag:s8] =	dma.local @!p0 [hbm:s6], $0xF7A  }
0x23: {  	s9 =	sor.u32 $0xD0000000, s2;
	s6 =	simm.s32 $0x108;
	_ =	swait.ge @!p0 [sflag:s8], $0x0  }
0x24: {  	s3 =	sadd.s32 $0x88, s3;
	s6 =	simm.s32 @!p1 $0x1082;
	[sflag:s4] =	ssyncset.s32 $0xFFFFF086  }
0x25: {  	[simem:s6], [sflag:s4] =	dma.local [hbm:s3], $0xF7A  }
0x26: {  	[smem:$0x3F99] =	sst s1;
	(tag) =	ssettag s2;
	_ =	strace s9  }
0x27: {  	s1 =	sld [smem:$0x3FA9]  }
0x28: {  	s2 =	sld [smem:$0x3FAA]  }
0x29: {  	s4 =	sld [smem:$0x3FAC]  }
0x2a: {  	p0 =	seq.s32 s5, $0x0;
	s5 =	sld [smem:$0x3FAD]  }
0x2b: {  	s6 =	sld [smem:$0x3FAE]  }
0x2c: {  	s7 =	sld [smem:$0x3FAF]  }
0x2d: {  	s3 =	simm.s32 $0x108;
	s8 =	sld [smem:$0x3FB0]  }
0x2e: {  	s3 =	simm.s32 @!p0 $0x1082;
	s9 =	sld [smem:$0x3FB1]  }
0x2f: {  	lr =	sadd.s32 s0, s3;
	s0 =	sld [smem:$0x3FA8]  }
0x30: {  	s3 =	sld [smem:$0x3FAB]  }
0x31: {  	[smem:$0x3FB4] =	sst s10  }
0x32: {  	s10 =	sld [smem:$0x3FB2];
	_ =	sdelay $0x3  }
0x33: {  	p0 =	seq.s32 s10, $0x1;
	s10 =	sld [smem:$0x3FB4];
	_ =	sdelay $0x3  }
0x34: {  	[smem:$0x3FB4] =	sst s10  }
0x35: {  	s10 =	sld [smem:$0x3FB3];
	_ =	sdelay $0x3  }
0x36: {  	p1 =	seq.s32 s10, $0x1;
	s10 =	sld [smem:$0x3FB4];
	_ =	sdelay $0x3  }
0x37: {  	[smem:$0x3FB4] =	sst s10  }
0x38: {  	s10 =	sld [smem:$0x3FB5]  }
0x39: {  	_ = 	snop;
	(pc) =	sbr.ind lr, $3  }
0x3a: {  	_ = 	snop  }
0x3b: {  	_ = 	snop  }
0x3c: {  	p2 =	seq.s32 s10, $0x1;
	s10 =	sld [smem:$0x3FB4]  }
0x3d: {  	_ =	shalt  }
0x3e: {  	_ =	shalt  }
0x3f: {  	_ =	shalt  }
0x40: {  	_ =	shalt  }
0x41: {  	_ =	shalt  }
0x42: {  	_ =	shalt  }
0x43: {  	_ =	shalt  }
0x44: {  	_ =	shalt  }
0x45: {  	_ =	shalt  }
0x46: {  	_ =	shalt  }
0x47: {  	_ =	shalt  }
0x48: {  	_ =	shalt  }
0x49: {  	_ =	shalt  }
0x4a: {  	_ =	shalt  }
0x4b: {  	_ =	shalt  }
0x4c: {  	_ =	shalt  }
0x4d: {  	_ =	shalt  }
0x4e: {  	_ =	shalt  }
0x4f: {  	_ =	shalt  }
0x50: {  	_ =	shalt  }
0x51: {  	_ =	shalt  }
0x52: {  	_ =	shalt  }
0x53: {  	_ =	shalt  }
0x54: {  	_ =	shalt  }
0x55: {  	_ =	shalt  }
0x56: {  	_ =	shalt  }
0x57: {  	_ =	shalt  }
0x58: {  	_ =	shalt  }
0x59: {  	_ =	shalt  }
0x5a: {  	_ =	shalt  }
0x5b: {  	_ =	shalt  }
0x5c: {  	_ =	shalt  }
0x5d: {  	_ =	shalt  }
0x5e: {  	_ =	shalt  }
0x5f: {  	_ =	shalt  }
0x60: {  	_ =	shalt  }
0x61: {  	_ =	shalt  }
0x62: {  	_ =	shalt  }
0x63: {  	_ =	shalt  }
0x64: {  	_ =	shalt  }
0x65: {  	_ =	shalt  }
0x66: {  	_ =	shalt  }
0x67: {  	_ =	shalt  }
0x68: {  	_ =	shalt  }
0x69: {  	_ =	shalt  }
0x6a: {  	_ =	shalt  }
0x6b: {  	_ =	shalt  }
0x6c: {  	_ =	shalt  }
0x6d: {  	_ =	shalt  }
0x6e: {  	_ =	shalt  }
0x6f: {  	_ =	shalt  }
0x70: {  	_ =	shalt  }
0x71: {  	_ =	shalt  }
0x72: {  	_ =	shalt  }
0x73: {  	_ =	shalt  }
0x74: {  	_ =	shalt  }
0x75: {  	_ =	shalt  }
0x76: {  	_ =	shalt  }
0x77: {  	_ =	shalt  }
0x78: {  	_ =	shalt  }
0x79: {  	_ =	shalt  }
0x7a: {  	_ =	shalt  }
0x7b: {  	_ =	shalt  }
0x7c: {  	_ =	shalt  }
0x7d: {  	_ =	shalt  }
0x7e: {  	_ =	shalt  }
0x7f: {  	_ =	shalt  }
0x80: {  	_ =	shalt  }
0x81: {  	_ =	shalt  }
0x82: {  	_ =	shalt  }
0x83: {  	_ =	shalt  }
0x84: {  	_ =	shalt  }
0x85: {  	_ =	shalt  }
0x86: {  	_ =	shalt  }
0x87: {  	_ =	shalt  }
.Lfunc_end0:
.L_simem_size_0:
called_computation.2_lowered:
.L_overlay_start_0:
0x88: {  	s2 =	sld [smem:$0x3FD9]  }
0x89: {  	s3 =	sld [smem:$0x3FFE];
	_ =	sdelay $0x1  }
0x8a: {  	s1 =	srdreg.scid  }
0x8b: {  	s0 =	sand.u32 $0x1, s1  }
0x8c: {  	s14 =	sshll.u32 s0, $0xA;
	s2 =	sadd.s32 s3, s2  }
0x8d: {  	s2 =	sadd.s32 s2, s14  }
0x8e: {  	[smem:$0x3FC0] =	sst s2  }
0x8f: {  	_ = 	snop  }
0x90: {  	s2 =	sld [smem:$0x3FD0];
	_ =	sdelay $0x2  }
0x91: {  	s15 =	simm.s32 $0xA;
	s4 =	simm.s32 $0x10  }
0x92: {  	[smem:s4], [sflag:s15] =	dma.local [hbm:s2], $0x1  }
0x93: {  	_ =	swait.eq [sflag:s15], $0x1  }
0x94: {  	[sflag:s15] =	ssyncset.done $0x0  }
0x95: {  	s16 =	sld [smem:$0x11];
	[sflag:s15] =	ssyncadd.s32 $0xFFFFFFFF  }
0x96: {  	s17 =	sld [smem:$0x12];
	(tm) =	ssettm $0x1  }
0x97: {  	s18 =	sld [smem:$0x3FFB];
	_ =	sdelay $0x3  }
0x98: {  	_ =	strace s18  }
0x99: {  	s4 =	sld [smem:$0x3FFC];
	_ =	sdelay $0x3  }
0x9a: {  	_ =	strace s4  }
0x9b: {  	s4 =	sld [smem:$0x3FFD];
	_ =	sdelay $0x3  }
0x9c: {  	_ =	strace s4  }
0x9d: {  	_ =	strace $0x8FFFFFFF  }
0x9e: {  	s19 =	sld [smem:$0x3FDB];
	_ =	sdelay $0x1  }
0x9f: {  	s5 =	simm.s32 $_scs_section_size  }
0xa0: {  	s6 =	simm.s32 $_size__tile_overlayer_lowered;
	s7 =	simm.s32 $_tile_overlayer_lowered  }
0xa1: {  	s22 =	simm.s32 $0x1BFF;
	s21 =	sshll.u32 s7, $0x1;
	s4 =	sadd.s32 s5, s19  }
0xa2: {  	s8 =	simm.s32 $0x0;
	s20 =	sshll.u32 s6, $0x1;
	s6 =	sadd.s32 s21, s4  }
0xa3: {  	[timem:s8], [sflag:s22] =	dma.local [hbm:s6], s20  }
0xa4: {  	_ =	swait.ge [sflag:s22], s20  }
0xa5: {  	s5 =	ssub.s32 $0x0, s20;
	[sflag:s22] =	ssyncset.done $0x0  }
0xa6: {  	[sflag:s22] =	ssyncadd.s32 s5;
	_ =	sdelay $0x1  }
0xa7: {  	s23 =	simm.s32 $0x1B8B  }
0xa8: {  	_ =	swait.ge [sflag:s23], $0x1  }
0xa9: {  	[sflag:s23] =	ssyncset.done $0x0  }
0xaa: {  	s25 =	simm.s32 $0x1B8E;
	s24 =	sld [smem:$0x3FFE];
	[sflag:s23] =	ssyncadd.s32 $0xFFFFFFFF  }
0xab: {  	s26 =	simm.s32 $execute0_lowered;
	[smem:$0x3FD2] =	sst s25  }
0xac: {  	s6 =	sshll.u32 s26, $0x1;
	_ =	strace $0x8000004C;
	[dreg:$0x1] =	wrdreg $0xFFFFFFFF  }
0xad: {  	s28 =	simm.s32 $_size_execute0_lowered;
	s4 =	sadd.s32 s4, s6;
	[dreg:$0x0] =	wrdreg $0x0  }
0xae: {  	s6 =	sshll.u32 s28, $0x1;
	[dreg:$0x2] =	wrdreg s4  }
0xaf: {  	[dreg:$0x3] =	wrdreg s6  }
0xb0: {  	[dreg:$0x4] =	wrdreg $0xC0  }
0xb1: {  	_ =	task [dreg:s8], $0x5FFFF  }
0xb2: {  	[dreg:$0x1] =	wrdreg $0xFFFFFFFF  }
0xb3: {  	[dreg:$0x0] =	wrdreg $0x60  }
0xb4: {  	[dreg:$0x2] =	wrdreg s24  }
0xb5: {  	[dreg:$0x3] =	wrdreg s17  }
0xb6: {  	[dreg:$0x4] =	wrdreg s16  }
0xb7: {  	[dreg:$0x5] =	wrdreg $0x60000  }
0xb8: {  	[dreg:$0x6] =	wrdreg $0x9  }
0xb9: {  	_ =	task.clear_ibuf [dreg:s8], $0x7FFFF;
	_ =	strace $0x9000004C  }
0xba: {  	s29 =	simm.s32 $0x9;
	_ =	strace $0x8000004E  }
0xbb: {  	_ =	swait.ge [sflag:s29], $0x1  }
0xbc: {  	[sflag:s29] =	ssyncadd.s32 $0xFFFFFFFF  }
0xbd: {  	_ =	strace $0x9000004E  }
0xbe: {  	_ =	sfence  }
0xbf: {  	s30 =	sld [smem:$0x0];
	_ =	sdelay $0x2  }
0xc0: {  	s31 =	sshll.u32 s1, $0xD;
	s1 =	sshrl.u32 s1, $0x2  }
0xc1: {  	s3 =	sand.u32 $0x4000, s31;
	s1 =	sadd.s32 s1, s30  }
0xc2: {  	s0 =	sor.u32 s3, s0;
	s1 =	sshll.u32 s1, $0x11  }
0xc3: {  	s0 =	sor.u32 s1, s0  }
0xc4: {  	s0 =	sadd.s32 $0x8F2B, s0  }
0xc5: {  	[sflag:s0] =	ssyncadd.remote.s32 $0x1  }
0xc6: {  	_ =	sfence.sel $0xFFFF  }
0xc7: {  	[dreg:$0x0] =	wrdreg $0xFFFFFFFF;
	(pc) =	sbr.abs _section_cstart, $3  }
0xc8: {  	[dreg:$0x1] =	wrdreg $0xFFFFFFFF  }
0xc9: {  	_ =	task.clear_ibuf [dreg:s8], $0x2FFFF;
	_ =	strace $0x9FFFFFFF  }
0xca: {  	(tm) =	ssettm $0x7FFFFFFF  }
0xcb: {  	_ =	shalt  }
tec
execute0_lowered:
.L_overlay_start_1:
0x0: {  	(tag) =	ssettag $0x1  }
0x1: {  	s5 =	srdreg.scid  }
0x2: {  	s5 =	sand.u32 $0x1, s5  }
0x3: {  	s0 =	rddreg [dreg:$0x0];
	p0 =	seq.s32 s5, $0x1  }
.Ltmp0:
0x4: {  	s4 =	rddreg [dreg:$0x1];
	(pc) =	sbr.rel @p0 .LBB2_5-.Ltmp0, $4  }
0x5: {  	s1 =	rddreg [dreg:$0x2]  }
0x6: {  	s2 =	rddreg [dreg:$0x3];
	s3 =	simm.s32 $0x0  }
0x7: {  	[smem:$0x7FF] =	sst s3  }
0x8: {  	s6 =	rddreg [dreg:$0x4];
	s8 =	stileid.u32;
	_ =	strace $0x8000004D  }
0x9: {  	s5 =	smul.u32 $0x50000, s8  }
0xa: {  	s6 =	sshll.u32 s8, $0x6;
	s7 =	sadd.s32 $0x2C00, s0;
	s22 =	sshll.u32 s8, $0xC  }
0xb: {  	s9 =	simm.s32 $0x400;
	s10 =	sadd.s32 $0x5400, s0;
	s5 =	sshrl.u32 s5, $0x2  }
0xc: {  	s23 =	stileid.u32;
	s6 =	sor.u32 $0x1C05, s6;
	s5 =	sadd.s32 s5, s2  }
0xd: {  	s12 =	simm.s32 $0x800;
	[dreg:$0x5] =	wrdreg s6;
	s5 =	sshrl.u32 s5, $0x3  }
0xe: {  	s13 =	simm.s32 $0xC00;
	s14 =	simm.s32 $0x50;
	[dreg:$0x6] =	wrdreg s5  }
0xf: {  	[spmem:s5], [sflag:s6] =	dma.local [hbm:s7], $0x2800  }
0x10: {  	s15 =	simm.s32 $0x1000;
	s16 =	simm.s32 $0xFFFFF100;
	s6 =	simm.s32 $0x5  }
0x11: {  	s17 =	simm.s32 $0x1;
	s19 =	simm.s32 $0x3800;
	_ =	swait.ge [sflag:s6], $0x2800  }
0x12: {  	s20 =	simm.s32 $0x2;
	s21 =	simm.s32 $0xC80;
	[sflag:s6] =	ssyncset.done $0x0  }
0x13: {  	s28 =	simm.s32 $0xE00;
	s7 =	sadd.s32 s4, s22;
	[sflag:s6] =	ssyncadd.s32 $0xFFFFD800  }
0x14: {  	[tilespmem:s3], [sflag:$0x5] =	stream.linear.gather [hbm4b:s7+s3], $0x400, $0x38;
	[tilespmem:$0x1A000] =	vst v63  }
0x15: {  	s29 =	simm.s32 $0xB00;
	s30 =	simm.s32 $0xE80;
	_ =	swait.ge [sflag:s6], $0x400  }
0x16: {  	s31 =	simm.s32 $0xB80;
	s11 =	simm.s32 $0xF80;
	[sflag:s6] =	ssyncset.done $0x0  }
0x17: {  	s8 =	sadd.s32 s1, s22;
	s5 =	sor.u32 $0x80, s22;
	[sflag:s6] =	ssyncadd.s32 $0xFFFFFC00  }
0x18: {  	[tilespmem:s9], [sflag:$0x5] =	stream.linear.gather [hbm4b:s8+s3], $0x400, $0x38;
	[tilespmem:$0x1A000] =	vst v63  }
0x19: {  	s22 =	simm.s32 $0x980;
	s9 =	smul.u32 $0x2800, s23;
	_ =	swait.ge [sflag:s6], $0x400  }
0x1a: {  	s24 =	sadd.s32 s4, s5;
	s26 =	sadd.s32 s1, s5;
	[sflag:s6] =	ssyncset.done $0x0  }
0x1b: {  	s4 =	simm.s32 $0x3;
	s25 =	sadd.s32 s9, s0;
	[sflag:s6] =	ssyncadd.s32 $0xFFFFFC00  }
0x1c: {  	[tilespmem:s12], [sflag:$0x3] =	stream.linear.gather [hbm4b:s24+s3], $0x400, $0x38;
	[tilespmem:$0x1A000] =	vst v63  }
0x1d: {  	s5 =	simm.s32 $0x4;
	s23 =	simm.s32 $0xD00;
	s0 =	sadd.s32 $0x2D400, s25  }
0x1e: {  	[tilespmem:s13], [sflag:$0x4] =	stream.linear.gather [hbm4b:s26+s3], $0x400, $0x38;
	[tilespmem:$0x1A000] =	vst v63  }
0x1f: {  	s25 =	simm.s32 $0xD80;
	s24 =	simm.s32 $0xA00;
	[bflag:$0x0] =	sbarrier.arrive $0xFFFF  }
0x20: {  	[tilespmem:s15], [sflag:$0x1] =	stream.indirect.gather [hbm4b:s10+s14], $0x80, s3, s14, $0xb8;
	[tilespmem:$0x1A000] =	vst v63  }
0x21: {  	s26 =	simm.s32 $0xA80;
	[dreg:$0x7] =	wrdreg s0;
	s0 =	simm.s32 $0xF00  }
.LBB2_2:
0x22: {  	_ =	swait.ge [sflag:s17], $0x2800  }
0x23: {  	[sflag:s17] =	ssyncset.done $0x0  }
0x24: {  	s1 =	simm.s32 $0x80;
	[sflag:s17] =	ssyncadd.s32 $0xFFFFD800  }
0x25: {  	[tilespmem:s19], [sflag:$0x2] =	stream.indirect.gather [hbm4b:s10+s14], $0x80, s1, s14, $0xb8;
	[tilespmem:$0x1A000] =	vst v63  }
0x26: {  	s9 =	simm.s32 $0x400  }
0x27: {  	[spmem:s2] =	stream.indirect.scatter.add.f32 [tilespmem:s15], [sflag:$0x5], $0x80, s9, s14, $0xb8;
	[tilespmem:$0x1A000] =	vst v63  }
0x28: {  	_ =	swait.ge [sflag:s6], $0x2800  }
0x29: {  	[sflag:s6] =	ssyncset.done $0x0  }
0x2a: {  	[sflag:s6] =	ssyncadd.s32 $0xFFFFD800  }
0x2b: {  	_ =	swait.ge [sflag:s20], $0x2800  }
0x2c: {  	[sflag:s20] =	ssyncset.done $0x0  }
0x2d: {  	s18 =	simm.s32 $0x100;
	[sflag:s20] =	ssyncadd.s32 $0xFFFFD800  }
0x2e: {  	[tilespmem:s15], [sflag:$0x1] =	stream.indirect.gather [hbm4b:s10+s14], $0x80, s18, s14, $0xb8;
	[tilespmem:$0x1A000] =	vst v63  }
0x2f: {  	s9 =	simm.s32 $0x480  }
0x30: {  	[spmem:s2] =	stream.indirect.scatter.add.f32 [tilespmem:s19], [sflag:$0x5], $0x80, s9, s14, $0xb8;
	[tilespmem:$0x1A000] =	vst v63  }
0x31: {  	_ =	swait.ge [sflag:s6], $0x2800  }
0x32: {  	[sflag:s6] =	ssyncset.done $0x0  }
0x33: {  	[sflag:s6] =	ssyncadd.s32 $0xFFFFD800  }
0x34: {  	_ =	swait.ge [sflag:s17], $0x2800  }
0x35: {  	[sflag:s17] =	ssyncset.done $0x0  }
0x36: {  	s18 =	simm.s32 $0x180;
	[sflag:s17] =	ssyncadd.s32 $0xFFFFD800  }
0x37: {  	[tilespmem:s19], [sflag:$0x2] =	stream.indirect.gather [hbm4b:s10+s14], $0x80, s18, s14, $0xb8;
	[tilespmem:$0x1A000] =	vst v63  }
0x38: {  	s9 =	simm.s32 $0x500  }
0x39: {  	[spmem:s2] =	stream.indirect.scatter.add.f32 [tilespmem:s15], [sflag:$0x5], $0x80, s9, s14, $0xb8;
	[tilespmem:$0x1A000] =	vst v63  }
0x3a: {  	_ =	swait.ge [sflag:s6], $0x2800  }
0x3b: {  	[sflag:s6] =	ssyncset.done $0x0  }
0x3c: {  	[sflag:s6] =	ssyncadd.s32 $0xFFFFD800  }
0x3d: {  	_ =	swait.ge [sflag:s20], $0x2800  }
0x3e: {  	[sflag:s20] =	ssyncset.done $0x0  }
0x3f: {  	s18 =	simm.s32 $0x200;
	[sflag:s20] =	ssyncadd.s32 $0xFFFFD800  }
0x40: {  	[tilespmem:s15], [sflag:$0x1] =	stream.indirect.gather [hbm4b:s10+s14], $0x80, s18, s14, $0xb8;
	[tilespmem:$0x1A000] =	vst v63  }
0x41: {  	s9 =	simm.s32 $0x580  }
0x42: {  	[spmem:s2] =	stream.indirect.scatter.add.f32 [tilespmem:s19], [sflag:$0x5], $0x80, s9, s14, $0xb8;
	[tilespmem:$0x1A000] =	vst v63  }
0x43: {  	_ =	swait.ge [sflag:s6], $0x2800  }
0x44: {  	[sflag:s6] =	ssyncset.done $0x0  }
0x45: {  	[sflag:s6] =	ssyncadd.s32 $0xFFFFD800  }
0x46: {  	_ =	swait.ge [sflag:s17], $0x2800  }
0x47: {  	[sflag:s17] =	ssyncset.done $0x0  }
0x48: {  	s18 =	simm.s32 $0x280;
	[sflag:s17] =	ssyncadd.s32 $0xFFFFD800  }
0x49: {  	[tilespmem:s19], [sflag:$0x2] =	stream.indirect.gather [hbm4b:s10+s14], $0x80, s18, s14, $0xb8;
	[tilespmem:$0x1A000] =	vst v63  }
0x4a: {  	s9 =	simm.s32 $0x600  }
0x4b: {  	[spmem:s2] =	stream.indirect.scatter.add.f32 [tilespmem:s15], [sflag:$0x5], $0x80, s9, s14, $0xb8;
	[tilespmem:$0x1A000] =	vst v63  }
0x4c: {  	_ =	swait.ge [sflag:s6], $0x2800  }
0x4d: {  	[sflag:s6] =	ssyncset.done $0x0  }
0x4e: {  	[sflag:s6] =	ssyncadd.s32 $0xFFFFD800  }
0x4f: {  	_ =	swait.ge [sflag:s20], $0x2800  }
0x50: {  	[sflag:s20] =	ssyncset.done $0x0  }
0x51: {  	s18 =	simm.s32 $0x300;
	[sflag:s20] =	ssyncadd.s32 $0xFFFFD800  }
0x52: {  	[tilespmem:s15], [sflag:$0x1] =	stream.indirect.gather [hbm4b:s10+s14], $0x80, s18, s14, $0xb8;
	[tilespmem:$0x1A000] =	vst v63  }
0x53: {  	s9 =	simm.s32 $0x680  }
0x54: {  	[spmem:s2] =	stream.indirect.scatter.add.f32 [tilespmem:s19], [sflag:$0x5], $0x80, s9, s14, $0xb8;
	[tilespmem:$0x1A000] =	vst v63  }
0x55: {  	_ =	swait.ge [sflag:s6], $0x2800  }
0x56: {  	[sflag:s6] =	ssyncset.done $0x0  }
0x57: {  	[sflag:s6] =	ssyncadd.s32 $0xFFFFD800  }
0x58: {  	_ =	swait.ge [sflag:s17], $0x2800  }
0x59: {  	[sflag:s17] =	ssyncset.done $0x0  }
0x5a: {  	s18 =	simm.s32 $0x380;
	[sflag:s17] =	ssyncadd.s32 $0xFFFFD800  }
0x5b: {  	[tilespmem:s19], [sflag:$0x2] =	stream.indirect.gather [hbm4b:s10+s14], $0x80, s18, s14, $0xb8;
	[tilespmem:$0x1A000] =	vst v63  }
0x5c: {  	s9 =	simm.s32 $0x700  }
0x5d: {  	[spmem:s2] =	stream.indirect.scatter.add.f32 [tilespmem:s15], [sflag:$0x5], $0x80, s9, s14, $0xb8;
	[tilespmem:$0x1A000] =	vst v63  }
0x5e: {  	_ =	swait.ge [sflag:s6], $0x2800  }
0x5f: {  	[sflag:s6] =	ssyncset.done $0x0  }
0x60: {  	[sflag:s6] =	ssyncadd.s32 $0xFFFFD800  }
0x61: {  	_ =	swait.ge [sflag:s20], $0x2800  }
0x62: {  	[sflag:s20] =	ssyncset.done $0x0  }
0x63: {  	[sflag:s20] =	ssyncadd.s32 $0xFFFFD800  }
0x64: {  	_ =	swait.ge [sflag:s4], $0x400  }
0x65: {  	[sflag:s4] =	ssyncset.done $0x0  }
0x66: {  	[sflag:s4] =	ssyncadd.s32 $0xFFFFFC00  }
0x67: {  	_ =	swait.ge [sflag:s5], $0x400  }
0x68: {  	[sflag:s5] =	ssyncset.done $0x0  }
0x69: {  	[sflag:s5] =	ssyncadd.s32 $0xFFFFFC00  }
0x6a: {  	[tilespmem:s15], [sflag:$0x1] =	stream.indirect.gather [hbm4b:s10+s14], $0x80, s12, s14, $0xb8;
	[tilespmem:$0x1A000] =	vst v63  }
0x6b: {  	s18 =	simm.s32 $0x780  }
0x6c: {  	[spmem:s2] =	stream.indirect.scatter.add.f32 [tilespmem:s19], [sflag:$0x5], $0x80, s18, s14, $0xb8;
	[tilespmem:$0x1A000] =	vst v63  }
0x6d: {  	p0 =	seq.s32 s16, $0x0;
	_ =	swait.ge [sflag:s6], $0x2800  }
0x6e: {  	s1 =	sadd.s32 @!p0 s16, s7;
	[sflag:s6] =	ssyncset.done $0x0  }
0x6f: {  	s1 =	sadd.s32 @!p0 $0x1000, s1;
	s9 =	simm.s32 @!p0 $0x0;
	[sflag:s6] =	ssyncadd.s32 $0xFFFFD800  }
0x70: {  	[tilespmem:s9], [sflag:$0x3] =	stream.linear.gather @!p0 [hbm4b:s1+s9], $0x400, $0x38;
	[tilespmem:$0x1A000] =	vst v63  }
0x71: {  	s1 =	sadd.s32 @!p0 s16, s8  }
0x72: {  	s18 =	simm.s32 @!p0 $0x400;
	s1 =	sadd.s32 @!p0 $0x1000, s1  }
0x73: {  	[tilespmem:s18], [sflag:$0x4] =	stream.linear.gather @!p0 [hbm4b:s1+s9], $0x400, $0x38;
	[tilespmem:$0x1A000] =	vst v63  }
0x74: {  	_ =	swait.ge [sflag:s17], $0x2800  }
0x75: {  	[sflag:s17] =	ssyncset.done $0x0  }
0x76: {  	s9 =	simm.s32 $0x880;
	[sflag:s17] =	ssyncadd.s32 $0xFFFFD800  }
0x77: {  	[tilespmem:s19], [sflag:$0x2] =	stream.indirect.gather [hbm4b:s10+s14], $0x80, s9, s14, $0xb8;
	[tilespmem:$0x1A000] =	vst v63  }
0x78: {  	_ = 	snop  }
0x79: {  	[spmem:s2] =	stream.indirect.scatter.add.f32 [tilespmem:s15], [sflag:$0x5], $0x80, s13, s14, $0xb8;
	[tilespmem:$0x1A000] =	vst v63  }
0x7a: {  	_ =	swait.ge [sflag:s6], $0x2800  }
0x7b: {  	[sflag:s6] =	ssyncset.done $0x0  }
0x7c: {  	[sflag:s6] =	ssyncadd.s32 $0xFFFFD800  }
0x7d: {  	_ =	swait.ge [sflag:s20], $0x2800  }
0x7e: {  	[sflag:s20] =	ssyncset.done $0x0  }
0x7f: {  	s18 =	simm.s32 $0x900;
	[sflag:s20] =	ssyncadd.s32 $0xFFFFD800  }
0x80: {  	[tilespmem:s15], [sflag:$0x1] =	stream.indirect.gather [hbm4b:s10+s14], $0x80, s18, s14, $0xb8;
	[tilespmem:$0x1A000] =	vst v63  }
0x81: {  	_ = 	snop  }
0x82: {  	[spmem:s2] =	stream.indirect.scatter.add.f32 [tilespmem:s19], [sflag:$0x5], $0x80, s21, s14, $0xb8;
	[tilespmem:$0x1A000] =	vst v63  }
0x83: {  	_ =	swait.ge [sflag:s6], $0x2800  }
0x84: {  	[sflag:s6] =	ssyncset.done $0x0  }
0x85: {  	[sflag:s6] =	ssyncadd.s32 $0xFFFFD800  }
0x86: {  	_ =	swait.ge [sflag:s17], $0x2800  }
0x87: {  	[sflag:s17] =	ssyncset.done $0x0  }
0x88: {  	[sflag:s17] =	ssyncadd.s32 $0xFFFFD800  }
0x89: {  	[tilespmem:s19], [sflag:$0x2] =	stream.indirect.gather [hbm4b:s10+s14], $0x80, s22, s14, $0xb8;
	[tilespmem:$0x1A000] =	vst v63  }
0x8a: {  	_ = 	snop  }
0x8b: {  	[spmem:s2] =	stream.indirect.scatter.add.f32 [tilespmem:s15], [sflag:$0x5], $0x80, s23, s14, $0xb8;
	[tilespmem:$0x1A000] =	vst v63  }
0x8c: {  	_ =	swait.ge [sflag:s6], $0x2800  }
0x8d: {  	[sflag:s6] =	ssyncset.done $0x0  }
0x8e: {  	[sflag:s6] =	ssyncadd.s32 $0xFFFFD800  }
0x8f: {  	_ =	swait.ge [sflag:s20], $0x2800  }
0x90: {  	[sflag:s20] =	ssyncset.done $0x0  }
0x91: {  	[sflag:s20] =	ssyncadd.s32 $0xFFFFD800  }
0x92: {  	[tilespmem:s15], [sflag:$0x1] =	stream.indirect.gather [hbm4b:s10+s14], $0x80, s24, s14, $0xb8;
	[tilespmem:$0x1A000] =	vst v63  }
0x93: {  	_ = 	snop  }
0x94: {  	[spmem:s2] =	stream.indirect.scatter.add.f32 [tilespmem:s19], [sflag:$0x5], $0x80, s25, s14, $0xb8;
	[tilespmem:$0x1A000] =	vst v63  }
0x95: {  	_ =	swait.ge [sflag:s6], $0x2800  }
0x96: {  	[sflag:s6] =	ssyncset.done $0x0  }
0x97: {  	[sflag:s6] =	ssyncadd.s32 $0xFFFFD800  }
0x98: {  	_ =	swait.ge [sflag:s17], $0x2800  }
0x99: {  	[sflag:s17] =	ssyncset.done $0x0  }
0x9a: {  	[sflag:s17] =	ssyncadd.s32 $0xFFFFD800  }
0x9b: {  	[tilespmem:s19], [sflag:$0x2] =	stream.indirect.gather [hbm4b:s10+s14], $0x80, s26, s14, $0xb8;
	[tilespmem:$0x1A000] =	vst v63  }
0x9c: {  	_ = 	snop  }
0x9d: {  	[spmem:s2] =	stream.indirect.scatter.add.f32 [tilespmem:s15], [sflag:$0x5], $0x80, s28, s14, $0xb8;
	[tilespmem:$0x1A000] =	vst v63  }
0x9e: {  	_ =	swait.ge [sflag:s6], $0x2800  }
0x9f: {  	[sflag:s6] =	ssyncset.done $0x0  }
0xa0: {  	[sflag:s6] =	ssyncadd.s32 $0xFFFFD800  }
0xa1: {  	_ =	swait.ge [sflag:s20], $0x2800  }
0xa2: {  	[sflag:s20] =	ssyncset.done $0x0  }
0xa3: {  	[sflag:s20] =	ssyncadd.s32 $0xFFFFD800  }
0xa4: {  	[tilespmem:s15], [sflag:$0x1] =	stream.indirect.gather [hbm4b:s10+s14], $0x80, s29, s14, $0xb8;
	[tilespmem:$0x1A000] =	vst v63  }
0xa5: {  	_ = 	snop  }
0xa6: {  	[spmem:s2] =	stream.indirect.scatter.add.f32 [tilespmem:s19], [sflag:$0x5], $0x80, s30, s14, $0xb8;
	[tilespmem:$0x1A000] =	vst v63  }
0xa7: {  	_ =	swait.ge [sflag:s6], $0x2800  }
0xa8: {  	[sflag:s6] =	ssyncset.done $0x0  }
0xa9: {  	[sflag:s6] =	ssyncadd.s32 $0xFFFFD800  }
0xaa: {  	_ =	swait.ge [sflag:s17], $0x2800  }
0xab: {  	[sflag:s17] =	ssyncset.done $0x0  }
0xac: {  	[sflag:s17] =	ssyncadd.s32 $0xFFFFD800  }
0xad: {  	[tilespmem:s19], [sflag:$0x2] =	stream.indirect.gather [hbm4b:s10+s14], $0x80, s31, s14, $0xb8;
	[tilespmem:$0x1A000] =	vst v63  }
0xae: {  	_ = 	snop  }
0xaf: {  	[spmem:s2] =	stream.indirect.scatter.add.f32 [tilespmem:s15], [sflag:$0x5], $0x80, s0, s14, $0xb8;
	[tilespmem:$0x1A000] =	vst v63  }
0xb0: {  	_ =	swait.ge [sflag:s6], $0x2800  }
.Ltmp1:
0xb1: {  	[sflag:s6] =	ssyncset.done $0x0;
	(pc) =	sbr.rel @p0 .LBB2_4-.Ltmp1, $4  }
0xb2: {  	[sflag:s6] =	ssyncadd.s32 $0xFFFFD800  }
0xb3: {  	_ =	swait.ge [sflag:s20], $0x2800  }
0xb4: {  	[sflag:s20] =	ssyncset.done $0x0  }
0xb5: {  	[sflag:s20] =	ssyncadd.s32 $0xFFFFD800  }
0xb6: {  	_ =	swait.ge [sflag:s4], $0x400  }
0xb7: {  	[sflag:s4] =	ssyncset.done $0x0  }
0xb8: {  	[sflag:s4] =	ssyncadd.s32 $0xFFFFFC00  }
0xb9: {  	_ =	swait.ge [sflag:s5], $0x400  }
0xba: {  	[sflag:s5] =	ssyncset.done $0x0  }
0xbb: {  	[sflag:s5] =	ssyncadd.s32 $0xFFFFFC00  }
0xbc: {  	[tilespmem:s15], [sflag:$0x1] =	stream.indirect.gather [hbm4b:s10+s14], $0x80, s3, s14, $0xb8;
	[tilespmem:$0x1A000] =	vst v63  }
0xbd: {  	_ = 	snop  }
0xbe: {  	[spmem:s2] =	stream.indirect.scatter.add.f32 [tilespmem:s19], [sflag:$0x5], $0x80, s11, s14, $0xb8;
	[tilespmem:$0x1A000] =	vst v63  }
0xbf: {  	_ =	swait.ge [sflag:s6], $0x2800  }
.Ltmp2:
0xc0: {  	s1 =	sadd.s32 s16, s7;
	[sflag:s6] =	ssyncset.done $0x0;
	(pc) =	sbr.rel .LBB2_2-.Ltmp2, $4  }
0xc1: {  	s18 =	sadd.s32 s16, s8;
	s1 =	sadd.s32 $0x1080, s1;
	[sflag:s6] =	ssyncadd.s32 $0xFFFFD800  }
0xc2: {  	[tilespmem:s12], [sflag:$0x3] =	stream.linear.gather [hbm4b:s1+s3], $0x400, $0x38;
	[tilespmem:$0x1A000] =	vst v63  }
0xc3: {  	s16 =	sadd.s32 $0x100, s16;
	s1 =	sadd.s32 $0x1080, s18  }
0xc4: {  	[tilespmem:s13], [sflag:$0x4] =	stream.linear.gather [hbm4b:s1+s3], $0x400, $0x38;
	[tilespmem:$0x1A000] =	vst v63  }
.LBB2_4:
0xc5: {  	s0 =	simm.s32 $0x50  }
0xc6: {  	s1 =	simm.s32 $0xF80;
	s3 =	simm.s32 $0x3800;
	s28 =	simm.s32 $0x5  }
0xc7: {  	[spmem:s2] =	stream.indirect.scatter.add.f32 [tilespmem:s3], [sflag:$0x5], $0x80, s1, s0, $0xb8;
	[tilespmem:$0x1A000] =	vst v63  }
0xc8: {  	_ =	swait.ge [sflag:s28], $0x2800  }
0xc9: {  	[sflag:s28] =	ssyncset.done $0x0  }
0xca: {  	[sflag:s28] =	ssyncadd.s32 $0xFFFFD800  }
0xcb: {  	[bflag:$0x0] =	sbarrier.arrive $0xFFFF  }
0xcc: {  	s29 =	rddreg [dreg:$0x5]  }
0xcd: {  	s30 =	rddreg [dreg:$0x6]  }
0xce: {  	s31 =	rddreg [dreg:$0x7]  }
0xcf: {  	[hbm:s31], [sflag:s29] =	dma.local [spmem:s30], $0x2800  }
0xd0: {  	_ =	swait.ge [sflag:s28], $0x2800  }
0xd1: {  	[sflag:s28] =	ssyncset.done $0x0  }
0xd2: {  	[sflag:s28] =	ssyncadd.s32 $0xFFFFD800  }
0xd3: {  	s8 =	stileid.u32;
	s6 =	rddreg [dreg:$0x4]  }
.LBB2_5:
0xd4: {  	_ =	sfence.sel $0x180000  }
0xd5: {  	[bflag:$0x0] =	sbarrier.arrive $0xFFFF  }
0xd6: {  	p0 =	sne.s32 s8, $0x0;
	_ =	strace $0x9000004D  }
0xd7: {  	s0 =	sadd.s32 @!p0 $0x100000, s6;
	[bflag:$0x2] =	sbarrier.arrive $0xFFFF  }
0xd8: {  	[sflag:s0] =	ssyncadd.tile.s32 @!p0 $0x1;
	_ =	shalt  }
.Lfunc_end2:
_tile_overlayer_lowered:
.L_overlay_start_2:
0xd9: {  	(tag) =	ssettag $0x2  }
0xda: {  	s0 =	rddreg [dreg:$0x0];
	s2 =	stileid.u32  }
0xdb: {  	s1 =	rddreg [dreg:$0x1];
	p0 =	sne.s32 s2, $0x0  }
0xdc: {  	s3 =	rddreg [dreg:$0x2];
	[bflag:$0x3] =	sbarrier.arrive $0xFFFF;
	s2 =	simm.s32 @!p0 $0x1C05  }
0xdd: {  	[timem:s3], [sflag:s2] =	dma.local @!p0 [hbm:s0], s1  }
0xde: {  	s0 =	simm.s32 @!p0 $0x5  }
0xdf: {  	_ =	swait.ge @!p0 [sflag:s0], s1  }
0xe0: {  	s1 =	ssub.s32 @!p0 $0x0, s1;
	[sflag:s0] =	ssyncset.done @!p0 $0x0  }
0xe1: {  	[sflag:s0] =	ssyncadd.s32 @!p0 s1  }
0xe2: {  	[bflag:$0x3] =	sbarrier.arrive $0xFFFF  }
0xe3: {  	_ =	shalt  }

// kernel: kernel.9.cloned.1.call-start
scs
__scs_entry_jumppad:
0x0: {  	(pc) =	sbr.rel $0x88, $3  }
0x1: {  	(tag) =	ssettag $0x0;
	lr =	simm.s32 $0x1  }
0x2: {  	[smem:$0x3F99] =	sst lr;
	_ =	strace $0xD0000000  }
0x3: {  	_ = 	snop  }
0x4: {  	_ = 	snop  }
0x5: {  	_ = 	snop  }
0x6: {  	_ = 	snop  }
0x7: {  	_ = 	snop  }
__scs_overlays_trampoline_lowered:
0x8: {  	[smem:$0x3FA8] =	sst s0  }
0x9: {  	[smem:$0x3FA9] =	sst s1  }
0xa: {  	[smem:$0x3FAA] =	sst s2  }
0xb: {  	[smem:$0x3FAB] =	sst s3  }
0xc: {  	[smem:$0x3FAC] =	sst s4  }
0xd: {  	[smem:$0x3FAD] =	sst s5  }
0xe: {  	[smem:$0x3FAE] =	sst s6  }
0xf: {  	[smem:$0x3FAF] =	sst s7  }
0x10: {  	[smem:$0x3FB0] =	sst s8  }
0x11: {  	[smem:$0x3FB1] =	sst s9;
	s0 =	simm.s32 @!p0 $0x0  }
0x12: {  	s1 =	sld [smem:$0x3F97];
	s0 =	simm.s32 @p0 $0x1  }
0x13: {  	[smem:$0x3FB2] =	sst s0;
	s0 =	simm.s32 @!p1 $0x0  }
0x14: {  	s2 =	sld [smem:$0x3F96];
	s0 =	simm.s32 @p1 $0x1  }
0x15: {  	[smem:$0x3FB3] =	sst s0;
	s0 =	simm.s32 @!p2 $0x0  }
0x16: {  	s3 =	sld [smem:$0x3FDB];
	s0 =	simm.s32 @p2 $0x1  }
0x17: {  	s4 =	simm.s32 $0x1BF5;
	[smem:$0x3FB5] =	sst s0  }
0x18: {  	s0 =	sld [smem:$0x3F98];
	_ =	swait.ge [sflag:s4], $0x0  }
0x19: {  	s7 =	sld [smem:$0x3F99]  }
0x1a: {  	s8 =	sadd.s32 $0xFFFFE003, lr  }
0x1b: {  	s9 =	sadd.s32 $0xFFFFFEF7, lr;
	s5 =	simm.s32 $0xFFFFFFFF;
	p2 =	slt.u32 s8, $0xFFFFF086  }
0x1c: {  	p1 =	slt.u32 s9, $0xF7A;
	s5 =	simm.s32 @!p2 $0x0  }
0x1d: {  	s5 =	simm.s32 @p1 $0x1;
	p0 =	seq.s32 s7, s2  }
0x1e: {  	s7 =	smul.u32 @!p0 $0xF7A, s2;
	p2 =	seq.s32 @!p0 s5, $0x0  }
0x1f: {  	s9 =	smul.u32 $0xF7A, s1;
	s8 =	simm.s32 @!p0 $0x1BF5;
	p2 =	por !p2, p0  }
0x20: {  	[sflag:s8] =	ssyncset.s32 @!p0 $0xFFFFF086;
	s6 =	sadd.s32 @!p0 s3, s7;
	s7 =	simm.s32 @!p0 $0x108  }
0x21: {  	s3 =	sadd.s32 s3, s9;
	s6 =	sadd.s32 @!p0 $0x88, s6;
	s7 =	simm.s32 @p2 $0x1082  }
0x22: {  	[simem:s7], [sflag:s8] =	dma.local @!p0 [hbm:s6], $0xF7A  }
0x23: {  	s9 =	sor.u32 $0xD0000000, s2;
	s6 =	simm.s32 $0x108;
	_ =	swait.ge @!p0 [sflag:s8], $0x0  }
0x24: {  	s3 =	sadd.s32 $0x88, s3;
	s6 =	simm.s32 @!p1 $0x1082;
	[sflag:s4] =	ssyncset.s32 $0xFFFFF086  }
0x25: {  	[simem:s6], [sflag:s4] =	dma.local [hbm:s3], $0xF7A  }
0x26: {  	[smem:$0x3F99] =	sst s1;
	(tag) =	ssettag s2;
	_ =	strace s9  }
0x27: {  	s1 =	sld [smem:$0x3FA9]  }
0x28: {  	s2 =	sld [smem:$0x3FAA]  }
0x29: {  	s4 =	sld [smem:$0x3FAC]  }
0x2a: {  	p0 =	seq.s32 s5, $0x0;
	s5 =	sld [smem:$0x3FAD]  }
0x2b: {  	s6 =	sld [smem:$0x3FAE]  }
0x2c: {  	s7 =	sld [smem:$0x3FAF]  }
0x2d: {  	s3 =	simm.s32 $0x108;
	s8 =	sld [smem:$0x3FB0]  }
0x2e: {  	s3 =	simm.s32 @!p0 $0x1082;
	s9 =	sld [smem:$0x3FB1]  }
0x2f: {  	lr =	sadd.s32 s0, s3;
	s0 =	sld [smem:$0x3FA8]  }
0x30: {  	s3 =	sld [smem:$0x3FAB]  }
0x31: {  	[smem:$0x3FB4] =	sst s10  }
0x32: {  	s10 =	sld [smem:$0x3FB2];
	_ =	sdelay $0x3  }
0x33: {  	p0 =	seq.s32 s10, $0x1;
	s10 =	sld [smem:$0x3FB4];
	_ =	sdelay $0x3  }
0x34: {  	[smem:$0x3FB4] =	sst s10  }
0x35: {  	s10 =	sld [smem:$0x3FB3];
	_ =	sdelay $0x3  }
0x36: {  	p1 =	seq.s32 s10, $0x1;
	s10 =	sld [smem:$0x3FB4];
	_ =	sdelay $0x3  }
0x37: {  	[smem:$0x3FB4] =	sst s10  }
0x38: {  	s10 =	sld [smem:$0x3FB5]  }
0x39: {  	_ = 	snop;
	(pc) =	sbr.ind lr, $3  }
0x3a: {  	_ = 	snop  }
0x3b: {  	_ = 	snop  }
0x3c: {  	p2 =	seq.s32 s10, $0x1;
	s10 =	sld [smem:$0x3FB4]  }
0x3d: {  	_ =	shalt  }
0x3e: {  	_ =	shalt  }
0x3f: {  	_ =	shalt  }
0x40: {  	_ =	shalt  }
0x41: {  	_ =	shalt  }
0x42: {  	_ =	shalt  }
0x43: {  	_ =	shalt  }
0x44: {  	_ =	shalt  }
0x45: {  	_ =	shalt  }
0x46: {  	_ =	shalt  }
0x47: {  	_ =	shalt  }
0x48: {  	_ =	shalt  }
0x49: {  	_ =	shalt  }
0x4a: {  	_ =	shalt  }
0x4b: {  	_ =	shalt  }
0x4c: {  	_ =	shalt  }
0x4d: {  	_ =	shalt  }
0x4e: {  	_ =	shalt  }
0x4f: {  	_ =	shalt  }
0x50: {  	_ =	shalt  }
0x51: {  	_ =	shalt  }
0x52: {  	_ =	shalt  }
0x53: {  	_ =	shalt  }
0x54: {  	_ =	shalt  }
0x55: {  	_ =	shalt  }
0x56: {  	_ =	shalt  }
0x57: {  	_ =	shalt  }
0x58: {  	_ =	shalt  }
0x59: {  	_ =	shalt  }
0x5a: {  	_ =	shalt  }
0x5b: {  	_ =	shalt  }
0x5c: {  	_ =	shalt  }
0x5d: {  	_ =	shalt  }
0x5e: {  	_ =	shalt  }
0x5f: {  	_ =	shalt  }
0x60: {  	_ =	shalt  }
0x61: {  	_ =	shalt  }
0x62: {  	_ =	shalt  }
0x63: {  	_ =	shalt  }
0x64: {  	_ =	shalt  }
0x65: {  	_ =	shalt  }
0x66: {  	_ =	shalt  }
0x67: {  	_ =	shalt  }
0x68: {  	_ =	shalt  }
0x69: {  	_ =	shalt  }
0x6a: {  	_ =	shalt  }
0x6b: {  	_ =	shalt  }
0x6c: {  	_ =	shalt  }
0x6d: {  	_ =	shalt  }
0x6e: {  	_ =	shalt  }
0x6f: {  	_ =	shalt  }
0x70: {  	_ =	shalt  }
0x71: {  	_ =	shalt  }
0x72: {  	_ =	shalt  }
0x73: {  	_ =	shalt  }
0x74: {  	_ =	shalt  }
0x75: {  	_ =	shalt  }
0x76: {  	_ =	shalt  }
0x77: {  	_ =	shalt  }
0x78: {  	_ =	shalt  }
0x79: {  	_ =	shalt  }
0x7a: {  	_ =	shalt  }
0x7b: {  	_ =	shalt  }
0x7c: {  	_ =	shalt  }
0x7d: {  	_ =	shalt  }
0x7e: {  	_ =	shalt  }
0x7f: {  	_ =	shalt  }
0x80: {  	_ =	shalt  }
0x81: {  	_ =	shalt  }
0x82: {  	_ =	shalt  }
0x83: {  	_ =	shalt  }
0x84: {  	_ =	shalt  }
0x85: {  	_ =	shalt  }
0x86: {  	_ =	shalt  }
0x87: {  	_ =	shalt  }
.Lfunc_end0:
.L_simem_size_0:
called_computation_lowered:
.L_overlay_start_0:
0x88: {  	s2 =	sld [smem:$0x3FD9]  }
0x89: {  	s3 =	sld [smem:$0x3FFE];
	_ =	sdelay $0x1  }
0x8a: {  	s1 =	srdreg.scid  }
0x8b: {  	s0 =	sand.u32 $0x1, s1  }
0x8c: {  	s14 =	sshll.u32 s0, $0xA;
	s2 =	sadd.s32 s3, s2  }
0x8d: {  	s2 =	sadd.s32 s2, s14  }
0x8e: {  	[smem:$0x3FC0] =	sst s2  }
0x8f: {  	_ = 	snop  }
0x90: {  	s2 =	sld [smem:$0x3FD0];
	_ =	sdelay $0x2  }
0x91: {  	s15 =	simm.s32 $0xA;
	s4 =	simm.s32 $0x10  }
0x92: {  	[smem:s4], [sflag:s15] =	dma.local [hbm:s2], $0x1  }
0x93: {  	_ =	swait.eq [sflag:s15], $0x1  }
0x94: {  	[sflag:s15] =	ssyncset.done $0x0  }
0x95: {  	[sflag:s15] =	ssyncadd.s32 $0xFFFFFFFF  }
0x96: {  	s16 =	sld [smem:$0x10];
	(tm) =	ssettm $0x1  }
0x97: {  	s17 =	sld [smem:$0x3FFB];
	_ =	sdelay $0x3  }
0x98: {  	_ =	strace s17  }
0x99: {  	s3 =	sld [smem:$0x3FFC];
	_ =	sdelay $0x3  }
0x9a: {  	_ =	strace s3  }
0x9b: {  	s3 =	sld [smem:$0x3FFD];
	_ =	sdelay $0x3  }
0x9c: {  	_ =	strace s3  }
0x9d: {  	_ =	strace $0x8FFFFFFF  }
0x9e: {  	s18 =	sld [smem:$0x3FDB];
	_ =	sdelay $0x1  }
0x9f: {  	s19 =	simm.s32 $_scs_section_size  }
0xa0: {  	s5 =	simm.s32 $_size__tile_overlayer_lowered;
	s6 =	simm.s32 $_tile_overlayer_lowered  }
0xa1: {  	s22 =	simm.s32 $0x1BFF;
	s21 =	sshll.u32 s6, $0x1;
	s3 =	sadd.s32 s19, s18  }
0xa2: {  	s7 =	simm.s32 $0x0;
	s20 =	sshll.u32 s5, $0x1;
	s5 =	sadd.s32 s21, s3  }
0xa3: {  	[timem:s7], [sflag:s22] =	dma.local [hbm:s5], s20  }
0xa4: {  	_ =	swait.ge [sflag:s22], s20  }
0xa5: {  	s4 =	ssub.s32 $0x0, s20;
	[sflag:s22] =	ssyncset.done $0x0  }
0xa6: {  	[sflag:s22] =	ssyncadd.s32 s4;
	_ =	sdelay $0x1  }
0xa7: {  	s23 =	simm.s32 $0x1B8B  }
0xa8: {  	_ =	swait.ge [sflag:s23], $0x1  }
0xa9: {  	[sflag:s23] =	ssyncset.done $0x0  }
0xaa: {  	s25 =	simm.s32 $0x1B8E;
	s24 =	sld [smem:$0x3FFE];
	[sflag:s23] =	ssyncadd.s32 $0xFFFFFFFF  }
0xab: {  	s26 =	simm.s32 $execute0_lowered;
	[smem:$0x3FD2] =	sst s25  }
0xac: {  	s5 =	sshll.u32 s26, $0x1;
	_ =	strace $0x80000046;
	[dreg:$0x1] =	wrdreg $0xFFFFFFFF  }
0xad: {  	s28 =	simm.s32 $_size_execute0_lowered;
	s3 =	sadd.s32 s3, s5;
	[dreg:$0x0] =	wrdreg $0x0  }
0xae: {  	s5 =	sshll.u32 s28, $0x1;
	[dreg:$0x2] =	wrdreg s3  }
0xaf: {  	[dreg:$0x3] =	wrdreg s5  }
0xb0: {  	[dreg:$0x4] =	wrdreg $0xC0  }
0xb1: {  	_ =	task [dreg:s7], $0x5FFFF  }
0xb2: {  	[dreg:$0x1] =	wrdreg $0xFFFFFFFF  }
0xb3: {  	[dreg:$0x0] =	wrdreg $0x60  }
0xb4: {  	[dreg:$0x2] =	wrdreg s16  }
0xb5: {  	[dreg:$0x3] =	wrdreg s24  }
0xb6: {  	[dreg:$0x4] =	wrdreg $0x9  }
0xb7: {  	_ =	task.clear_ibuf [dreg:s7], $0x5FFFF;
	_ =	strace $0x90000046  }
0xb8: {  	s29 =	simm.s32 $0x9;
	_ =	strace $0x80000048  }
0xb9: {  	_ =	swait.ge [sflag:s29], $0x1  }
0xba: {  	[sflag:s29] =	ssyncadd.s32 $0xFFFFFFFF  }
0xbb: {  	_ =	strace $0x90000048  }
0xbc: {  	_ =	sfence  }
0xbd: {  	s30 =	sld [smem:$0x0];
	_ =	sdelay $0x2  }
0xbe: {  	s31 =	sshll.u32 s1, $0xD;
	s1 =	sshrl.u32 s1, $0x2  }
0xbf: {  	s3 =	sand.u32 $0x4000, s31;
	s1 =	sadd.s32 s1, s30  }
0xc0: {  	s0 =	sor.u32 s3, s0;
	s1 =	sshll.u32 s1, $0x11  }
0xc1: {  	s0 =	sor.u32 s1, s0  }
0xc2: {  	s0 =	sadd.s32 $0x8F2B, s0  }
0xc3: {  	[sflag:s0] =	ssyncadd.remote.s32 $0x1  }
0xc4: {  	_ =	sfence.sel $0xFFFF  }
0xc5: {  	[dreg:$0x0] =	wrdreg $0xFFFFFFFF;
	(pc) =	sbr.abs _section_cstart, $3  }
0xc6: {  	[dreg:$0x1] =	wrdreg $0xFFFFFFFF  }
0xc7: {  	_ =	task.clear_ibuf [dreg:s7], $0x2FFFF;
	_ =	strace $0x9FFFFFFF  }
0xc8: {  	(tm) =	ssettm $0x7FFFFFFF  }
0xc9: {  	_ =	shalt  }
tec
execute0_lowered:
.L_overlay_start_1:
0x0: {  	(tag) =	ssettag $0x1  }
0x1: {  	s0 =	srdreg.scid;
	s4 =	rddreg [dreg:$0x0]  }
0x2: {  	s5 =	rddreg [dreg:$0x1];
	s1 =	stileid.u32;
	s3 =	sand.u32 $0x1, s0  }
0x3: {  	s2 =	simm.s32 $0x0;
	s9 =	simm.s32 $0x0;
	s6 =	sshll.u32 s3, $0x4  }
0x4: {  	s0 =	rddreg [dreg:$0x2];
	s7 =	ssub.s32 $0x2, s3;
	s6 =	sor.u32 s1, s6  }
0x5: {  	[smem:$0x7FF] =	sst s2;
	s8 =	sshrl.u32 s7, $0x1;
	s6 =	smul.u32 $0x500, s6  }
0x6: {  	_ =	strace $0x80000047;
	s3 =	sadd.s32 $0x2C00, s5;
	s7 =	ssub.s32 s7, s8  }
0x7: {  	s8 =	simm.s32 $0x2800;
	s5 =	sadd.s32 s6, s5;
	s4 =	sadd.s32 s4, s6  }
0x8: {  	v0 =	vimm.f32 $1.000000000e+00;
	s6 =	smax.u32 s7, $0x1;
	s7 =	simm.s32 $0x1;
	s5 =	sadd.s32 $0x5400, s5  }
.LBB2_1:
0x9: {  	[tilespmem:s2], [sflag:$0x1] =	stream.linear.gather [hbm4b:s4+s2], $0x2800, $0x38;
	[tilespmem:$0x5000] =	vst v63  }
0xa: {  	_ =	swait.ge [sflag:s7], $0x2800  }
0xb: {  	[sflag:s7] =	ssyncset.done $0x0  }
0xc: {  	[sflag:s7] =	ssyncadd.s32 $0xFFFFD800  }
0xd: {  	[tilespmem:s8], [sflag:$0x1] =	stream.linear.gather [hbm4b:s3+s2], $0x2800, $0x38;
	[tilespmem:$0x5000] =	vst v63  }
0xe: {  	_ =	swait.ge [sflag:s7], $0x2800  }
0xf: {  	[sflag:s7] =	ssyncset.done $0x0  }
0x10: {  	s10 =	simm.s32 $0x1C0;
	[sflag:s7] =	ssyncadd.s32 $0xFFFFD800  }
.LBB2_2:
0x11: {  	s11 =	sshra.s32 s10, $0x2  }
0x12: {  	v1 =	vld [tilespmem:s11+$0xFFFFFF90];
	_ =	sdelay $0x7  }
0x13: {  	[tilespmem:v1+s8+$0x0] =	vst.idx.add.f32.msk $0xffff, v0  }
0x14: {  	v1 =	vld [tilespmem:s11+$0xFFFFFFA0];
	_ =	sdelay $0x7  }
0x15: {  	[tilespmem:v1+s8+$0x0] =	vst.idx.add.f32.msk $0xffff, v0  }
0x16: {  	v1 =	vld [tilespmem:s11+$0xFFFFFFB0];
	_ =	sdelay $0x7  }
0x17: {  	[tilespmem:v1+s8+$0x0] =	vst.idx.add.f32.msk $0xffff, v0  }
0x18: {  	v1 =	vld [tilespmem:s11+$0xFFFFFFC0];
	_ =	sdelay $0x7  }
0x19: {  	[tilespmem:v1+s8+$0x0] =	vst.idx.add.f32.msk $0xffff, v0  }
0x1a: {  	v1 =	vld [tilespmem:s11+$0xFFFFFFD0];
	_ =	sdelay $0x7  }
0x1b: {  	[tilespmem:v1+s8+$0x0] =	vst.idx.add.f32.msk $0xffff, v0  }
0x1c: {  	v1 =	vld [tilespmem:s11+$0xFFFFFFE0];
	_ =	sdelay $0x7  }
0x1d: {  	[tilespmem:v1+s8+$0x0] =	vst.idx.add.f32.msk $0xffff, v0  }
0x1e: {  	v1 =	vld [tilespmem:s11+$0xFFFFFFF0];
	_ =	sdelay $0x7  }
0x1f: {  	[tilespmem:v1+s8+$0x0] =	vst.idx.add.f32.msk $0xffff, v0  }
0x20: {  	v1 =	vld [tilespmem:s11+$0x0];
	_ =	sdelay $0x2  }
0x21: {  	p0 =	sne.s32 s10, $0x9FC0  }
.Ltmp0:
0x22: {  	_ = 	snop;
	(pc) =	sbr.rel @p0 .LBB2_2-.Ltmp0, $2  }
0x23: {  	_ =	sdelay $0x2  }
0x24: {  	s10 =	sadd.s32 $0x200, s10;
	[tilespmem:v1+s8+$0x0] =	vst.idx.add.f32.msk $0xffff, v0  }
0x25: {  	s9 =	sadd.s32 $0x1, s9  }
0x26: {  	p0 =	sne.s32 s9, s6  }
.Ltmp1:
0x27: {  	_ = 	snop;
	(pc) =	sbr.rel @p0 .LBB2_1-.Ltmp1, $4  }
0x28: {  	[hbm4b:s5+s2] =	stream.linear.scatter [tilespmem:s8], [sflag:$0x1], $0x2800, $0x38;
	[tilespmem:$0x5000] =	vst v63  }
0x29: {  	_ =	swait.ge [sflag:s7], $0x2800  }
0x2a: {  	[sflag:s7] =	ssyncset.done $0x0  }
0x2b: {  	[sflag:s7] =	ssyncadd.s32 $0xFFFFD800  }
0x2c: {  	_ =	sfence.sel $0x180000  }
0x2d: {  	[bflag:$0x0] =	sbarrier.arrive $0xFFFF  }
0x2e: {  	p0 =	sne.s32 s1, $0x0;
	_ =	strace $0x90000047  }
0x2f: {  	s0 =	sadd.s32 @!p0 $0x100000, s0;
	[bflag:$0x2] =	sbarrier.arrive $0xFFFF  }
0x30: {  	[sflag:s0] =	ssyncadd.tile.s32 @!p0 $0x1;
	_ =	shalt  }
.Lfunc_end2:
_tile_overlayer_lowered:
.L_overlay_start_2:
0x31: {  	(tag) =	ssettag $0x2  }
0x32: {  	s0 =	rddreg [dreg:$0x0];
	s2 =	stileid.u32  }
0x33: {  	s1 =	rddreg [dreg:$0x1];
	p0 =	sne.s32 s2, $0x0  }
0x34: {  	s3 =	rddreg [dreg:$0x2];
	[bflag:$0x3] =	sbarrier.arrive $0xFFFF;
	s2 =	simm.s32 @!p0 $0x1C01  }
0x35: {  	[timem:s3], [sflag:s2] =	dma.local @!p0 [hbm:s0], s1  }
0x36: {  	s0 =	simm.s32 @!p0 $0x1  }
0x37: {  	_ =	swait.ge @!p0 [sflag:s0], s1  }
0x38: {  	s1 =	ssub.s32 @!p0 $0x0, s1;
	[sflag:s0] =	ssyncset.done @!p0 $0x0  }
0x39: {  	[sflag:s0] =	ssyncadd.s32 @!p0 s1  }
0x3a: {  	[bflag:$0x3] =	sbarrier.arrive $0xFFFF  }
0x3b: {  	_ =	shalt  }

</sc_bundles>
